<compile_context>
chip_gen: v7x
topology: tpu7x:2x2x1
jax: 0.10.2.dev20260603
libtpu: 0.0.44.dev20260713+nightly
codegen_flags: <defaults>
</compile_context>

<pallas_src>
import functools

import jax
import jax.numpy as jnp
from jax import lax
from jax.experimental import pallas as pl
from jax.experimental.pallas import tpu as pltpu
from jax.experimental.pallas import tpu_sc as plsc

H = 10000
D = 128
NW = 32
HPW = -(-H // NW)
C = 128
ACC = (HPW + 1) * D
SENTINEL = 1 << 30


def _tile_body(feat_hbm, mn_hbm, seg_hbm, meta_hbm, out_hbm,
               meta_v, mn_v, seg_v, rows_v, acc_v, sem):
    w = lax.axis_index("s") * 2 + lax.axis_index("c")
    pltpu.sync_copy(meta_hbm.at[pl.ds(pl.multiple_of(w * 16, 8), 16)], meta_v)
    mv = meta_v[pl.ds(0, 16)]
    start8 = mv[0]
    nch = mv[1]
    h0 = w * HPW

    neg = jnp.full((16,), -jnp.inf, dtype=jnp.float32)

    @pl.loop(0, ACC, step=16)
    def _init(i):
        acc_v[pl.ds(i, 16)] = neg

    @pl.loop(0, nch)
    def _chunk(cch):
        off = pl.multiple_of(start8 + cch * C, 8)
        pltpu.sync_copy(mn_hbm.at[pl.ds(off, C)], mn_v)
        pltpu.sync_copy(seg_hbm.at[pl.ds(off, C)], seg_v)
        pltpu.async_copy(feat_hbm.at[mn_v], rows_v, sem).wait()

        @pl.loop(0, C, step=16)
        def _grp(g):
            sv = seg_v[pl.ds(g, 16)]
            for i in range(16):
                ls = sv[i] - h0
                ls = lax.select((ls < 0) | (ls >= HPW), HPW, ls)
                a0 = ls * D
                for k in range(D // 16):
                    sl = pl.ds(a0 + k * 16, 16)
                    acc_v[sl] = jnp.maximum(
                        acc_v[sl], rows_v[g + i, pl.ds(k * 16, 16)])

    pltpu.sync_copy(acc_v.at[pl.ds(0, HPW * D)],
                    out_hbm.at[pl.ds(pl.multiple_of(w * HPW * D, 8), HPW * D)])


def kernel(features, member_nodes, segment_ids):
    e = member_nodes.shape[0]
    cuts = jnp.arange(NW + 1, dtype=jnp.int32) * HPW
    bounds = jnp.searchsorted(segment_ids, cuts).astype(jnp.int32)
    starts8 = (bounds[:NW] // 8) * 8
    nch = (bounds[1:] - starts8 + (C - 1)) // C
    meta = jnp.zeros((NW, 16), jnp.int32)
    meta = meta.at[:, 0].set(starts8).at[:, 1].set(nch).reshape(-1)
    pad = C + 8
    mn_p = jnp.concatenate([member_nodes, jnp.zeros((pad,), jnp.int32)])
    seg_p = jnp.concatenate([segment_ids, jnp.full((pad,), SENTINEL, jnp.int32)])

    mesh = plsc.VectorSubcoreMesh(core_axis_name="c", subcore_axis_name="s")
    run = pl.kernel(
        _tile_body,
        out_type=jax.ShapeDtypeStruct((NW * HPW * D,), jnp.float32),
        mesh=mesh,
        scratch_types=[
            pltpu.VMEM((16,), jnp.int32),
            pltpu.VMEM((C,), jnp.int32),
            pltpu.VMEM((C,), jnp.int32),
            pltpu.VMEM((C, D), jnp.float32),
            pltpu.VMEM((ACC,), jnp.float32),
            pltpu.SemaphoreType.DMA,
        ],
    )
    out = run(features, mn_p, seg_p, meta)
    return out.reshape(NW * HPW, D)[:H]

# --- scband reference (transcript-rebuilt; emitter-appended) ---
"""Pipeline reference for scband-hyperedge-max-aggregator-78408922955823 (READ-ONLY COPY).

The authoritative reference and input builder live on the scoring server;
editing this copy changes nothing except your own understanding.
"""

import jax, jax.numpy as jnp
import numpy as np

NUM_NODES = 10000
FEAT_DIM = 128
NUM_INCIDENCES = 320000
NUM_HYPEREDGES = 10000


def setup_inputs(seed: int = 0) -> dict:
    key = jax.random.key(seed)
    k1, k2, k3 = jax.random.split(key, 3)
    # learned node feature table (features_mat, i.e. an nn.Embedding in the original module)
    features = jax.random.normal(k1, (NUM_NODES, FEAT_DIM), dtype=jnp.float32)
    # flattened hyp2nodes dict: for each (hyperedge, internal node) incidence,
    # member_nodes[e] is the node id, segment_ids[e] is the hyperedge id (sorted)
    member_nodes = jax.random.randint(k2, (NUM_INCIDENCES,), 0, NUM_NODES).astype(jnp.int32)
    segment_ids = jnp.sort(jax.random.randint(k3, (NUM_INCIDENCES,), 0, NUM_HYPEREDGES)).astype(jnp.int32)
    return {"features": features, "member_nodes": member_nodes, "segment_ids": segment_ids}


def reference(features, member_nodes, segment_ids):
    # HyperedgeMaxAggregator.compute: for each hyperedge, gather its internal
    # nodes' feature rows and take the elementwise max over those rows.
    gathered = jnp.take(features, member_nodes, axis=0)  # [E, d] gather
    embed_matrix = jax.ops.segment_max(
        gathered, segment_ids, num_segments=NUM_HYPEREDGES, indices_are_sorted=True
    )  # [H, d] per-hyperedge max-pool
    return embed_matrix

if __name__ == "__main__":
    import jax
    _d = setup_inputs()
    print(jax.jit(kernel)(*tuple(_d.values())))

</pallas_src>

<mosaic_0001>
#map = affine_map<(d0, d1) -> (0, 0)>
#map1 = affine_map<(d0, d1) -> (0)>
module attributes {stable_mosaic.version = 14 : i64} {
  func.func @_tile_body(%arg0: i32, %arg1: i32, %arg2: memref<10000x128xf32, #tpu.memory_space<hbm>>, %arg3: memref<320136xi32, #tpu.memory_space<hbm>>, %arg4: memref<320136xi32, #tpu.memory_space<hbm>>, %arg5: memref<512xi32, #tpu.memory_space<hbm>>, %arg6: memref<1282048xf32, #tpu.memory_space<hbm>>, %arg7: memref<16xi32, #tpu.memory_space<vmem>>, %arg8: memref<128xi32, #tpu.memory_space<vmem>>, %arg9: memref<128xi32, #tpu.memory_space<vmem>>, %arg10: memref<128x128xf32, #tpu.memory_space<vmem>>, %arg11: memref<40192xf32, #tpu.memory_space<vmem>>, %arg12: memref<!tpu.dma_semaphore, #tpu.memory_space<semaphore_mem>>) attributes {dimension_semantics = [#tpu.dimension_semantics<core_parallel>, #tpu.dimension_semantics<subcore_parallel>], iteration_bounds = array<i64: 2, 16>, scalar_prefetch = 0 : i64, scratch_operands = 6 : i64, tpu.core_type = #tpu.core_type<sc_vector_subcore>, window_params = [{transform_indices = #map}, {transform_indices = #map1}, {transform_indices = #map1}, {transform_indices = #map1}, {transform_indices = #map1}]} {
    %mul3A = arith.constant 2 : i32
    %mul3A_0 = arith.muli %arg1, %mul3A : i32
    %add3A = arith.addi %mul3A_0, %arg0 : i32
    %mul3A_1 = arith.constant 16 : i32
    %mul3A_2 = arith.muli %add3A, %mul3A_1 : i32
    %multiple_of3A = tpu.assume_multiple %mul3A_2, 8 : i32
    "tpu.region"() ({
      %run_scoped3A = tpu.sem_alloc : memref<!tpu.dma_semaphore, #tpu.memory_space<semaphore_mem>>
      %dma_start3A = tpu.memref_slice %arg5[%multiple_of3A] : memref<512xi32, #tpu.memory_space<hbm>> -> memref<16xi32, #tpu.memory_space<hbm>>
      %dma_start3A_35 = tpu.memref_slice %arg5[%multiple_of3A] : memref<512xi32, #tpu.memory_space<hbm>> -> memref<16xi32, #tpu.memory_space<hbm>>
      tpu.enqueue_dma source(%dma_start3A_35 : memref<16xi32, #tpu.memory_space<hbm>>) target(%arg7 : memref<16xi32, #tpu.memory_space<vmem>>) target_semaphore(%run_scoped3A : memref<!tpu.dma_semaphore, #tpu.memory_space<semaphore_mem>>)
      %dma_wait3A = tpu.memref_slice %arg5[%multiple_of3A] : memref<512xi32, #tpu.memory_space<hbm>> -> memref<16xi32, #tpu.memory_space<hbm>>
      %dma_wait3A_36 = tpu.memref_slice %arg5[%multiple_of3A] : memref<512xi32, #tpu.memory_space<hbm>> -> memref<16xi32, #tpu.memory_space<hbm>>
      tpu.wait_dma2 semaphore(%run_scoped3A : memref<!tpu.dma_semaphore, #tpu.memory_space<semaphore_mem>>) src(%dma_wait3A_36 : memref<16xi32, #tpu.memory_space<hbm>>) dst(%arg7 : memref<16xi32, #tpu.memory_space<vmem>>)
      tpu.yield
    }) : () -> ()
    %get3A = arith.constant 0 : index
    %get3A_3 = tpu.vector_load %arg7[%get3A] {strides = array<i32>} : memref<16xi32, #tpu.memory_space<vmem>>, vector<16xi32>,
    %get3A_4 = vector.shape_cast %get3A_3 : vector<16xi32> to vector<16xi32>
    %slice3A = vector.extract_strided_slice %get3A_4 {offsets = [0], sizes = [1], strides = [1]} : vector<16xi32> to vector<1xi32>
    %squeeze3A = vector.extract %slice3A[0] : i32 from vector<1xi32>
    %slice3A_5 = vector.extract_strided_slice %get3A_4 {offsets = [1], sizes = [1], strides = [1]} : vector<16xi32> to vector<1xi32>
    %squeeze3A_6 = vector.extract %slice3A_5[0] : i32 from vector<1xi32>
    %mul3A_7 = arith.constant 313 : i32
    %mul3A_8 = arith.muli %add3A, %mul3A_7 : i32
    %broadcast_in_dim3A = arith.constant 0xFF800000 : f32
    %broadcast_in_dim3A_9 = vector.broadcast %broadcast_in_dim3A : f32 to vector<16xf32>
    %scan3A = arith.constant 0 : i32
    %scan3A_10 = arith.constant 2512 : i32
    %scan3A_11 = arith.addi %scan3A, %scan3A_10 : i32
    %scan3A_12 = arith.constant 1 : i32
    scf.for %scan3A_35 = %scan3A to %scan3A_11 step %scan3A_12  : i32 {
      %mul3A_36 = arith.constant 16 : i32
      %mul3A_37 = arith.muli %scan3A_35, %mul3A_36 : i32
      %add3A_38 = arith.constant 0 : i32
      %add3A_39 = arith.addi %add3A_38, %mul3A_37 : i32
      %swap3A = arith.index_cast %add3A_39 : i32 to index
      %swap3A_40 = tpu.vector_load %arg11[%swap3A] {strides = array<i32>} : memref<40192xf32, #tpu.memory_space<vmem>>, vector<16xf32>,
      %swap3A_41 = vector.shape_cast %swap3A_40 : vector<16xf32> to vector<16xf32>
      %swap3A_42 = vector.shape_cast %broadcast_in_dim3A_9 : vector<16xf32> to vector<16xf32>
      tpu.vector_store %arg11[%swap3A], %swap3A_42 {strides = array<i32>} : memref<40192xf32, #tpu.memory_space<vmem>>, vector<16xf32>,
    }
    %scan3A_13 = arith.constant 2512 : i32
    %sub3A = arith.constant 0 : i32
    %sub3A_14 = arith.subi %squeeze3A_6, %sub3A : i32
    %sub3A_15 = arith.constant 1 : i32
    %sub3A_16 = arith.constant 1 : i32
    %sub3A_17 = arith.subi %sub3A_15, %sub3A_16 : i32
    %add3A_18 = arith.addi %sub3A_14, %sub3A_17 : i32
    %div3A = arith.constant 1 : i32
    %div3A_19 = arith.divsi %add3A_18, %div3A : i32
    %while3A = arith.constant 1 : i32
    %while3A_20 = arith.constant 0 : i32
    %while3A_21 = arith.constant 0 : i32
    %while3A_22 = arith.subi %div3A_19, %while3A_21 : i32
    %while3A_23 = arith.addi %while3A_21, %while3A_22 : i32
    %while3A_24 = arith.constant 1 : i32
    %while3A_25 = arith.divsi %while3A_22, %while3A_24 : i32
    %while3A_26 = arith.muli %while3A_25, %while3A_24 : i32
    %while3A_27 = arith.addi %while3A_21, %while3A_26 : i32
    %while3A_28 = arith.constant 1 : i32
    scf.for %while3A_35 = %while3A_21 to %while3A_27 step %while3A_28  : i32 {
      %mul3A_36 = arith.muli %while3A_35, %while3A : i32
      %add3A_37 = arith.addi %while3A_20, %mul3A_36 : i32
      %mul3A_38 = arith.constant 128 : i32
      %mul3A_39 = arith.muli %add3A_37, %mul3A_38 : i32
      %add3A_40 = arith.addi %squeeze3A, %mul3A_39 : i32
      %multiple_of3A_41 = tpu.assume_multiple %add3A_40, 8 : i32
      "tpu.region"() ({
        %run_scoped3A = tpu.sem_alloc : memref<!tpu.dma_semaphore, #tpu.memory_space<semaphore_mem>>
        %dma_start3A_51 = tpu.memref_slice %arg3[%multiple_of3A_41] : memref<320136xi32, #tpu.memory_space<hbm>> -> memref<128xi32, #tpu.memory_space<hbm>>
        %dma_start3A_52 = tpu.memref_slice %arg3[%multiple_of3A_41] : memref<320136xi32, #tpu.memory_space<hbm>> -> memref<128xi32, #tpu.memory_space<hbm>>
        tpu.enqueue_dma source(%dma_start3A_52 : memref<128xi32, #tpu.memory_space<hbm>>) target(%arg8 : memref<128xi32, #tpu.memory_space<vmem>>) target_semaphore(%run_scoped3A : memref<!tpu.dma_semaphore, #tpu.memory_space<semaphore_mem>>)
        %dma_wait3A_53 = tpu.memref_slice %arg3[%multiple_of3A_41] : memref<320136xi32, #tpu.memory_space<hbm>> -> memref<128xi32, #tpu.memory_space<hbm>>
        %dma_wait3A_54 = tpu.memref_slice %arg3[%multiple_of3A_41] : memref<320136xi32, #tpu.memory_space<hbm>> -> memref<128xi32, #tpu.memory_space<hbm>>
        tpu.wait_dma2 semaphore(%run_scoped3A : memref<!tpu.dma_semaphore, #tpu.memory_space<semaphore_mem>>) src(%dma_wait3A_54 : memref<128xi32, #tpu.memory_space<hbm>>) dst(%arg8 : memref<128xi32, #tpu.memory_space<vmem>>)
        tpu.yield
      }) : () -> ()
      "tpu.region"() ({
        %run_scoped3A = tpu.sem_alloc : memref<!tpu.dma_semaphore, #tpu.memory_space<semaphore_mem>>
        %dma_start3A_51 = tpu.memref_slice %arg4[%multiple_of3A_41] : memref<320136xi32, #tpu.memory_space<hbm>> -> memref<128xi32, #tpu.memory_space<hbm>>
        %dma_start3A_52 = tpu.memref_slice %arg4[%multiple_of3A_41] : memref<320136xi32, #tpu.memory_space<hbm>> -> memref<128xi32, #tpu.memory_space<hbm>>
        tpu.enqueue_dma source(%dma_start3A_52 : memref<128xi32, #tpu.memory_space<hbm>>) target(%arg9 : memref<128xi32, #tpu.memory_space<vmem>>) target_semaphore(%run_scoped3A : memref<!tpu.dma_semaphore, #tpu.memory_space<semaphore_mem>>)
        %dma_wait3A_53 = tpu.memref_slice %arg4[%multiple_of3A_41] : memref<320136xi32, #tpu.memory_space<hbm>> -> memref<128xi32, #tpu.memory_space<hbm>>
        %dma_wait3A_54 = tpu.memref_slice %arg4[%multiple_of3A_41] : memref<320136xi32, #tpu.memory_space<hbm>> -> memref<128xi32, #tpu.memory_space<hbm>>
        tpu.wait_dma2 semaphore(%run_scoped3A : memref<!tpu.dma_semaphore, #tpu.memory_space<semaphore_mem>>) src(%dma_wait3A_54 : memref<128xi32, #tpu.memory_space<hbm>>) dst(%arg9 : memref<128xi32, #tpu.memory_space<vmem>>)
        tpu.yield
      }) : () -> ()
      %dma_start3A = arith.constant 0 : i32
      %dma_start3A_42 = arith.constant 0 : i32
      %dma_start3A_43 = tpu.memref_slice %arg2[%dma_start3A, %dma_start3A_42] : memref<10000x128xf32, #tpu.memory_space<hbm>> -> memref<10000x128xf32, #tpu.memory_space<hbm>>
      tpu.enqueue_indirect_dma source(%dma_start3A_43 : memref<10000x128xf32, #tpu.memory_space<hbm>>) target(%arg10 : memref<128x128xf32, #tpu.memory_space<vmem>>) offsets(%arg8 : memref<128xi32, #tpu.memory_space<vmem>>) semaphore(%arg12 : memref<!tpu.dma_semaphore, #tpu.memory_space<semaphore_mem>>)
      %dma_wait3A = arith.constant 0 : i32
      %dma_wait3A_44 = arith.constant 0 : i32
      %dma_wait3A_45 = tpu.memref_slice %arg2[%dma_wait3A, %dma_wait3A_44] : memref<10000x128xf32, #tpu.memory_space<hbm>> -> memref<10000x128xf32, #tpu.memory_space<hbm>>
      tpu.wait_indirect_dma semaphore(%arg12 : memref<!tpu.dma_semaphore, #tpu.memory_space<semaphore_mem>>) src(%dma_wait3A_45 : memref<10000x128xf32, #tpu.memory_space<hbm>>) dst(%arg10 : memref<128x128xf32, #tpu.memory_space<vmem>>)
      %scan3A_46 = arith.constant 0 : i32
      %scan3A_47 = arith.constant 8 : i32
      %scan3A_48 = arith.addi %scan3A_46, %scan3A_47 : i32
      %scan3A_49 = arith.constant 1 : i32
      scf.for %scan3A_51 = %scan3A_46 to %scan3A_48 step %scan3A_49  : i32 {
        %mul3A_52 = arith.constant 16 : i32
        %mul3A_53 = arith.muli %scan3A_51, %mul3A_52 : i32
        %add3A_54 = arith.constant 0 : i32
        %add3A_55 = arith.addi %add3A_54, %mul3A_53 : i32
        %get3A_56 = arith.index_cast %add3A_55 : i32 to index
        %get3A_57 = tpu.vector_load %arg9[%get3A_56] {strides = array<i32>} : memref<128xi32, #tpu.memory_space<vmem>>, vector<16xi32>,
        %get3A_58 = vector.shape_cast %get3A_57 : vector<16xi32> to vector<16xi32>
        %slice3A_59 = vector.extract_strided_slice %get3A_58 {offsets = [0], sizes = [1], strides = [1]} : vector<16xi32> to vector<1xi32>
        %squeeze3A_60 = vector.extract %slice3A_59[0] : i32 from vector<1xi32>
        %sub3A_61 = arith.subi %squeeze3A_60, %mul3A_8 : i32
        %lt3A = arith.constant 0 : i32
        %lt3A_62 = arith.cmpi slt, %sub3A_61, %lt3A : i32
        %ge3A = arith.constant 313 : i32
        %ge3A_63 = arith.cmpi sge, %sub3A_61, %ge3A : i32
        %or3A = arith.ori %lt3A_62, %ge3A_63 : i1
        %select_n3A = arith.constant 313 : i32
        %select_n3A_64 = arith.select %or3A, %select_n3A, %sub3A_61 : i32
        %mul3A_65 = arith.constant 128 : i32
        %mul3A_66 = arith.muli %select_n3A_64, %mul3A_65 : i32
        %add3A_67 = arith.constant 0 : i32
        %add3A_68 = arith.addi %mul3A_66, %add3A_67 : i32
        %get3A_69 = arith.index_cast %add3A_68 : i32 to index
        %get3A_70 = tpu.vector_load %arg11[%get3A_69] {strides = array<i32>} : memref<40192xf32, #tpu.memory_space<vmem>>, vector<16xf32>,
        %get3A_71 = vector.shape_cast %get3A_70 : vector<16xf32> to vector<16xf32>
        %add3A_72 = arith.constant 0 : i32
        %add3A_73 = arith.addi %add3A_55, %add3A_72 : i32
        %get3A_74 = arith.index_cast %add3A_73 : i32 to index
        %get3A_75 = arith.constant 0 : index
        %get3A_76 = tpu.vector_load %arg10[%get3A_74, %get3A_75] {strides = array<i32>} : memref<128x128xf32, #tpu.memory_space<vmem>>, vector<1x16xf32>,
        %get3A_77 = vector.shape_cast %get3A_76 : vector<1x16xf32> to vector<16xf32>
        %max3A = arith.maximumf %get3A_71, %get3A_77 : vector<16xf32>
        %swap3A = arith.index_cast %add3A_68 : i32 to index
        %swap3A_78 = tpu.vector_load %arg11[%swap3A] {strides = array<i32>} : memref<40192xf32, #tpu.memory_space<vmem>>, vector<16xf32>,
        %swap3A_79 = vector.shape_cast %swap3A_78 : vector<16xf32> to vector<16xf32>
        %swap3A_80 = vector.shape_cast %max3A : vector<16xf32> to vector<16xf32>
        tpu.vector_store %arg11[%swap3A], %swap3A_80 {strides = array<i32>} : memref<40192xf32, #tpu.memory_space<vmem>>, vector<16xf32>,
        %add3A_81 = arith.constant 16 : i32
        %add3A_82 = arith.addi %mul3A_66, %add3A_81 : i32
        %get3A_83 = arith.index_cast %add3A_82 : i32 to index
        %get3A_84 = tpu.vector_load %arg11[%get3A_83] {strides = array<i32>} : memref<40192xf32, #tpu.memory_space<vmem>>, vector<16xf32>,
        %get3A_85 = vector.shape_cast %get3A_84 : vector<16xf32> to vector<16xf32>
        %add3A_86 = arith.constant 0 : i32
        %add3A_87 = arith.addi %add3A_55, %add3A_86 : i32
        %get3A_88 = arith.index_cast %add3A_87 : i32 to index
        %get3A_89 = arith.constant 16 : index
        %get3A_90 = tpu.vector_load %arg10[%get3A_88, %get3A_89] {strides = array<i32>} : memref<128x128xf32, #tpu.memory_space<vmem>>, vector<1x16xf32>,
        %get3A_91 = vector.shape_cast %get3A_90 : vector<1x16xf32> to vector<16xf32>
        %max3A_92 = arith.maximumf %get3A_85, %get3A_91 : vector<16xf32>
        %swap3A_93 = arith.index_cast %add3A_82 : i32 to index
        %swap3A_94 = tpu.vector_load %arg11[%swap3A_93] {strides = array<i32>} : memref<40192xf32, #tpu.memory_space<vmem>>, vector<16xf32>,
        %swap3A_95 = vector.shape_cast %swap3A_94 : vector<16xf32> to vector<16xf32>
        %swap3A_96 = vector.shape_cast %max3A_92 : vector<16xf32> to vector<16xf32>
        tpu.vector_store %arg11[%swap3A_93], %swap3A_96 {strides = array<i32>} : memref<40192xf32, #tpu.memory_space<vmem>>, vector<16xf32>,
        %add3A_97 = arith.constant 32 : i32
        %add3A_98 = arith.addi %mul3A_66, %add3A_97 : i32
        %get3A_99 = arith.index_cast %add3A_98 : i32 to index
        %get3A_100 = tpu.vector_load %arg11[%get3A_99] {strides = array<i32>} : memref<40192xf32, #tpu.memory_space<vmem>>, vector<16xf32>,
        %get3A_101 = vector.shape_cast %get3A_100 : vector<16xf32> to vector<16xf32>
        %add3A_102 = arith.constant 0 : i32
        %add3A_103 = arith.addi %add3A_55, %add3A_102 : i32
        %get3A_104 = arith.index_cast %add3A_103 : i32 to index
        %get3A_105 = arith.constant 32 : index
        %get3A_106 = tpu.vector_load %arg10[%get3A_104, %get3A_105] {strides = array<i32>} : memref<128x128xf32, #tpu.memory_space<vmem>>, vector<1x16xf32>,
        %get3A_107 = vector.shape_cast %get3A_106 : vector<1x16xf32> to vector<16xf32>
        %max3A_108 = arith.maximumf %get3A_101, %get3A_107 : vector<16xf32>
        %swap3A_109 = arith.index_cast %add3A_98 : i32 to index
        %swap3A_110 = tpu.vector_load %arg11[%swap3A_109] {strides = array<i32>} : memref<40192xf32, #tpu.memory_space<vmem>>, vector<16xf32>,
        %swap3A_111 = vector.shape_cast %swap3A_110 : vector<16xf32> to vector<16xf32>
        %swap3A_112 = vector.shape_cast %max3A_108 : vector<16xf32> to vector<16xf32>
        tpu.vector_store %arg11[%swap3A_109], %swap3A_112 {strides = array<i32>} : memref<40192xf32, #tpu.memory_space<vmem>>, vector<16xf32>,
        %add3A_113 = arith.constant 48 : i32
        %add3A_114 = arith.addi %mul3A_66, %add3A_113 : i32
        %get3A_115 = arith.index_cast %add3A_114 : i32 to index
        %get3A_116 = tpu.vector_load %arg11[%get3A_115] {strides = array<i32>} : memref<40192xf32, #tpu.memory_space<vmem>>, vector<16xf32>,
        %get3A_117 = vector.shape_cast %get3A_116 : vector<16xf32> to vector<16xf32>
        %add3A_118 = arith.constant 0 : i32
        %add3A_119 = arith.addi %add3A_55, %add3A_118 : i32
        %get3A_120 = arith.index_cast %add3A_119 : i32 to index
        %get3A_121 = arith.constant 48 : index
        %get3A_122 = tpu.vector_load %arg10[%get3A_120, %get3A_121] {strides = array<i32>} : memref<128x128xf32, #tpu.memory_space<vmem>>, vector<1x16xf32>,
        %get3A_123 = vector.shape_cast %get3A_122 : vector<1x16xf32> to vector<16xf32>
        %max3A_124 = arith.maximumf %get3A_117, %get3A_123 : vector<16xf32>
        %swap3A_125 = arith.index_cast %add3A_114 : i32 to index
        %swap3A_126 = tpu.vector_load %arg11[%swap3A_125] {strides = array<i32>} : memref<40192xf32, #tpu.memory_space<vmem>>, vector<16xf32>,
        %swap3A_127 = vector.shape_cast %swap3A_126 : vector<16xf32> to vector<16xf32>
        %swap3A_128 = vector.shape_cast %max3A_124 : vector<16xf32> to vector<16xf32>
        tpu.vector_store %arg11[%swap3A_125], %swap3A_128 {strides = array<i32>} : memref<40192xf32, #tpu.memory_space<vmem>>, vector<16xf32>,
        %add3A_129 = arith.constant 64 : i32
        %add3A_130 = arith.addi %mul3A_66, %add3A_129 : i32
        %get3A_131 = arith.index_cast %add3A_130 : i32 to index
        %get3A_132 = tpu.vector_load %arg11[%get3A_131] {strides = array<i32>} : memref<40192xf32, #tpu.memory_space<vmem>>, vector<16xf32>,
        %get3A_133 = vector.shape_cast %get3A_132 : vector<16xf32> to vector<16xf32>
        %add3A_134 = arith.constant 0 : i32
        %add3A_135 = arith.addi %add3A_55, %add3A_134 : i32
        %get3A_136 = arith.index_cast %add3A_135 : i32 to index
        %get3A_137 = arith.constant 64 : index
        %get3A_138 = tpu.vector_load %arg10[%get3A_136, %get3A_137] {strides = array<i32>} : memref<128x128xf32, #tpu.memory_space<vmem>>, vector<1x16xf32>,
        %get3A_139 = vector.shape_cast %get3A_138 : vector<1x16xf32> to vector<16xf32>
        %max3A_140 = arith.maximumf %get3A_133, %get3A_139 : vector<16xf32>
        %swap3A_141 = arith.index_cast %add3A_130 : i32 to index
        %swap3A_142 = tpu.vector_load %arg11[%swap3A_141] {strides = array<i32>} : memref<40192xf32, #tpu.memory_space<vmem>>, vector<16xf32>,
        %swap3A_143 = vector.shape_cast %swap3A_142 : vector<16xf32> to vector<16xf32>
        %swap3A_144 = vector.shape_cast %max3A_140 : vector<16xf32> to vector<16xf32>
        tpu.vector_store %arg11[%swap3A_141], %swap3A_144 {strides = array<i32>} : memref<40192xf32, #tpu.memory_space<vmem>>, vector<16xf32>,
        %add3A_145 = arith.constant 80 : i32
        %add3A_146 = arith.addi %mul3A_66, %add3A_145 : i32
        %get3A_147 = arith.index_cast %add3A_146 : i32 to index
        %get3A_148 = tpu.vector_load %arg11[%get3A_147] {strides = array<i32>} : memref<40192xf32, #tpu.memory_space<vmem>>, vector<16xf32>,
        %get3A_149 = vector.shape_cast %get3A_148 : vector<16xf32> to vector<16xf32>
        %add3A_150 = arith.constant 0 : i32
        %add3A_151 = arith.addi %add3A_55, %add3A_150 : i32
        %get3A_152 = arith.index_cast %add3A_151 : i32 to index
        %get3A_153 = arith.constant 80 : index
        %get3A_154 = tpu.vector_load %arg10[%get3A_152, %get3A_153] {strides = array<i32>} : memref<128x128xf32, #tpu.memory_space<vmem>>, vector<1x16xf32>,
        %get3A_155 = vector.shape_cast %get3A_154 : vector<1x16xf32> to vector<16xf32>
        %max3A_156 = arith.maximumf %get3A_149, %get3A_155 : vector<16xf32>
        %swap3A_157 = arith.index_cast %add3A_146 : i32 to index
        %swap3A_158 = tpu.vector_load %arg11[%swap3A_157] {strides = array<i32>} : memref<40192xf32, #tpu.memory_space<vmem>>, vector<16xf32>,
        %swap3A_159 = vector.shape_cast %swap3A_158 : vector<16xf32> to vector<16xf32>
        %swap3A_160 = vector.shape_cast %max3A_156 : vector<16xf32> to vector<16xf32>
        tpu.vector_store %arg11[%swap3A_157], %swap3A_160 {strides = array<i32>} : memref<40192xf32, #tpu.memory_space<vmem>>, vector<16xf32>,
        %add3A_161 = arith.constant 96 : i32
        %add3A_162 = arith.addi %mul3A_66, %add3A_161 : i32
        %get3A_163 = arith.index_cast %add3A_162 : i32 to index
        %get3A_164 = tpu.vector_load %arg11[%get3A_163] {strides = array<i32>} : memref<40192xf32, #tpu.memory_space<vmem>>, vector<16xf32>,
        %get3A_165 = vector.shape_cast %get3A_164 : vector<16xf32> to vector<16xf32>
        %add3A_166 = arith.constant 0 : i32
        %add3A_167 = arith.addi %add3A_55, %add3A_166 : i32
        %get3A_168 = arith.index_cast %add3A_167 : i32 to index
        %get3A_169 = arith.constant 96 : index
        %get3A_170 = tpu.vector_load %arg10[%get3A_168, %get3A_169] {strides = array<i32>} : memref<128x128xf32, #tpu.memory_space<vmem>>, vector<1x16xf32>,
        %get3A_171 = vector.shape_cast %get3A_170 : vector<1x16xf32> to vector<16xf32>
        %max3A_172 = arith.maximumf %get3A_165, %get3A_171 : vector<16xf32>
        %swap3A_173 = arith.index_cast %add3A_162 : i32 to index
        %swap3A_174 = tpu.vector_load %arg11[%swap3A_173] {strides = array<i32>} : memref<40192xf32, #tpu.memory_space<vmem>>, vector<16xf32>,
        %swap3A_175 = vector.shape_cast %swap3A_174 : vector<16xf32> to vector<16xf32>
        %swap3A_176 = vector.shape_cast %max3A_172 : vector<16xf32> to vector<16xf32>
        tpu.vector_store %arg11[%swap3A_173], %swap3A_176 {strides = array<i32>} : memref<40192xf32, #tpu.memory_space<vmem>>, vector<16xf32>,
        %add3A_177 = arith.constant 112 : i32
        %add3A_178 = arith.addi %mul3A_66, %add3A_177 : i32
        %get3A_179 = arith.index_cast %add3A_178 : i32 to index
        %get3A_180 = tpu.vector_load %arg11[%get3A_179] {strides = array<i32>} : memref<40192xf32, #tpu.memory_space<vmem>>, vector<16xf32>,
        %get3A_181 = vector.shape_cast %get3A_180 : vector<16xf32> to vector<16xf32>
        %add3A_182 = arith.constant 0 : i32
        %add3A_183 = arith.addi %add3A_55, %add3A_182 : i32
        %get3A_184 = arith.index_cast %add3A_183 : i32 to index
        %get3A_185 = arith.constant 112 : index
        %get3A_186 = tpu.vector_load %arg10[%get3A_184, %get3A_185] {strides = array<i32>} : memref<128x128xf32, #tpu.memory_space<vmem>>, vector<1x16xf32>,
        %get3A_187 = vector.shape_cast %get3A_186 : vector<1x16xf32> to vector<16xf32>
        %max3A_188 = arith.maximumf %get3A_181, %get3A_187 : vector<16xf32>
        %swap3A_189 = arith.index_cast %add3A_178 : i32 to index
        %swap3A_190 = tpu.vector_load %arg11[%swap3A_189] {strides = array<i32>} : memref<40192xf32, #tpu.memory_space<vmem>>, vector<16xf32>,
        %swap3A_191 = vector.shape_cast %swap3A_190 : vector<16xf32> to vector<16xf32>
        %swap3A_192 = vector.shape_cast %max3A_188 : vector<16xf32> to vector<16xf32>
        tpu.vector_store %arg11[%swap3A_189], %swap3A_192 {strides = array<i32>} : memref<40192xf32, #tpu.memory_space<vmem>>, vector<16xf32>,
        %slice3A_193 = vector.extract_strided_slice %get3A_58 {offsets = [1], sizes = [1], strides = [1]} : vector<16xi32> to vector<1xi32>
        %squeeze3A_194 = vector.extract %slice3A_193[0] : i32 from vector<1xi32>
        %sub3A_195 = arith.subi %squeeze3A_194, %mul3A_8 : i32
        %lt3A_196 = arith.constant 0 : i32
        %lt3A_197 = arith.cmpi slt, %sub3A_195, %lt3A_196 : i32
        %ge3A_198 = arith.constant 313 : i32
        %ge3A_199 = arith.cmpi sge, %sub3A_195, %ge3A_198 : i32
        %or3A_200 = arith.ori %lt3A_197, %ge3A_199 : i1
        %select_n3A_201 = arith.constant 313 : i32
        %select_n3A_202 = arith.select %or3A_200, %select_n3A_201, %sub3A_195 : i32
        %mul3A_203 = arith.constant 128 : i32
        %mul3A_204 = arith.muli %select_n3A_202, %mul3A_203 : i32
        %add3A_205 = arith.constant 0 : i32
        %add3A_206 = arith.addi %mul3A_204, %add3A_205 : i32
        %get3A_207 = arith.index_cast %add3A_206 : i32 to index
        %get3A_208 = tpu.vector_load %arg11[%get3A_207] {strides = array<i32>} : memref<40192xf32, #tpu.memory_space<vmem>>, vector<16xf32>,
        %get3A_209 = vector.shape_cast %get3A_208 : vector<16xf32> to vector<16xf32>
        %add3A_210 = arith.constant 1 : i32
        %add3A_211 = arith.addi %add3A_55, %add3A_210 : i32
        %get3A_212 = arith.index_cast %add3A_211 : i32 to index
        %get3A_213 = arith.constant 0 : index
        %get3A_214 = tpu.vector_load %arg10[%get3A_212, %get3A_213] {strides = array<i32>} : memref<128x128xf32, #tpu.memory_space<vmem>>, vector<1x16xf32>,
        %get3A_215 = vector.shape_cast %get3A_214 : vector<1x16xf32> to vector<16xf32>
        %max3A_216 = arith.maximumf %get3A_209, %get3A_215 : vector<16xf32>
        %swap3A_217 = arith.index_cast %add3A_206 : i32 to index
        %swap3A_218 = tpu.vector_load %arg11[%swap3A_217] {strides = array<i32>} : memref<40192xf32, #tpu.memory_space<vmem>>, vector<16xf32>,
        %swap3A_219 = vector.shape_cast %swap3A_218 : vector<16xf32> to vector<16xf32>
        %swap3A_220 = vector.shape_cast %max3A_216 : vector<16xf32> to vector<16xf32>
        tpu.vector_store %arg11[%swap3A_217], %swap3A_220 {strides = array<i32>} : memref<40192xf32, #tpu.memory_space<vmem>>, vector<16xf32>,
        %add3A_221 = arith.constant 16 : i32
        %add3A_222 = arith.addi %mul3A_204, %add3A_221 : i32
        %get3A_223 = arith.index_cast %add3A_222 : i32 to index
        %get3A_224 = tpu.vector_load %arg11[%get3A_223] {strides = array<i32>} : memref<40192xf32, #tpu.memory_space<vmem>>, vector<16xf32>,
        %get3A_225 = vector.shape_cast %get3A_224 : vector<16xf32> to vector<16xf32>
        %add3A_226 = arith.constant 1 : i32
        %add3A_227 = arith.addi %add3A_55, %add3A_226 : i32
        %get3A_228 = arith.index_cast %add3A_227 : i32 to index
        %get3A_229 = arith.constant 16 : index
        %get3A_230 = tpu.vector_load %arg10[%get3A_228, %get3A_229] {strides = array<i32>} : memref<128x128xf32, #tpu.memory_space<vmem>>, vector<1x16xf32>,
        %get3A_231 = vector.shape_cast %get3A_230 : vector<1x16xf32> to vector<16xf32>
        %max3A_232 = arith.maximumf %get3A_225, %get3A_231 : vector<16xf32>
        %swap3A_233 = arith.index_cast %add3A_222 : i32 to index
        %swap3A_234 = tpu.vector_load %arg11[%swap3A_233] {strides = array<i32>} : memref<40192xf32, #tpu.memory_space<vmem>>, vector<16xf32>,
        %swap3A_235 = vector.shape_cast %swap3A_234 : vector<16xf32> to vector<16xf32>
        %swap3A_236 = vector.shape_cast %max3A_232 : vector<16xf32> to vector<16xf32>
        tpu.vector_store %arg11[%swap3A_233], %swap3A_236 {strides = array<i32>} : memref<40192xf32, #tpu.memory_space<vmem>>, vector<16xf32>,
        %add3A_237 = arith.constant 32 : i32
        %add3A_238 = arith.addi %mul3A_204, %add3A_237 : i32
        %get3A_239 = arith.index_cast %add3A_238 : i32 to index
        %get3A_240 = tpu.vector_load %arg11[%get3A_239] {strides = array<i32>} : memref<40192xf32, #tpu.memory_space<vmem>>, vector<16xf32>,
        %get3A_241 = vector.shape_cast %get3A_240 : vector<16xf32> to vector<16xf32>
        %add3A_242 = arith.constant 1 : i32
        %add3A_243 = arith.addi %add3A_55, %add3A_242 : i32
        %get3A_244 = arith.index_cast %add3A_243 : i32 to index
        %get3A_245 = arith.constant 32 : index
        %get3A_246 = tpu.vector_load %arg10[%get3A_244, %get3A_245] {strides = array<i32>} : memref<128x128xf32, #tpu.memory_space<vmem>>, vector<1x16xf32>,
        %get3A_247 = vector.shape_cast %get3A_246 : vector<1x16xf32> to vector<16xf32>
        %max3A_248 = arith.maximumf %get3A_241, %get3A_247 : vector<16xf32>
        %swap3A_249 = arith.index_cast %add3A_238 : i32 to index
        %swap3A_250 = tpu.vector_load %arg11[%swap3A_249] {strides = array<i32>} : memref<40192xf32, #tpu.memory_space<vmem>>, vector<16xf32>,
        %swap3A_251 = vector.shape_cast %swap3A_250 : vector<16xf32> to vector<16xf32>
        %swap3A_252 = vector.shape_cast %max3A_248 : vector<16xf32> to vector<16xf32>
        tpu.vector_store %arg11[%swap3A_249], %swap3A_252 {strides = array<i32>} : memref<40192xf32, #tpu.memory_space<vmem>>, vector<16xf32>,
        %add3A_253 = arith.constant 48 : i32
        %add3A_254 = arith.addi %mul3A_204, %add3A_253 : i32
        %get3A_255 = arith.index_cast %add3A_254 : i32 to index
        %get3A_256 = tpu.vector_load %arg11[%get3A_255] {strides = array<i32>} : memref<40192xf32, #tpu.memory_space<vmem>>, vector<16xf32>,
        %get3A_257 = vector.shape_cast %get3A_256 : vector<16xf32> to vector<16xf32>
        %add3A_258 = arith.constant 1 : i32
        %add3A_259 = arith.addi %add3A_55, %add3A_258 : i32
        %get3A_260 = arith.index_cast %add3A_259 : i32 to index
        %get3A_261 = arith.constant 48 : index
        %get3A_262 = tpu.vector_load %arg10[%get3A_260, %get3A_261] {strides = array<i32>} : memref<128x128xf32, #tpu.memory_space<vmem>>, vector<1x16xf32>,
        %get3A_263 = vector.shape_cast %get3A_262 : vector<1x16xf32> to vector<16xf32>
        %max3A_264 = arith.maximumf %get3A_257, %get3A_263 : vector<16xf32>
        %swap3A_265 = arith.index_cast %add3A_254 : i32 to index
        %swap3A_266 = tpu.vector_load %arg11[%swap3A_265] {strides = array<i32>} : memref<40192xf32, #tpu.memory_space<vmem>>, vector<16xf32>,
        %swap3A_267 = vector.shape_cast %swap3A_266 : vector<16xf32> to vector<16xf32>
        %swap3A_268 = vector.shape_cast %max3A_264 : vector<16xf32> to vector<16xf32>
        tpu.vector_store %arg11[%swap3A_265], %swap3A_268 {strides = array<i32>} : memref<40192xf32, #tpu.memory_space<vmem>>, vector<16xf32>,
        %add3A_269 = arith.constant 64 : i32
        %add3A_270 = arith.addi %mul3A_204, %add3A_269 : i32
        %get3A_271 = arith.index_cast %add3A_270 : i32 to index
        %get3A_272 = tpu.vector_load %arg11[%get3A_271] {strides = array<i32>} : memref<40192xf32, #tpu.memory_space<vmem>>, vector<16xf32>,
        %get3A_273 = vector.shape_cast %get3A_272 : vector<16xf32> to vector<16xf32>
        %add3A_274 = arith.constant 1 : i32
        %add3A_275 = arith.addi %add3A_55, %add3A_274 : i32
        %get3A_276 = arith.index_cast %add3A_275 : i32 to index
        %get3A_277 = arith.constant 64 : index
        %get3A_278 = tpu.vector_load %arg10[%get3A_276, %get3A_277] {strides = array<i32>} : memref<128x128xf32, #tpu.memory_space<vmem>>, vector<1x16xf32>,
        %get3A_279 = vector.shape_cast %get3A_278 : vector<1x16xf32> to vector<16xf32>
        %max3A_280 = arith.maximumf %get3A_273, %get3A_279 : vector<16xf32>
        %swap3A_281 = arith.index_cast %add3A_270 : i32 to index
        %swap3A_282 = tpu.vector_load %arg11[%swap3A_281] {strides = array<i32>} : memref<40192xf32, #tpu.memory_space<vmem>>, vector<16xf32>,
        %swap3A_283 = vector.shape_cast %swap3A_282 : vector<16xf32> to vector<16xf32>
        %swap3A_284 = vector.shape_cast %max3A_280 : vector<16xf32> to vector<16xf32>
        tpu.vector_store %arg11[%swap3A_281], %swap3A_284 {strides = array<i32>} : memref<40192xf32, #tpu.memory_space<vmem>>, vector<16xf32>,
        %add3A_285 = arith.constant 80 : i32
        %add3A_286 = arith.addi %mul3A_204, %add3A_285 : i32
        %get3A_287 = arith.index_cast %add3A_286 : i32 to index
        %get3A_288 = tpu.vector_load %arg11[%get3A_287] {strides = array<i32>} : memref<40192xf32, #tpu.memory_space<vmem>>, vector<16xf32>,
        %get3A_289 = vector.shape_cast %get3A_288 : vector<16xf32> to vector<16xf32>
        %add3A_290 = arith.constant 1 : i32
        %add3A_291 = arith.addi %add3A_55, %add3A_290 : i32
        %get3A_292 = arith.index_cast %add3A_291 : i32 to index
        %get3A_293 = arith.constant 80 : index
        %get3A_294 = tpu.vector_load %arg10[%get3A_292, %get3A_293] {strides = array<i32>} : memref<128x128xf32, #tpu.memory_space<vmem>>, vector<1x16xf32>,
        %get3A_295 = vector.shape_cast %get3A_294 : vector<1x16xf32> to vector<16xf32>
        %max3A_296 = arith.maximumf %get3A_289, %get3A_295 : vector<16xf32>
        %swap3A_297 = arith.index_cast %add3A_286 : i32 to index
        %swap3A_298 = tpu.vector_load %arg11[%swap3A_297] {strides = array<i32>} : memref<40192xf32, #tpu.memory_space<vmem>>, vector<16xf32>,
        %swap3A_299 = vector.shape_cast %swap3A_298 : vector<16xf32> to vector<16xf32>
        %swap3A_300 = vector.shape_cast %max3A_296 : vector<16xf32> to vector<16xf32>
        tpu.vector_store %arg11[%swap3A_297], %swap3A_300 {strides = array<i32>} : memref<40192xf32, #tpu.memory_space<vmem>>, vector<16xf32>,
        %add3A_301 = arith.constant 96 : i32
        %add3A_302 = arith.addi %mul3A_204, %add3A_301 : i32
        %get3A_303 = arith.index_cast %add3A_302 : i32 to index
        %get3A_304 = tpu.vector_load %arg11[%get3A_303] {strides = array<i32>} : memref<40192xf32, #tpu.memory_space<vmem>>, vector<16xf32>,
        %get3A_305 = vector.shape_cast %get3A_304 : vector<16xf32> to vector<16xf32>
        %add3A_306 = arith.constant 1 : i32
        %add3A_307 = arith.addi %add3A_55, %add3A_306 : i32
        %get3A_308 = arith.index_cast %add3A_307 : i32 to index
        %get3A_309 = arith.constant 96 : index
        %get3A_310 = tpu.vector_load %arg10[%get3A_308, %get3A_309] {strides = array<i32>} : memref<128x128xf32, #tpu.memory_space<vmem>>, vector<1x16xf32>,
        %get3A_311 = vector.shape_cast %get3A_310 : vector<1x16xf32> to vector<16xf32>
        %max3A_312 = arith.maximumf %get3A_305, %get3A_311 : vector<16xf32>
        %swap3A_313 = arith.index_cast %add3A_302 : i32 to index
        %swap3A_314 = tpu.vector_load %arg11[%swap3A_313] {strides = array<i32>} : memref<40192xf32, #tpu.memory_space<vmem>>, vector<16xf32>,
        %swap3A_315 = vector.shape_cast %swap3A_314 : vector<16xf32> to vector<16xf32>
        %swap3A_316 = vector.shape_cast %max3A_312 : vector<16xf32> to vector<16xf32>
        tpu.vector_store %arg11[%swap3A_313], %swap3A_316 {strides = array<i32>} : memref<40192xf32, #tpu.memory_space<vmem>>, vector<16xf32>,
        %add3A_317 = arith.constant 112 : i32
        %add3A_318 = arith.addi %mul3A_204, %add3A_317 : i32
        %get3A_319 = arith.index_cast %add3A_318 : i32 to index
        %get3A_320 = tpu.vector_load %arg11[%get3A_319] {strides = array<i32>} : memref<40192xf32, #tpu.memory_space<vmem>>, vector<16xf32>,
        %get3A_321 = vector.shape_cast %get3A_320 : vector<16xf32> to vector<16xf32>
        %add3A_322 = arith.constant 1 : i32
        %add3A_323 = arith.addi %add3A_55, %add3A_322 : i32
        %get3A_324 = arith.index_cast %add3A_323 : i32 to index
        %get3A_325 = arith.constant 112 : index
        %get3A_326 = tpu.vector_load %arg10[%get3A_324, %get3A_325] {strides = array<i32>} : memref<128x128xf32, #tpu.memory_space<vmem>>, vector<1x16xf32>,
        %get3A_327 = vector.shape_cast %get3A_326 : vector<1x16xf32> to vector<16xf32>
        %max3A_328 = arith.maximumf %get3A_321, %get3A_327 : vector<16xf32>
        %swap3A_329 = arith.index_cast %add3A_318 : i32 to index
        %swap3A_330 = tpu.vector_load %arg11[%swap3A_329] {strides = array<i32>} : memref<40192xf32, #tpu.memory_space<vmem>>, vector<16xf32>,
        %swap3A_331 = vector.shape_cast %swap3A_330 : vector<16xf32> to vector<16xf32>
        %swap3A_332 = vector.shape_cast %max3A_328 : vector<16xf32> to vector<16xf32>
        tpu.vector_store %arg11[%swap3A_329], %swap3A_332 {strides = array<i32>} : memref<40192xf32, #tpu.memory_space<vmem>>, vector<16xf32>,
        %slice3A_333 = vector.extract_strided_slice %get3A_58 {offsets = [2], sizes = [1], strides = [1]} : vector<16xi32> to vector<1xi32>
        %squeeze3A_334 = vector.extract %slice3A_333[0] : i32 from vector<1xi32>
        %sub3A_335 = arith.subi %squeeze3A_334, %mul3A_8 : i32
        %lt3A_336 = arith.constant 0 : i32
        %lt3A_337 = arith.cmpi slt, %sub3A_335, %lt3A_336 : i32
        %ge3A_338 = arith.constant 313 : i32
        %ge3A_339 = arith.cmpi sge, %sub3A_335, %ge3A_338 : i32
        %or3A_340 = arith.ori %lt3A_337, %ge3A_339 : i1
        %select_n3A_341 = arith.constant 313 : i32
        %select_n3A_342 = arith.select %or3A_340, %select_n3A_341, %sub3A_335 : i32
        %mul3A_343 = arith.constant 128 : i32
        %mul3A_344 = arith.muli %select_n3A_342, %mul3A_343 : i32
        %add3A_345 = arith.constant 0 : i32
        %add3A_346 = arith.addi %mul3A_344, %add3A_345 : i32
        %get3A_347 = arith.index_cast %add3A_346 : i32 to index
        %get3A_348 = tpu.vector_load %arg11[%get3A_347] {strides = array<i32>} : memref<40192xf32, #tpu.memory_space<vmem>>, vector<16xf32>,
        %get3A_349 = vector.shape_cast %get3A_348 : vector<16xf32> to vector<16xf32>
        %add3A_350 = arith.constant 2 : i32
        %add3A_351 = arith.addi %add3A_55, %add3A_350 : i32
        %get3A_352 = arith.index_cast %add3A_351 : i32 to index
        %get3A_353 = arith.constant 0 : index
        %get3A_354 = tpu.vector_load %arg10[%get3A_352, %get3A_353] {strides = array<i32>} : memref<128x128xf32, #tpu.memory_space<vmem>>, vector<1x16xf32>,
        %get3A_355 = vector.shape_cast %get3A_354 : vector<1x16xf32> to vector<16xf32>
        %max3A_356 = arith.maximumf %get3A_349, %get3A_355 : vector<16xf32>
        %swap3A_357 = arith.index_cast %add3A_346 : i32 to index
        %swap3A_358 = tpu.vector_load %arg11[%swap3A_357] {strides = array<i32>} : memref<40192xf32, #tpu.memory_space<vmem>>, vector<16xf32>,
        %swap3A_359 = vector.shape_cast %swap3A_358 : vector<16xf32> to vector<16xf32>
        %swap3A_360 = vector.shape_cast %max3A_356 : vector<16xf32> to vector<16xf32>
        tpu.vector_store %arg11[%swap3A_357], %swap3A_360 {strides = array<i32>} : memref<40192xf32, #tpu.memory_space<vmem>>, vector<16xf32>,
        %add3A_361 = arith.constant 16 : i32
        %add3A_362 = arith.addi %mul3A_344, %add3A_361 : i32
        %get3A_363 = arith.index_cast %add3A_362 : i32 to index
        %get3A_364 = tpu.vector_load %arg11[%get3A_363] {strides = array<i32>} : memref<40192xf32, #tpu.memory_space<vmem>>, vector<16xf32>,
        %get3A_365 = vector.shape_cast %get3A_364 : vector<16xf32> to vector<16xf32>
        %add3A_366 = arith.constant 2 : i32
        %add3A_367 = arith.addi %add3A_55, %add3A_366 : i32
        %get3A_368 = arith.index_cast %add3A_367 : i32 to index
        %get3A_369 = arith.constant 16 : index
        %get3A_370 = tpu.vector_load %arg10[%get3A_368, %get3A_369] {strides = array<i32>} : memref<128x128xf32, #tpu.memory_space<vmem>>, vector<1x16xf32>,
        %get3A_371 = vector.shape_cast %get3A_370 : vector<1x16xf32> to vector<16xf32>
        %max3A_372 = arith.maximumf %get3A_365, %get3A_371 : vector<16xf32>
        %swap3A_373 = arith.index_cast %add3A_362 : i32 to index
        %swap3A_374 = tpu.vector_load %arg11[%swap3A_373] {strides = array<i32>} : memref<40192xf32, #tpu.memory_space<vmem>>, vector<16xf32>,
        %swap3A_375 = vector.shape_cast %swap3A_374 : vector<16xf32> to vector<16xf32>
        %swap3A_376 = vector.shape_cast %max3A_372 : vector<16xf32> to vector<16xf32>
        tpu.vector_store %arg11[%swap3A_373], %swap3A_376 {strides = array<i32>} : memref<40192xf32, #tpu.memory_space<vmem>>, vector<16xf32>,
        %add3A_377 = arith.constant 32 : i32
        %add3A_378 = arith.addi %mul3A_344, %add3A_377 : i32
        %get3A_379 = arith.index_cast %add3A_378 : i32 to index
        %get3A_380 = tpu.vector_load %arg11[%get3A_379] {strides = array<i32>} : memref<40192xf32, #tpu.memory_space<vmem>>, vector<16xf32>,
        %get3A_381 = vector.shape_cast %get3A_380 : vector<16xf32> to vector<16xf32>
        %add3A_382 = arith.constant 2 : i32
        %add3A_383 = arith.addi %add3A_55, %add3A_382 : i32
        %get3A_384 = arith.index_cast %add3A_383 : i32 to index
        %get3A_385 = arith.constant 32 : index
        %get3A_386 = tpu.vector_load %arg10[%get3A_384, %get3A_385] {strides = array<i32>} : memref<128x128xf32, #tpu.memory_space<vmem>>, vector<1x16xf32>,
        %get3A_387 = vector.shape_cast %get3A_386 : vector<1x16xf32> to vector<16xf32>
        %max3A_388 = arith.maximumf %get3A_381, %get3A_387 : vector<16xf32>
        %swap3A_389 = arith.index_cast %add3A_378 : i32 to index
        %swap3A_390 = tpu.vector_load %arg11[%swap3A_389] {strides = array<i32>} : memref<40192xf32, #tpu.memory_space<vmem>>, vector<16xf32>,
        %swap3A_391 = vector.shape_cast %swap3A_390 : vector<16xf32> to vector<16xf32>
        %swap3A_392 = vector.shape_cast %max3A_388 : vector<16xf32> to vector<16xf32>
        tpu.vector_store %arg11[%swap3A_389], %swap3A_392 {strides = array<i32>} : memref<40192xf32, #tpu.memory_space<vmem>>, vector<16xf32>,
        %add3A_393 = arith.constant 48 : i32
        %add3A_394 = arith.addi %mul3A_344, %add3A_393 : i32
        %get3A_395 = arith.index_cast %add3A_394 : i32 to index
        %get3A_396 = tpu.vector_load %arg11[%get3A_395] {strides = array<i32>} : memref<40192xf32, #tpu.memory_space<vmem>>, vector<16xf32>,
        %get3A_397 = vector.shape_cast %get3A_396 : vector<16xf32> to vector<16xf32>
        %add3A_398 = arith.constant 2 : i32
        %add3A_399 = arith.addi %add3A_55, %add3A_398 : i32
        %get3A_400 = arith.index_cast %add3A_399 : i32 to index
        %get3A_401 = arith.constant 48 : index
        %get3A_402 = tpu.vector_load %arg10[%get3A_400, %get3A_401] {strides = array<i32>} : memref<128x128xf32, #tpu.memory_space<vmem>>, vector<1x16xf32>,
        %get3A_403 = vector.shape_cast %get3A_402 : vector<1x16xf32> to vector<16xf32>
        %max3A_404 = arith.maximumf %get3A_397, %get3A_403 : vector<16xf32>
        %swap3A_405 = arith.index_cast %add3A_394 : i32 to index
        %swap3A_406 = tpu.vector_load %arg11[%swap3A_405] {strides = array<i32>} : memref<40192xf32, #tpu.memory_space<vmem>>, vector<16xf32>,
        %swap3A_407 = vector.shape_cast %swap3A_406 : vector<16xf32> to vector<16xf32>
        %swap3A_408 = vector.shape_cast %max3A_404 : vector<16xf32> to vector<16xf32>
        tpu.vector_store %arg11[%swap3A_405], %swap3A_408 {strides = array<i32>} : memref<40192xf32, #tpu.memory_space<vmem>>, vector<16xf32>,
        %add3A_409 = arith.constant 64 : i32
        %add3A_410 = arith.addi %mul3A_344, %add3A_409 : i32
        %get3A_411 = arith.index_cast %add3A_410 : i32 to index
        %get3A_412 = tpu.vector_load %arg11[%get3A_411] {strides = array<i32>} : memref<40192xf32, #tpu.memory_space<vmem>>, vector<16xf32>,
        %get3A_413 = vector.shape_cast %get3A_412 : vector<16xf32> to vector<16xf32>
        %add3A_414 = arith.constant 2 : i32
        %add3A_415 = arith.addi %add3A_55, %add3A_414 : i32
        %get3A_416 = arith.index_cast %add3A_415 : i32 to index
        %get3A_417 = arith.constant 64 : index
        %get3A_418 = tpu.vector_load %arg10[%get3A_416, %get3A_417] {strides = array<i32>} : memref<128x128xf32, #tpu.memory_space<vmem>>, vector<1x16xf32>,
        %get3A_419 = vector.shape_cast %get3A_418 : vector<1x16xf32> to vector<16xf32>
        %max3A_420 = arith.maximumf %get3A_413, %get3A_419 : vector<16xf32>
        %swap3A_421 = arith.index_cast %add3A_410 : i32 to index
        %swap3A_422 = tpu.vector_load %arg11[%swap3A_421] {strides = array<i32>} : memref<40192xf32, #tpu.memory_space<vmem>>, vector<16xf32>,
        %swap3A_423 = vector.shape_cast %swap3A_422 : vector<16xf32> to vector<16xf32>
        %swap3A_424 = vector.shape_cast %max3A_420 : vector<16xf32> to vector<16xf32>
        tpu.vector_store %arg11[%swap3A_421], %swap3A_424 {strides = array<i32>} : memref<40192xf32, #tpu.memory_space<vmem>>, vector<16xf32>,
        %add3A_425 = arith.constant 80 : i32
        %add3A_426 = arith.addi %mul3A_344, %add3A_425 : i32
        %get3A_427 = arith.index_cast %add3A_426 : i32 to index
        %get3A_428 = tpu.vector_load %arg11[%get3A_427] {strides = array<i32>} : memref<40192xf32, #tpu.memory_space<vmem>>, vector<16xf32>,
        %get3A_429 = vector.shape_cast %get3A_428 : vector<16xf32> to vector<16xf32>
        %add3A_430 = arith.constant 2 : i32
        %add3A_431 = arith.addi %add3A_55, %add3A_430 : i32
        %get3A_432 = arith.index_cast %add3A_431 : i32 to index
        %get3A_433 = arith.constant 80 : index
        %get3A_434 = tpu.vector_load %arg10[%get3A_432, %get3A_433] {strides = array<i32>} : memref<128x128xf32, #tpu.memory_space<vmem>>, vector<1x16xf32>,
        %get3A_435 = vector.shape_cast %get3A_434 : vector<1x16xf32> to vector<16xf32>
        %max3A_436 = arith.maximumf %get3A_429, %get3A_435 : vector<16xf32>
        %swap3A_437 = arith.index_cast %add3A_426 : i32 to index
        %swap3A_438 = tpu.vector_load %arg11[%swap3A_437] {strides = array<i32>} : memref<40192xf32, #tpu.memory_space<vmem>>, vector<16xf32>,
        %swap3A_439 = vector.shape_cast %swap3A_438 : vector<16xf32> to vector<16xf32>
        %swap3A_440 = vector.shape_cast %max3A_436 : vector<16xf32> to vector<16xf32>
        tpu.vector_store %arg11[%swap3A_437], %swap3A_440 {strides = array<i32>} : memref<40192xf32, #tpu.memory_space<vmem>>, vector<16xf32>,
        %add3A_441 = arith.constant 96 : i32
        %add3A_442 = arith.addi %mul3A_344, %add3A_441 : i32
        %get3A_443 = arith.index_cast %add3A_442 : i32 to index
        %get3A_444 = tpu.vector_load %arg11[%get3A_443] {strides = array<i32>} : memref<40192xf32, #tpu.memory_space<vmem>>, vector<16xf32>,
        %get3A_445 = vector.shape_cast %get3A_444 : vector<16xf32> to vector<16xf32>
        %add3A_446 = arith.constant 2 : i32
        %add3A_447 = arith.addi %add3A_55, %add3A_446 : i32
        %get3A_448 = arith.index_cast %add3A_447 : i32 to index
        %get3A_449 = arith.constant 96 : index
        %get3A_450 = tpu.vector_load %arg10[%get3A_448, %get3A_449] {strides = array<i32>} : memref<128x128xf32, #tpu.memory_space<vmem>>, vector<1x16xf32>,
        %get3A_451 = vector.shape_cast %get3A_450 : vector<1x16xf32> to vector<16xf32>
        %max3A_452 = arith.maximumf %get3A_445, %get3A_451 : vector<16xf32>
        %swap3A_453 = arith.index_cast %add3A_442 : i32 to index
        %swap3A_454 = tpu.vector_load %arg11[%swap3A_453] {strides = array<i32>} : memref<40192xf32, #tpu.memory_space<vmem>>, vector<16xf32>,
        %swap3A_455 = vector.shape_cast %swap3A_454 : vector<16xf32> to vector<16xf32>
        %swap3A_456 = vector.shape_cast %max3A_452 : vector<16xf32> to vector<16xf32>
        tpu.vector_store %arg11[%swap3A_453], %swap3A_456 {strides = array<i32>} : memref<40192xf32, #tpu.memory_space<vmem>>, vector<16xf32>,
        %add3A_457 = arith.constant 112 : i32
        %add3A_458 = arith.addi %mul3A_344, %add3A_457 : i32
        %get3A_459 = arith.index_cast %add3A_458 : i32 to index
        %get3A_460 = tpu.vector_load %arg11[%get3A_459] {strides = array<i32>} : memref<40192xf32, #tpu.memory_space<vmem>>, vector<16xf32>,
        %get3A_461 = vector.shape_cast %get3A_460 : vector<16xf32> to vector<16xf32>
        %add3A_462 = arith.constant 2 : i32
        %add3A_463 = arith.addi %add3A_55, %add3A_462 : i32
        %get3A_464 = arith.index_cast %add3A_463 : i32 to index
        %get3A_465 = arith.constant 112 : index
        %get3A_466 = tpu.vector_load %arg10[%get3A_464, %get3A_465] {strides = array<i32>} : memref<128x128xf32, #tpu.memory_space<vmem>>, vector<1x16xf32>,
        %get3A_467 = vector.shape_cast %get3A_466 : vector<1x16xf32> to vector<16xf32>
        %max3A_468 = arith.maximumf %get3A_461, %get3A_467 : vector<16xf32>
        %swap3A_469 = arith.index_cast %add3A_458 : i32 to index
        %swap3A_470 = tpu.vector_load %arg11[%swap3A_469] {strides = array<i32>} : memref<40192xf32, #tpu.memory_space<vmem>>, vector<16xf32>,
        %swap3A_471 = vector.shape_cast %swap3A_470 : vector<16xf32> to vector<16xf32>
        %swap3A_472 = vector.shape_cast %max3A_468 : vector<16xf32> to vector<16xf32>
        tpu.vector_store %arg11[%swap3A_469], %swap3A_472 {strides = array<i32>} : memref<40192xf32, #tpu.memory_space<vmem>>, vector<16xf32>,
        %slice3A_473 = vector.extract_strided_slice %get3A_58 {offsets = [3], sizes = [1], strides = [1]} : vector<16xi32> to vector<1xi32>
        %squeeze3A_474 = vector.extract %slice3A_473[0] : i32 from vector<1xi32>
        %sub3A_475 = arith.subi %squeeze3A_474, %mul3A_8 : i32
        %lt3A_476 = arith.constant 0 : i32
        %lt3A_477 = arith.cmpi slt, %sub3A_475, %lt3A_476 : i32
        %ge3A_478 = arith.constant 313 : i32
        %ge3A_479 = arith.cmpi sge, %sub3A_475, %ge3A_478 : i32
        %or3A_480 = arith.ori %lt3A_477, %ge3A_479 : i1
        %select_n3A_481 = arith.constant 313 : i32
        %select_n3A_482 = arith.select %or3A_480, %select_n3A_481, %sub3A_475 : i32
        %mul3A_483 = arith.constant 128 : i32
        %mul3A_484 = arith.muli %select_n3A_482, %mul3A_483 : i32
        %add3A_485 = arith.constant 0 : i32
        %add3A_486 = arith.addi %mul3A_484, %add3A_485 : i32
        %get3A_487 = arith.index_cast %add3A_486 : i32 to index
        %get3A_488 = tpu.vector_load %arg11[%get3A_487] {strides = array<i32>} : memref<40192xf32, #tpu.memory_space<vmem>>, vector<16xf32>,
        %get3A_489 = vector.shape_cast %get3A_488 : vector<16xf32> to vector<16xf32>
        %add3A_490 = arith.constant 3 : i32
        %add3A_491 = arith.addi %add3A_55, %add3A_490 : i32
        %get3A_492 = arith.index_cast %add3A_491 : i32 to index
        %get3A_493 = arith.constant 0 : index
        %get3A_494 = tpu.vector_load %arg10[%get3A_492, %get3A_493] {strides = array<i32>} : memref<128x128xf32, #tpu.memory_space<vmem>>, vector<1x16xf32>,
        %get3A_495 = vector.shape_cast %get3A_494 : vector<1x16xf32> to vector<16xf32>
        %max3A_496 = arith.maximumf %get3A_489, %get3A_495 : vector<16xf32>
        %swap3A_497 = arith.index_cast %add3A_486 : i32 to index
        %swap3A_498 = tpu.vector_load %arg11[%swap3A_497] {strides = array<i32>} : memref<40192xf32, #tpu.memory_space<vmem>>, vector<16xf32>,
        %swap3A_499 = vector.shape_cast %swap3A_498 : vector<16xf32> to vector<16xf32>
        %swap3A_500 = vector.shape_cast %max3A_496 : vector<16xf32> to vector<16xf32>
        tpu.vector_store %arg11[%swap3A_497], %swap3A_500 {strides = array<i32>} : memref<40192xf32, #tpu.memory_space<vmem>>, vector<16xf32>,
        %add3A_501 = arith.constant 16 : i32
        %add3A_502 = arith.addi %mul3A_484, %add3A_501 : i32
        %get3A_503 = arith.index_cast %add3A_502 : i32 to index
        %get3A_504 = tpu.vector_load %arg11[%get3A_503] {strides = array<i32>} : memref<40192xf32, #tpu.memory_space<vmem>>, vector<16xf32>,
        %get3A_505 = vector.shape_cast %get3A_504 : vector<16xf32> to vector<16xf32>
        %add3A_506 = arith.constant 3 : i32
        %add3A_507 = arith.addi %add3A_55, %add3A_506 : i32
        %get3A_508 = arith.index_cast %add3A_507 : i32 to index
        %get3A_509 = arith.constant 16 : index
        %get3A_510 = tpu.vector_load %arg10[%get3A_508, %get3A_509] {strides = array<i32>} : memref<128x128xf32, #tpu.memory_space<vmem>>, vector<1x16xf32>,
        %get3A_511 = vector.shape_cast %get3A_510 : vector<1x16xf32> to vector<16xf32>
        %max3A_512 = arith.maximumf %get3A_505, %get3A_511 : vector<16xf32>
        %swap3A_513 = arith.index_cast %add3A_502 : i32 to index
        %swap3A_514 = tpu.vector_load %arg11[%swap3A_513] {strides = array<i32>} : memref<40192xf32, #tpu.memory_space<vmem>>, vector<16xf32>,
        %swap3A_515 = vector.shape_cast %swap3A_514 : vector<16xf32> to vector<16xf32>
        %swap3A_516 = vector.shape_cast %max3A_512 : vector<16xf32> to vector<16xf32>
        tpu.vector_store %arg11[%swap3A_513], %swap3A_516 {strides = array<i32>} : memref<40192xf32, #tpu.memory_space<vmem>>, vector<16xf32>,
        %add3A_517 = arith.constant 32 : i32
        %add3A_518 = arith.addi %mul3A_484, %add3A_517 : i32
        %get3A_519 = arith.index_cast %add3A_518 : i32 to index
        %get3A_520 = tpu.vector_load %arg11[%get3A_519] {strides = array<i32>} : memref<40192xf32, #tpu.memory_space<vmem>>, vector<16xf32>,
        %get3A_521 = vector.shape_cast %get3A_520 : vector<16xf32> to vector<16xf32>
        %add3A_522 = arith.constant 3 : i32
        %add3A_523 = arith.addi %add3A_55, %add3A_522 : i32
        %get3A_524 = arith.index_cast %add3A_523 : i32 to index
        %get3A_525 = arith.constant 32 : index
        %get3A_526 = tpu.vector_load %arg10[%get3A_524, %get3A_525] {strides = array<i32>} : memref<128x128xf32, #tpu.memory_space<vmem>>, vector<1x16xf32>,
        %get3A_527 = vector.shape_cast %get3A_526 : vector<1x16xf32> to vector<16xf32>
        %max3A_528 = arith.maximumf %get3A_521, %get3A_527 : vector<16xf32>
        %swap3A_529 = arith.index_cast %add3A_518 : i32 to index
        %swap3A_530 = tpu.vector_load %arg11[%swap3A_529] {strides = array<i32>} : memref<40192xf32, #tpu.memory_space<vmem>>, vector<16xf32>,
        %swap3A_531 = vector.shape_cast %swap3A_530 : vector<16xf32> to vector<16xf32>
        %swap3A_532 = vector.shape_cast %max3A_528 : vector<16xf32> to vector<16xf32>
        tpu.vector_store %arg11[%swap3A_529], %swap3A_532 {strides = array<i32>} : memref<40192xf32, #tpu.memory_space<vmem>>, vector<16xf32>,
        %add3A_533 = arith.constant 48 : i32
        %add3A_534 = arith.addi %mul3A_484, %add3A_533 : i32
        %get3A_535 = arith.index_cast %add3A_534 : i32 to index
        %get3A_536 = tpu.vector_load %arg11[%get3A_535] {strides = array<i32>} : memref<40192xf32, #tpu.memory_space<vmem>>, vector<16xf32>,
        %get3A_537 = vector.shape_cast %get3A_536 : vector<16xf32> to vector<16xf32>
        %add3A_538 = arith.constant 3 : i32
        %add3A_539 = arith.addi %add3A_55, %add3A_538 : i32
        %get3A_540 = arith.index_cast %add3A_539 : i32 to index
        %get3A_541 = arith.constant 48 : index
        %get3A_542 = tpu.vector_load %arg10[%get3A_540, %get3A_541] {strides = array<i32>} : memref<128x128xf32, #tpu.memory_space<vmem>>, vector<1x16xf32>,
        %get3A_543 = vector.shape_cast %get3A_542 : vector<1x16xf32> to vector<16xf32>
        %max3A_544 = arith.maximumf %get3A_537, %get3A_543 : vector<16xf32>
        %swap3A_545 = arith.index_cast %add3A_534 : i32 to index
        %swap3A_546 = tpu.vector_load %arg11[%swap3A_545] {strides = array<i32>} : memref<40192xf32, #tpu.memory_space<vmem>>, vector<16xf32>,
        %swap3A_547 = vector.shape_cast %swap3A_546 : vector<16xf32> to vector<16xf32>
        %swap3A_548 = vector.shape_cast %max3A_544 : vector<16xf32> to vector<16xf32>
        tpu.vector_store %arg11[%swap3A_545], %swap3A_548 {strides = array<i32>} : memref<40192xf32, #tpu.memory_space<vmem>>, vector<16xf32>,
        %add3A_549 = arith.constant 64 : i32
        %add3A_550 = arith.addi %mul3A_484, %add3A_549 : i32
        %get3A_551 = arith.index_cast %add3A_550 : i32 to index
        %get3A_552 = tpu.vector_load %arg11[%get3A_551] {strides = array<i32>} : memref<40192xf32, #tpu.memory_space<vmem>>, vector<16xf32>,
        %get3A_553 = vector.shape_cast %get3A_552 : vector<16xf32> to vector<16xf32>
        %add3A_554 = arith.constant 3 : i32
        %add3A_555 = arith.addi %add3A_55, %add3A_554 : i32
        %get3A_556 = arith.index_cast %add3A_555 : i32 to index
        %get3A_557 = arith.constant 64 : index
        %get3A_558 = tpu.vector_load %arg10[%get3A_556, %get3A_557] {strides = array<i32>} : memref<128x128xf32, #tpu.memory_space<vmem>>, vector<1x16xf32>,
        %get3A_559 = vector.shape_cast %get3A_558 : vector<1x16xf32> to vector<16xf32>
        %max3A_560 = arith.maximumf %get3A_553, %get3A_559 : vector<16xf32>
        %swap3A_561 = arith.index_cast %add3A_550 : i32 to index
        %swap3A_562 = tpu.vector_load %arg11[%swap3A_561] {strides = array<i32>} : memref<40192xf32, #tpu.memory_space<vmem>>, vector<16xf32>,
        %swap3A_563 = vector.shape_cast %swap3A_562 : vector<16xf32> to vector<16xf32>
        %swap3A_564 = vector.shape_cast %max3A_560 : vector<16xf32> to vector<16xf32>
        tpu.vector_store %arg11[%swap3A_561], %swap3A_564 {strides = array<i32>} : memref<40192xf32, #tpu.memory_space<vmem>>, vector<16xf32>,
        %add3A_565 = arith.constant 80 : i32
        %add3A_566 = arith.addi %mul3A_484, %add3A_565 : i32
        %get3A_567 = arith.index_cast %add3A_566 : i32 to index
        %get3A_568 = tpu.vector_load %arg11[%get3A_567] {strides = array<i32>} : memref<40192xf32, #tpu.memory_space<vmem>>, vector<16xf32>,
        %get3A_569 = vector.shape_cast %get3A_568 : vector<16xf32> to vector<16xf32>
        %add3A_570 = arith.constant 3 : i32
        %add3A_571 = arith.addi %add3A_55, %add3A_570 : i32
        %get3A_572 = arith.index_cast %add3A_571 : i32 to index
        %get3A_573 = arith.constant 80 : index
        %get3A_574 = tpu.vector_load %arg10[%get3A_572, %get3A_573] {strides = array<i32>} : memref<128x128xf32, #tpu.memory_space<vmem>>, vector<1x16xf32>,
        %get3A_575 = vector.shape_cast %get3A_574 : vector<1x16xf32> to vector<16xf32>
        %max3A_576 = arith.maximumf %get3A_569, %get3A_575 : vector<16xf32>
        %swap3A_577 = arith.index_cast %add3A_566 : i32 to index
        %swap3A_578 = tpu.vector_load %arg11[%swap3A_577] {strides = array<i32>} : memref<40192xf32, #tpu.memory_space<vmem>>, vector<16xf32>,
        %swap3A_579 = vector.shape_cast %swap3A_578 : vector<16xf32> to vector<16xf32>
        %swap3A_580 = vector.shape_cast %max3A_576 : vector<16xf32> to vector<16xf32>
        tpu.vector_store %arg11[%swap3A_577], %swap3A_580 {strides = array<i32>} : memref<40192xf32, #tpu.memory_space<vmem>>, vector<16xf32>,
        %add3A_581 = arith.constant 96 : i32
        %add3A_582 = arith.addi %mul3A_484, %add3A_581 : i32
        %get3A_583 = arith.index_cast %add3A_582 : i32 to index
        %get3A_584 = tpu.vector_load %arg11[%get3A_583] {strides = array<i32>} : memref<40192xf32, #tpu.memory_space<vmem>>, vector<16xf32>,
        %get3A_585 = vector.shape_cast %get3A_584 : vector<16xf32> to vector<16xf32>
        %add3A_586 = arith.constant 3 : i32
        %add3A_587 = arith.addi %add3A_55, %add3A_586 : i32
        %get3A_588 = arith.index_cast %add3A_587 : i32 to index
        %get3A_589 = arith.constant 96 : index
        %get3A_590 = tpu.vector_load %arg10[%get3A_588, %get3A_589] {strides = array<i32>} : memref<128x128xf32, #tpu.memory_space<vmem>>, vector<1x16xf32>,
        %get3A_591 = vector.shape_cast %get3A_590 : vector<1x16xf32> to vector<16xf32>
        %max3A_592 = arith.maximumf %get3A_585, %get3A_591 : vector<16xf32>
        %swap3A_593 = arith.index_cast %add3A_582 : i32 to index
        %swap3A_594 = tpu.vector_load %arg11[%swap3A_593] {strides = array<i32>} : memref<40192xf32, #tpu.memory_space<vmem>>, vector<16xf32>,
        %swap3A_595 = vector.shape_cast %swap3A_594 : vector<16xf32> to vector<16xf32>
        %swap3A_596 = vector.shape_cast %max3A_592 : vector<16xf32> to vector<16xf32>
        tpu.vector_store %arg11[%swap3A_593], %swap3A_596 {strides = array<i32>} : memref<40192xf32, #tpu.memory_space<vmem>>, vector<16xf32>,
        %add3A_597 = arith.constant 112 : i32
        %add3A_598 = arith.addi %mul3A_484, %add3A_597 : i32
        %get3A_599 = arith.index_cast %add3A_598 : i32 to index
        %get3A_600 = tpu.vector_load %arg11[%get3A_599] {strides = array<i32>} : memref<40192xf32, #tpu.memory_space<vmem>>, vector<16xf32>,
        %get3A_601 = vector.shape_cast %get3A_600 : vector<16xf32> to vector<16xf32>
        %add3A_602 = arith.constant 3 : i32
        %add3A_603 = arith.addi %add3A_55, %add3A_602 : i32
        %get3A_604 = arith.index_cast %add3A_603 : i32 to index
        %get3A_605 = arith.constant 112 : index
        %get3A_606 = tpu.vector_load %arg10[%get3A_604, %get3A_605] {strides = array<i32>} : memref<128x128xf32, #tpu.memory_space<vmem>>, vector<1x16xf32>,
        %get3A_607 = vector.shape_cast %get3A_606 : vector<1x16xf32> to vector<16xf32>
        %max3A_608 = arith.maximumf %get3A_601, %get3A_607 : vector<16xf32>
        %swap3A_609 = arith.index_cast %add3A_598 : i32 to index
        %swap3A_610 = tpu.vector_load %arg11[%swap3A_609] {strides = array<i32>} : memref<40192xf32, #tpu.memory_space<vmem>>, vector<16xf32>,
        %swap3A_611 = vector.shape_cast %swap3A_610 : vector<16xf32> to vector<16xf32>
        %swap3A_612 = vector.shape_cast %max3A_608 : vector<16xf32> to vector<16xf32>
        tpu.vector_store %arg11[%swap3A_609], %swap3A_612 {strides = array<i32>} : memref<40192xf32, #tpu.memory_space<vmem>>, vector<16xf32>,
        %slice3A_613 = vector.extract_strided_slice %get3A_58 {offsets = [4], sizes = [1], strides = [1]} : vector<16xi32> to vector<1xi32>
        %squeeze3A_614 = vector.extract %slice3A_613[0] : i32 from vector<1xi32>
        %sub3A_615 = arith.subi %squeeze3A_614, %mul3A_8 : i32
        %lt3A_616 = arith.constant 0 : i32
        %lt3A_617 = arith.cmpi slt, %sub3A_615, %lt3A_616 : i32
        %ge3A_618 = arith.constant 313 : i32
        %ge3A_619 = arith.cmpi sge, %sub3A_615, %ge3A_618 : i32
        %or3A_620 = arith.ori %lt3A_617, %ge3A_619 : i1
        %select_n3A_621 = arith.constant 313 : i32
        %select_n3A_622 = arith.select %or3A_620, %select_n3A_621, %sub3A_615 : i32
        %mul3A_623 = arith.constant 128 : i32
        %mul3A_624 = arith.muli %select_n3A_622, %mul3A_623 : i32
        %add3A_625 = arith.constant 0 : i32
        %add3A_626 = arith.addi %mul3A_624, %add3A_625 : i32
        %get3A_627 = arith.index_cast %add3A_626 : i32 to index
        %get3A_628 = tpu.vector_load %arg11[%get3A_627] {strides = array<i32>} : memref<40192xf32, #tpu.memory_space<vmem>>, vector<16xf32>,
        %get3A_629 = vector.shape_cast %get3A_628 : vector<16xf32> to vector<16xf32>
        %add3A_630 = arith.constant 4 : i32
        %add3A_631 = arith.addi %add3A_55, %add3A_630 : i32
        %get3A_632 = arith.index_cast %add3A_631 : i32 to index
        %get3A_633 = arith.constant 0 : index
        %get3A_634 = tpu.vector_load %arg10[%get3A_632, %get3A_633] {strides = array<i32>} : memref<128x128xf32, #tpu.memory_space<vmem>>, vector<1x16xf32>,
        %get3A_635 = vector.shape_cast %get3A_634 : vector<1x16xf32> to vector<16xf32>
        %max3A_636 = arith.maximumf %get3A_629, %get3A_635 : vector<16xf32>
        %swap3A_637 = arith.index_cast %add3A_626 : i32 to index
        %swap3A_638 = tpu.vector_load %arg11[%swap3A_637] {strides = array<i32>} : memref<40192xf32, #tpu.memory_space<vmem>>, vector<16xf32>,
        %swap3A_639 = vector.shape_cast %swap3A_638 : vector<16xf32> to vector<16xf32>
        %swap3A_640 = vector.shape_cast %max3A_636 : vector<16xf32> to vector<16xf32>
        tpu.vector_store %arg11[%swap3A_637], %swap3A_640 {strides = array<i32>} : memref<40192xf32, #tpu.memory_space<vmem>>, vector<16xf32>,
        %add3A_641 = arith.constant 16 : i32
        %add3A_642 = arith.addi %mul3A_624, %add3A_641 : i32
        %get3A_643 = arith.index_cast %add3A_642 : i32 to index
        %get3A_644 = tpu.vector_load %arg11[%get3A_643] {strides = array<i32>} : memref<40192xf32, #tpu.memory_space<vmem>>, vector<16xf32>,
        %get3A_645 = vector.shape_cast %get3A_644 : vector<16xf32> to vector<16xf32>
        %add3A_646 = arith.constant 4 : i32
        %add3A_647 = arith.addi %add3A_55, %add3A_646 : i32
        %get3A_648 = arith.index_cast %add3A_647 : i32 to index
        %get3A_649 = arith.constant 16 : index
        %get3A_650 = tpu.vector_load %arg10[%get3A_648, %get3A_649] {strides = array<i32>} : memref<128x128xf32, #tpu.memory_space<vmem>>, vector<1x16xf32>,
        %get3A_651 = vector.shape_cast %get3A_650 : vector<1x16xf32> to vector<16xf32>
        %max3A_652 = arith.maximumf %get3A_645, %get3A_651 : vector<16xf32>
        %swap3A_653 = arith.index_cast %add3A_642 : i32 to index
        %swap3A_654 = tpu.vector_load %arg11[%swap3A_653] {strides = array<i32>} : memref<40192xf32, #tpu.memory_space<vmem>>, vector<16xf32>,
        %swap3A_655 = vector.shape_cast %swap3A_654 : vector<16xf32> to vector<16xf32>
        %swap3A_656 = vector.shape_cast %max3A_652 : vector<16xf32> to vector<16xf32>
        tpu.vector_store %arg11[%swap3A_653], %swap3A_656 {strides = array<i32>} : memref<40192xf32, #tpu.memory_space<vmem>>, vector<16xf32>,
        %add3A_657 = arith.constant 32 : i32
        %add3A_658 = arith.addi %mul3A_624, %add3A_657 : i32
        %get3A_659 = arith.index_cast %add3A_658 : i32 to index
        %get3A_660 = tpu.vector_load %arg11[%get3A_659] {strides = array<i32>} : memref<40192xf32, #tpu.memory_space<vmem>>, vector<16xf32>,
        %get3A_661 = vector.shape_cast %get3A_660 : vector<16xf32> to vector<16xf32>
        %add3A_662 = arith.constant 4 : i32
        %add3A_663 = arith.addi %add3A_55, %add3A_662 : i32
        %get3A_664 = arith.index_cast %add3A_663 : i32 to index
        %get3A_665 = arith.constant 32 : index
        %get3A_666 = tpu.vector_load %arg10[%get3A_664, %get3A_665] {strides = array<i32>} : memref<128x128xf32, #tpu.memory_space<vmem>>, vector<1x16xf32>,
        %get3A_667 = vector.shape_cast %get3A_666 : vector<1x16xf32> to vector<16xf32>
        %max3A_668 = arith.maximumf %get3A_661, %get3A_667 : vector<16xf32>
        %swap3A_669 = arith.index_cast %add3A_658 : i32 to index
        %swap3A_670 = tpu.vector_load %arg11[%swap3A_669] {strides = array<i32>} : memref<40192xf32, #tpu.memory_space<vmem>>, vector<16xf32>,
        %swap3A_671 = vector.shape_cast %swap3A_670 : vector<16xf32> to vector<16xf32>
        %swap3A_672 = vector.shape_cast %max3A_668 : vector<16xf32> to vector<16xf32>
        tpu.vector_store %arg11[%swap3A_669], %swap3A_672 {strides = array<i32>} : memref<40192xf32, #tpu.memory_space<vmem>>, vector<16xf32>,
        %add3A_673 = arith.constant 48 : i32
        %add3A_674 = arith.addi %mul3A_624, %add3A_673 : i32
        %get3A_675 = arith.index_cast %add3A_674 : i32 to index
        %get3A_676 = tpu.vector_load %arg11[%get3A_675] {strides = array<i32>} : memref<40192xf32, #tpu.memory_space<vmem>>, vector<16xf32>,
        %get3A_677 = vector.shape_cast %get3A_676 : vector<16xf32> to vector<16xf32>
        %add3A_678 = arith.constant 4 : i32
        %add3A_679 = arith.addi %add3A_55, %add3A_678 : i32
        %get3A_680 = arith.index_cast %add3A_679 : i32 to index
        %get3A_681 = arith.constant 48 : index
        %get3A_682 = tpu.vector_load %arg10[%get3A_680, %get3A_681] {strides = array<i32>} : memref<128x128xf32, #tpu.memory_space<vmem>>, vector<1x16xf32>,
        %get3A_683 = vector.shape_cast %get3A_682 : vector<1x16xf32> to vector<16xf32>
        %max3A_684 = arith.maximumf %get3A_677, %get3A_683 : vector<16xf32>
        %swap3A_685 = arith.index_cast %add3A_674 : i32 to index
        %swap3A_686 = tpu.vector_load %arg11[%swap3A_685] {strides = array<i32>} : memref<40192xf32, #tpu.memory_space<vmem>>, vector<16xf32>,
        %swap3A_687 = vector.shape_cast %swap3A_686 : vector<16xf32> to vector<16xf32>
        %swap3A_688 = vector.shape_cast %max3A_684 : vector<16xf32> to vector<16xf32>
        tpu.vector_store %arg11[%swap3A_685], %swap3A_688 {strides = array<i32>} : memref<40192xf32, #tpu.memory_space<vmem>>, vector<16xf32>,
        %add3A_689 = arith.constant 64 : i32
        %add3A_690 = arith.addi %mul3A_624, %add3A_689 : i32
        %get3A_691 = arith.index_cast %add3A_690 : i32 to index
        %get3A_692 = tpu.vector_load %arg11[%get3A_691] {strides = array<i32>} : memref<40192xf32, #tpu.memory_space<vmem>>, vector<16xf32>,
        %get3A_693 = vector.shape_cast %get3A_692 : vector<16xf32> to vector<16xf32>
        %add3A_694 = arith.constant 4 : i32
        %add3A_695 = arith.addi %add3A_55, %add3A_694 : i32
        %get3A_696 = arith.index_cast %add3A_695 : i32 to index
        %get3A_697 = arith.constant 64 : index
        %get3A_698 = tpu.vector_load %arg10[%get3A_696, %get3A_697] {strides = array<i32>} : memref<128x128xf32, #tpu.memory_space<vmem>>, vector<1x16xf32>,
        %get3A_699 = vector.shape_cast %get3A_698 : vector<1x16xf32> to vector<16xf32>
        %max3A_700 = arith.maximumf %get3A_693, %get3A_699 : vector<16xf32>
        %swap3A_701 = arith.index_cast %add3A_690 : i32 to index
        %swap3A_702 = tpu.vector_load %arg11[%swap3A_701] {strides = array<i32>} : memref<40192xf32, #tpu.memory_space<vmem>>, vector<16xf32>,
        %swap3A_703 = vector.shape_cast %swap3A_702 : vector<16xf32> to vector<16xf32>
        %swap3A_704 = vector.shape_cast %max3A_700 : vector<16xf32> to vector<16xf32>
        tpu.vector_store %arg11[%swap3A_701], %swap3A_704 {strides = array<i32>} : memref<40192xf32, #tpu.memory_space<vmem>>, vector<16xf32>,
        %add3A_705 = arith.constant 80 : i32
        %add3A_706 = arith.addi %mul3A_624, %add3A_705 : i32
        %get3A_707 = arith.index_cast %add3A_706 : i32 to index
        %get3A_708 = tpu.vector_load %arg11[%get3A_707] {strides = array<i32>} : memref<40192xf32, #tpu.memory_space<vmem>>, vector<16xf32>,
        %get3A_709 = vector.shape_cast %get3A_708 : vector<16xf32> to vector<16xf32>
        %add3A_710 = arith.constant 4 : i32
        %add3A_711 = arith.addi %add3A_55, %add3A_710 : i32
        %get3A_712 = arith.index_cast %add3A_711 : i32 to index
        %get3A_713 = arith.constant 80 : index
        %get3A_714 = tpu.vector_load %arg10[%get3A_712, %get3A_713] {strides = array<i32>} : memref<128x128xf32, #tpu.memory_space<vmem>>, vector<1x16xf32>,
        %get3A_715 = vector.shape_cast %get3A_714 : vector<1x16xf32> to vector<16xf32>
        %max3A_716 = arith.maximumf %get3A_709, %get3A_715 : vector<16xf32>
        %swap3A_717 = arith.index_cast %add3A_706 : i32 to index
        %swap3A_718 = tpu.vector_load %arg11[%swap3A_717] {strides = array<i32>} : memref<40192xf32, #tpu.memory_space<vmem>>, vector<16xf32>,
        %swap3A_719 = vector.shape_cast %swap3A_718 : vector<16xf32> to vector<16xf32>
        %swap3A_720 = vector.shape_cast %max3A_716 : vector<16xf32> to vector<16xf32>
        tpu.vector_store %arg11[%swap3A_717], %swap3A_720 {strides = array<i32>} : memref<40192xf32, #tpu.memory_space<vmem>>, vector<16xf32>,
        %add3A_721 = arith.constant 96 : i32
        %add3A_722 = arith.addi %mul3A_624, %add3A_721 : i32
        %get3A_723 = arith.index_cast %add3A_722 : i32 to index
        %get3A_724 = tpu.vector_load %arg11[%get3A_723] {strides = array<i32>} : memref<40192xf32, #tpu.memory_space<vmem>>, vector<16xf32>,
        %get3A_725 = vector.shape_cast %get3A_724 : vector<16xf32> to vector<16xf32>
        %add3A_726 = arith.constant 4 : i32
        %add3A_727 = arith.addi %add3A_55, %add3A_726 : i32
        %get3A_728 = arith.index_cast %add3A_727 : i32 to index
        %get3A_729 = arith.constant 96 : index
        %get3A_730 = tpu.vector_load %arg10[%get3A_728, %get3A_729] {strides = array<i32>} : memref<128x128xf32, #tpu.memory_space<vmem>>, vector<1x16xf32>,
        %get3A_731 = vector.shape_cast %get3A_730 : vector<1x16xf32> to vector<16xf32>
        %max3A_732 = arith.maximumf %get3A_725, %get3A_731 : vector<16xf32>
        %swap3A_733 = arith.index_cast %add3A_722 : i32 to index
        %swap3A_734 = tpu.vector_load %arg11[%swap3A_733] {strides = array<i32>} : memref<40192xf32, #tpu.memory_space<vmem>>, vector<16xf32>,
        %swap3A_735 = vector.shape_cast %swap3A_734 : vector<16xf32> to vector<16xf32>
        %swap3A_736 = vector.shape_cast %max3A_732 : vector<16xf32> to vector<16xf32>
        tpu.vector_store %arg11[%swap3A_733], %swap3A_736 {strides = array<i32>} : memref<40192xf32, #tpu.memory_space<vmem>>, vector<16xf32>,
        %add3A_737 = arith.constant 112 : i32
        %add3A_738 = arith.addi %mul3A_624, %add3A_737 : i32
        %get3A_739 = arith.index_cast %add3A_738 : i32 to index
        %get3A_740 = tpu.vector_load %arg11[%get3A_739] {strides = array<i32>} : memref<40192xf32, #tpu.memory_space<vmem>>, vector<16xf32>,
        %get3A_741 = vector.shape_cast %get3A_740 : vector<16xf32> to vector<16xf32>
        %add3A_742 = arith.constant 4 : i32
        %add3A_743 = arith.addi %add3A_55, %add3A_742 : i32
        %get3A_744 = arith.index_cast %add3A_743 : i32 to index
        %get3A_745 = arith.constant 112 : index
        %get3A_746 = tpu.vector_load %arg10[%get3A_744, %get3A_745] {strides = array<i32>} : memref<128x128xf32, #tpu.memory_space<vmem>>, vector<1x16xf32>,
        %get3A_747 = vector.shape_cast %get3A_746 : vector<1x16xf32> to vector<16xf32>
        %max3A_748 = arith.maximumf %get3A_741, %get3A_747 : vector<16xf32>
        %swap3A_749 = arith.index_cast %add3A_738 : i32 to index
        %swap3A_750 = tpu.vector_load %arg11[%swap3A_749] {strides = array<i32>} : memref<40192xf32, #tpu.memory_space<vmem>>, vector<16xf32>,
        %swap3A_751 = vector.shape_cast %swap3A_750 : vector<16xf32> to vector<16xf32>
        %swap3A_752 = vector.shape_cast %max3A_748 : vector<16xf32> to vector<16xf32>
        tpu.vector_store %arg11[%swap3A_749], %swap3A_752 {strides = array<i32>} : memref<40192xf32, #tpu.memory_space<vmem>>, vector<16xf32>,
        %slice3A_753 = vector.extract_strided_slice %get3A_58 {offsets = [5], sizes = [1], strides = [1]} : vector<16xi32> to vector<1xi32>
        %squeeze3A_754 = vector.extract %slice3A_753[0] : i32 from vector<1xi32>
        %sub3A_755 = arith.subi %squeeze3A_754, %mul3A_8 : i32
        %lt3A_756 = arith.constant 0 : i32
        %lt3A_757 = arith.cmpi slt, %sub3A_755, %lt3A_756 : i32
        %ge3A_758 = arith.constant 313 : i32
        %ge3A_759 = arith.cmpi sge, %sub3A_755, %ge3A_758 : i32
        %or3A_760 = arith.ori %lt3A_757, %ge3A_759 : i1
        %select_n3A_761 = arith.constant 313 : i32
        %select_n3A_762 = arith.select %or3A_760, %select_n3A_761, %sub3A_755 : i32
        %mul3A_763 = arith.constant 128 : i32
        %mul3A_764 = arith.muli %select_n3A_762, %mul3A_763 : i32
        %add3A_765 = arith.constant 0 : i32
        %add3A_766 = arith.addi %mul3A_764, %add3A_765 : i32
        %get3A_767 = arith.index_cast %add3A_766 : i32 to index
        %get3A_768 = tpu.vector_load %arg11[%get3A_767] {strides = array<i32>} : memref<40192xf32, #tpu.memory_space<vmem>>, vector<16xf32>,
        %get3A_769 = vector.shape_cast %get3A_768 : vector<16xf32> to vector<16xf32>
        %add3A_770 = arith.constant 5 : i32
        %add3A_771 = arith.addi %add3A_55, %add3A_770 : i32
        %get3A_772 = arith.index_cast %add3A_771 : i32 to index
        %get3A_773 = arith.constant 0 : index
        %get3A_774 = tpu.vector_load %arg10[%get3A_772, %get3A_773] {strides = array<i32>} : memref<128x128xf32, #tpu.memory_space<vmem>>, vector<1x16xf32>,
        %get3A_775 = vector.shape_cast %get3A_774 : vector<1x16xf32> to vector<16xf32>
        %max3A_776 = arith.maximumf %get3A_769, %get3A_775 : vector<16xf32>
        %swap3A_777 = arith.index_cast %add3A_766 : i32 to index
        %swap3A_778 = tpu.vector_load %arg11[%swap3A_777] {strides = array<i32>} : memref<40192xf32, #tpu.memory_space<vmem>>, vector<16xf32>,
        %swap3A_779 = vector.shape_cast %swap3A_778 : vector<16xf32> to vector<16xf32>
        %swap3A_780 = vector.shape_cast %max3A_776 : vector<16xf32> to vector<16xf32>
        tpu.vector_store %arg11[%swap3A_777], %swap3A_780 {strides = array<i32>} : memref<40192xf32, #tpu.memory_space<vmem>>, vector<16xf32>,
        %add3A_781 = arith.constant 16 : i32
        %add3A_782 = arith.addi %mul3A_764, %add3A_781 : i32
        %get3A_783 = arith.index_cast %add3A_782 : i32 to index
        %get3A_784 = tpu.vector_load %arg11[%get3A_783] {strides = array<i32>} : memref<40192xf32, #tpu.memory_space<vmem>>, vector<16xf32>,
        %get3A_785 = vector.shape_cast %get3A_784 : vector<16xf32> to vector<16xf32>
        %add3A_786 = arith.constant 5 : i32
        %add3A_787 = arith.addi %add3A_55, %add3A_786 : i32
        %get3A_788 = arith.index_cast %add3A_787 : i32 to index
        %get3A_789 = arith.constant 16 : index
        %get3A_790 = tpu.vector_load %arg10[%get3A_788, %get3A_789] {strides = array<i32>} : memref<128x128xf32, #tpu.memory_space<vmem>>, vector<1x16xf32>,
        %get3A_791 = vector.shape_cast %get3A_790 : vector<1x16xf32> to vector<16xf32>
        %max3A_792 = arith.maximumf %get3A_785, %get3A_791 : vector<16xf32>
        %swap3A_793 = arith.index_cast %add3A_782 : i32 to index
        %swap3A_794 = tpu.vector_load %arg11[%swap3A_793] {strides = array<i32>} : memref<40192xf32, #tpu.memory_space<vmem>>, vector<16xf32>,
        %swap3A_795 = vector.shape_cast %swap3A_794 : vector<16xf32> to vector<16xf32>
        %swap3A_796 = vector.shape_cast %max3A_792 : vector<16xf32> to vector<16xf32>
        tpu.vector_store %arg11[%swap3A_793], %swap3A_796 {strides = array<i32>} : memref<40192xf32, #tpu.memory_space<vmem>>, vector<16xf32>,
        %add3A_797 = arith.constant 32 : i32
        %add3A_798 = arith.addi %mul3A_764, %add3A_797 : i32
        %get3A_799 = arith.index_cast %add3A_798 : i32 to index
        %get3A_800 = tpu.vector_load %arg11[%get3A_799] {strides = array<i32>} : memref<40192xf32, #tpu.memory_space<vmem>>, vector<16xf32>,
        %get3A_801 = vector.shape_cast %get3A_800 : vector<16xf32> to vector<16xf32>
        %add3A_802 = arith.constant 5 : i32
        %add3A_803 = arith.addi %add3A_55, %add3A_802 : i32
        %get3A_804 = arith.index_cast %add3A_803 : i32 to index
        %get3A_805 = arith.constant 32 : index
        %get3A_806 = tpu.vector_load %arg10[%get3A_804, %get3A_805] {strides = array<i32>} : memref<128x128xf32, #tpu.memory_space<vmem>>, vector<1x16xf32>,
        %get3A_807 = vector.shape_cast %get3A_806 : vector<1x16xf32> to vector<16xf32>
        %max3A_808 = arith.maximumf %get3A_801, %get3A_807 : vector<16xf32>
        %swap3A_809 = arith.index_cast %add3A_798 : i32 to index
        %swap3A_810 = tpu.vector_load %arg11[%swap3A_809] {strides = array<i32>} : memref<40192xf32, #tpu.memory_space<vmem>>, vector<16xf32>,
        %swap3A_811 = vector.shape_cast %swap3A_810 : vector<16xf32> to vector<16xf32>
        %swap3A_812 = vector.shape_cast %max3A_808 : vector<16xf32> to vector<16xf32>
        tpu.vector_store %arg11[%swap3A_809], %swap3A_812 {strides = array<i32>} : memref<40192xf32, #tpu.memory_space<vmem>>, vector<16xf32>,
        %add3A_813 = arith.constant 48 : i32
        %add3A_814 = arith.addi %mul3A_764, %add3A_813 : i32
        %get3A_815 = arith.index_cast %add3A_814 : i32 to index
        %get3A_816 = tpu.vector_load %arg11[%get3A_815] {strides = array<i32>} : memref<40192xf32, #tpu.memory_space<vmem>>, vector<16xf32>,
        %get3A_817 = vector.shape_cast %get3A_816 : vector<16xf32> to vector<16xf32>
        %add3A_818 = arith.constant 5 : i32
        %add3A_819 = arith.addi %add3A_55, %add3A_818 : i32
        %get3A_820 = arith.index_cast %add3A_819 : i32 to index
        %get3A_821 = arith.constant 48 : index
        %get3A_822 = tpu.vector_load %arg10[%get3A_820, %get3A_821] {strides = array<i32>} : memref<128x128xf32, #tpu.memory_space<vmem>>, vector<1x16xf32>,
        %get3A_823 = vector.shape_cast %get3A_822 : vector<1x16xf32> to vector<16xf32>
        %max3A_824 = arith.maximumf %get3A_817, %get3A_823 : vector<16xf32>
        %swap3A_825 = arith.index_cast %add3A_814 : i32 to index
        %swap3A_826 = tpu.vector_load %arg11[%swap3A_825] {strides = array<i32>} : memref<40192xf32, #tpu.memory_space<vmem>>, vector<16xf32>,
        %swap3A_827 = vector.shape_cast %swap3A_826 : vector<16xf32> to vector<16xf32>
        %swap3A_828 = vector.shape_cast %max3A_824 : vector<16xf32> to vector<16xf32>
        tpu.vector_store %arg11[%swap3A_825], %swap3A_828 {strides = array<i32>} : memref<40192xf32, #tpu.memory_space<vmem>>, vector<16xf32>,
        %add3A_829 = arith.constant 64 : i32
        %add3A_830 = arith.addi %mul3A_764, %add3A_829 : i32
        %get3A_831 = arith.index_cast %add3A_830 : i32 to index
        %get3A_832 = tpu.vector_load %arg11[%get3A_831] {strides = array<i32>} : memref<40192xf32, #tpu.memory_space<vmem>>, vector<16xf32>,
        %get3A_833 = vector.shape_cast %get3A_832 : vector<16xf32> to vector<16xf32>
        %add3A_834 = arith.constant 5 : i32
        %add3A_835 = arith.addi %add3A_55, %add3A_834 : i32
        %get3A_836 = arith.index_cast %add3A_835 : i32 to index
        %get3A_837 = arith.constant 64 : index
        %get3A_838 = tpu.vector_load %arg10[%get3A_836, %get3A_837] {strides = array<i32>} : memref<128x128xf32, #tpu.memory_space<vmem>>, vector<1x16xf32>,
        %get3A_839 = vector.shape_cast %get3A_838 : vector<1x16xf32> to vector<16xf32>
        %max3A_840 = arith.maximumf %get3A_833, %get3A_839 : vector<16xf32>
        %swap3A_841 = arith.index_cast %add3A_830 : i32 to index
        %swap3A_842 = tpu.vector_load %arg11[%swap3A_841] {strides = array<i32>} : memref<40192xf32, #tpu.memory_space<vmem>>, vector<16xf32>,
        %swap3A_843 = vector.shape_cast %swap3A_842 : vector<16xf32> to vector<16xf32>
        %swap3A_844 = vector.shape_cast %max3A_840 : vector<16xf32> to vector<16xf32>
        tpu.vector_store %arg11[%swap3A_841], %swap3A_844 {strides = array<i32>} : memref<40192xf32, #tpu.memory_space<vmem>>, vector<16xf32>,
        %add3A_845 = arith.constant 80 : i32
        %add3A_846 = arith.addi %mul3A_764, %add3A_845 : i32
        %get3A_847 = arith.index_cast %add3A_846 : i32 to index
        %get3A_848 = tpu.vector_load %arg11[%get3A_847] {strides = array<i32>} : memref<40192xf32, #tpu.memory_space<vmem>>, vector<16xf32>,
        %get3A_849 = vector.shape_cast %get3A_848 : vector<16xf32> to vector<16xf32>
        %add3A_850 = arith.constant 5 : i32
        %add3A_851 = arith.addi %add3A_55, %add3A_850 : i32
        %get3A_852 = arith.index_cast %add3A_851 : i32 to index
        %get3A_853 = arith.constant 80 : index
        %get3A_854 = tpu.vector_load %arg10[%get3A_852, %get3A_853] {strides = array<i32>} : memref<128x128xf32, #tpu.memory_space<vmem>>, vector<1x16xf32>,
        %get3A_855 = vector.shape_cast %get3A_854 : vector<1x16xf32> to vector<16xf32>
        %max3A_856 = arith.maximumf %get3A_849, %get3A_855 : vector<16xf32>
        %swap3A_857 = arith.index_cast %add3A_846 : i32 to index
        %swap3A_858 = tpu.vector_load %arg11[%swap3A_857] {strides = array<i32>} : memref<40192xf32, #tpu.memory_space<vmem>>, vector<16xf32>,
        %swap3A_859 = vector.shape_cast %swap3A_858 : vector<16xf32> to vector<16xf32>
        %swap3A_860 = vector.shape_cast %max3A_856 : vector<16xf32> to vector<16xf32>
        tpu.vector_store %arg11[%swap3A_857], %swap3A_860 {strides = array<i32>} : memref<40192xf32, #tpu.memory_space<vmem>>, vector<16xf32>,
        %add3A_861 = arith.constant 96 : i32
        %add3A_862 = arith.addi %mul3A_764, %add3A_861 : i32
        %get3A_863 = arith.index_cast %add3A_862 : i32 to index
        %get3A_864 = tpu.vector_load %arg11[%get3A_863] {strides = array<i32>} : memref<40192xf32, #tpu.memory_space<vmem>>, vector<16xf32>,
        %get3A_865 = vector.shape_cast %get3A_864 : vector<16xf32> to vector<16xf32>
        %add3A_866 = arith.constant 5 : i32
        %add3A_867 = arith.addi %add3A_55, %add3A_866 : i32
        %get3A_868 = arith.index_cast %add3A_867 : i32 to index
        %get3A_869 = arith.constant 96 : index
        %get3A_870 = tpu.vector_load %arg10[%get3A_868, %get3A_869] {strides = array<i32>} : memref<128x128xf32, #tpu.memory_space<vmem>>, vector<1x16xf32>,
        %get3A_871 = vector.shape_cast %get3A_870 : vector<1x16xf32> to vector<16xf32>
        %max3A_872 = arith.maximumf %get3A_865, %get3A_871 : vector<16xf32>
        %swap3A_873 = arith.index_cast %add3A_862 : i32 to index
        %swap3A_874 = tpu.vector_load %arg11[%swap3A_873] {strides = array<i32>} : memref<40192xf32, #tpu.memory_space<vmem>>, vector<16xf32>,
        %swap3A_875 = vector.shape_cast %swap3A_874 : vector<16xf32> to vector<16xf32>
        %swap3A_876 = vector.shape_cast %max3A_872 : vector<16xf32> to vector<16xf32>
        tpu.vector_store %arg11[%swap3A_873], %swap3A_876 {strides = array<i32>} : memref<40192xf32, #tpu.memory_space<vmem>>, vector<16xf32>,
        %add3A_877 = arith.constant 112 : i32
        %add3A_878 = arith.addi %mul3A_764, %add3A_877 : i32
        %get3A_879 = arith.index_cast %add3A_878 : i32 to index
        %get3A_880 = tpu.vector_load %arg11[%get3A_879] {strides = array<i32>} : memref<40192xf32, #tpu.memory_space<vmem>>, vector<16xf32>,
        %get3A_881 = vector.shape_cast %get3A_880 : vector<16xf32> to vector<16xf32>
        %add3A_882 = arith.constant 5 : i32
        %add3A_883 = arith.addi %add3A_55, %add3A_882 : i32
        %get3A_884 = arith.index_cast %add3A_883 : i32 to index
        %get3A_885 = arith.constant 112 : index
        %get3A_886 = tpu.vector_load %arg10[%get3A_884, %get3A_885] {strides = array<i32>} : memref<128x128xf32, #tpu.memory_space<vmem>>, vector<1x16xf32>,
        %get3A_887 = vector.shape_cast %get3A_886 : vector<1x16xf32> to vector<16xf32>
        %max3A_888 = arith.maximumf %get3A_881, %get3A_887 : vector<16xf32>
        %swap3A_889 = arith.index_cast %add3A_878 : i32 to index
        %swap3A_890 = tpu.vector_load %arg11[%swap3A_889] {strides = array<i32>} : memref<40192xf32, #tpu.memory_space<vmem>>, vector<16xf32>,
        %swap3A_891 = vector.shape_cast %swap3A_890 : vector<16xf32> to vector<16xf32>
        %swap3A_892 = vector.shape_cast %max3A_888 : vector<16xf32> to vector<16xf32>
        tpu.vector_store %arg11[%swap3A_889], %swap3A_892 {strides = array<i32>} : memref<40192xf32, #tpu.memory_space<vmem>>, vector<16xf32>,
        %slice3A_893 = vector.extract_strided_slice %get3A_58 {offsets = [6], sizes = [1], strides = [1]} : vector<16xi32> to vector<1xi32>
        %squeeze3A_894 = vector.extract %slice3A_893[0] : i32 from vector<1xi32>
        %sub3A_895 = arith.subi %squeeze3A_894, %mul3A_8 : i32
        %lt3A_896 = arith.constant 0 : i32
        %lt3A_897 = arith.cmpi slt, %sub3A_895, %lt3A_896 : i32
        %ge3A_898 = arith.constant 313 : i32
        %ge3A_899 = arith.cmpi sge, %sub3A_895, %ge3A_898 : i32
        %or3A_900 = arith.ori %lt3A_897, %ge3A_899 : i1
        %select_n3A_901 = arith.constant 313 : i32
        %select_n3A_902 = arith.select %or3A_900, %select_n3A_901, %sub3A_895 : i32
        %mul3A_903 = arith.constant 128 : i32
        %mul3A_904 = arith.muli %select_n3A_902, %mul3A_903 : i32
        %add3A_905 = arith.constant 0 : i32
        %add3A_906 = arith.addi %mul3A_904, %add3A_905 : i32
        %get3A_907 = arith.index_cast %add3A_906 : i32 to index
        %get3A_908 = tpu.vector_load %arg11[%get3A_907] {strides = array<i32>} : memref<40192xf32, #tpu.memory_space<vmem>>, vector<16xf32>,
        %get3A_909 = vector.shape_cast %get3A_908 : vector<16xf32> to vector<16xf32>
        %add3A_910 = arith.constant 6 : i32
        %add3A_911 = arith.addi %add3A_55, %add3A_910 : i32
        %get3A_912 = arith.index_cast %add3A_911 : i32 to index
        %get3A_913 = arith.constant 0 : index
        %get3A_914 = tpu.vector_load %arg10[%get3A_912, %get3A_913] {strides = array<i32>} : memref<128x128xf32, #tpu.memory_space<vmem>>, vector<1x16xf32>,
        %get3A_915 = vector.shape_cast %get3A_914 : vector<1x16xf32> to vector<16xf32>
        %max3A_916 = arith.maximumf %get3A_909, %get3A_915 : vector<16xf32>
        %swap3A_917 = arith.index_cast %add3A_906 : i32 to index
        %swap3A_918 = tpu.vector_load %arg11[%swap3A_917] {strides = array<i32>} : memref<40192xf32, #tpu.memory_space<vmem>>, vector<16xf32>,
        %swap3A_919 = vector.shape_cast %swap3A_918 : vector<16xf32> to vector<16xf32>
        %swap3A_920 = vector.shape_cast %max3A_916 : vector<16xf32> to vector<16xf32>
        tpu.vector_store %arg11[%swap3A_917], %swap3A_920 {strides = array<i32>} : memref<40192xf32, #tpu.memory_space<vmem>>, vector<16xf32>,
        %add3A_921 = arith.constant 16 : i32
        %add3A_922 = arith.addi %mul3A_904, %add3A_921 : i32
        %get3A_923 = arith.index_cast %add3A_922 : i32 to index
        %get3A_924 = tpu.vector_load %arg11[%get3A_923] {strides = array<i32>} : memref<40192xf32, #tpu.memory_space<vmem>>, vector<16xf32>,
        %get3A_925 = vector.shape_cast %get3A_924 : vector<16xf32> to vector<16xf32>
        %add3A_926 = arith.constant 6 : i32
        %add3A_927 = arith.addi %add3A_55, %add3A_926 : i32
        %get3A_928 = arith.index_cast %add3A_927 : i32 to index
        %get3A_929 = arith.constant 16 : index
        %get3A_930 = tpu.vector_load %arg10[%get3A_928, %get3A_929] {strides = array<i32>} : memref<128x128xf32, #tpu.memory_space<vmem>>, vector<1x16xf32>,
        %get3A_931 = vector.shape_cast %get3A_930 : vector<1x16xf32> to vector<16xf32>
        %max3A_932 = arith.maximumf %get3A_925, %get3A_931 : vector<16xf32>
        %swap3A_933 = arith.index_cast %add3A_922 : i32 to index
        %swap3A_934 = tpu.vector_load %arg11[%swap3A_933] {strides = array<i32>} : memref<40192xf32, #tpu.memory_space<vmem>>, vector<16xf32>,
        %swap3A_935 = vector.shape_cast %swap3A_934 : vector<16xf32> to vector<16xf32>
        %swap3A_936 = vector.shape_cast %max3A_932 : vector<16xf32> to vector<16xf32>
        tpu.vector_store %arg11[%swap3A_933], %swap3A_936 {strides = array<i32>} : memref<40192xf32, #tpu.memory_space<vmem>>, vector<16xf32>,
        %add3A_937 = arith.constant 32 : i32
        %add3A_938 = arith.addi %mul3A_904, %add3A_937 : i32
        %get3A_939 = arith.index_cast %add3A_938 : i32 to index
        %get3A_940 = tpu.vector_load %arg11[%get3A_939] {strides = array<i32>} : memref<40192xf32, #tpu.memory_space<vmem>>, vector<16xf32>,
        %get3A_941 = vector.shape_cast %get3A_940 : vector<16xf32> to vector<16xf32>
        %add3A_942 = arith.constant 6 : i32
        %add3A_943 = arith.addi %add3A_55, %add3A_942 : i32
        %get3A_944 = arith.index_cast %add3A_943 : i32 to index
        %get3A_945 = arith.constant 32 : index
        %get3A_946 = tpu.vector_load %arg10[%get3A_944, %get3A_945] {strides = array<i32>} : memref<128x128xf32, #tpu.memory_space<vmem>>, vector<1x16xf32>,
        %get3A_947 = vector.shape_cast %get3A_946 : vector<1x16xf32> to vector<16xf32>
        %max3A_948 = arith.maximumf %get3A_941, %get3A_947 : vector<16xf32>
        %swap3A_949 = arith.index_cast %add3A_938 : i32 to index
        %swap3A_950 = tpu.vector_load %arg11[%swap3A_949] {strides = array<i32>} : memref<40192xf32, #tpu.memory_space<vmem>>, vector<16xf32>,
        %swap3A_951 = vector.shape_cast %swap3A_950 : vector<16xf32> to vector<16xf32>
        %swap3A_952 = vector.shape_cast %max3A_948 : vector<16xf32> to vector<16xf32>
        tpu.vector_store %arg11[%swap3A_949], %swap3A_952 {strides = array<i32>} : memref<40192xf32, #tpu.memory_space<vmem>>, vector<16xf32>,
        %add3A_953 = arith.constant 48 : i32
        %add3A_954 = arith.addi %mul3A_904, %add3A_953 : i32
        %get3A_955 = arith.index_cast %add3A_954 : i32 to index
        %get3A_956 = tpu.vector_load %arg11[%get3A_955] {strides = array<i32>} : memref<40192xf32, #tpu.memory_space<vmem>>, vector<16xf32>,
        %get3A_957 = vector.shape_cast %get3A_956 : vector<16xf32> to vector<16xf32>
        %add3A_958 = arith.constant 6 : i32
        %add3A_959 = arith.addi %add3A_55, %add3A_958 : i32
        %get3A_960 = arith.index_cast %add3A_959 : i32 to index
        %get3A_961 = arith.constant 48 : index
        %get3A_962 = tpu.vector_load %arg10[%get3A_960, %get3A_961] {strides = array<i32>} : memref<128x128xf32, #tpu.memory_space<vmem>>, vector<1x16xf32>,
        %get3A_963 = vector.shape_cast %get3A_962 : vector<1x16xf32> to vector<16xf32>
        %max3A_964 = arith.maximumf %get3A_957, %get3A_963 : vector<16xf32>
        %swap3A_965 = arith.index_cast %add3A_954 : i32 to index
        %swap3A_966 = tpu.vector_load %arg11[%swap3A_965] {strides = array<i32>} : memref<40192xf32, #tpu.memory_space<vmem>>, vector<16xf32>,
        %swap3A_967 = vector.shape_cast %swap3A_966 : vector<16xf32> to vector<16xf32>
        %swap3A_968 = vector.shape_cast %max3A_964 : vector<16xf32> to vector<16xf32>
        tpu.vector_store %arg11[%swap3A_965], %swap3A_968 {strides = array<i32>} : memref<40192xf32, #tpu.memory_space<vmem>>, vector<16xf32>,
        %add3A_969 = arith.constant 64 : i32
        %add3A_970 = arith.addi %mul3A_904, %add3A_969 : i32
        %get3A_971 = arith.index_cast %add3A_970 : i32 to index
        %get3A_972 = tpu.vector_load %arg11[%get3A_971] {strides = array<i32>} : memref<40192xf32, #tpu.memory_space<vmem>>, vector<16xf32>,
        %get3A_973 = vector.shape_cast %get3A_972 : vector<16xf32> to vector<16xf32>
        %add3A_974 = arith.constant 6 : i32
        %add3A_975 = arith.addi %add3A_55, %add3A_974 : i32
        %get3A_976 = arith.index_cast %add3A_975 : i32 to index
        %get3A_977 = arith.constant 64 : index
        %get3A_978 = tpu.vector_load %arg10[%get3A_976, %get3A_977] {strides = array<i32>} : memref<128x128xf32, #tpu.memory_space<vmem>>, vector<1x16xf32>,
        %get3A_979 = vector.shape_cast %get3A_978 : vector<1x16xf32> to vector<16xf32>
        %max3A_980 = arith.maximumf %get3A_973, %get3A_979 : vector<16xf32>
        %swap3A_981 = arith.index_cast %add3A_970 : i32 to index
        %swap3A_982 = tpu.vector_load %arg11[%swap3A_981] {strides = array<i32>} : memref<40192xf32, #tpu.memory_space<vmem>>, vector<16xf32>,
        %swap3A_983 = vector.shape_cast %swap3A_982 : vector<16xf32> to vector<16xf32>
        %swap3A_984 = vector.shape_cast %max3A_980 : vector<16xf32> to vector<16xf32>
        tpu.vector_store %arg11[%swap3A_981], %swap3A_984 {strides = array<i32>} : memref<40192xf32, #tpu.memory_space<vmem>>, vector<16xf32>,
        %add3A_985 = arith.constant 80 : i32
        %add3A_986 = arith.addi %mul3A_904, %add3A_985 : i32
        %get3A_987 = arith.index_cast %add3A_986 : i32 to index
        %get3A_988 = tpu.vector_load %arg11[%get3A_987] {strides = array<i32>} : memref<40192xf32, #tpu.memory_space<vmem>>, vector<16xf32>,
        %get3A_989 = vector.shape_cast %get3A_988 : vector<16xf32> to vector<16xf32>
        %add3A_990 = arith.constant 6 : i32
        %add3A_991 = arith.addi %add3A_55, %add3A_990 : i32
        %get3A_992 = arith.index_cast %add3A_991 : i32 to index
        %get3A_993 = arith.constant 80 : index
        %get3A_994 = tpu.vector_load %arg10[%get3A_992, %get3A_993] {strides = array<i32>} : memref<128x128xf32, #tpu.memory_space<vmem>>, vector<1x16xf32>,
        %get3A_995 = vector.shape_cast %get3A_994 : vector<1x16xf32> to vector<16xf32>
        %max3A_996 = arith.maximumf %get3A_989, %get3A_995 : vector<16xf32>
        %swap3A_997 = arith.index_cast %add3A_986 : i32 to index
        %swap3A_998 = tpu.vector_load %arg11[%swap3A_997] {strides = array<i32>} : memref<40192xf32, #tpu.memory_space<vmem>>, vector<16xf32>,
        %swap3A_999 = vector.shape_cast %swap3A_998 : vector<16xf32> to vector<16xf32>
        %swap3A_1000 = vector.shape_cast %max3A_996 : vector<16xf32> to vector<16xf32>
        tpu.vector_store %arg11[%swap3A_997], %swap3A_1000 {strides = array<i32>} : memref<40192xf32, #tpu.memory_space<vmem>>, vector<16xf32>,
        %add3A_1001 = arith.constant 96 : i32
        %add3A_1002 = arith.addi %mul3A_904, %add3A_1001 : i32
        %get3A_1003 = arith.index_cast %add3A_1002 : i32 to index
        %get3A_1004 = tpu.vector_load %arg11[%get3A_1003] {strides = array<i32>} : memref<40192xf32, #tpu.memory_space<vmem>>, vector<16xf32>,
        %get3A_1005 = vector.shape_cast %get3A_1004 : vector<16xf32> to vector<16xf32>
        %add3A_1006 = arith.constant 6 : i32
        %add3A_1007 = arith.addi %add3A_55, %add3A_1006 : i32
        %get3A_1008 = arith.index_cast %add3A_1007 : i32 to index
        %get3A_1009 = arith.constant 96 : index
        %get3A_1010 = tpu.vector_load %arg10[%get3A_1008, %get3A_1009] {strides = array<i32>} : memref<128x128xf32, #tpu.memory_space<vmem>>, vector<1x16xf32>,
        %get3A_1011 = vector.shape_cast %get3A_1010 : vector<1x16xf32> to vector<16xf32>
        %max3A_1012 = arith.maximumf %get3A_1005, %get3A_1011 : vector<16xf32>
        %swap3A_1013 = arith.index_cast %add3A_1002 : i32 to index
        %swap3A_1014 = tpu.vector_load %arg11[%swap3A_1013] {strides = array<i32>} : memref<40192xf32, #tpu.memory_space<vmem>>, vector<16xf32>,
        %swap3A_1015 = vector.shape_cast %swap3A_1014 : vector<16xf32> to vector<16xf32>
        %swap3A_1016 = vector.shape_cast %max3A_1012 : vector<16xf32> to vector<16xf32>
        tpu.vector_store %arg11[%swap3A_1013], %swap3A_1016 {strides = array<i32>} : memref<40192xf32, #tpu.memory_space<vmem>>, vector<16xf32>,
        %add3A_1017 = arith.constant 112 : i32
        %add3A_1018 = arith.addi %mul3A_904, %add3A_1017 : i32
        %get3A_1019 = arith.index_cast %add3A_1018 : i32 to index
        %get3A_1020 = tpu.vector_load %arg11[%get3A_1019] {strides = array<i32>} : memref<40192xf32, #tpu.memory_space<vmem>>, vector<16xf32>,
        %get3A_1021 = vector.shape_cast %get3A_1020 : vector<16xf32> to vector<16xf32>
        %add3A_1022 = arith.constant 6 : i32
        %add3A_1023 = arith.addi %add3A_55, %add3A_1022 : i32
        %get3A_1024 = arith.index_cast %add3A_1023 : i32 to index
        %get3A_1025 = arith.constant 112 : index
        %get3A_1026 = tpu.vector_load %arg10[%get3A_1024, %get3A_1025] {strides = array<i32>} : memref<128x128xf32, #tpu.memory_space<vmem>>, vector<1x16xf32>,
        %get3A_1027 = vector.shape_cast %get3A_1026 : vector<1x16xf32> to vector<16xf32>
        %max3A_1028 = arith.maximumf %get3A_1021, %get3A_1027 : vector<16xf32>
        %swap3A_1029 = arith.index_cast %add3A_1018 : i32 to index
        %swap3A_1030 = tpu.vector_load %arg11[%swap3A_1029] {strides = array<i32>} : memref<40192xf32, #tpu.memory_space<vmem>>, vector<16xf32>,
        %swap3A_1031 = vector.shape_cast %swap3A_1030 : vector<16xf32> to vector<16xf32>
        %swap3A_1032 = vector.shape_cast %max3A_1028 : vector<16xf32> to vector<16xf32>
        tpu.vector_store %arg11[%swap3A_1029], %swap3A_1032 {strides = array<i32>} : memref<40192xf32, #tpu.memory_space<vmem>>, vector<16xf32>,
        %slice3A_1033 = vector.extract_strided_slice %get3A_58 {offsets = [7], sizes = [1], strides = [1]} : vector<16xi32> to vector<1xi32>
        %squeeze3A_1034 = vector.extract %slice3A_1033[0] : i32 from vector<1xi32>
        %sub3A_1035 = arith.subi %squeeze3A_1034, %mul3A_8 : i32
        %lt3A_1036 = arith.constant 0 : i32
        %lt3A_1037 = arith.cmpi slt, %sub3A_1035, %lt3A_1036 : i32
        %ge3A_1038 = arith.constant 313 : i32
        %ge3A_1039 = arith.cmpi sge, %sub3A_1035, %ge3A_1038 : i32
        %or3A_1040 = arith.ori %lt3A_1037, %ge3A_1039 : i1
        %select_n3A_1041 = arith.constant 313 : i32
        %select_n3A_1042 = arith.select %or3A_1040, %select_n3A_1041, %sub3A_1035 : i32
        %mul3A_1043 = arith.constant 128 : i32
        %mul3A_1044 = arith.muli %select_n3A_1042, %mul3A_1043 : i32
        %add3A_1045 = arith.constant 0 : i32
        %add3A_1046 = arith.addi %mul3A_1044, %add3A_1045 : i32
        %get3A_1047 = arith.index_cast %add3A_1046 : i32 to index
        %get3A_1048 = tpu.vector_load %arg11[%get3A_1047] {strides = array<i32>} : memref<40192xf32, #tpu.memory_space<vmem>>, vector<16xf32>,
        %get3A_1049 = vector.shape_cast %get3A_1048 : vector<16xf32> to vector<16xf32>
        %add3A_1050 = arith.constant 7 : i32
        %add3A_1051 = arith.addi %add3A_55, %add3A_1050 : i32
        %get3A_1052 = arith.index_cast %add3A_1051 : i32 to index
        %get3A_1053 = arith.constant 0 : index
        %get3A_1054 = tpu.vector_load %arg10[%get3A_1052, %get3A_1053] {strides = array<i32>} : memref<128x128xf32, #tpu.memory_space<vmem>>, vector<1x16xf32>,
        %get3A_1055 = vector.shape_cast %get3A_1054 : vector<1x16xf32> to vector<16xf32>
        %max3A_1056 = arith.maximumf %get3A_1049, %get3A_1055 : vector<16xf32>
        %swap3A_1057 = arith.index_cast %add3A_1046 : i32 to index
        %swap3A_1058 = tpu.vector_load %arg11[%swap3A_1057] {strides = array<i32>} : memref<40192xf32, #tpu.memory_space<vmem>>, vector<16xf32>,
        %swap3A_1059 = vector.shape_cast %swap3A_1058 : vector<16xf32> to vector<16xf32>
        %swap3A_1060 = vector.shape_cast %max3A_1056 : vector<16xf32> to vector<16xf32>
        tpu.vector_store %arg11[%swap3A_1057], %swap3A_1060 {strides = array<i32>} : memref<40192xf32, #tpu.memory_space<vmem>>, vector<16xf32>,
        %add3A_1061 = arith.constant 16 : i32
        %add3A_1062 = arith.addi %mul3A_1044, %add3A_1061 : i32
        %get3A_1063 = arith.index_cast %add3A_1062 : i32 to index
        %get3A_1064 = tpu.vector_load %arg11[%get3A_1063] {strides = array<i32>} : memref<40192xf32, #tpu.memory_space<vmem>>, vector<16xf32>,
        %get3A_1065 = vector.shape_cast %get3A_1064 : vector<16xf32> to vector<16xf32>
        %add3A_1066 = arith.constant 7 : i32
        %add3A_1067 = arith.addi %add3A_55, %add3A_1066 : i32
        %get3A_1068 = arith.index_cast %add3A_1067 : i32 to index
        %get3A_1069 = arith.constant 16 : index
        %get3A_1070 = tpu.vector_load %arg10[%get3A_1068, %get3A_1069] {strides = array<i32>} : memref<128x128xf32, #tpu.memory_space<vmem>>, vector<1x16xf32>,
        %get3A_1071 = vector.shape_cast %get3A_1070 : vector<1x16xf32> to vector<16xf32>
        %max3A_1072 = arith.maximumf %get3A_1065, %get3A_1071 : vector<16xf32>
        %swap3A_1073 = arith.index_cast %add3A_1062 : i32 to index
        %swap3A_1074 = tpu.vector_load %arg11[%swap3A_1073] {strides = array<i32>} : memref<40192xf32, #tpu.memory_space<vmem>>, vector<16xf32>,
        %swap3A_1075 = vector.shape_cast %swap3A_1074 : vector<16xf32> to vector<16xf32>
        %swap3A_1076 = vector.shape_cast %max3A_1072 : vector<16xf32> to vector<16xf32>
        tpu.vector_store %arg11[%swap3A_1073], %swap3A_1076 {strides = array<i32>} : memref<40192xf32, #tpu.memory_space<vmem>>, vector<16xf32>,
        %add3A_1077 = arith.constant 32 : i32
        %add3A_1078 = arith.addi %mul3A_1044, %add3A_1077 : i32
        %get3A_1079 = arith.index_cast %add3A_1078 : i32 to index
        %get3A_1080 = tpu.vector_load %arg11[%get3A_1079] {strides = array<i32>} : memref<40192xf32, #tpu.memory_space<vmem>>, vector<16xf32>,
        %get3A_1081 = vector.shape_cast %get3A_1080 : vector<16xf32> to vector<16xf32>
        %add3A_1082 = arith.constant 7 : i32
        %add3A_1083 = arith.addi %add3A_55, %add3A_1082 : i32
        %get3A_1084 = arith.index_cast %add3A_1083 : i32 to index
        %get3A_1085 = arith.constant 32 : index
        %get3A_1086 = tpu.vector_load %arg10[%get3A_1084, %get3A_1085] {strides = array<i32>} : memref<128x128xf32, #tpu.memory_space<vmem>>, vector<1x16xf32>,
        %get3A_1087 = vector.shape_cast %get3A_1086 : vector<1x16xf32> to vector<16xf32>
        %max3A_1088 = arith.maximumf %get3A_1081, %get3A_1087 : vector<16xf32>
        %swap3A_1089 = arith.index_cast %add3A_1078 : i32 to index
        %swap3A_1090 = tpu.vector_load %arg11[%swap3A_1089] {strides = array<i32>} : memref<40192xf32, #tpu.memory_space<vmem>>, vector<16xf32>,
        %swap3A_1091 = vector.shape_cast %swap3A_1090 : vector<16xf32> to vector<16xf32>
        %swap3A_1092 = vector.shape_cast %max3A_1088 : vector<16xf32> to vector<16xf32>
        tpu.vector_store %arg11[%swap3A_1089], %swap3A_1092 {strides = array<i32>} : memref<40192xf32, #tpu.memory_space<vmem>>, vector<16xf32>,
        %add3A_1093 = arith.constant 48 : i32
        %add3A_1094 = arith.addi %mul3A_1044, %add3A_1093 : i32
        %get3A_1095 = arith.index_cast %add3A_1094 : i32 to index
        %get3A_1096 = tpu.vector_load %arg11[%get3A_1095] {strides = array<i32>} : memref<40192xf32, #tpu.memory_space<vmem>>, vector<16xf32>,
        %get3A_1097 = vector.shape_cast %get3A_1096 : vector<16xf32> to vector<16xf32>
        %add3A_1098 = arith.constant 7 : i32
        %add3A_1099 = arith.addi %add3A_55, %add3A_1098 : i32
        %get3A_1100 = arith.index_cast %add3A_1099 : i32 to index
        %get3A_1101 = arith.constant 48 : index
        %get3A_1102 = tpu.vector_load %arg10[%get3A_1100, %get3A_1101] {strides = array<i32>} : memref<128x128xf32, #tpu.memory_space<vmem>>, vector<1x16xf32>,
        %get3A_1103 = vector.shape_cast %get3A_1102 : vector<1x16xf32> to vector<16xf32>
        %max3A_1104 = arith.maximumf %get3A_1097, %get3A_1103 : vector<16xf32>
        %swap3A_1105 = arith.index_cast %add3A_1094 : i32 to index
        %swap3A_1106 = tpu.vector_load %arg11[%swap3A_1105] {strides = array<i32>} : memref<40192xf32, #tpu.memory_space<vmem>>, vector<16xf32>,
        %swap3A_1107 = vector.shape_cast %swap3A_1106 : vector<16xf32> to vector<16xf32>
        %swap3A_1108 = vector.shape_cast %max3A_1104 : vector<16xf32> to vector<16xf32>
        tpu.vector_store %arg11[%swap3A_1105], %swap3A_1108 {strides = array<i32>} : memref<40192xf32, #tpu.memory_space<vmem>>, vector<16xf32>,
        %add3A_1109 = arith.constant 64 : i32
        %add3A_1110 = arith.addi %mul3A_1044, %add3A_1109 : i32
        %get3A_1111 = arith.index_cast %add3A_1110 : i32 to index
        %get3A_1112 = tpu.vector_load %arg11[%get3A_1111] {strides = array<i32>} : memref<40192xf32, #tpu.memory_space<vmem>>, vector<16xf32>,
        %get3A_1113 = vector.shape_cast %get3A_1112 : vector<16xf32> to vector<16xf32>
        %add3A_1114 = arith.constant 7 : i32
        %add3A_1115 = arith.addi %add3A_55, %add3A_1114 : i32
        %get3A_1116 = arith.index_cast %add3A_1115 : i32 to index
        %get3A_1117 = arith.constant 64 : index
        %get3A_1118 = tpu.vector_load %arg10[%get3A_1116, %get3A_1117] {strides = array<i32>} : memref<128x128xf32, #tpu.memory_space<vmem>>, vector<1x16xf32>,
        %get3A_1119 = vector.shape_cast %get3A_1118 : vector<1x16xf32> to vector<16xf32>
        %max3A_1120 = arith.maximumf %get3A_1113, %get3A_1119 : vector<16xf32>
        %swap3A_1121 = arith.index_cast %add3A_1110 : i32 to index
        %swap3A_1122 = tpu.vector_load %arg11[%swap3A_1121] {strides = array<i32>} : memref<40192xf32, #tpu.memory_space<vmem>>, vector<16xf32>,
        %swap3A_1123 = vector.shape_cast %swap3A_1122 : vector<16xf32> to vector<16xf32>
        %swap3A_1124 = vector.shape_cast %max3A_1120 : vector<16xf32> to vector<16xf32>
        tpu.vector_store %arg11[%swap3A_1121], %swap3A_1124 {strides = array<i32>} : memref<40192xf32, #tpu.memory_space<vmem>>, vector<16xf32>,
        %add3A_1125 = arith.constant 80 : i32
        %add3A_1126 = arith.addi %mul3A_1044, %add3A_1125 : i32
        %get3A_1127 = arith.index_cast %add3A_1126 : i32 to index
        %get3A_1128 = tpu.vector_load %arg11[%get3A_1127] {strides = array<i32>} : memref<40192xf32, #tpu.memory_space<vmem>>, vector<16xf32>,
        %get3A_1129 = vector.shape_cast %get3A_1128 : vector<16xf32> to vector<16xf32>
        %add3A_1130 = arith.constant 7 : i32
        %add3A_1131 = arith.addi %add3A_55, %add3A_1130 : i32
        %get3A_1132 = arith.index_cast %add3A_1131 : i32 to index
        %get3A_1133 = arith.constant 80 : index
        %get3A_1134 = tpu.vector_load %arg10[%get3A_1132, %get3A_1133] {strides = array<i32>} : memref<128x128xf32, #tpu.memory_space<vmem>>, vector<1x16xf32>,
        %get3A_1135 = vector.shape_cast %get3A_1134 : vector<1x16xf32> to vector<16xf32>
        %max3A_1136 = arith.maximumf %get3A_1129, %get3A_1135 : vector<16xf32>
        %swap3A_1137 = arith.index_cast %add3A_1126 : i32 to index
        %swap3A_1138 = tpu.vector_load %arg11[%swap3A_1137] {strides = array<i32>} : memref<40192xf32, #tpu.memory_space<vmem>>, vector<16xf32>,
        %swap3A_1139 = vector.shape_cast %swap3A_1138 : vector<16xf32> to vector<16xf32>
        %swap3A_1140 = vector.shape_cast %max3A_1136 : vector<16xf32> to vector<16xf32>
        tpu.vector_store %arg11[%swap3A_1137], %swap3A_1140 {strides = array<i32>} : memref<40192xf32, #tpu.memory_space<vmem>>, vector<16xf32>,
        %add3A_1141 = arith.constant 96 : i32
        %add3A_1142 = arith.addi %mul3A_1044, %add3A_1141 : i32
        %get3A_1143 = arith.index_cast %add3A_1142 : i32 to index
        %get3A_1144 = tpu.vector_load %arg11[%get3A_1143] {strides = array<i32>} : memref<40192xf32, #tpu.memory_space<vmem>>, vector<16xf32>,
        %get3A_1145 = vector.shape_cast %get3A_1144 : vector<16xf32> to vector<16xf32>
        %add3A_1146 = arith.constant 7 : i32
        %add3A_1147 = arith.addi %add3A_55, %add3A_1146 : i32
        %get3A_1148 = arith.index_cast %add3A_1147 : i32 to index
        %get3A_1149 = arith.constant 96 : index
        %get3A_1150 = tpu.vector_load %arg10[%get3A_1148, %get3A_1149] {strides = array<i32>} : memref<128x128xf32, #tpu.memory_space<vmem>>, vector<1x16xf32>,
        %get3A_1151 = vector.shape_cast %get3A_1150 : vector<1x16xf32> to vector<16xf32>
        %max3A_1152 = arith.maximumf %get3A_1145, %get3A_1151 : vector<16xf32>
        %swap3A_1153 = arith.index_cast %add3A_1142 : i32 to index
        %swap3A_1154 = tpu.vector_load %arg11[%swap3A_1153] {strides = array<i32>} : memref<40192xf32, #tpu.memory_space<vmem>>, vector<16xf32>,
        %swap3A_1155 = vector.shape_cast %swap3A_1154 : vector<16xf32> to vector<16xf32>
        %swap3A_1156 = vector.shape_cast %max3A_1152 : vector<16xf32> to vector<16xf32>
        tpu.vector_store %arg11[%swap3A_1153], %swap3A_1156 {strides = array<i32>} : memref<40192xf32, #tpu.memory_space<vmem>>, vector<16xf32>,
        %add3A_1157 = arith.constant 112 : i32
        %add3A_1158 = arith.addi %mul3A_1044, %add3A_1157 : i32
        %get3A_1159 = arith.index_cast %add3A_1158 : i32 to index
        %get3A_1160 = tpu.vector_load %arg11[%get3A_1159] {strides = array<i32>} : memref<40192xf32, #tpu.memory_space<vmem>>, vector<16xf32>,
        %get3A_1161 = vector.shape_cast %get3A_1160 : vector<16xf32> to vector<16xf32>
        %add3A_1162 = arith.constant 7 : i32
        %add3A_1163 = arith.addi %add3A_55, %add3A_1162 : i32
        %get3A_1164 = arith.index_cast %add3A_1163 : i32 to index
        %get3A_1165 = arith.constant 112 : index
        %get3A_1166 = tpu.vector_load %arg10[%get3A_1164, %get3A_1165] {strides = array<i32>} : memref<128x128xf32, #tpu.memory_space<vmem>>, vector<1x16xf32>,
        %get3A_1167 = vector.shape_cast %get3A_1166 : vector<1x16xf32> to vector<16xf32>
        %max3A_1168 = arith.maximumf %get3A_1161, %get3A_1167 : vector<16xf32>
        %swap3A_1169 = arith.index_cast %add3A_1158 : i32 to index
        %swap3A_1170 = tpu.vector_load %arg11[%swap3A_1169] {strides = array<i32>} : memref<40192xf32, #tpu.memory_space<vmem>>, vector<16xf32>,
        %swap3A_1171 = vector.shape_cast %swap3A_1170 : vector<16xf32> to vector<16xf32>
        %swap3A_1172 = vector.shape_cast %max3A_1168 : vector<16xf32> to vector<16xf32>
        tpu.vector_store %arg11[%swap3A_1169], %swap3A_1172 {strides = array<i32>} : memref<40192xf32, #tpu.memory_space<vmem>>, vector<16xf32>,
        %slice3A_1173 = vector.extract_strided_slice %get3A_58 {offsets = [8], sizes = [1], strides = [1]} : vector<16xi32> to vector<1xi32>
        %squeeze3A_1174 = vector.extract %slice3A_1173[0] : i32 from vector<1xi32>
        %sub3A_1175 = arith.subi %squeeze3A_1174, %mul3A_8 : i32
        %lt3A_1176 = arith.constant 0 : i32
        %lt3A_1177 = arith.cmpi slt, %sub3A_1175, %lt3A_1176 : i32
        %ge3A_1178 = arith.constant 313 : i32
        %ge3A_1179 = arith.cmpi sge, %sub3A_1175, %ge3A_1178 : i32
        %or3A_1180 = arith.ori %lt3A_1177, %ge3A_1179 : i1
        %select_n3A_1181 = arith.constant 313 : i32
        %select_n3A_1182 = arith.select %or3A_1180, %select_n3A_1181, %sub3A_1175 : i32
        %mul3A_1183 = arith.constant 128 : i32
        %mul3A_1184 = arith.muli %select_n3A_1182, %mul3A_1183 : i32
        %add3A_1185 = arith.constant 0 : i32
        %add3A_1186 = arith.addi %mul3A_1184, %add3A_1185 : i32
        %get3A_1187 = arith.index_cast %add3A_1186 : i32 to index
        %get3A_1188 = tpu.vector_load %arg11[%get3A_1187] {strides = array<i32>} : memref<40192xf32, #tpu.memory_space<vmem>>, vector<16xf32>,
        %get3A_1189 = vector.shape_cast %get3A_1188 : vector<16xf32> to vector<16xf32>
        %add3A_1190 = arith.constant 8 : i32
        %add3A_1191 = arith.addi %add3A_55, %add3A_1190 : i32
        %get3A_1192 = arith.index_cast %add3A_1191 : i32 to index
        %get3A_1193 = arith.constant 0 : index
        %get3A_1194 = tpu.vector_load %arg10[%get3A_1192, %get3A_1193] {strides = array<i32>} : memref<128x128xf32, #tpu.memory_space<vmem>>, vector<1x16xf32>,
        %get3A_1195 = vector.shape_cast %get3A_1194 : vector<1x16xf32> to vector<16xf32>
        %max3A_1196 = arith.maximumf %get3A_1189, %get3A_1195 : vector<16xf32>
        %swap3A_1197 = arith.index_cast %add3A_1186 : i32 to index
        %swap3A_1198 = tpu.vector_load %arg11[%swap3A_1197] {strides = array<i32>} : memref<40192xf32, #tpu.memory_space<vmem>>, vector<16xf32>,
        %swap3A_1199 = vector.shape_cast %swap3A_1198 : vector<16xf32> to vector<16xf32>
        %swap3A_1200 = vector.shape_cast %max3A_1196 : vector<16xf32> to vector<16xf32>
        tpu.vector_store %arg11[%swap3A_1197], %swap3A_1200 {strides = array<i32>} : memref<40192xf32, #tpu.memory_space<vmem>>, vector<16xf32>,
        %add3A_1201 = arith.constant 16 : i32
        %add3A_1202 = arith.addi %mul3A_1184, %add3A_1201 : i32
        %get3A_1203 = arith.index_cast %add3A_1202 : i32 to index
        %get3A_1204 = tpu.vector_load %arg11[%get3A_1203] {strides = array<i32>} : memref<40192xf32, #tpu.memory_space<vmem>>, vector<16xf32>,
        %get3A_1205 = vector.shape_cast %get3A_1204 : vector<16xf32> to vector<16xf32>
        %add3A_1206 = arith.constant 8 : i32
        %add3A_1207 = arith.addi %add3A_55, %add3A_1206 : i32
        %get3A_1208 = arith.index_cast %add3A_1207 : i32 to index
        %get3A_1209 = arith.constant 16 : index
        %get3A_1210 = tpu.vector_load %arg10[%get3A_1208, %get3A_1209] {strides = array<i32>} : memref<128x128xf32, #tpu.memory_space<vmem>>, vector<1x16xf32>,
        %get3A_1211 = vector.shape_cast %get3A_1210 : vector<1x16xf32> to vector<16xf32>
        %max3A_1212 = arith.maximumf %get3A_1205, %get3A_1211 : vector<16xf32>
        %swap3A_1213 = arith.index_cast %add3A_1202 : i32 to index
        %swap3A_1214 = tpu.vector_load %arg11[%swap3A_1213] {strides = array<i32>} : memref<40192xf32, #tpu.memory_space<vmem>>, vector<16xf32>,
        %swap3A_1215 = vector.shape_cast %swap3A_1214 : vector<16xf32> to vector<16xf32>
        %swap3A_1216 = vector.shape_cast %max3A_1212 : vector<16xf32> to vector<16xf32>
        tpu.vector_store %arg11[%swap3A_1213], %swap3A_1216 {strides = array<i32>} : memref<40192xf32, #tpu.memory_space<vmem>>, vector<16xf32>,
        %add3A_1217 = arith.constant 32 : i32
        %add3A_1218 = arith.addi %mul3A_1184, %add3A_1217 : i32
        %get3A_1219 = arith.index_cast %add3A_1218 : i32 to index
        %get3A_1220 = tpu.vector_load %arg11[%get3A_1219] {strides = array<i32>} : memref<40192xf32, #tpu.memory_space<vmem>>, vector<16xf32>,
        %get3A_1221 = vector.shape_cast %get3A_1220 : vector<16xf32> to vector<16xf32>
        %add3A_1222 = arith.constant 8 : i32
        %add3A_1223 = arith.addi %add3A_55, %add3A_1222 : i32
        %get3A_1224 = arith.index_cast %add3A_1223 : i32 to index
        %get3A_1225 = arith.constant 32 : index
        %get3A_1226 = tpu.vector_load %arg10[%get3A_1224, %get3A_1225] {strides = array<i32>} : memref<128x128xf32, #tpu.memory_space<vmem>>, vector<1x16xf32>,
        %get3A_1227 = vector.shape_cast %get3A_1226 : vector<1x16xf32> to vector<16xf32>
        %max3A_1228 = arith.maximumf %get3A_1221, %get3A_1227 : vector<16xf32>
        %swap3A_1229 = arith.index_cast %add3A_1218 : i32 to index
        %swap3A_1230 = tpu.vector_load %arg11[%swap3A_1229] {strides = array<i32>} : memref<40192xf32, #tpu.memory_space<vmem>>, vector<16xf32>,
        %swap3A_1231 = vector.shape_cast %swap3A_1230 : vector<16xf32> to vector<16xf32>
        %swap3A_1232 = vector.shape_cast %max3A_1228 : vector<16xf32> to vector<16xf32>
        tpu.vector_store %arg11[%swap3A_1229], %swap3A_1232 {strides = array<i32>} : memref<40192xf32, #tpu.memory_space<vmem>>, vector<16xf32>,
        %add3A_1233 = arith.constant 48 : i32
        %add3A_1234 = arith.addi %mul3A_1184, %add3A_1233 : i32
        %get3A_1235 = arith.index_cast %add3A_1234 : i32 to index
        %get3A_1236 = tpu.vector_load %arg11[%get3A_1235] {strides = array<i32>} : memref<40192xf32, #tpu.memory_space<vmem>>, vector<16xf32>,
        %get3A_1237 = vector.shape_cast %get3A_1236 : vector<16xf32> to vector<16xf32>
        %add3A_1238 = arith.constant 8 : i32
        %add3A_1239 = arith.addi %add3A_55, %add3A_1238 : i32
        %get3A_1240 = arith.index_cast %add3A_1239 : i32 to index
        %get3A_1241 = arith.constant 48 : index
        %get3A_1242 = tpu.vector_load %arg10[%get3A_1240, %get3A_1241] {strides = array<i32>} : memref<128x128xf32, #tpu.memory_space<vmem>>, vector<1x16xf32>,
        %get3A_1243 = vector.shape_cast %get3A_1242 : vector<1x16xf32> to vector<16xf32>
        %max3A_1244 = arith.maximumf %get3A_1237, %get3A_1243 : vector<16xf32>
        %swap3A_1245 = arith.index_cast %add3A_1234 : i32 to index
        %swap3A_1246 = tpu.vector_load %arg11[%swap3A_1245] {strides = array<i32>} : memref<40192xf32, #tpu.memory_space<vmem>>, vector<16xf32>,
        %swap3A_1247 = vector.shape_cast %swap3A_1246 : vector<16xf32> to vector<16xf32>
        %swap3A_1248 = vector.shape_cast %max3A_1244 : vector<16xf32> to vector<16xf32>
        tpu.vector_store %arg11[%swap3A_1245], %swap3A_1248 {strides = array<i32>} : memref<40192xf32, #tpu.memory_space<vmem>>, vector<16xf32>,
        %add3A_1249 = arith.constant 64 : i32
        %add3A_1250 = arith.addi %mul3A_1184, %add3A_1249 : i32
        %get3A_1251 = arith.index_cast %add3A_1250 : i32 to index
        %get3A_1252 = tpu.vector_load %arg11[%get3A_1251] {strides = array<i32>} : memref<40192xf32, #tpu.memory_space<vmem>>, vector<16xf32>,
        %get3A_1253 = vector.shape_cast %get3A_1252 : vector<16xf32> to vector<16xf32>
        %add3A_1254 = arith.constant 8 : i32
        %add3A_1255 = arith.addi %add3A_55, %add3A_1254 : i32
        %get3A_1256 = arith.index_cast %add3A_1255 : i32 to index
        %get3A_1257 = arith.constant 64 : index
        %get3A_1258 = tpu.vector_load %arg10[%get3A_1256, %get3A_1257] {strides = array<i32>} : memref<128x128xf32, #tpu.memory_space<vmem>>, vector<1x16xf32>,
        %get3A_1259 = vector.shape_cast %get3A_1258 : vector<1x16xf32> to vector<16xf32>
        %max3A_1260 = arith.maximumf %get3A_1253, %get3A_1259 : vector<16xf32>
        %swap3A_1261 = arith.index_cast %add3A_1250 : i32 to index
        %swap3A_1262 = tpu.vector_load %arg11[%swap3A_1261] {strides = array<i32>} : memref<40192xf32, #tpu.memory_space<vmem>>, vector<16xf32>,
        %swap3A_1263 = vector.shape_cast %swap3A_1262 : vector<16xf32> to vector<16xf32>
        %swap3A_1264 = vector.shape_cast %max3A_1260 : vector<16xf32> to vector<16xf32>
        tpu.vector_store %arg11[%swap3A_1261], %swap3A_1264 {strides = array<i32>} : memref<40192xf32, #tpu.memory_space<vmem>>, vector<16xf32>,
        %add3A_1265 = arith.constant 80 : i32
        %add3A_1266 = arith.addi %mul3A_1184, %add3A_1265 : i32
        %get3A_1267 = arith.index_cast %add3A_1266 : i32 to index
        %get3A_1268 = tpu.vector_load %arg11[%get3A_1267] {strides = array<i32>} : memref<40192xf32, #tpu.memory_space<vmem>>, vector<16xf32>,
        %get3A_1269 = vector.shape_cast %get3A_1268 : vector<16xf32> to vector<16xf32>
        %add3A_1270 = arith.constant 8 : i32
        %add3A_1271 = arith.addi %add3A_55, %add3A_1270 : i32
        %get3A_1272 = arith.index_cast %add3A_1271 : i32 to index
        %get3A_1273 = arith.constant 80 : index
        %get3A_1274 = tpu.vector_load %arg10[%get3A_1272, %get3A_1273] {strides = array<i32>} : memref<128x128xf32, #tpu.memory_space<vmem>>, vector<1x16xf32>,
        %get3A_1275 = vector.shape_cast %get3A_1274 : vector<1x16xf32> to vector<16xf32>
        %max3A_1276 = arith.maximumf %get3A_1269, %get3A_1275 : vector<16xf32>
        %swap3A_1277 = arith.index_cast %add3A_1266 : i32 to index
        %swap3A_1278 = tpu.vector_load %arg11[%swap3A_1277] {strides = array<i32>} : memref<40192xf32, #tpu.memory_space<vmem>>, vector<16xf32>,
        %swap3A_1279 = vector.shape_cast %swap3A_1278 : vector<16xf32> to vector<16xf32>
        %swap3A_1280 = vector.shape_cast %max3A_1276 : vector<16xf32> to vector<16xf32>
        tpu.vector_store %arg11[%swap3A_1277], %swap3A_1280 {strides = array<i32>} : memref<40192xf32, #tpu.memory_space<vmem>>, vector<16xf32>,
        %add3A_1281 = arith.constant 96 : i32
        %add3A_1282 = arith.addi %mul3A_1184, %add3A_1281 : i32
        %get3A_1283 = arith.index_cast %add3A_1282 : i32 to index
        %get3A_1284 = tpu.vector_load %arg11[%get3A_1283] {strides = array<i32>} : memref<40192xf32, #tpu.memory_space<vmem>>, vector<16xf32>,
        %get3A_1285 = vector.shape_cast %get3A_1284 : vector<16xf32> to vector<16xf32>
        %add3A_1286 = arith.constant 8 : i32
        %add3A_1287 = arith.addi %add3A_55, %add3A_1286 : i32
        %get3A_1288 = arith.index_cast %add3A_1287 : i32 to index
        %get3A_1289 = arith.constant 96 : index
        %get3A_1290 = tpu.vector_load %arg10[%get3A_1288, %get3A_1289] {strides = array<i32>} : memref<128x128xf32, #tpu.memory_space<vmem>>, vector<1x16xf32>,
        %get3A_1291 = vector.shape_cast %get3A_1290 : vector<1x16xf32> to vector<16xf32>
        %max3A_1292 = arith.maximumf %get3A_1285, %get3A_1291 : vector<16xf32>
        %swap3A_1293 = arith.index_cast %add3A_1282 : i32 to index
        %swap3A_1294 = tpu.vector_load %arg11[%swap3A_1293] {strides = array<i32>} : memref<40192xf32, #tpu.memory_space<vmem>>, vector<16xf32>,
        %swap3A_1295 = vector.shape_cast %swap3A_1294 : vector<16xf32> to vector<16xf32>
        %swap3A_1296 = vector.shape_cast %max3A_1292 : vector<16xf32> to vector<16xf32>
        tpu.vector_store %arg11[%swap3A_1293], %swap3A_1296 {strides = array<i32>} : memref<40192xf32, #tpu.memory_space<vmem>>, vector<16xf32>,
        %add3A_1297 = arith.constant 112 : i32
        %add3A_1298 = arith.addi %mul3A_1184, %add3A_1297 : i32
        %get3A_1299 = arith.index_cast %add3A_1298 : i32 to index
        %get3A_1300 = tpu.vector_load %arg11[%get3A_1299] {strides = array<i32>} : memref<40192xf32, #tpu.memory_space<vmem>>, vector<16xf32>,
        %get3A_1301 = vector.shape_cast %get3A_1300 : vector<16xf32> to vector<16xf32>
        %add3A_1302 = arith.constant 8 : i32
        %add3A_1303 = arith.addi %add3A_55, %add3A_1302 : i32
        %get3A_1304 = arith.index_cast %add3A_1303 : i32 to index
        %get3A_1305 = arith.constant 112 : index
        %get3A_1306 = tpu.vector_load %arg10[%get3A_1304, %get3A_1305] {strides = array<i32>} : memref<128x128xf32, #tpu.memory_space<vmem>>, vector<1x16xf32>,
        %get3A_1307 = vector.shape_cast %get3A_1306 : vector<1x16xf32> to vector<16xf32>
        %max3A_1308 = arith.maximumf %get3A_1301, %get3A_1307 : vector<16xf32>
        %swap3A_1309 = arith.index_cast %add3A_1298 : i32 to index
        %swap3A_1310 = tpu.vector_load %arg11[%swap3A_1309] {strides = array<i32>} : memref<40192xf32, #tpu.memory_space<vmem>>, vector<16xf32>,
        %swap3A_1311 = vector.shape_cast %swap3A_1310 : vector<16xf32> to vector<16xf32>
        %swap3A_1312 = vector.shape_cast %max3A_1308 : vector<16xf32> to vector<16xf32>
        tpu.vector_store %arg11[%swap3A_1309], %swap3A_1312 {strides = array<i32>} : memref<40192xf32, #tpu.memory_space<vmem>>, vector<16xf32>,
        %slice3A_1313 = vector.extract_strided_slice %get3A_58 {offsets = [9], sizes = [1], strides = [1]} : vector<16xi32> to vector<1xi32>
        %squeeze3A_1314 = vector.extract %slice3A_1313[0] : i32 from vector<1xi32>
        %sub3A_1315 = arith.subi %squeeze3A_1314, %mul3A_8 : i32
        %lt3A_1316 = arith.constant 0 : i32
        %lt3A_1317 = arith.cmpi slt, %sub3A_1315, %lt3A_1316 : i32
        %ge3A_1318 = arith.constant 313 : i32
        %ge3A_1319 = arith.cmpi sge, %sub3A_1315, %ge3A_1318 : i32
        %or3A_1320 = arith.ori %lt3A_1317, %ge3A_1319 : i1
        %select_n3A_1321 = arith.constant 313 : i32
        %select_n3A_1322 = arith.select %or3A_1320, %select_n3A_1321, %sub3A_1315 : i32
        %mul3A_1323 = arith.constant 128 : i32
        %mul3A_1324 = arith.muli %select_n3A_1322, %mul3A_1323 : i32
        %add3A_1325 = arith.constant 0 : i32
        %add3A_1326 = arith.addi %mul3A_1324, %add3A_1325 : i32
        %get3A_1327 = arith.index_cast %add3A_1326 : i32 to index
        %get3A_1328 = tpu.vector_load %arg11[%get3A_1327] {strides = array<i32>} : memref<40192xf32, #tpu.memory_space<vmem>>, vector<16xf32>,
        %get3A_1329 = vector.shape_cast %get3A_1328 : vector<16xf32> to vector<16xf32>
        %add3A_1330 = arith.constant 9 : i32
        %add3A_1331 = arith.addi %add3A_55, %add3A_1330 : i32
        %get3A_1332 = arith.index_cast %add3A_1331 : i32 to index
        %get3A_1333 = arith.constant 0 : index
        %get3A_1334 = tpu.vector_load %arg10[%get3A_1332, %get3A_1333] {strides = array<i32>} : memref<128x128xf32, #tpu.memory_space<vmem>>, vector<1x16xf32>,
        %get3A_1335 = vector.shape_cast %get3A_1334 : vector<1x16xf32> to vector<16xf32>
        %max3A_1336 = arith.maximumf %get3A_1329, %get3A_1335 : vector<16xf32>
        %swap3A_1337 = arith.index_cast %add3A_1326 : i32 to index
        %swap3A_1338 = tpu.vector_load %arg11[%swap3A_1337] {strides = array<i32>} : memref<40192xf32, #tpu.memory_space<vmem>>, vector<16xf32>,
        %swap3A_1339 = vector.shape_cast %swap3A_1338 : vector<16xf32> to vector<16xf32>
        %swap3A_1340 = vector.shape_cast %max3A_1336 : vector<16xf32> to vector<16xf32>
        tpu.vector_store %arg11[%swap3A_1337], %swap3A_1340 {strides = array<i32>} : memref<40192xf32, #tpu.memory_space<vmem>>, vector<16xf32>,
        %add3A_1341 = arith.constant 16 : i32
        %add3A_1342 = arith.addi %mul3A_1324, %add3A_1341 : i32
        %get3A_1343 = arith.index_cast %add3A_1342 : i32 to index
        %get3A_1344 = tpu.vector_load %arg11[%get3A_1343] {strides = array<i32>} : memref<40192xf32, #tpu.memory_space<vmem>>, vector<16xf32>,
        %get3A_1345 = vector.shape_cast %get3A_1344 : vector<16xf32> to vector<16xf32>
        %add3A_1346 = arith.constant 9 : i32
        %add3A_1347 = arith.addi %add3A_55, %add3A_1346 : i32
        %get3A_1348 = arith.index_cast %add3A_1347 : i32 to index
        %get3A_1349 = arith.constant 16 : index
        %get3A_1350 = tpu.vector_load %arg10[%get3A_1348, %get3A_1349] {strides = array<i32>} : memref<128x128xf32, #tpu.memory_space<vmem>>, vector<1x16xf32>,
        %get3A_1351 = vector.shape_cast %get3A_1350 : vector<1x16xf32> to vector<16xf32>
        %max3A_1352 = arith.maximumf %get3A_1345, %get3A_1351 : vector<16xf32>
        %swap3A_1353 = arith.index_cast %add3A_1342 : i32 to index
        %swap3A_1354 = tpu.vector_load %arg11[%swap3A_1353] {strides = array<i32>} : memref<40192xf32, #tpu.memory_space<vmem>>, vector<16xf32>,
        %swap3A_1355 = vector.shape_cast %swap3A_1354 : vector<16xf32> to vector<16xf32>
        %swap3A_1356 = vector.shape_cast %max3A_1352 : vector<16xf32> to vector<16xf32>
        tpu.vector_store %arg11[%swap3A_1353], %swap3A_1356 {strides = array<i32>} : memref<40192xf32, #tpu.memory_space<vmem>>, vector<16xf32>,
        %add3A_1357 = arith.constant 32 : i32
        %add3A_1358 = arith.addi %mul3A_1324, %add3A_1357 : i32
        %get3A_1359 = arith.index_cast %add3A_1358 : i32 to index
        %get3A_1360 = tpu.vector_load %arg11[%get3A_1359] {strides = array<i32>} : memref<40192xf32, #tpu.memory_space<vmem>>, vector<16xf32>,
        %get3A_1361 = vector.shape_cast %get3A_1360 : vector<16xf32> to vector<16xf32>
        %add3A_1362 = arith.constant 9 : i32
        %add3A_1363 = arith.addi %add3A_55, %add3A_1362 : i32
        %get3A_1364 = arith.index_cast %add3A_1363 : i32 to index
        %get3A_1365 = arith.constant 32 : index
        %get3A_1366 = tpu.vector_load %arg10[%get3A_1364, %get3A_1365] {strides = array<i32>} : memref<128x128xf32, #tpu.memory_space<vmem>>, vector<1x16xf32>,
        %get3A_1367 = vector.shape_cast %get3A_1366 : vector<1x16xf32> to vector<16xf32>
        %max3A_1368 = arith.maximumf %get3A_1361, %get3A_1367 : vector<16xf32>
        %swap3A_1369 = arith.index_cast %add3A_1358 : i32 to index
        %swap3A_1370 = tpu.vector_load %arg11[%swap3A_1369] {strides = array<i32>} : memref<40192xf32, #tpu.memory_space<vmem>>, vector<16xf32>,
        %swap3A_1371 = vector.shape_cast %swap3A_1370 : vector<16xf32> to vector<16xf32>
        %swap3A_1372 = vector.shape_cast %max3A_1368 : vector<16xf32> to vector<16xf32>
        tpu.vector_store %arg11[%swap3A_1369], %swap3A_1372 {strides = array<i32>} : memref<40192xf32, #tpu.memory_space<vmem>>, vector<16xf32>,
        %add3A_1373 = arith.constant 48 : i32
        %add3A_1374 = arith.addi %mul3A_1324, %add3A_1373 : i32
        %get3A_1375 = arith.index_cast %add3A_1374 : i32 to index
        %get3A_1376 = tpu.vector_load %arg11[%get3A_1375] {strides = array<i32>} : memref<40192xf32, #tpu.memory_space<vmem>>, vector<16xf32>,
        %get3A_1377 = vector.shape_cast %get3A_1376 : vector<16xf32> to vector<16xf32>
        %add3A_1378 = arith.constant 9 : i32
        %add3A_1379 = arith.addi %add3A_55, %add3A_1378 : i32
        %get3A_1380 = arith.index_cast %add3A_1379 : i32 to index
        %get3A_1381 = arith.constant 48 : index
        %get3A_1382 = tpu.vector_load %arg10[%get3A_1380, %get3A_1381] {strides = array<i32>} : memref<128x128xf32, #tpu.memory_space<vmem>>, vector<1x16xf32>,
        %get3A_1383 = vector.shape_cast %get3A_1382 : vector<1x16xf32> to vector<16xf32>
        %max3A_1384 = arith.maximumf %get3A_1377, %get3A_1383 : vector<16xf32>
        %swap3A_1385 = arith.index_cast %add3A_1374 : i32 to index
        %swap3A_1386 = tpu.vector_load %arg11[%swap3A_1385] {strides = array<i32>} : memref<40192xf32, #tpu.memory_space<vmem>>, vector<16xf32>,
        %swap3A_1387 = vector.shape_cast %swap3A_1386 : vector<16xf32> to vector<16xf32>
        %swap3A_1388 = vector.shape_cast %max3A_1384 : vector<16xf32> to vector<16xf32>
        tpu.vector_store %arg11[%swap3A_1385], %swap3A_1388 {strides = array<i32>} : memref<40192xf32, #tpu.memory_space<vmem>>, vector<16xf32>,
        %add3A_1389 = arith.constant 64 : i32
        %add3A_1390 = arith.addi %mul3A_1324, %add3A_1389 : i32
        %get3A_1391 = arith.index_cast %add3A_1390 : i32 to index
        %get3A_1392 = tpu.vector_load %arg11[%get3A_1391] {strides = array<i32>} : memref<40192xf32, #tpu.memory_space<vmem>>, vector<16xf32>,
        %get3A_1393 = vector.shape_cast %get3A_1392 : vector<16xf32> to vector<16xf32>
        %add3A_1394 = arith.constant 9 : i32
        %add3A_1395 = arith.addi %add3A_55, %add3A_1394 : i32
        %get3A_1396 = arith.index_cast %add3A_1395 : i32 to index
        %get3A_1397 = arith.constant 64 : index
        %get3A_1398 = tpu.vector_load %arg10[%get3A_1396, %get3A_1397] {strides = array<i32>} : memref<128x128xf32, #tpu.memory_space<vmem>>, vector<1x16xf32>,
        %get3A_1399 = vector.shape_cast %get3A_1398 : vector<1x16xf32> to vector<16xf32>
        %max3A_1400 = arith.maximumf %get3A_1393, %get3A_1399 : vector<16xf32>
        %swap3A_1401 = arith.index_cast %add3A_1390 : i32 to index
        %swap3A_1402 = tpu.vector_load %arg11[%swap3A_1401] {strides = array<i32>} : memref<40192xf32, #tpu.memory_space<vmem>>, vector<16xf32>,
        %swap3A_1403 = vector.shape_cast %swap3A_1402 : vector<16xf32> to vector<16xf32>
        %swap3A_1404 = vector.shape_cast %max3A_1400 : vector<16xf32> to vector<16xf32>
        tpu.vector_store %arg11[%swap3A_1401], %swap3A_1404 {strides = array<i32>} : memref<40192xf32, #tpu.memory_space<vmem>>, vector<16xf32>,
        %add3A_1405 = arith.constant 80 : i32
        %add3A_1406 = arith.addi %mul3A_1324, %add3A_1405 : i32
        %get3A_1407 = arith.index_cast %add3A_1406 : i32 to index
        %get3A_1408 = tpu.vector_load %arg11[%get3A_1407] {strides = array<i32>} : memref<40192xf32, #tpu.memory_space<vmem>>, vector<16xf32>,
        %get3A_1409 = vector.shape_cast %get3A_1408 : vector<16xf32> to vector<16xf32>
        %add3A_1410 = arith.constant 9 : i32
        %add3A_1411 = arith.addi %add3A_55, %add3A_1410 : i32
        %get3A_1412 = arith.index_cast %add3A_1411 : i32 to index
        %get3A_1413 = arith.constant 80 : index
        %get3A_1414 = tpu.vector_load %arg10[%get3A_1412, %get3A_1413] {strides = array<i32>} : memref<128x128xf32, #tpu.memory_space<vmem>>, vector<1x16xf32>,
        %get3A_1415 = vector.shape_cast %get3A_1414 : vector<1x16xf32> to vector<16xf32>
        %max3A_1416 = arith.maximumf %get3A_1409, %get3A_1415 : vector<16xf32>
        %swap3A_1417 = arith.index_cast %add3A_1406 : i32 to index
        %swap3A_1418 = tpu.vector_load %arg11[%swap3A_1417] {strides = array<i32>} : memref<40192xf32, #tpu.memory_space<vmem>>, vector<16xf32>,
        %swap3A_1419 = vector.shape_cast %swap3A_1418 : vector<16xf32> to vector<16xf32>
        %swap3A_1420 = vector.shape_cast %max3A_1416 : vector<16xf32> to vector<16xf32>
        tpu.vector_store %arg11[%swap3A_1417], %swap3A_1420 {strides = array<i32>} : memref<40192xf32, #tpu.memory_space<vmem>>, vector<16xf32>,
        %add3A_1421 = arith.constant 96 : i32
        %add3A_1422 = arith.addi %mul3A_1324, %add3A_1421 : i32
        %get3A_1423 = arith.index_cast %add3A_1422 : i32 to index
        %get3A_1424 = tpu.vector_load %arg11[%get3A_1423] {strides = array<i32>} : memref<40192xf32, #tpu.memory_space<vmem>>, vector<16xf32>,
        %get3A_1425 = vector.shape_cast %get3A_1424 : vector<16xf32> to vector<16xf32>
        %add3A_1426 = arith.constant 9 : i32
        %add3A_1427 = arith.addi %add3A_55, %add3A_1426 : i32
        %get3A_1428 = arith.index_cast %add3A_1427 : i32 to index
        %get3A_1429 = arith.constant 96 : index
        %get3A_1430 = tpu.vector_load %arg10[%get3A_1428, %get3A_1429] {strides = array<i32>} : memref<128x128xf32, #tpu.memory_space<vmem>>, vector<1x16xf32>,
        %get3A_1431 = vector.shape_cast %get3A_1430 : vector<1x16xf32> to vector<16xf32>
        %max3A_1432 = arith.maximumf %get3A_1425, %get3A_1431 : vector<16xf32>
        %swap3A_1433 = arith.index_cast %add3A_1422 : i32 to index
        %swap3A_1434 = tpu.vector_load %arg11[%swap3A_1433] {strides = array<i32>} : memref<40192xf32, #tpu.memory_space<vmem>>, vector<16xf32>,
        %swap3A_1435 = vector.shape_cast %swap3A_1434 : vector<16xf32> to vector<16xf32>
        %swap3A_1436 = vector.shape_cast %max3A_1432 : vector<16xf32> to vector<16xf32>
        tpu.vector_store %arg11[%swap3A_1433], %swap3A_1436 {strides = array<i32>} : memref<40192xf32, #tpu.memory_space<vmem>>, vector<16xf32>,
        %add3A_1437 = arith.constant 112 : i32
        %add3A_1438 = arith.addi %mul3A_1324, %add3A_1437 : i32
        %get3A_1439 = arith.index_cast %add3A_1438 : i32 to index
        %get3A_1440 = tpu.vector_load %arg11[%get3A_1439] {strides = array<i32>} : memref<40192xf32, #tpu.memory_space<vmem>>, vector<16xf32>,
        %get3A_1441 = vector.shape_cast %get3A_1440 : vector<16xf32> to vector<16xf32>
        %add3A_1442 = arith.constant 9 : i32
        %add3A_1443 = arith.addi %add3A_55, %add3A_1442 : i32
        %get3A_1444 = arith.index_cast %add3A_1443 : i32 to index
        %get3A_1445 = arith.constant 112 : index
        %get3A_1446 = tpu.vector_load %arg10[%get3A_1444, %get3A_1445] {strides = array<i32>} : memref<128x128xf32, #tpu.memory_space<vmem>>, vector<1x16xf32>,
        %get3A_1447 = vector.shape_cast %get3A_1446 : vector<1x16xf32> to vector<16xf32>
        %max3A_1448 = arith.maximumf %get3A_1441, %get3A_1447 : vector<16xf32>
        %swap3A_1449 = arith.index_cast %add3A_1438 : i32 to index
        %swap3A_1450 = tpu.vector_load %arg11[%swap3A_1449] {strides = array<i32>} : memref<40192xf32, #tpu.memory_space<vmem>>, vector<16xf32>,
        %swap3A_1451 = vector.shape_cast %swap3A_1450 : vector<16xf32> to vector<16xf32>
        %swap3A_1452 = vector.shape_cast %max3A_1448 : vector<16xf32> to vector<16xf32>
        tpu.vector_store %arg11[%swap3A_1449], %swap3A_1452 {strides = array<i32>} : memref<40192xf32, #tpu.memory_space<vmem>>, vector<16xf32>,
        %slice3A_1453 = vector.extract_strided_slice %get3A_58 {offsets = [10], sizes = [1], strides = [1]} : vector<16xi32> to vector<1xi32>
        %squeeze3A_1454 = vector.extract %slice3A_1453[0] : i32 from vector<1xi32>
        %sub3A_1455 = arith.subi %squeeze3A_1454, %mul3A_8 : i32
        %lt3A_1456 = arith.constant 0 : i32
        %lt3A_1457 = arith.cmpi slt, %sub3A_1455, %lt3A_1456 : i32
        %ge3A_1458 = arith.constant 313 : i32
        %ge3A_1459 = arith.cmpi sge, %sub3A_1455, %ge3A_1458 : i32
        %or3A_1460 = arith.ori %lt3A_1457, %ge3A_1459 : i1
        %select_n3A_1461 = arith.constant 313 : i32
        %select_n3A_1462 = arith.select %or3A_1460, %select_n3A_1461, %sub3A_1455 : i32
        %mul3A_1463 = arith.constant 128 : i32
        %mul3A_1464 = arith.muli %select_n3A_1462, %mul3A_1463 : i32
        %add3A_1465 = arith.constant 0 : i32
        %add3A_1466 = arith.addi %mul3A_1464, %add3A_1465 : i32
        %get3A_1467 = arith.index_cast %add3A_1466 : i32 to index
        %get3A_1468 = tpu.vector_load %arg11[%get3A_1467] {strides = array<i32>} : memref<40192xf32, #tpu.memory_space<vmem>>, vector<16xf32>,
        %get3A_1469 = vector.shape_cast %get3A_1468 : vector<16xf32> to vector<16xf32>
        %add3A_1470 = arith.constant 10 : i32
        %add3A_1471 = arith.addi %add3A_55, %add3A_1470 : i32
        %get3A_1472 = arith.index_cast %add3A_1471 : i32 to index
        %get3A_1473 = arith.constant 0 : index
        %get3A_1474 = tpu.vector_load %arg10[%get3A_1472, %get3A_1473] {strides = array<i32>} : memref<128x128xf32, #tpu.memory_space<vmem>>, vector<1x16xf32>,
        %get3A_1475 = vector.shape_cast %get3A_1474 : vector<1x16xf32> to vector<16xf32>
        %max3A_1476 = arith.maximumf %get3A_1469, %get3A_1475 : vector<16xf32>
        %swap3A_1477 = arith.index_cast %add3A_1466 : i32 to index
        %swap3A_1478 = tpu.vector_load %arg11[%swap3A_1477] {strides = array<i32>} : memref<40192xf32, #tpu.memory_space<vmem>>, vector<16xf32>,
        %swap3A_1479 = vector.shape_cast %swap3A_1478 : vector<16xf32> to vector<16xf32>
        %swap3A_1480 = vector.shape_cast %max3A_1476 : vector<16xf32> to vector<16xf32>
        tpu.vector_store %arg11[%swap3A_1477], %swap3A_1480 {strides = array<i32>} : memref<40192xf32, #tpu.memory_space<vmem>>, vector<16xf32>,
        %add3A_1481 = arith.constant 16 : i32
        %add3A_1482 = arith.addi %mul3A_1464, %add3A_1481 : i32
        %get3A_1483 = arith.index_cast %add3A_1482 : i32 to index
        %get3A_1484 = tpu.vector_load %arg11[%get3A_1483] {strides = array<i32>} : memref<40192xf32, #tpu.memory_space<vmem>>, vector<16xf32>,
        %get3A_1485 = vector.shape_cast %get3A_1484 : vector<16xf32> to vector<16xf32>
        %add3A_1486 = arith.constant 10 : i32
        %add3A_1487 = arith.addi %add3A_55, %add3A_1486 : i32
        %get3A_1488 = arith.index_cast %add3A_1487 : i32 to index
        %get3A_1489 = arith.constant 16 : index
        %get3A_1490 = tpu.vector_load %arg10[%get3A_1488, %get3A_1489] {strides = array<i32>} : memref<128x128xf32, #tpu.memory_space<vmem>>, vector<1x16xf32>,
        %get3A_1491 = vector.shape_cast %get3A_1490 : vector<1x16xf32> to vector<16xf32>
        %max3A_1492 = arith.maximumf %get3A_1485, %get3A_1491 : vector<16xf32>
        %swap3A_1493 = arith.index_cast %add3A_1482 : i32 to index
        %swap3A_1494 = tpu.vector_load %arg11[%swap3A_1493] {strides = array<i32>} : memref<40192xf32, #tpu.memory_space<vmem>>, vector<16xf32>,
        %swap3A_1495 = vector.shape_cast %swap3A_1494 : vector<16xf32> to vector<16xf32>
        %swap3A_1496 = vector.shape_cast %max3A_1492 : vector<16xf32> to vector<16xf32>
        tpu.vector_store %arg11[%swap3A_1493], %swap3A_1496 {strides = array<i32>} : memref<40192xf32, #tpu.memory_space<vmem>>, vector<16xf32>,
        %add3A_1497 = arith.constant 32 : i32
        %add3A_1498 = arith.addi %mul3A_1464, %add3A_1497 : i32
        %get3A_1499 = arith.index_cast %add3A_1498 : i32 to index
        %get3A_1500 = tpu.vector_load %arg11[%get3A_1499] {strides = array<i32>} : memref<40192xf32, #tpu.memory_space<vmem>>, vector<16xf32>,
        %get3A_1501 = vector.shape_cast %get3A_1500 : vector<16xf32> to vector<16xf32>
        %add3A_1502 = arith.constant 10 : i32
        %add3A_1503 = arith.addi %add3A_55, %add3A_1502 : i32
        %get3A_1504 = arith.index_cast %add3A_1503 : i32 to index
        %get3A_1505 = arith.constant 32 : index
        %get3A_1506 = tpu.vector_load %arg10[%get3A_1504, %get3A_1505] {strides = array<i32>} : memref<128x128xf32, #tpu.memory_space<vmem>>, vector<1x16xf32>,
        %get3A_1507 = vector.shape_cast %get3A_1506 : vector<1x16xf32> to vector<16xf32>
        %max3A_1508 = arith.maximumf %get3A_1501, %get3A_1507 : vector<16xf32>
        %swap3A_1509 = arith.index_cast %add3A_1498 : i32 to index
        %swap3A_1510 = tpu.vector_load %arg11[%swap3A_1509] {strides = array<i32>} : memref<40192xf32, #tpu.memory_space<vmem>>, vector<16xf32>,
        %swap3A_1511 = vector.shape_cast %swap3A_1510 : vector<16xf32> to vector<16xf32>
        %swap3A_1512 = vector.shape_cast %max3A_1508 : vector<16xf32> to vector<16xf32>
        tpu.vector_store %arg11[%swap3A_1509], %swap3A_1512 {strides = array<i32>} : memref<40192xf32, #tpu.memory_space<vmem>>, vector<16xf32>,
        %add3A_1513 = arith.constant 48 : i32
        %add3A_1514 = arith.addi %mul3A_1464, %add3A_1513 : i32
        %get3A_1515 = arith.index_cast %add3A_1514 : i32 to index
        %get3A_1516 = tpu.vector_load %arg11[%get3A_1515] {strides = array<i32>} : memref<40192xf32, #tpu.memory_space<vmem>>, vector<16xf32>,
        %get3A_1517 = vector.shape_cast %get3A_1516 : vector<16xf32> to vector<16xf32>
        %add3A_1518 = arith.constant 10 : i32
        %add3A_1519 = arith.addi %add3A_55, %add3A_1518 : i32
        %get3A_1520 = arith.index_cast %add3A_1519 : i32 to index
        %get3A_1521 = arith.constant 48 : index
        %get3A_1522 = tpu.vector_load %arg10[%get3A_1520, %get3A_1521] {strides = array<i32>} : memref<128x128xf32, #tpu.memory_space<vmem>>, vector<1x16xf32>,
        %get3A_1523 = vector.shape_cast %get3A_1522 : vector<1x16xf32> to vector<16xf32>
        %max3A_1524 = arith.maximumf %get3A_1517, %get3A_1523 : vector<16xf32>
        %swap3A_1525 = arith.index_cast %add3A_1514 : i32 to index
        %swap3A_1526 = tpu.vector_load %arg11[%swap3A_1525] {strides = array<i32>} : memref<40192xf32, #tpu.memory_space<vmem>>, vector<16xf32>,
        %swap3A_1527 = vector.shape_cast %swap3A_1526 : vector<16xf32> to vector<16xf32>
        %swap3A_1528 = vector.shape_cast %max3A_1524 : vector<16xf32> to vector<16xf32>
        tpu.vector_store %arg11[%swap3A_1525], %swap3A_1528 {strides = array<i32>} : memref<40192xf32, #tpu.memory_space<vmem>>, vector<16xf32>,
        %add3A_1529 = arith.constant 64 : i32
        %add3A_1530 = arith.addi %mul3A_1464, %add3A_1529 : i32
        %get3A_1531 = arith.index_cast %add3A_1530 : i32 to index
        %get3A_1532 = tpu.vector_load %arg11[%get3A_1531] {strides = array<i32>} : memref<40192xf32, #tpu.memory_space<vmem>>, vector<16xf32>,
        %get3A_1533 = vector.shape_cast %get3A_1532 : vector<16xf32> to vector<16xf32>
        %add3A_1534 = arith.constant 10 : i32
        %add3A_1535 = arith.addi %add3A_55, %add3A_1534 : i32
        %get3A_1536 = arith.index_cast %add3A_1535 : i32 to index
        %get3A_1537 = arith.constant 64 : index
        %get3A_1538 = tpu.vector_load %arg10[%get3A_1536, %get3A_1537] {strides = array<i32>} : memref<128x128xf32, #tpu.memory_space<vmem>>, vector<1x16xf32>,
        %get3A_1539 = vector.shape_cast %get3A_1538 : vector<1x16xf32> to vector<16xf32>
        %max3A_1540 = arith.maximumf %get3A_1533, %get3A_1539 : vector<16xf32>
        %swap3A_1541 = arith.index_cast %add3A_1530 : i32 to index
        %swap3A_1542 = tpu.vector_load %arg11[%swap3A_1541] {strides = array<i32>} : memref<40192xf32, #tpu.memory_space<vmem>>, vector<16xf32>,
        %swap3A_1543 = vector.shape_cast %swap3A_1542 : vector<16xf32> to vector<16xf32>
        %swap3A_1544 = vector.shape_cast %max3A_1540 : vector<16xf32> to vector<16xf32>
        tpu.vector_store %arg11[%swap3A_1541], %swap3A_1544 {strides = array<i32>} : memref<40192xf32, #tpu.memory_space<vmem>>, vector<16xf32>,
        %add3A_1545 = arith.constant 80 : i32
        %add3A_1546 = arith.addi %mul3A_1464, %add3A_1545 : i32
        %get3A_1547 = arith.index_cast %add3A_1546 : i32 to index
        %get3A_1548 = tpu.vector_load %arg11[%get3A_1547] {strides = array<i32>} : memref<40192xf32, #tpu.memory_space<vmem>>, vector<16xf32>,
        %get3A_1549 = vector.shape_cast %get3A_1548 : vector<16xf32> to vector<16xf32>
        %add3A_1550 = arith.constant 10 : i32
        %add3A_1551 = arith.addi %add3A_55, %add3A_1550 : i32
        %get3A_1552 = arith.index_cast %add3A_1551 : i32 to index
        %get3A_1553 = arith.constant 80 : index
        %get3A_1554 = tpu.vector_load %arg10[%get3A_1552, %get3A_1553] {strides = array<i32>} : memref<128x128xf32, #tpu.memory_space<vmem>>, vector<1x16xf32>,
        %get3A_1555 = vector.shape_cast %get3A_1554 : vector<1x16xf32> to vector<16xf32>
        %max3A_1556 = arith.maximumf %get3A_1549, %get3A_1555 : vector<16xf32>
        %swap3A_1557 = arith.index_cast %add3A_1546 : i32 to index
        %swap3A_1558 = tpu.vector_load %arg11[%swap3A_1557] {strides = array<i32>} : memref<40192xf32, #tpu.memory_space<vmem>>, vector<16xf32>,
        %swap3A_1559 = vector.shape_cast %swap3A_1558 : vector<16xf32> to vector<16xf32>
        %swap3A_1560 = vector.shape_cast %max3A_1556 : vector<16xf32> to vector<16xf32>
        tpu.vector_store %arg11[%swap3A_1557], %swap3A_1560 {strides = array<i32>} : memref<40192xf32, #tpu.memory_space<vmem>>, vector<16xf32>,
        %add3A_1561 = arith.constant 96 : i32
        %add3A_1562 = arith.addi %mul3A_1464, %add3A_1561 : i32
        %get3A_1563 = arith.index_cast %add3A_1562 : i32 to index
        %get3A_1564 = tpu.vector_load %arg11[%get3A_1563] {strides = array<i32>} : memref<40192xf32, #tpu.memory_space<vmem>>, vector<16xf32>,
        %get3A_1565 = vector.shape_cast %get3A_1564 : vector<16xf32> to vector<16xf32>
        %add3A_1566 = arith.constant 10 : i32
        %add3A_1567 = arith.addi %add3A_55, %add3A_1566 : i32
        %get3A_1568 = arith.index_cast %add3A_1567 : i32 to index
        %get3A_1569 = arith.constant 96 : index
        %get3A_1570 = tpu.vector_load %arg10[%get3A_1568, %get3A_1569] {strides = array<i32>} : memref<128x128xf32, #tpu.memory_space<vmem>>, vector<1x16xf32>,
        %get3A_1571 = vector.shape_cast %get3A_1570 : vector<1x16xf32> to vector<16xf32>
        %max3A_1572 = arith.maximumf %get3A_1565, %get3A_1571 : vector<16xf32>
        %swap3A_1573 = arith.index_cast %add3A_1562 : i32 to index
        %swap3A_1574 = tpu.vector_load %arg11[%swap3A_1573] {strides = array<i32>} : memref<40192xf32, #tpu.memory_space<vmem>>, vector<16xf32>,
        %swap3A_1575 = vector.shape_cast %swap3A_1574 : vector<16xf32> to vector<16xf32>
        %swap3A_1576 = vector.shape_cast %max3A_1572 : vector<16xf32> to vector<16xf32>
        tpu.vector_store %arg11[%swap3A_1573], %swap3A_1576 {strides = array<i32>} : memref<40192xf32, #tpu.memory_space<vmem>>, vector<16xf32>,
        %add3A_1577 = arith.constant 112 : i32
        %add3A_1578 = arith.addi %mul3A_1464, %add3A_1577 : i32
        %get3A_1579 = arith.index_cast %add3A_1578 : i32 to index
        %get3A_1580 = tpu.vector_load %arg11[%get3A_1579] {strides = array<i32>} : memref<40192xf32, #tpu.memory_space<vmem>>, vector<16xf32>,
        %get3A_1581 = vector.shape_cast %get3A_1580 : vector<16xf32> to vector<16xf32>
        %add3A_1582 = arith.constant 10 : i32
        %add3A_1583 = arith.addi %add3A_55, %add3A_1582 : i32
        %get3A_1584 = arith.index_cast %add3A_1583 : i32 to index
        %get3A_1585 = arith.constant 112 : index
        %get3A_1586 = tpu.vector_load %arg10[%get3A_1584, %get3A_1585] {strides = array<i32>} : memref<128x128xf32, #tpu.memory_space<vmem>>, vector<1x16xf32>,
        %get3A_1587 = vector.shape_cast %get3A_1586 : vector<1x16xf32> to vector<16xf32>
        %max3A_1588 = arith.maximumf %get3A_1581, %get3A_1587 : vector<16xf32>
        %swap3A_1589 = arith.index_cast %add3A_1578 : i32 to index
        %swap3A_1590 = tpu.vector_load %arg11[%swap3A_1589] {strides = array<i32>} : memref<40192xf32, #tpu.memory_space<vmem>>, vector<16xf32>,
        %swap3A_1591 = vector.shape_cast %swap3A_1590 : vector<16xf32> to vector<16xf32>
        %swap3A_1592 = vector.shape_cast %max3A_1588 : vector<16xf32> to vector<16xf32>
        tpu.vector_store %arg11[%swap3A_1589], %swap3A_1592 {strides = array<i32>} : memref<40192xf32, #tpu.memory_space<vmem>>, vector<16xf32>,
        %slice3A_1593 = vector.extract_strided_slice %get3A_58 {offsets = [11], sizes = [1], strides = [1]} : vector<16xi32> to vector<1xi32>
        %squeeze3A_1594 = vector.extract %slice3A_1593[0] : i32 from vector<1xi32>
        %sub3A_1595 = arith.subi %squeeze3A_1594, %mul3A_8 : i32
        %lt3A_1596 = arith.constant 0 : i32
        %lt3A_1597 = arith.cmpi slt, %sub3A_1595, %lt3A_1596 : i32
        %ge3A_1598 = arith.constant 313 : i32
        %ge3A_1599 = arith.cmpi sge, %sub3A_1595, %ge3A_1598 : i32
        %or3A_1600 = arith.ori %lt3A_1597, %ge3A_1599 : i1
        %select_n3A_1601 = arith.constant 313 : i32
        %select_n3A_1602 = arith.select %or3A_1600, %select_n3A_1601, %sub3A_1595 : i32
        %mul3A_1603 = arith.constant 128 : i32
        %mul3A_1604 = arith.muli %select_n3A_1602, %mul3A_1603 : i32
        %add3A_1605 = arith.constant 0 : i32
        %add3A_1606 = arith.addi %mul3A_1604, %add3A_1605 : i32
        %get3A_1607 = arith.index_cast %add3A_1606 : i32 to index
        %get3A_1608 = tpu.vector_load %arg11[%get3A_1607] {strides = array<i32>} : memref<40192xf32, #tpu.memory_space<vmem>>, vector<16xf32>,
        %get3A_1609 = vector.shape_cast %get3A_1608 : vector<16xf32> to vector<16xf32>
        %add3A_1610 = arith.constant 11 : i32
        %add3A_1611 = arith.addi %add3A_55, %add3A_1610 : i32
        %get3A_1612 = arith.index_cast %add3A_1611 : i32 to index
        %get3A_1613 = arith.constant 0 : index
        %get3A_1614 = tpu.vector_load %arg10[%get3A_1612, %get3A_1613] {strides = array<i32>} : memref<128x128xf32, #tpu.memory_space<vmem>>, vector<1x16xf32>,
        %get3A_1615 = vector.shape_cast %get3A_1614 : vector<1x16xf32> to vector<16xf32>
        %max3A_1616 = arith.maximumf %get3A_1609, %get3A_1615 : vector<16xf32>
        %swap3A_1617 = arith.index_cast %add3A_1606 : i32 to index
        %swap3A_1618 = tpu.vector_load %arg11[%swap3A_1617] {strides = array<i32>} : memref<40192xf32, #tpu.memory_space<vmem>>, vector<16xf32>,
        %swap3A_1619 = vector.shape_cast %swap3A_1618 : vector<16xf32> to vector<16xf32>
        %swap3A_1620 = vector.shape_cast %max3A_1616 : vector<16xf32> to vector<16xf32>
        tpu.vector_store %arg11[%swap3A_1617], %swap3A_1620 {strides = array<i32>} : memref<40192xf32, #tpu.memory_space<vmem>>, vector<16xf32>,
        %add3A_1621 = arith.constant 16 : i32
        %add3A_1622 = arith.addi %mul3A_1604, %add3A_1621 : i32
        %get3A_1623 = arith.index_cast %add3A_1622 : i32 to index
        %get3A_1624 = tpu.vector_load %arg11[%get3A_1623] {strides = array<i32>} : memref<40192xf32, #tpu.memory_space<vmem>>, vector<16xf32>,
        %get3A_1625 = vector.shape_cast %get3A_1624 : vector<16xf32> to vector<16xf32>
        %add3A_1626 = arith.constant 11 : i32
        %add3A_1627 = arith.addi %add3A_55, %add3A_1626 : i32
        %get3A_1628 = arith.index_cast %add3A_1627 : i32 to index
        %get3A_1629 = arith.constant 16 : index
        %get3A_1630 = tpu.vector_load %arg10[%get3A_1628, %get3A_1629] {strides = array<i32>} : memref<128x128xf32, #tpu.memory_space<vmem>>, vector<1x16xf32>,
        %get3A_1631 = vector.shape_cast %get3A_1630 : vector<1x16xf32> to vector<16xf32>
        %max3A_1632 = arith.maximumf %get3A_1625, %get3A_1631 : vector<16xf32>
        %swap3A_1633 = arith.index_cast %add3A_1622 : i32 to index
        %swap3A_1634 = tpu.vector_load %arg11[%swap3A_1633] {strides = array<i32>} : memref<40192xf32, #tpu.memory_space<vmem>>, vector<16xf32>,
        %swap3A_1635 = vector.shape_cast %swap3A_1634 : vector<16xf32> to vector<16xf32>
        %swap3A_1636 = vector.shape_cast %max3A_1632 : vector<16xf32> to vector<16xf32>
        tpu.vector_store %arg11[%swap3A_1633], %swap3A_1636 {strides = array<i32>} : memref<40192xf32, #tpu.memory_space<vmem>>, vector<16xf32>,
        %add3A_1637 = arith.constant 32 : i32
        %add3A_1638 = arith.addi %mul3A_1604, %add3A_1637 : i32
        %get3A_1639 = arith.index_cast %add3A_1638 : i32 to index
        %get3A_1640 = tpu.vector_load %arg11[%get3A_1639] {strides = array<i32>} : memref<40192xf32, #tpu.memory_space<vmem>>, vector<16xf32>,
        %get3A_1641 = vector.shape_cast %get3A_1640 : vector<16xf32> to vector<16xf32>
        %add3A_1642 = arith.constant 11 : i32
        %add3A_1643 = arith.addi %add3A_55, %add3A_1642 : i32
        %get3A_1644 = arith.index_cast %add3A_1643 : i32 to index
        %get3A_1645 = arith.constant 32 : index
        %get3A_1646 = tpu.vector_load %arg10[%get3A_1644, %get3A_1645] {strides = array<i32>} : memref<128x128xf32, #tpu.memory_space<vmem>>, vector<1x16xf32>,
        %get3A_1647 = vector.shape_cast %get3A_1646 : vector<1x16xf32> to vector<16xf32>
        %max3A_1648 = arith.maximumf %get3A_1641, %get3A_1647 : vector<16xf32>
        %swap3A_1649 = arith.index_cast %add3A_1638 : i32 to index
        %swap3A_1650 = tpu.vector_load %arg11[%swap3A_1649] {strides = array<i32>} : memref<40192xf32, #tpu.memory_space<vmem>>, vector<16xf32>,
        %swap3A_1651 = vector.shape_cast %swap3A_1650 : vector<16xf32> to vector<16xf32>
        %swap3A_1652 = vector.shape_cast %max3A_1648 : vector<16xf32> to vector<16xf32>
        tpu.vector_store %arg11[%swap3A_1649], %swap3A_1652 {strides = array<i32>} : memref<40192xf32, #tpu.memory_space<vmem>>, vector<16xf32>,
        %add3A_1653 = arith.constant 48 : i32
        %add3A_1654 = arith.addi %mul3A_1604, %add3A_1653 : i32
        %get3A_1655 = arith.index_cast %add3A_1654 : i32 to index
        %get3A_1656 = tpu.vector_load %arg11[%get3A_1655] {strides = array<i32>} : memref<40192xf32, #tpu.memory_space<vmem>>, vector<16xf32>,
        %get3A_1657 = vector.shape_cast %get3A_1656 : vector<16xf32> to vector<16xf32>
        %add3A_1658 = arith.constant 11 : i32
        %add3A_1659 = arith.addi %add3A_55, %add3A_1658 : i32
        %get3A_1660 = arith.index_cast %add3A_1659 : i32 to index
        %get3A_1661 = arith.constant 48 : index
        %get3A_1662 = tpu.vector_load %arg10[%get3A_1660, %get3A_1661] {strides = array<i32>} : memref<128x128xf32, #tpu.memory_space<vmem>>, vector<1x16xf32>,
        %get3A_1663 = vector.shape_cast %get3A_1662 : vector<1x16xf32> to vector<16xf32>
        %max3A_1664 = arith.maximumf %get3A_1657, %get3A_1663 : vector<16xf32>
        %swap3A_1665 = arith.index_cast %add3A_1654 : i32 to index
        %swap3A_1666 = tpu.vector_load %arg11[%swap3A_1665] {strides = array<i32>} : memref<40192xf32, #tpu.memory_space<vmem>>, vector<16xf32>,
        %swap3A_1667 = vector.shape_cast %swap3A_1666 : vector<16xf32> to vector<16xf32>
        %swap3A_1668 = vector.shape_cast %max3A_1664 : vector<16xf32> to vector<16xf32>
        tpu.vector_store %arg11[%swap3A_1665], %swap3A_1668 {strides = array<i32>} : memref<40192xf32, #tpu.memory_space<vmem>>, vector<16xf32>,
        %add3A_1669 = arith.constant 64 : i32
        %add3A_1670 = arith.addi %mul3A_1604, %add3A_1669 : i32
        %get3A_1671 = arith.index_cast %add3A_1670 : i32 to index
        %get3A_1672 = tpu.vector_load %arg11[%get3A_1671] {strides = array<i32>} : memref<40192xf32, #tpu.memory_space<vmem>>, vector<16xf32>,
        %get3A_1673 = vector.shape_cast %get3A_1672 : vector<16xf32> to vector<16xf32>
        %add3A_1674 = arith.constant 11 : i32
        %add3A_1675 = arith.addi %add3A_55, %add3A_1674 : i32
        %get3A_1676 = arith.index_cast %add3A_1675 : i32 to index
        %get3A_1677 = arith.constant 64 : index
        %get3A_1678 = tpu.vector_load %arg10[%get3A_1676, %get3A_1677] {strides = array<i32>} : memref<128x128xf32, #tpu.memory_space<vmem>>, vector<1x16xf32>,
        %get3A_1679 = vector.shape_cast %get3A_1678 : vector<1x16xf32> to vector<16xf32>
        %max3A_1680 = arith.maximumf %get3A_1673, %get3A_1679 : vector<16xf32>
        %swap3A_1681 = arith.index_cast %add3A_1670 : i32 to index
        %swap3A_1682 = tpu.vector_load %arg11[%swap3A_1681] {strides = array<i32>} : memref<40192xf32, #tpu.memory_space<vmem>>, vector<16xf32>,
        %swap3A_1683 = vector.shape_cast %swap3A_1682 : vector<16xf32> to vector<16xf32>
        %swap3A_1684 = vector.shape_cast %max3A_1680 : vector<16xf32> to vector<16xf32>
        tpu.vector_store %arg11[%swap3A_1681], %swap3A_1684 {strides = array<i32>} : memref<40192xf32, #tpu.memory_space<vmem>>, vector<16xf32>,
        %add3A_1685 = arith.constant 80 : i32
        %add3A_1686 = arith.addi %mul3A_1604, %add3A_1685 : i32
        %get3A_1687 = arith.index_cast %add3A_1686 : i32 to index
        %get3A_1688 = tpu.vector_load %arg11[%get3A_1687] {strides = array<i32>} : memref<40192xf32, #tpu.memory_space<vmem>>, vector<16xf32>,
        %get3A_1689 = vector.shape_cast %get3A_1688 : vector<16xf32> to vector<16xf32>
        %add3A_1690 = arith.constant 11 : i32
        %add3A_1691 = arith.addi %add3A_55, %add3A_1690 : i32
        %get3A_1692 = arith.index_cast %add3A_1691 : i32 to index
        %get3A_1693 = arith.constant 80 : index
        %get3A_1694 = tpu.vector_load %arg10[%get3A_1692, %get3A_1693] {strides = array<i32>} : memref<128x128xf32, #tpu.memory_space<vmem>>, vector<1x16xf32>,
        %get3A_1695 = vector.shape_cast %get3A_1694 : vector<1x16xf32> to vector<16xf32>
        %max3A_1696 = arith.maximumf %get3A_1689, %get3A_1695 : vector<16xf32>
        %swap3A_1697 = arith.index_cast %add3A_1686 : i32 to index
        %swap3A_1698 = tpu.vector_load %arg11[%swap3A_1697] {strides = array<i32>} : memref<40192xf32, #tpu.memory_space<vmem>>, vector<16xf32>,
        %swap3A_1699 = vector.shape_cast %swap3A_1698 : vector<16xf32> to vector<16xf32>
        %swap3A_1700 = vector.shape_cast %max3A_1696 : vector<16xf32> to vector<16xf32>
        tpu.vector_store %arg11[%swap3A_1697], %swap3A_1700 {strides = array<i32>} : memref<40192xf32, #tpu.memory_space<vmem>>, vector<16xf32>,
        %add3A_1701 = arith.constant 96 : i32
        %add3A_1702 = arith.addi %mul3A_1604, %add3A_1701 : i32
        %get3A_1703 = arith.index_cast %add3A_1702 : i32 to index
        %get3A_1704 = tpu.vector_load %arg11[%get3A_1703] {strides = array<i32>} : memref<40192xf32, #tpu.memory_space<vmem>>, vector<16xf32>,
        %get3A_1705 = vector.shape_cast %get3A_1704 : vector<16xf32> to vector<16xf32>
        %add3A_1706 = arith.constant 11 : i32
        %add3A_1707 = arith.addi %add3A_55, %add3A_1706 : i32
        %get3A_1708 = arith.index_cast %add3A_1707 : i32 to index
        %get3A_1709 = arith.constant 96 : index
        %get3A_1710 = tpu.vector_load %arg10[%get3A_1708, %get3A_1709] {strides = array<i32>} : memref<128x128xf32, #tpu.memory_space<vmem>>, vector<1x16xf32>,
        %get3A_1711 = vector.shape_cast %get3A_1710 : vector<1x16xf32> to vector<16xf32>
        %max3A_1712 = arith.maximumf %get3A_1705, %get3A_1711 : vector<16xf32>
        %swap3A_1713 = arith.index_cast %add3A_1702 : i32 to index
        %swap3A_1714 = tpu.vector_load %arg11[%swap3A_1713] {strides = array<i32>} : memref<40192xf32, #tpu.memory_space<vmem>>, vector<16xf32>,
        %swap3A_1715 = vector.shape_cast %swap3A_1714 : vector<16xf32> to vector<16xf32>
        %swap3A_1716 = vector.shape_cast %max3A_1712 : vector<16xf32> to vector<16xf32>
        tpu.vector_store %arg11[%swap3A_1713], %swap3A_1716 {strides = array<i32>} : memref<40192xf32, #tpu.memory_space<vmem>>, vector<16xf32>,
        %add3A_1717 = arith.constant 112 : i32
        %add3A_1718 = arith.addi %mul3A_1604, %add3A_1717 : i32
        %get3A_1719 = arith.index_cast %add3A_1718 : i32 to index
        %get3A_1720 = tpu.vector_load %arg11[%get3A_1719] {strides = array<i32>} : memref<40192xf32, #tpu.memory_space<vmem>>, vector<16xf32>,
        %get3A_1721 = vector.shape_cast %get3A_1720 : vector<16xf32> to vector<16xf32>
        %add3A_1722 = arith.constant 11 : i32
        %add3A_1723 = arith.addi %add3A_55, %add3A_1722 : i32
        %get3A_1724 = arith.index_cast %add3A_1723 : i32 to index
        %get3A_1725 = arith.constant 112 : index
        %get3A_1726 = tpu.vector_load %arg10[%get3A_1724, %get3A_1725] {strides = array<i32>} : memref<128x128xf32, #tpu.memory_space<vmem>>, vector<1x16xf32>,
        %get3A_1727 = vector.shape_cast %get3A_1726 : vector<1x16xf32> to vector<16xf32>
        %max3A_1728 = arith.maximumf %get3A_1721, %get3A_1727 : vector<16xf32>
        %swap3A_1729 = arith.index_cast %add3A_1718 : i32 to index
        %swap3A_1730 = tpu.vector_load %arg11[%swap3A_1729] {strides = array<i32>} : memref<40192xf32, #tpu.memory_space<vmem>>, vector<16xf32>,
        %swap3A_1731 = vector.shape_cast %swap3A_1730 : vector<16xf32> to vector<16xf32>
        %swap3A_1732 = vector.shape_cast %max3A_1728 : vector<16xf32> to vector<16xf32>
        tpu.vector_store %arg11[%swap3A_1729], %swap3A_1732 {strides = array<i32>} : memref<40192xf32, #tpu.memory_space<vmem>>, vector<16xf32>,
        %slice3A_1733 = vector.extract_strided_slice %get3A_58 {offsets = [12], sizes = [1], strides = [1]} : vector<16xi32> to vector<1xi32>
        %squeeze3A_1734 = vector.extract %slice3A_1733[0] : i32 from vector<1xi32>
        %sub3A_1735 = arith.subi %squeeze3A_1734, %mul3A_8 : i32
        %lt3A_1736 = arith.constant 0 : i32
        %lt3A_1737 = arith.cmpi slt, %sub3A_1735, %lt3A_1736 : i32
        %ge3A_1738 = arith.constant 313 : i32
        %ge3A_1739 = arith.cmpi sge, %sub3A_1735, %ge3A_1738 : i32
        %or3A_1740 = arith.ori %lt3A_1737, %ge3A_1739 : i1
        %select_n3A_1741 = arith.constant 313 : i32
        %select_n3A_1742 = arith.select %or3A_1740, %select_n3A_1741, %sub3A_1735 : i32
        %mul3A_1743 = arith.constant 128 : i32
        %mul3A_1744 = arith.muli %select_n3A_1742, %mul3A_1743 : i32
        %add3A_1745 = arith.constant 0 : i32
        %add3A_1746 = arith.addi %mul3A_1744, %add3A_1745 : i32
        %get3A_1747 = arith.index_cast %add3A_1746 : i32 to index
        %get3A_1748 = tpu.vector_load %arg11[%get3A_1747] {strides = array<i32>} : memref<40192xf32, #tpu.memory_space<vmem>>, vector<16xf32>,
        %get3A_1749 = vector.shape_cast %get3A_1748 : vector<16xf32> to vector<16xf32>
        %add3A_1750 = arith.constant 12 : i32
        %add3A_1751 = arith.addi %add3A_55, %add3A_1750 : i32
        %get3A_1752 = arith.index_cast %add3A_1751 : i32 to index
        %get3A_1753 = arith.constant 0 : index
        %get3A_1754 = tpu.vector_load %arg10[%get3A_1752, %get3A_1753] {strides = array<i32>} : memref<128x128xf32, #tpu.memory_space<vmem>>, vector<1x16xf32>,
        %get3A_1755 = vector.shape_cast %get3A_1754 : vector<1x16xf32> to vector<16xf32>
        %max3A_1756 = arith.maximumf %get3A_1749, %get3A_1755 : vector<16xf32>
        %swap3A_1757 = arith.index_cast %add3A_1746 : i32 to index
        %swap3A_1758 = tpu.vector_load %arg11[%swap3A_1757] {strides = array<i32>} : memref<40192xf32, #tpu.memory_space<vmem>>, vector<16xf32>,
        %swap3A_1759 = vector.shape_cast %swap3A_1758 : vector<16xf32> to vector<16xf32>
        %swap3A_1760 = vector.shape_cast %max3A_1756 : vector<16xf32> to vector<16xf32>
        tpu.vector_store %arg11[%swap3A_1757], %swap3A_1760 {strides = array<i32>} : memref<40192xf32, #tpu.memory_space<vmem>>, vector<16xf32>,
        %add3A_1761 = arith.constant 16 : i32
        %add3A_1762 = arith.addi %mul3A_1744, %add3A_1761 : i32
        %get3A_1763 = arith.index_cast %add3A_1762 : i32 to index
        %get3A_1764 = tpu.vector_load %arg11[%get3A_1763] {strides = array<i32>} : memref<40192xf32, #tpu.memory_space<vmem>>, vector<16xf32>,
        %get3A_1765 = vector.shape_cast %get3A_1764 : vector<16xf32> to vector<16xf32>
        %add3A_1766 = arith.constant 12 : i32
        %add3A_1767 = arith.addi %add3A_55, %add3A_1766 : i32
        %get3A_1768 = arith.index_cast %add3A_1767 : i32 to index
        %get3A_1769 = arith.constant 16 : index
        %get3A_1770 = tpu.vector_load %arg10[%get3A_1768, %get3A_1769] {strides = array<i32>} : memref<128x128xf32, #tpu.memory_space<vmem>>, vector<1x16xf32>,
        %get3A_1771 = vector.shape_cast %get3A_1770 : vector<1x16xf32> to vector<16xf32>
        %max3A_1772 = arith.maximumf %get3A_1765, %get3A_1771 : vector<16xf32>
        %swap3A_1773 = arith.index_cast %add3A_1762 : i32 to index
        %swap3A_1774 = tpu.vector_load %arg11[%swap3A_1773] {strides = array<i32>} : memref<40192xf32, #tpu.memory_space<vmem>>, vector<16xf32>,
        %swap3A_1775 = vector.shape_cast %swap3A_1774 : vector<16xf32> to vector<16xf32>
        %swap3A_1776 = vector.shape_cast %max3A_1772 : vector<16xf32> to vector<16xf32>
        tpu.vector_store %arg11[%swap3A_1773], %swap3A_1776 {strides = array<i32>} : memref<40192xf32, #tpu.memory_space<vmem>>, vector<16xf32>,
        %add3A_1777 = arith.constant 32 : i32
        %add3A_1778 = arith.addi %mul3A_1744, %add3A_1777 : i32
        %get3A_1779 = arith.index_cast %add3A_1778 : i32 to index
        %get3A_1780 = tpu.vector_load %arg11[%get3A_1779] {strides = array<i32>} : memref<40192xf32, #tpu.memory_space<vmem>>, vector<16xf32>,
        %get3A_1781 = vector.shape_cast %get3A_1780 : vector<16xf32> to vector<16xf32>
        %add3A_1782 = arith.constant 12 : i32
        %add3A_1783 = arith.addi %add3A_55, %add3A_1782 : i32
        %get3A_1784 = arith.index_cast %add3A_1783 : i32 to index
        %get3A_1785 = arith.constant 32 : index
        %get3A_1786 = tpu.vector_load %arg10[%get3A_1784, %get3A_1785] {strides = array<i32>} : memref<128x128xf32, #tpu.memory_space<vmem>>, vector<1x16xf32>,
        %get3A_1787 = vector.shape_cast %get3A_1786 : vector<1x16xf32> to vector<16xf32>
        %max3A_1788 = arith.maximumf %get3A_1781, %get3A_1787 : vector<16xf32>
        %swap3A_1789 = arith.index_cast %add3A_1778 : i32 to index
        %swap3A_1790 = tpu.vector_load %arg11[%swap3A_1789] {strides = array<i32>} : memref<40192xf32, #tpu.memory_space<vmem>>, vector<16xf32>,
        %swap3A_1791 = vector.shape_cast %swap3A_1790 : vector<16xf32> to vector<16xf32>
        %swap3A_1792 = vector.shape_cast %max3A_1788 : vector<16xf32> to vector<16xf32>
        tpu.vector_store %arg11[%swap3A_1789], %swap3A_1792 {strides = array<i32>} : memref<40192xf32, #tpu.memory_space<vmem>>, vector<16xf32>,
        %add3A_1793 = arith.constant 48 : i32
        %add3A_1794 = arith.addi %mul3A_1744, %add3A_1793 : i32
        %get3A_1795 = arith.index_cast %add3A_1794 : i32 to index
        %get3A_1796 = tpu.vector_load %arg11[%get3A_1795] {strides = array<i32>} : memref<40192xf32, #tpu.memory_space<vmem>>, vector<16xf32>,
        %get3A_1797 = vector.shape_cast %get3A_1796 : vector<16xf32> to vector<16xf32>
        %add3A_1798 = arith.constant 12 : i32
        %add3A_1799 = arith.addi %add3A_55, %add3A_1798 : i32
        %get3A_1800 = arith.index_cast %add3A_1799 : i32 to index
        %get3A_1801 = arith.constant 48 : index
        %get3A_1802 = tpu.vector_load %arg10[%get3A_1800, %get3A_1801] {strides = array<i32>} : memref<128x128xf32, #tpu.memory_space<vmem>>, vector<1x16xf32>,
        %get3A_1803 = vector.shape_cast %get3A_1802 : vector<1x16xf32> to vector<16xf32>
        %max3A_1804 = arith.maximumf %get3A_1797, %get3A_1803 : vector<16xf32>
        %swap3A_1805 = arith.index_cast %add3A_1794 : i32 to index
        %swap3A_1806 = tpu.vector_load %arg11[%swap3A_1805] {strides = array<i32>} : memref<40192xf32, #tpu.memory_space<vmem>>, vector<16xf32>,
        %swap3A_1807 = vector.shape_cast %swap3A_1806 : vector<16xf32> to vector<16xf32>
        %swap3A_1808 = vector.shape_cast %max3A_1804 : vector<16xf32> to vector<16xf32>
        tpu.vector_store %arg11[%swap3A_1805], %swap3A_1808 {strides = array<i32>} : memref<40192xf32, #tpu.memory_space<vmem>>, vector<16xf32>,
        %add3A_1809 = arith.constant 64 : i32
        %add3A_1810 = arith.addi %mul3A_1744, %add3A_1809 : i32
        %get3A_1811 = arith.index_cast %add3A_1810 : i32 to index
        %get3A_1812 = tpu.vector_load %arg11[%get3A_1811] {strides = array<i32>} : memref<40192xf32, #tpu.memory_space<vmem>>, vector<16xf32>,
        %get3A_1813 = vector.shape_cast %get3A_1812 : vector<16xf32> to vector<16xf32>
        %add3A_1814 = arith.constant 12 : i32
        %add3A_1815 = arith.addi %add3A_55, %add3A_1814 : i32
        %get3A_1816 = arith.index_cast %add3A_1815 : i32 to index
        %get3A_1817 = arith.constant 64 : index
        %get3A_1818 = tpu.vector_load %arg10[%get3A_1816, %get3A_1817] {strides = array<i32>} : memref<128x128xf32, #tpu.memory_space<vmem>>, vector<1x16xf32>,
        %get3A_1819 = vector.shape_cast %get3A_1818 : vector<1x16xf32> to vector<16xf32>
        %max3A_1820 = arith.maximumf %get3A_1813, %get3A_1819 : vector<16xf32>
        %swap3A_1821 = arith.index_cast %add3A_1810 : i32 to index
        %swap3A_1822 = tpu.vector_load %arg11[%swap3A_1821] {strides = array<i32>} : memref<40192xf32, #tpu.memory_space<vmem>>, vector<16xf32>,
        %swap3A_1823 = vector.shape_cast %swap3A_1822 : vector<16xf32> to vector<16xf32>
        %swap3A_1824 = vector.shape_cast %max3A_1820 : vector<16xf32> to vector<16xf32>
        tpu.vector_store %arg11[%swap3A_1821], %swap3A_1824 {strides = array<i32>} : memref<40192xf32, #tpu.memory_space<vmem>>, vector<16xf32>,
        %add3A_1825 = arith.constant 80 : i32
        %add3A_1826 = arith.addi %mul3A_1744, %add3A_1825 : i32
        %get3A_1827 = arith.index_cast %add3A_1826 : i32 to index
        %get3A_1828 = tpu.vector_load %arg11[%get3A_1827] {strides = array<i32>} : memref<40192xf32, #tpu.memory_space<vmem>>, vector<16xf32>,
        %get3A_1829 = vector.shape_cast %get3A_1828 : vector<16xf32> to vector<16xf32>
        %add3A_1830 = arith.constant 12 : i32
        %add3A_1831 = arith.addi %add3A_55, %add3A_1830 : i32
        %get3A_1832 = arith.index_cast %add3A_1831 : i32 to index
        %get3A_1833 = arith.constant 80 : index
        %get3A_1834 = tpu.vector_load %arg10[%get3A_1832, %get3A_1833] {strides = array<i32>} : memref<128x128xf32, #tpu.memory_space<vmem>>, vector<1x16xf32>,
        %get3A_1835 = vector.shape_cast %get3A_1834 : vector<1x16xf32> to vector<16xf32>
        %max3A_1836 = arith.maximumf %get3A_1829, %get3A_1835 : vector<16xf32>
        %swap3A_1837 = arith.index_cast %add3A_1826 : i32 to index
        %swap3A_1838 = tpu.vector_load %arg11[%swap3A_1837] {strides = array<i32>} : memref<40192xf32, #tpu.memory_space<vmem>>, vector<16xf32>,
        %swap3A_1839 = vector.shape_cast %swap3A_1838 : vector<16xf32> to vector<16xf32>
        %swap3A_1840 = vector.shape_cast %max3A_1836 : vector<16xf32> to vector<16xf32>
        tpu.vector_store %arg11[%swap3A_1837], %swap3A_1840 {strides = array<i32>} : memref<40192xf32, #tpu.memory_space<vmem>>, vector<16xf32>,
        %add3A_1841 = arith.constant 96 : i32
        %add3A_1842 = arith.addi %mul3A_1744, %add3A_1841 : i32
        %get3A_1843 = arith.index_cast %add3A_1842 : i32 to index
        %get3A_1844 = tpu.vector_load %arg11[%get3A_1843] {strides = array<i32>} : memref<40192xf32, #tpu.memory_space<vmem>>, vector<16xf32>,
        %get3A_1845 = vector.shape_cast %get3A_1844 : vector<16xf32> to vector<16xf32>
        %add3A_1846 = arith.constant 12 : i32
        %add3A_1847 = arith.addi %add3A_55, %add3A_1846 : i32
        %get3A_1848 = arith.index_cast %add3A_1847 : i32 to index
        %get3A_1849 = arith.constant 96 : index
        %get3A_1850 = tpu.vector_load %arg10[%get3A_1848, %get3A_1849] {strides = array<i32>} : memref<128x128xf32, #tpu.memory_space<vmem>>, vector<1x16xf32>,
        %get3A_1851 = vector.shape_cast %get3A_1850 : vector<1x16xf32> to vector<16xf32>
        %max3A_1852 = arith.maximumf %get3A_1845, %get3A_1851 : vector<16xf32>
        %swap3A_1853 = arith.index_cast %add3A_1842 : i32 to index
        %swap3A_1854 = tpu.vector_load %arg11[%swap3A_1853] {strides = array<i32>} : memref<40192xf32, #tpu.memory_space<vmem>>, vector<16xf32>,
        %swap3A_1855 = vector.shape_cast %swap3A_1854 : vector<16xf32> to vector<16xf32>
        %swap3A_1856 = vector.shape_cast %max3A_1852 : vector<16xf32> to vector<16xf32>
        tpu.vector_store %arg11[%swap3A_1853], %swap3A_1856 {strides = array<i32>} : memref<40192xf32, #tpu.memory_space<vmem>>, vector<16xf32>,
        %add3A_1857 = arith.constant 112 : i32
        %add3A_1858 = arith.addi %mul3A_1744, %add3A_1857 : i32
        %get3A_1859 = arith.index_cast %add3A_1858 : i32 to index
        %get3A_1860 = tpu.vector_load %arg11[%get3A_1859] {strides = array<i32>} : memref<40192xf32, #tpu.memory_space<vmem>>, vector<16xf32>,
        %get3A_1861 = vector.shape_cast %get3A_1860 : vector<16xf32> to vector<16xf32>
        %add3A_1862 = arith.constant 12 : i32
        %add3A_1863 = arith.addi %add3A_55, %add3A_1862 : i32
        %get3A_1864 = arith.index_cast %add3A_1863 : i32 to index
        %get3A_1865 = arith.constant 112 : index
        %get3A_1866 = tpu.vector_load %arg10[%get3A_1864, %get3A_1865] {strides = array<i32>} : memref<128x128xf32, #tpu.memory_space<vmem>>, vector<1x16xf32>,
        %get3A_1867 = vector.shape_cast %get3A_1866 : vector<1x16xf32> to vector<16xf32>
        %max3A_1868 = arith.maximumf %get3A_1861, %get3A_1867 : vector<16xf32>
        %swap3A_1869 = arith.index_cast %add3A_1858 : i32 to index
        %swap3A_1870 = tpu.vector_load %arg11[%swap3A_1869] {strides = array<i32>} : memref<40192xf32, #tpu.memory_space<vmem>>, vector<16xf32>,
        %swap3A_1871 = vector.shape_cast %swap3A_1870 : vector<16xf32> to vector<16xf32>
        %swap3A_1872 = vector.shape_cast %max3A_1868 : vector<16xf32> to vector<16xf32>
        tpu.vector_store %arg11[%swap3A_1869], %swap3A_1872 {strides = array<i32>} : memref<40192xf32, #tpu.memory_space<vmem>>, vector<16xf32>,
        %slice3A_1873 = vector.extract_strided_slice %get3A_58 {offsets = [13], sizes = [1], strides = [1]} : vector<16xi32> to vector<1xi32>
        %squeeze3A_1874 = vector.extract %slice3A_1873[0] : i32 from vector<1xi32>
        %sub3A_1875 = arith.subi %squeeze3A_1874, %mul3A_8 : i32
        %lt3A_1876 = arith.constant 0 : i32
        %lt3A_1877 = arith.cmpi slt, %sub3A_1875, %lt3A_1876 : i32
        %ge3A_1878 = arith.constant 313 : i32
        %ge3A_1879 = arith.cmpi sge, %sub3A_1875, %ge3A_1878 : i32
        %or3A_1880 = arith.ori %lt3A_1877, %ge3A_1879 : i1
        %select_n3A_1881 = arith.constant 313 : i32
        %select_n3A_1882 = arith.select %or3A_1880, %select_n3A_1881, %sub3A_1875 : i32
        %mul3A_1883 = arith.constant 128 : i32
        %mul3A_1884 = arith.muli %select_n3A_1882, %mul3A_1883 : i32
        %add3A_1885 = arith.constant 0 : i32
        %add3A_1886 = arith.addi %mul3A_1884, %add3A_1885 : i32
        %get3A_1887 = arith.index_cast %add3A_1886 : i32 to index
        %get3A_1888 = tpu.vector_load %arg11[%get3A_1887] {strides = array<i32>} : memref<40192xf32, #tpu.memory_space<vmem>>, vector<16xf32>,
        %get3A_1889 = vector.shape_cast %get3A_1888 : vector<16xf32> to vector<16xf32>
        %add3A_1890 = arith.constant 13 : i32
        %add3A_1891 = arith.addi %add3A_55, %add3A_1890 : i32
        %get3A_1892 = arith.index_cast %add3A_1891 : i32 to index
        %get3A_1893 = arith.constant 0 : index
        %get3A_1894 = tpu.vector_load %arg10[%get3A_1892, %get3A_1893] {strides = array<i32>} : memref<128x128xf32, #tpu.memory_space<vmem>>, vector<1x16xf32>,
        %get3A_1895 = vector.shape_cast %get3A_1894 : vector<1x16xf32> to vector<16xf32>
        %max3A_1896 = arith.maximumf %get3A_1889, %get3A_1895 : vector<16xf32>
        %swap3A_1897 = arith.index_cast %add3A_1886 : i32 to index
        %swap3A_1898 = tpu.vector_load %arg11[%swap3A_1897] {strides = array<i32>} : memref<40192xf32, #tpu.memory_space<vmem>>, vector<16xf32>,
        %swap3A_1899 = vector.shape_cast %swap3A_1898 : vector<16xf32> to vector<16xf32>
        %swap3A_1900 = vector.shape_cast %max3A_1896 : vector<16xf32> to vector<16xf32>
        tpu.vector_store %arg11[%swap3A_1897], %swap3A_1900 {strides = array<i32>} : memref<40192xf32, #tpu.memory_space<vmem>>, vector<16xf32>,
        %add3A_1901 = arith.constant 16 : i32
        %add3A_1902 = arith.addi %mul3A_1884, %add3A_1901 : i32
        %get3A_1903 = arith.index_cast %add3A_1902 : i32 to index
        %get3A_1904 = tpu.vector_load %arg11[%get3A_1903] {strides = array<i32>} : memref<40192xf32, #tpu.memory_space<vmem>>, vector<16xf32>,
        %get3A_1905 = vector.shape_cast %get3A_1904 : vector<16xf32> to vector<16xf32>
        %add3A_1906 = arith.constant 13 : i32
        %add3A_1907 = arith.addi %add3A_55, %add3A_1906 : i32
        %get3A_1908 = arith.index_cast %add3A_1907 : i32 to index
        %get3A_1909 = arith.constant 16 : index
        %get3A_1910 = tpu.vector_load %arg10[%get3A_1908, %get3A_1909] {strides = array<i32>} : memref<128x128xf32, #tpu.memory_space<vmem>>, vector<1x16xf32>,
        %get3A_1911 = vector.shape_cast %get3A_1910 : vector<1x16xf32> to vector<16xf32>
        %max3A_1912 = arith.maximumf %get3A_1905, %get3A_1911 : vector<16xf32>
        %swap3A_1913 = arith.index_cast %add3A_1902 : i32 to index
        %swap3A_1914 = tpu.vector_load %arg11[%swap3A_1913] {strides = array<i32>} : memref<40192xf32, #tpu.memory_space<vmem>>, vector<16xf32>,
        %swap3A_1915 = vector.shape_cast %swap3A_1914 : vector<16xf32> to vector<16xf32>
        %swap3A_1916 = vector.shape_cast %max3A_1912 : vector<16xf32> to vector<16xf32>
        tpu.vector_store %arg11[%swap3A_1913], %swap3A_1916 {strides = array<i32>} : memref<40192xf32, #tpu.memory_space<vmem>>, vector<16xf32>,
        %add3A_1917 = arith.constant 32 : i32
        %add3A_1918 = arith.addi %mul3A_1884, %add3A_1917 : i32
        %get3A_1919 = arith.index_cast %add3A_1918 : i32 to index
        %get3A_1920 = tpu.vector_load %arg11[%get3A_1919] {strides = array<i32>} : memref<40192xf32, #tpu.memory_space<vmem>>, vector<16xf32>,
        %get3A_1921 = vector.shape_cast %get3A_1920 : vector<16xf32> to vector<16xf32>
        %add3A_1922 = arith.constant 13 : i32
        %add3A_1923 = arith.addi %add3A_55, %add3A_1922 : i32
        %get3A_1924 = arith.index_cast %add3A_1923 : i32 to index
        %get3A_1925 = arith.constant 32 : index
        %get3A_1926 = tpu.vector_load %arg10[%get3A_1924, %get3A_1925] {strides = array<i32>} : memref<128x128xf32, #tpu.memory_space<vmem>>, vector<1x16xf32>,
        %get3A_1927 = vector.shape_cast %get3A_1926 : vector<1x16xf32> to vector<16xf32>
        %max3A_1928 = arith.maximumf %get3A_1921, %get3A_1927 : vector<16xf32>
        %swap3A_1929 = arith.index_cast %add3A_1918 : i32 to index
        %swap3A_1930 = tpu.vector_load %arg11[%swap3A_1929] {strides = array<i32>} : memref<40192xf32, #tpu.memory_space<vmem>>, vector<16xf32>,
        %swap3A_1931 = vector.shape_cast %swap3A_1930 : vector<16xf32> to vector<16xf32>
        %swap3A_1932 = vector.shape_cast %max3A_1928 : vector<16xf32> to vector<16xf32>
        tpu.vector_store %arg11[%swap3A_1929], %swap3A_1932 {strides = array<i32>} : memref<40192xf32, #tpu.memory_space<vmem>>, vector<16xf32>,
        %add3A_1933 = arith.constant 48 : i32
        %add3A_1934 = arith.addi %mul3A_1884, %add3A_1933 : i32
        %get3A_1935 = arith.index_cast %add3A_1934 : i32 to index
        %get3A_1936 = tpu.vector_load %arg11[%get3A_1935] {strides = array<i32>} : memref<40192xf32, #tpu.memory_space<vmem>>, vector<16xf32>,
        %get3A_1937 = vector.shape_cast %get3A_1936 : vector<16xf32> to vector<16xf32>
        %add3A_1938 = arith.constant 13 : i32
        %add3A_1939 = arith.addi %add3A_55, %add3A_1938 : i32
        %get3A_1940 = arith.index_cast %add3A_1939 : i32 to index
        %get3A_1941 = arith.constant 48 : index
        %get3A_1942 = tpu.vector_load %arg10[%get3A_1940, %get3A_1941] {strides = array<i32>} : memref<128x128xf32, #tpu.memory_space<vmem>>, vector<1x16xf32>,
        %get3A_1943 = vector.shape_cast %get3A_1942 : vector<1x16xf32> to vector<16xf32>
        %max3A_1944 = arith.maximumf %get3A_1937, %get3A_1943 : vector<16xf32>
        %swap3A_1945 = arith.index_cast %add3A_1934 : i32 to index
        %swap3A_1946 = tpu.vector_load %arg11[%swap3A_1945] {strides = array<i32>} : memref<40192xf32, #tpu.memory_space<vmem>>, vector<16xf32>,
        %swap3A_1947 = vector.shape_cast %swap3A_1946 : vector<16xf32> to vector<16xf32>
        %swap3A_1948 = vector.shape_cast %max3A_1944 : vector<16xf32> to vector<16xf32>
        tpu.vector_store %arg11[%swap3A_1945], %swap3A_1948 {strides = array<i32>} : memref<40192xf32, #tpu.memory_space<vmem>>, vector<16xf32>,
        %add3A_1949 = arith.constant 64 : i32
        %add3A_1950 = arith.addi %mul3A_1884, %add3A_1949 : i32
        %get3A_1951 = arith.index_cast %add3A_1950 : i32 to index
        %get3A_1952 = tpu.vector_load %arg11[%get3A_1951] {strides = array<i32>} : memref<40192xf32, #tpu.memory_space<vmem>>, vector<16xf32>,
        %get3A_1953 = vector.shape_cast %get3A_1952 : vector<16xf32> to vector<16xf32>
        %add3A_1954 = arith.constant 13 : i32
        %add3A_1955 = arith.addi %add3A_55, %add3A_1954 : i32
        %get3A_1956 = arith.index_cast %add3A_1955 : i32 to index
        %get3A_1957 = arith.constant 64 : index
        %get3A_1958 = tpu.vector_load %arg10[%get3A_1956, %get3A_1957] {strides = array<i32>} : memref<128x128xf32, #tpu.memory_space<vmem>>, vector<1x16xf32>,
        %get3A_1959 = vector.shape_cast %get3A_1958 : vector<1x16xf32> to vector<16xf32>
        %max3A_1960 = arith.maximumf %get3A_1953, %get3A_1959 : vector<16xf32>
        %swap3A_1961 = arith.index_cast %add3A_1950 : i32 to index
        %swap3A_1962 = tpu.vector_load %arg11[%swap3A_1961] {strides = array<i32>} : memref<40192xf32, #tpu.memory_space<vmem>>, vector<16xf32>,
        %swap3A_1963 = vector.shape_cast %swap3A_1962 : vector<16xf32> to vector<16xf32>
        %swap3A_1964 = vector.shape_cast %max3A_1960 : vector<16xf32> to vector<16xf32>
        tpu.vector_store %arg11[%swap3A_1961], %swap3A_1964 {strides = array<i32>} : memref<40192xf32, #tpu.memory_space<vmem>>, vector<16xf32>,
        %add3A_1965 = arith.constant 80 : i32
        %add3A_1966 = arith.addi %mul3A_1884, %add3A_1965 : i32
        %get3A_1967 = arith.index_cast %add3A_1966 : i32 to index
        %get3A_1968 = tpu.vector_load %arg11[%get3A_1967] {strides = array<i32>} : memref<40192xf32, #tpu.memory_space<vmem>>, vector<16xf32>,
        %get3A_1969 = vector.shape_cast %get3A_1968 : vector<16xf32> to vector<16xf32>
        %add3A_1970 = arith.constant 13 : i32
        %add3A_1971 = arith.addi %add3A_55, %add3A_1970 : i32
        %get3A_1972 = arith.index_cast %add3A_1971 : i32 to index
        %get3A_1973 = arith.constant 80 : index
        %get3A_1974 = tpu.vector_load %arg10[%get3A_1972, %get3A_1973] {strides = array<i32>} : memref<128x128xf32, #tpu.memory_space<vmem>>, vector<1x16xf32>,
        %get3A_1975 = vector.shape_cast %get3A_1974 : vector<1x16xf32> to vector<16xf32>
        %max3A_1976 = arith.maximumf %get3A_1969, %get3A_1975 : vector<16xf32>
        %swap3A_1977 = arith.index_cast %add3A_1966 : i32 to index
        %swap3A_1978 = tpu.vector_load %arg11[%swap3A_1977] {strides = array<i32>} : memref<40192xf32, #tpu.memory_space<vmem>>, vector<16xf32>,
        %swap3A_1979 = vector.shape_cast %swap3A_1978 : vector<16xf32> to vector<16xf32>
        %swap3A_1980 = vector.shape_cast %max3A_1976 : vector<16xf32> to vector<16xf32>
        tpu.vector_store %arg11[%swap3A_1977], %swap3A_1980 {strides = array<i32>} : memref<40192xf32, #tpu.memory_space<vmem>>, vector<16xf32>,
        %add3A_1981 = arith.constant 96 : i32
        %add3A_1982 = arith.addi %mul3A_1884, %add3A_1981 : i32
        %get3A_1983 = arith.index_cast %add3A_1982 : i32 to index
        %get3A_1984 = tpu.vector_load %arg11[%get3A_1983] {strides = array<i32>} : memref<40192xf32, #tpu.memory_space<vmem>>, vector<16xf32>,
        %get3A_1985 = vector.shape_cast %get3A_1984 : vector<16xf32> to vector<16xf32>
        %add3A_1986 = arith.constant 13 : i32
        %add3A_1987 = arith.addi %add3A_55, %add3A_1986 : i32
        %get3A_1988 = arith.index_cast %add3A_1987 : i32 to index
        %get3A_1989 = arith.constant 96 : index
        %get3A_1990 = tpu.vector_load %arg10[%get3A_1988, %get3A_1989] {strides = array<i32>} : memref<128x128xf32, #tpu.memory_space<vmem>>, vector<1x16xf32>,
        %get3A_1991 = vector.shape_cast %get3A_1990 : vector<1x16xf32> to vector<16xf32>
        %max3A_1992 = arith.maximumf %get3A_1985, %get3A_1991 : vector<16xf32>
        %swap3A_1993 = arith.index_cast %add3A_1982 : i32 to index
        %swap3A_1994 = tpu.vector_load %arg11[%swap3A_1993] {strides = array<i32>} : memref<40192xf32, #tpu.memory_space<vmem>>, vector<16xf32>,
        %swap3A_1995 = vector.shape_cast %swap3A_1994 : vector<16xf32> to vector<16xf32>
        %swap3A_1996 = vector.shape_cast %max3A_1992 : vector<16xf32> to vector<16xf32>
        tpu.vector_store %arg11[%swap3A_1993], %swap3A_1996 {strides = array<i32>} : memref<40192xf32, #tpu.memory_space<vmem>>, vector<16xf32>,
        %add3A_1997 = arith.constant 112 : i32
        %add3A_1998 = arith.addi %mul3A_1884, %add3A_1997 : i32
        %get3A_1999 = arith.index_cast %add3A_1998 : i32 to index
        %get3A_2000 = tpu.vector_load %arg11[%get3A_1999] {strides = array<i32>} : memref<40192xf32, #tpu.memory_space<vmem>>, vector<16xf32>,
        %get3A_2001 = vector.shape_cast %get3A_2000 : vector<16xf32> to vector<16xf32>
        %add3A_2002 = arith.constant 13 : i32
        %add3A_2003 = arith.addi %add3A_55, %add3A_2002 : i32
        %get3A_2004 = arith.index_cast %add3A_2003 : i32 to index
        %get3A_2005 = arith.constant 112 : index
        %get3A_2006 = tpu.vector_load %arg10[%get3A_2004, %get3A_2005] {strides = array<i32>} : memref<128x128xf32, #tpu.memory_space<vmem>>, vector<1x16xf32>,
        %get3A_2007 = vector.shape_cast %get3A_2006 : vector<1x16xf32> to vector<16xf32>
        %max3A_2008 = arith.maximumf %get3A_2001, %get3A_2007 : vector<16xf32>
        %swap3A_2009 = arith.index_cast %add3A_1998 : i32 to index
        %swap3A_2010 = tpu.vector_load %arg11[%swap3A_2009] {strides = array<i32>} : memref<40192xf32, #tpu.memory_space<vmem>>, vector<16xf32>,
        %swap3A_2011 = vector.shape_cast %swap3A_2010 : vector<16xf32> to vector<16xf32>
        %swap3A_2012 = vector.shape_cast %max3A_2008 : vector<16xf32> to vector<16xf32>
        tpu.vector_store %arg11[%swap3A_2009], %swap3A_2012 {strides = array<i32>} : memref<40192xf32, #tpu.memory_space<vmem>>, vector<16xf32>,
        %slice3A_2013 = vector.extract_strided_slice %get3A_58 {offsets = [14], sizes = [1], strides = [1]} : vector<16xi32> to vector<1xi32>
        %squeeze3A_2014 = vector.extract %slice3A_2013[0] : i32 from vector<1xi32>
        %sub3A_2015 = arith.subi %squeeze3A_2014, %mul3A_8 : i32
        %lt3A_2016 = arith.constant 0 : i32
        %lt3A_2017 = arith.cmpi slt, %sub3A_2015, %lt3A_2016 : i32
        %ge3A_2018 = arith.constant 313 : i32
        %ge3A_2019 = arith.cmpi sge, %sub3A_2015, %ge3A_2018 : i32
        %or3A_2020 = arith.ori %lt3A_2017, %ge3A_2019 : i1
        %select_n3A_2021 = arith.constant 313 : i32
        %select_n3A_2022 = arith.select %or3A_2020, %select_n3A_2021, %sub3A_2015 : i32
        %mul3A_2023 = arith.constant 128 : i32
        %mul3A_2024 = arith.muli %select_n3A_2022, %mul3A_2023 : i32
        %add3A_2025 = arith.constant 0 : i32
        %add3A_2026 = arith.addi %mul3A_2024, %add3A_2025 : i32
        %get3A_2027 = arith.index_cast %add3A_2026 : i32 to index
        %get3A_2028 = tpu.vector_load %arg11[%get3A_2027] {strides = array<i32>} : memref<40192xf32, #tpu.memory_space<vmem>>, vector<16xf32>,
        %get3A_2029 = vector.shape_cast %get3A_2028 : vector<16xf32> to vector<16xf32>
        %add3A_2030 = arith.constant 14 : i32
        %add3A_2031 = arith.addi %add3A_55, %add3A_2030 : i32
        %get3A_2032 = arith.index_cast %add3A_2031 : i32 to index
        %get3A_2033 = arith.constant 0 : index
        %get3A_2034 = tpu.vector_load %arg10[%get3A_2032, %get3A_2033] {strides = array<i32>} : memref<128x128xf32, #tpu.memory_space<vmem>>, vector<1x16xf32>,
        %get3A_2035 = vector.shape_cast %get3A_2034 : vector<1x16xf32> to vector<16xf32>
        %max3A_2036 = arith.maximumf %get3A_2029, %get3A_2035 : vector<16xf32>
        %swap3A_2037 = arith.index_cast %add3A_2026 : i32 to index
        %swap3A_2038 = tpu.vector_load %arg11[%swap3A_2037] {strides = array<i32>} : memref<40192xf32, #tpu.memory_space<vmem>>, vector<16xf32>,
        %swap3A_2039 = vector.shape_cast %swap3A_2038 : vector<16xf32> to vector<16xf32>
        %swap3A_2040 = vector.shape_cast %max3A_2036 : vector<16xf32> to vector<16xf32>
        tpu.vector_store %arg11[%swap3A_2037], %swap3A_2040 {strides = array<i32>} : memref<40192xf32, #tpu.memory_space<vmem>>, vector<16xf32>,
        %add3A_2041 = arith.constant 16 : i32
        %add3A_2042 = arith.addi %mul3A_2024, %add3A_2041 : i32
        %get3A_2043 = arith.index_cast %add3A_2042 : i32 to index
        %get3A_2044 = tpu.vector_load %arg11[%get3A_2043] {strides = array<i32>} : memref<40192xf32, #tpu.memory_space<vmem>>, vector<16xf32>,
        %get3A_2045 = vector.shape_cast %get3A_2044 : vector<16xf32> to vector<16xf32>
        %add3A_2046 = arith.constant 14 : i32
        %add3A_2047 = arith.addi %add3A_55, %add3A_2046 : i32
        %get3A_2048 = arith.index_cast %add3A_2047 : i32 to index
        %get3A_2049 = arith.constant 16 : index
        %get3A_2050 = tpu.vector_load %arg10[%get3A_2048, %get3A_2049] {strides = array<i32>} : memref<128x128xf32, #tpu.memory_space<vmem>>, vector<1x16xf32>,
        %get3A_2051 = vector.shape_cast %get3A_2050 : vector<1x16xf32> to vector<16xf32>
        %max3A_2052 = arith.maximumf %get3A_2045, %get3A_2051 : vector<16xf32>
        %swap3A_2053 = arith.index_cast %add3A_2042 : i32 to index
        %swap3A_2054 = tpu.vector_load %arg11[%swap3A_2053] {strides = array<i32>} : memref<40192xf32, #tpu.memory_space<vmem>>, vector<16xf32>,
        %swap3A_2055 = vector.shape_cast %swap3A_2054 : vector<16xf32> to vector<16xf32>
        %swap3A_2056 = vector.shape_cast %max3A_2052 : vector<16xf32> to vector<16xf32>
        tpu.vector_store %arg11[%swap3A_2053], %swap3A_2056 {strides = array<i32>} : memref<40192xf32, #tpu.memory_space<vmem>>, vector<16xf32>,
        %add3A_2057 = arith.constant 32 : i32
        %add3A_2058 = arith.addi %mul3A_2024, %add3A_2057 : i32
        %get3A_2059 = arith.index_cast %add3A_2058 : i32 to index
        %get3A_2060 = tpu.vector_load %arg11[%get3A_2059] {strides = array<i32>} : memref<40192xf32, #tpu.memory_space<vmem>>, vector<16xf32>,
        %get3A_2061 = vector.shape_cast %get3A_2060 : vector<16xf32> to vector<16xf32>
        %add3A_2062 = arith.constant 14 : i32
        %add3A_2063 = arith.addi %add3A_55, %add3A_2062 : i32
        %get3A_2064 = arith.index_cast %add3A_2063 : i32 to index
        %get3A_2065 = arith.constant 32 : index
        %get3A_2066 = tpu.vector_load %arg10[%get3A_2064, %get3A_2065] {strides = array<i32>} : memref<128x128xf32, #tpu.memory_space<vmem>>, vector<1x16xf32>,
        %get3A_2067 = vector.shape_cast %get3A_2066 : vector<1x16xf32> to vector<16xf32>
        %max3A_2068 = arith.maximumf %get3A_2061, %get3A_2067 : vector<16xf32>
        %swap3A_2069 = arith.index_cast %add3A_2058 : i32 to index
        %swap3A_2070 = tpu.vector_load %arg11[%swap3A_2069] {strides = array<i32>} : memref<40192xf32, #tpu.memory_space<vmem>>, vector<16xf32>,
        %swap3A_2071 = vector.shape_cast %swap3A_2070 : vector<16xf32> to vector<16xf32>
        %swap3A_2072 = vector.shape_cast %max3A_2068 : vector<16xf32> to vector<16xf32>
        tpu.vector_store %arg11[%swap3A_2069], %swap3A_2072 {strides = array<i32>} : memref<40192xf32, #tpu.memory_space<vmem>>, vector<16xf32>,
        %add3A_2073 = arith.constant 48 : i32
        %add3A_2074 = arith.addi %mul3A_2024, %add3A_2073 : i32
        %get3A_2075 = arith.index_cast %add3A_2074 : i32 to index
        %get3A_2076 = tpu.vector_load %arg11[%get3A_2075] {strides = array<i32>} : memref<40192xf32, #tpu.memory_space<vmem>>, vector<16xf32>,
        %get3A_2077 = vector.shape_cast %get3A_2076 : vector<16xf32> to vector<16xf32>
        %add3A_2078 = arith.constant 14 : i32
        %add3A_2079 = arith.addi %add3A_55, %add3A_2078 : i32
        %get3A_2080 = arith.index_cast %add3A_2079 : i32 to index
        %get3A_2081 = arith.constant 48 : index
        %get3A_2082 = tpu.vector_load %arg10[%get3A_2080, %get3A_2081] {strides = array<i32>} : memref<128x128xf32, #tpu.memory_space<vmem>>, vector<1x16xf32>,
        %get3A_2083 = vector.shape_cast %get3A_2082 : vector<1x16xf32> to vector<16xf32>
        %max3A_2084 = arith.maximumf %get3A_2077, %get3A_2083 : vector<16xf32>
        %swap3A_2085 = arith.index_cast %add3A_2074 : i32 to index
        %swap3A_2086 = tpu.vector_load %arg11[%swap3A_2085] {strides = array<i32>} : memref<40192xf32, #tpu.memory_space<vmem>>, vector<16xf32>,
        %swap3A_2087 = vector.shape_cast %swap3A_2086 : vector<16xf32> to vector<16xf32>
        %swap3A_2088 = vector.shape_cast %max3A_2084 : vector<16xf32> to vector<16xf32>
        tpu.vector_store %arg11[%swap3A_2085], %swap3A_2088 {strides = array<i32>} : memref<40192xf32, #tpu.memory_space<vmem>>, vector<16xf32>,
        %add3A_2089 = arith.constant 64 : i32
        %add3A_2090 = arith.addi %mul3A_2024, %add3A_2089 : i32
        %get3A_2091 = arith.index_cast %add3A_2090 : i32 to index
        %get3A_2092 = tpu.vector_load %arg11[%get3A_2091] {strides = array<i32>} : memref<40192xf32, #tpu.memory_space<vmem>>, vector<16xf32>,
        %get3A_2093 = vector.shape_cast %get3A_2092 : vector<16xf32> to vector<16xf32>
        %add3A_2094 = arith.constant 14 : i32
        %add3A_2095 = arith.addi %add3A_55, %add3A_2094 : i32
        %get3A_2096 = arith.index_cast %add3A_2095 : i32 to index
        %get3A_2097 = arith.constant 64 : index
        %get3A_2098 = tpu.vector_load %arg10[%get3A_2096, %get3A_2097] {strides = array<i32>} : memref<128x128xf32, #tpu.memory_space<vmem>>, vector<1x16xf32>,
        %get3A_2099 = vector.shape_cast %get3A_2098 : vector<1x16xf32> to vector<16xf32>
        %max3A_2100 = arith.maximumf %get3A_2093, %get3A_2099 : vector<16xf32>
        %swap3A_2101 = arith.index_cast %add3A_2090 : i32 to index
        %swap3A_2102 = tpu.vector_load %arg11[%swap3A_2101] {strides = array<i32>} : memref<40192xf32, #tpu.memory_space<vmem>>, vector<16xf32>,
        %swap3A_2103 = vector.shape_cast %swap3A_2102 : vector<16xf32> to vector<16xf32>
        %swap3A_2104 = vector.shape_cast %max3A_2100 : vector<16xf32> to vector<16xf32>
        tpu.vector_store %arg11[%swap3A_2101], %swap3A_2104 {strides = array<i32>} : memref<40192xf32, #tpu.memory_space<vmem>>, vector<16xf32>,
        %add3A_2105 = arith.constant 80 : i32
        %add3A_2106 = arith.addi %mul3A_2024, %add3A_2105 : i32
        %get3A_2107 = arith.index_cast %add3A_2106 : i32 to index
        %get3A_2108 = tpu.vector_load %arg11[%get3A_2107] {strides = array<i32>} : memref<40192xf32, #tpu.memory_space<vmem>>, vector<16xf32>,
        %get3A_2109 = vector.shape_cast %get3A_2108 : vector<16xf32> to vector<16xf32>
        %add3A_2110 = arith.constant 14 : i32
        %add3A_2111 = arith.addi %add3A_55, %add3A_2110 : i32
        %get3A_2112 = arith.index_cast %add3A_2111 : i32 to index
        %get3A_2113 = arith.constant 80 : index
        %get3A_2114 = tpu.vector_load %arg10[%get3A_2112, %get3A_2113] {strides = array<i32>} : memref<128x128xf32, #tpu.memory_space<vmem>>, vector<1x16xf32>,
        %get3A_2115 = vector.shape_cast %get3A_2114 : vector<1x16xf32> to vector<16xf32>
        %max3A_2116 = arith.maximumf %get3A_2109, %get3A_2115 : vector<16xf32>
        %swap3A_2117 = arith.index_cast %add3A_2106 : i32 to index
        %swap3A_2118 = tpu.vector_load %arg11[%swap3A_2117] {strides = array<i32>} : memref<40192xf32, #tpu.memory_space<vmem>>, vector<16xf32>,
        %swap3A_2119 = vector.shape_cast %swap3A_2118 : vector<16xf32> to vector<16xf32>
        %swap3A_2120 = vector.shape_cast %max3A_2116 : vector<16xf32> to vector<16xf32>
        tpu.vector_store %arg11[%swap3A_2117], %swap3A_2120 {strides = array<i32>} : memref<40192xf32, #tpu.memory_space<vmem>>, vector<16xf32>,
        %add3A_2121 = arith.constant 96 : i32
        %add3A_2122 = arith.addi %mul3A_2024, %add3A_2121 : i32
        %get3A_2123 = arith.index_cast %add3A_2122 : i32 to index
        %get3A_2124 = tpu.vector_load %arg11[%get3A_2123] {strides = array<i32>} : memref<40192xf32, #tpu.memory_space<vmem>>, vector<16xf32>,
        %get3A_2125 = vector.shape_cast %get3A_2124 : vector<16xf32> to vector<16xf32>
        %add3A_2126 = arith.constant 14 : i32
        %add3A_2127 = arith.addi %add3A_55, %add3A_2126 : i32
        %get3A_2128 = arith.index_cast %add3A_2127 : i32 to index
        %get3A_2129 = arith.constant 96 : index
        %get3A_2130 = tpu.vector_load %arg10[%get3A_2128, %get3A_2129] {strides = array<i32>} : memref<128x128xf32, #tpu.memory_space<vmem>>, vector<1x16xf32>,
        %get3A_2131 = vector.shape_cast %get3A_2130 : vector<1x16xf32> to vector<16xf32>
        %max3A_2132 = arith.maximumf %get3A_2125, %get3A_2131 : vector<16xf32>
        %swap3A_2133 = arith.index_cast %add3A_2122 : i32 to index
        %swap3A_2134 = tpu.vector_load %arg11[%swap3A_2133] {strides = array<i32>} : memref<40192xf32, #tpu.memory_space<vmem>>, vector<16xf32>,
        %swap3A_2135 = vector.shape_cast %swap3A_2134 : vector<16xf32> to vector<16xf32>
        %swap3A_2136 = vector.shape_cast %max3A_2132 : vector<16xf32> to vector<16xf32>
        tpu.vector_store %arg11[%swap3A_2133], %swap3A_2136 {strides = array<i32>} : memref<40192xf32, #tpu.memory_space<vmem>>, vector<16xf32>,
        %add3A_2137 = arith.constant 112 : i32
        %add3A_2138 = arith.addi %mul3A_2024, %add3A_2137 : i32
        %get3A_2139 = arith.index_cast %add3A_2138 : i32 to index
        %get3A_2140 = tpu.vector_load %arg11[%get3A_2139] {strides = array<i32>} : memref<40192xf32, #tpu.memory_space<vmem>>, vector<16xf32>,
        %get3A_2141 = vector.shape_cast %get3A_2140 : vector<16xf32> to vector<16xf32>
        %add3A_2142 = arith.constant 14 : i32
        %add3A_2143 = arith.addi %add3A_55, %add3A_2142 : i32
        %get3A_2144 = arith.index_cast %add3A_2143 : i32 to index
        %get3A_2145 = arith.constant 112 : index
        %get3A_2146 = tpu.vector_load %arg10[%get3A_2144, %get3A_2145] {strides = array<i32>} : memref<128x128xf32, #tpu.memory_space<vmem>>, vector<1x16xf32>,
        %get3A_2147 = vector.shape_cast %get3A_2146 : vector<1x16xf32> to vector<16xf32>
        %max3A_2148 = arith.maximumf %get3A_2141, %get3A_2147 : vector<16xf32>
        %swap3A_2149 = arith.index_cast %add3A_2138 : i32 to index
        %swap3A_2150 = tpu.vector_load %arg11[%swap3A_2149] {strides = array<i32>} : memref<40192xf32, #tpu.memory_space<vmem>>, vector<16xf32>,
        %swap3A_2151 = vector.shape_cast %swap3A_2150 : vector<16xf32> to vector<16xf32>
        %swap3A_2152 = vector.shape_cast %max3A_2148 : vector<16xf32> to vector<16xf32>
        tpu.vector_store %arg11[%swap3A_2149], %swap3A_2152 {strides = array<i32>} : memref<40192xf32, #tpu.memory_space<vmem>>, vector<16xf32>,
        %slice3A_2153 = vector.extract_strided_slice %get3A_58 {offsets = [15], sizes = [1], strides = [1]} : vector<16xi32> to vector<1xi32>
        %squeeze3A_2154 = vector.extract %slice3A_2153[0] : i32 from vector<1xi32>
        %sub3A_2155 = arith.subi %squeeze3A_2154, %mul3A_8 : i32
        %lt3A_2156 = arith.constant 0 : i32
        %lt3A_2157 = arith.cmpi slt, %sub3A_2155, %lt3A_2156 : i32
        %ge3A_2158 = arith.constant 313 : i32
        %ge3A_2159 = arith.cmpi sge, %sub3A_2155, %ge3A_2158 : i32
        %or3A_2160 = arith.ori %lt3A_2157, %ge3A_2159 : i1
        %select_n3A_2161 = arith.constant 313 : i32
        %select_n3A_2162 = arith.select %or3A_2160, %select_n3A_2161, %sub3A_2155 : i32
        %mul3A_2163 = arith.constant 128 : i32
        %mul3A_2164 = arith.muli %select_n3A_2162, %mul3A_2163 : i32
        %add3A_2165 = arith.constant 0 : i32
        %add3A_2166 = arith.addi %mul3A_2164, %add3A_2165 : i32
        %get3A_2167 = arith.index_cast %add3A_2166 : i32 to index
        %get3A_2168 = tpu.vector_load %arg11[%get3A_2167] {strides = array<i32>} : memref<40192xf32, #tpu.memory_space<vmem>>, vector<16xf32>,
        %get3A_2169 = vector.shape_cast %get3A_2168 : vector<16xf32> to vector<16xf32>
        %add3A_2170 = arith.constant 15 : i32
        %add3A_2171 = arith.addi %add3A_55, %add3A_2170 : i32
        %get3A_2172 = arith.index_cast %add3A_2171 : i32 to index
        %get3A_2173 = arith.constant 0 : index
        %get3A_2174 = tpu.vector_load %arg10[%get3A_2172, %get3A_2173] {strides = array<i32>} : memref<128x128xf32, #tpu.memory_space<vmem>>, vector<1x16xf32>,
        %get3A_2175 = vector.shape_cast %get3A_2174 : vector<1x16xf32> to vector<16xf32>
        %max3A_2176 = arith.maximumf %get3A_2169, %get3A_2175 : vector<16xf32>
        %swap3A_2177 = arith.index_cast %add3A_2166 : i32 to index
        %swap3A_2178 = tpu.vector_load %arg11[%swap3A_2177] {strides = array<i32>} : memref<40192xf32, #tpu.memory_space<vmem>>, vector<16xf32>,
        %swap3A_2179 = vector.shape_cast %swap3A_2178 : vector<16xf32> to vector<16xf32>
        %swap3A_2180 = vector.shape_cast %max3A_2176 : vector<16xf32> to vector<16xf32>
        tpu.vector_store %arg11[%swap3A_2177], %swap3A_2180 {strides = array<i32>} : memref<40192xf32, #tpu.memory_space<vmem>>, vector<16xf32>,
        %add3A_2181 = arith.constant 16 : i32
        %add3A_2182 = arith.addi %mul3A_2164, %add3A_2181 : i32
        %get3A_2183 = arith.index_cast %add3A_2182 : i32 to index
        %get3A_2184 = tpu.vector_load %arg11[%get3A_2183] {strides = array<i32>} : memref<40192xf32, #tpu.memory_space<vmem>>, vector<16xf32>,
        %get3A_2185 = vector.shape_cast %get3A_2184 : vector<16xf32> to vector<16xf32>
        %add3A_2186 = arith.constant 15 : i32
        %add3A_2187 = arith.addi %add3A_55, %add3A_2186 : i32
        %get3A_2188 = arith.index_cast %add3A_2187 : i32 to index
        %get3A_2189 = arith.constant 16 : index
        %get3A_2190 = tpu.vector_load %arg10[%get3A_2188, %get3A_2189] {strides = array<i32>} : memref<128x128xf32, #tpu.memory_space<vmem>>, vector<1x16xf32>,
        %get3A_2191 = vector.shape_cast %get3A_2190 : vector<1x16xf32> to vector<16xf32>
        %max3A_2192 = arith.maximumf %get3A_2185, %get3A_2191 : vector<16xf32>
        %swap3A_2193 = arith.index_cast %add3A_2182 : i32 to index
        %swap3A_2194 = tpu.vector_load %arg11[%swap3A_2193] {strides = array<i32>} : memref<40192xf32, #tpu.memory_space<vmem>>, vector<16xf32>,
        %swap3A_2195 = vector.shape_cast %swap3A_2194 : vector<16xf32> to vector<16xf32>
        %swap3A_2196 = vector.shape_cast %max3A_2192 : vector<16xf32> to vector<16xf32>
        tpu.vector_store %arg11[%swap3A_2193], %swap3A_2196 {strides = array<i32>} : memref<40192xf32, #tpu.memory_space<vmem>>, vector<16xf32>,
        %add3A_2197 = arith.constant 32 : i32
        %add3A_2198 = arith.addi %mul3A_2164, %add3A_2197 : i32
        %get3A_2199 = arith.index_cast %add3A_2198 : i32 to index
        %get3A_2200 = tpu.vector_load %arg11[%get3A_2199] {strides = array<i32>} : memref<40192xf32, #tpu.memory_space<vmem>>, vector<16xf32>,
        %get3A_2201 = vector.shape_cast %get3A_2200 : vector<16xf32> to vector<16xf32>
        %add3A_2202 = arith.constant 15 : i32
        %add3A_2203 = arith.addi %add3A_55, %add3A_2202 : i32
        %get3A_2204 = arith.index_cast %add3A_2203 : i32 to index
        %get3A_2205 = arith.constant 32 : index
        %get3A_2206 = tpu.vector_load %arg10[%get3A_2204, %get3A_2205] {strides = array<i32>} : memref<128x128xf32, #tpu.memory_space<vmem>>, vector<1x16xf32>,
        %get3A_2207 = vector.shape_cast %get3A_2206 : vector<1x16xf32> to vector<16xf32>
        %max3A_2208 = arith.maximumf %get3A_2201, %get3A_2207 : vector<16xf32>
        %swap3A_2209 = arith.index_cast %add3A_2198 : i32 to index
        %swap3A_2210 = tpu.vector_load %arg11[%swap3A_2209] {strides = array<i32>} : memref<40192xf32, #tpu.memory_space<vmem>>, vector<16xf32>,
        %swap3A_2211 = vector.shape_cast %swap3A_2210 : vector<16xf32> to vector<16xf32>
        %swap3A_2212 = vector.shape_cast %max3A_2208 : vector<16xf32> to vector<16xf32>
        tpu.vector_store %arg11[%swap3A_2209], %swap3A_2212 {strides = array<i32>} : memref<40192xf32, #tpu.memory_space<vmem>>, vector<16xf32>,
        %add3A_2213 = arith.constant 48 : i32
        %add3A_2214 = arith.addi %mul3A_2164, %add3A_2213 : i32
        %get3A_2215 = arith.index_cast %add3A_2214 : i32 to index
        %get3A_2216 = tpu.vector_load %arg11[%get3A_2215] {strides = array<i32>} : memref<40192xf32, #tpu.memory_space<vmem>>, vector<16xf32>,
        %get3A_2217 = vector.shape_cast %get3A_2216 : vector<16xf32> to vector<16xf32>
        %add3A_2218 = arith.constant 15 : i32
        %add3A_2219 = arith.addi %add3A_55, %add3A_2218 : i32
        %get3A_2220 = arith.index_cast %add3A_2219 : i32 to index
        %get3A_2221 = arith.constant 48 : index
        %get3A_2222 = tpu.vector_load %arg10[%get3A_2220, %get3A_2221] {strides = array<i32>} : memref<128x128xf32, #tpu.memory_space<vmem>>, vector<1x16xf32>,
        %get3A_2223 = vector.shape_cast %get3A_2222 : vector<1x16xf32> to vector<16xf32>
        %max3A_2224 = arith.maximumf %get3A_2217, %get3A_2223 : vector<16xf32>
        %swap3A_2225 = arith.index_cast %add3A_2214 : i32 to index
        %swap3A_2226 = tpu.vector_load %arg11[%swap3A_2225] {strides = array<i32>} : memref<40192xf32, #tpu.memory_space<vmem>>, vector<16xf32>,
        %swap3A_2227 = vector.shape_cast %swap3A_2226 : vector<16xf32> to vector<16xf32>
        %swap3A_2228 = vector.shape_cast %max3A_2224 : vector<16xf32> to vector<16xf32>
        tpu.vector_store %arg11[%swap3A_2225], %swap3A_2228 {strides = array<i32>} : memref<40192xf32, #tpu.memory_space<vmem>>, vector<16xf32>,
        %add3A_2229 = arith.constant 64 : i32
        %add3A_2230 = arith.addi %mul3A_2164, %add3A_2229 : i32
        %get3A_2231 = arith.index_cast %add3A_2230 : i32 to index
        %get3A_2232 = tpu.vector_load %arg11[%get3A_2231] {strides = array<i32>} : memref<40192xf32, #tpu.memory_space<vmem>>, vector<16xf32>,
        %get3A_2233 = vector.shape_cast %get3A_2232 : vector<16xf32> to vector<16xf32>
        %add3A_2234 = arith.constant 15 : i32
        %add3A_2235 = arith.addi %add3A_55, %add3A_2234 : i32
        %get3A_2236 = arith.index_cast %add3A_2235 : i32 to index
        %get3A_2237 = arith.constant 64 : index
        %get3A_2238 = tpu.vector_load %arg10[%get3A_2236, %get3A_2237] {strides = array<i32>} : memref<128x128xf32, #tpu.memory_space<vmem>>, vector<1x16xf32>,
        %get3A_2239 = vector.shape_cast %get3A_2238 : vector<1x16xf32> to vector<16xf32>
        %max3A_2240 = arith.maximumf %get3A_2233, %get3A_2239 : vector<16xf32>
        %swap3A_2241 = arith.index_cast %add3A_2230 : i32 to index
        %swap3A_2242 = tpu.vector_load %arg11[%swap3A_2241] {strides = array<i32>} : memref<40192xf32, #tpu.memory_space<vmem>>, vector<16xf32>,
        %swap3A_2243 = vector.shape_cast %swap3A_2242 : vector<16xf32> to vector<16xf32>
        %swap3A_2244 = vector.shape_cast %max3A_2240 : vector<16xf32> to vector<16xf32>
        tpu.vector_store %arg11[%swap3A_2241], %swap3A_2244 {strides = array<i32>} : memref<40192xf32, #tpu.memory_space<vmem>>, vector<16xf32>,
        %add3A_2245 = arith.constant 80 : i32
        %add3A_2246 = arith.addi %mul3A_2164, %add3A_2245 : i32
        %get3A_2247 = arith.index_cast %add3A_2246 : i32 to index
        %get3A_2248 = tpu.vector_load %arg11[%get3A_2247] {strides = array<i32>} : memref<40192xf32, #tpu.memory_space<vmem>>, vector<16xf32>,
        %get3A_2249 = vector.shape_cast %get3A_2248 : vector<16xf32> to vector<16xf32>
        %add3A_2250 = arith.constant 15 : i32
        %add3A_2251 = arith.addi %add3A_55, %add3A_2250 : i32
        %get3A_2252 = arith.index_cast %add3A_2251 : i32 to index
        %get3A_2253 = arith.constant 80 : index
        %get3A_2254 = tpu.vector_load %arg10[%get3A_2252, %get3A_2253] {strides = array<i32>} : memref<128x128xf32, #tpu.memory_space<vmem>>, vector<1x16xf32>,
        %get3A_2255 = vector.shape_cast %get3A_2254 : vector<1x16xf32> to vector<16xf32>
        %max3A_2256 = arith.maximumf %get3A_2249, %get3A_2255 : vector<16xf32>
        %swap3A_2257 = arith.index_cast %add3A_2246 : i32 to index
        %swap3A_2258 = tpu.vector_load %arg11[%swap3A_2257] {strides = array<i32>} : memref<40192xf32, #tpu.memory_space<vmem>>, vector<16xf32>,
        %swap3A_2259 = vector.shape_cast %swap3A_2258 : vector<16xf32> to vector<16xf32>
        %swap3A_2260 = vector.shape_cast %max3A_2256 : vector<16xf32> to vector<16xf32>
        tpu.vector_store %arg11[%swap3A_2257], %swap3A_2260 {strides = array<i32>} : memref<40192xf32, #tpu.memory_space<vmem>>, vector<16xf32>,
        %add3A_2261 = arith.constant 96 : i32
        %add3A_2262 = arith.addi %mul3A_2164, %add3A_2261 : i32
        %get3A_2263 = arith.index_cast %add3A_2262 : i32 to index
        %get3A_2264 = tpu.vector_load %arg11[%get3A_2263] {strides = array<i32>} : memref<40192xf32, #tpu.memory_space<vmem>>, vector<16xf32>,
        %get3A_2265 = vector.shape_cast %get3A_2264 : vector<16xf32> to vector<16xf32>
        %add3A_2266 = arith.constant 15 : i32
        %add3A_2267 = arith.addi %add3A_55, %add3A_2266 : i32
        %get3A_2268 = arith.index_cast %add3A_2267 : i32 to index
        %get3A_2269 = arith.constant 96 : index
        %get3A_2270 = tpu.vector_load %arg10[%get3A_2268, %get3A_2269] {strides = array<i32>} : memref<128x128xf32, #tpu.memory_space<vmem>>, vector<1x16xf32>,
        %get3A_2271 = vector.shape_cast %get3A_2270 : vector<1x16xf32> to vector<16xf32>
        %max3A_2272 = arith.maximumf %get3A_2265, %get3A_2271 : vector<16xf32>
        %swap3A_2273 = arith.index_cast %add3A_2262 : i32 to index
        %swap3A_2274 = tpu.vector_load %arg11[%swap3A_2273] {strides = array<i32>} : memref<40192xf32, #tpu.memory_space<vmem>>, vector<16xf32>,
        %swap3A_2275 = vector.shape_cast %swap3A_2274 : vector<16xf32> to vector<16xf32>
        %swap3A_2276 = vector.shape_cast %max3A_2272 : vector<16xf32> to vector<16xf32>
        tpu.vector_store %arg11[%swap3A_2273], %swap3A_2276 {strides = array<i32>} : memref<40192xf32, #tpu.memory_space<vmem>>, vector<16xf32>,
        %add3A_2277 = arith.constant 112 : i32
        %add3A_2278 = arith.addi %mul3A_2164, %add3A_2277 : i32
        %get3A_2279 = arith.index_cast %add3A_2278 : i32 to index
        %get3A_2280 = tpu.vector_load %arg11[%get3A_2279] {strides = array<i32>} : memref<40192xf32, #tpu.memory_space<vmem>>, vector<16xf32>,
        %get3A_2281 = vector.shape_cast %get3A_2280 : vector<16xf32> to vector<16xf32>
        %add3A_2282 = arith.constant 15 : i32
        %add3A_2283 = arith.addi %add3A_55, %add3A_2282 : i32
        %get3A_2284 = arith.index_cast %add3A_2283 : i32 to index
        %get3A_2285 = arith.constant 112 : index
        %get3A_2286 = tpu.vector_load %arg10[%get3A_2284, %get3A_2285] {strides = array<i32>} : memref<128x128xf32, #tpu.memory_space<vmem>>, vector<1x16xf32>,
        %get3A_2287 = vector.shape_cast %get3A_2286 : vector<1x16xf32> to vector<16xf32>
        %max3A_2288 = arith.maximumf %get3A_2281, %get3A_2287 : vector<16xf32>
        %swap3A_2289 = arith.index_cast %add3A_2278 : i32 to index
        %swap3A_2290 = tpu.vector_load %arg11[%swap3A_2289] {strides = array<i32>} : memref<40192xf32, #tpu.memory_space<vmem>>, vector<16xf32>,
        %swap3A_2291 = vector.shape_cast %swap3A_2290 : vector<16xf32> to vector<16xf32>
        %swap3A_2292 = vector.shape_cast %max3A_2288 : vector<16xf32> to vector<16xf32>
        tpu.vector_store %arg11[%swap3A_2289], %swap3A_2292 {strides = array<i32>} : memref<40192xf32, #tpu.memory_space<vmem>>, vector<16xf32>,
      }
      %scan3A_50 = arith.constant 8 : i32
    }
    %while3A_29 = arith.constant 1 : i32
    scf.for %while3A_35 = %while3A_27 to %while3A_23 step %while3A_29  : i32 {
      %mul3A_36 = arith.muli %while3A_35, %while3A : i32
      %add3A_37 = arith.addi %while3A_20, %mul3A_36 : i32
      %mul3A_38 = arith.constant 128 : i32
      %mul3A_39 = arith.muli %add3A_37, %mul3A_38 : i32
      %add3A_40 = arith.addi %squeeze3A, %mul3A_39 : i32
      %multiple_of3A_41 = tpu.assume_multiple %add3A_40, 8 : i32
      "tpu.region"() ({
        %run_scoped3A = tpu.sem_alloc : memref<!tpu.dma_semaphore, #tpu.memory_space<semaphore_mem>>
        %dma_start3A_51 = tpu.memref_slice %arg3[%multiple_of3A_41] : memref<320136xi32, #tpu.memory_space<hbm>> -> memref<128xi32, #tpu.memory_space<hbm>>
        %dma_start3A_52 = tpu.memref_slice %arg3[%multiple_of3A_41] : memref<320136xi32, #tpu.memory_space<hbm>> -> memref<128xi32, #tpu.memory_space<hbm>>
        tpu.enqueue_dma source(%dma_start3A_52 : memref<128xi32, #tpu.memory_space<hbm>>) target(%arg8 : memref<128xi32, #tpu.memory_space<vmem>>) target_semaphore(%run_scoped3A : memref<!tpu.dma_semaphore, #tpu.memory_space<semaphore_mem>>)
        %dma_wait3A_53 = tpu.memref_slice %arg3[%multiple_of3A_41] : memref<320136xi32, #tpu.memory_space<hbm>> -> memref<128xi32, #tpu.memory_space<hbm>>
        %dma_wait3A_54 = tpu.memref_slice %arg3[%multiple_of3A_41] : memref<320136xi32, #tpu.memory_space<hbm>> -> memref<128xi32, #tpu.memory_space<hbm>>
        tpu.wait_dma2 semaphore(%run_scoped3A : memref<!tpu.dma_semaphore, #tpu.memory_space<semaphore_mem>>) src(%dma_wait3A_54 : memref<128xi32, #tpu.memory_space<hbm>>) dst(%arg8 : memref<128xi32, #tpu.memory_space<vmem>>)
        tpu.yield
      }) : () -> ()
      "tpu.region"() ({
        %run_scoped3A = tpu.sem_alloc : memref<!tpu.dma_semaphore, #tpu.memory_space<semaphore_mem>>
        %dma_start3A_51 = tpu.memref_slice %arg4[%multiple_of3A_41] : memref<320136xi32, #tpu.memory_space<hbm>> -> memref<128xi32, #tpu.memory_space<hbm>>
        %dma_start3A_52 = tpu.memref_slice %arg4[%multiple_of3A_41] : memref<320136xi32, #tpu.memory_space<hbm>> -> memref<128xi32, #tpu.memory_space<hbm>>
        tpu.enqueue_dma source(%dma_start3A_52 : memref<128xi32, #tpu.memory_space<hbm>>) target(%arg9 : memref<128xi32, #tpu.memory_space<vmem>>) target_semaphore(%run_scoped3A : memref<!tpu.dma_semaphore, #tpu.memory_space<semaphore_mem>>)
        %dma_wait3A_53 = tpu.memref_slice %arg4[%multiple_of3A_41] : memref<320136xi32, #tpu.memory_space<hbm>> -> memref<128xi32, #tpu.memory_space<hbm>>
        %dma_wait3A_54 = tpu.memref_slice %arg4[%multiple_of3A_41] : memref<320136xi32, #tpu.memory_space<hbm>> -> memref<128xi32, #tpu.memory_space<hbm>>
        tpu.wait_dma2 semaphore(%run_scoped3A : memref<!tpu.dma_semaphore, #tpu.memory_space<semaphore_mem>>) src(%dma_wait3A_54 : memref<128xi32, #tpu.memory_space<hbm>>) dst(%arg9 : memref<128xi32, #tpu.memory_space<vmem>>)
        tpu.yield
      }) : () -> ()
      %dma_start3A = arith.constant 0 : i32
      %dma_start3A_42 = arith.constant 0 : i32
      %dma_start3A_43 = tpu.memref_slice %arg2[%dma_start3A, %dma_start3A_42] : memref<10000x128xf32, #tpu.memory_space<hbm>> -> memref<10000x128xf32, #tpu.memory_space<hbm>>
      tpu.enqueue_indirect_dma source(%dma_start3A_43 : memref<10000x128xf32, #tpu.memory_space<hbm>>) target(%arg10 : memref<128x128xf32, #tpu.memory_space<vmem>>) offsets(%arg8 : memref<128xi32, #tpu.memory_space<vmem>>) semaphore(%arg12 : memref<!tpu.dma_semaphore, #tpu.memory_space<semaphore_mem>>)
      %dma_wait3A = arith.constant 0 : i32
      %dma_wait3A_44 = arith.constant 0 : i32
      %dma_wait3A_45 = tpu.memref_slice %arg2[%dma_wait3A, %dma_wait3A_44] : memref<10000x128xf32, #tpu.memory_space<hbm>> -> memref<10000x128xf32, #tpu.memory_space<hbm>>
      tpu.wait_indirect_dma semaphore(%arg12 : memref<!tpu.dma_semaphore, #tpu.memory_space<semaphore_mem>>) src(%dma_wait3A_45 : memref<10000x128xf32, #tpu.memory_space<hbm>>) dst(%arg10 : memref<128x128xf32, #tpu.memory_space<vmem>>)
      %scan3A_46 = arith.constant 0 : i32
      %scan3A_47 = arith.constant 8 : i32
      %scan3A_48 = arith.addi %scan3A_46, %scan3A_47 : i32
      %scan3A_49 = arith.constant 1 : i32
      scf.for %scan3A_51 = %scan3A_46 to %scan3A_48 step %scan3A_49  : i32 {
        %mul3A_52 = arith.constant 16 : i32
        %mul3A_53 = arith.muli %scan3A_51, %mul3A_52 : i32
        %add3A_54 = arith.constant 0 : i32
        %add3A_55 = arith.addi %add3A_54, %mul3A_53 : i32
        %get3A_56 = arith.index_cast %add3A_55 : i32 to index
        %get3A_57 = tpu.vector_load %arg9[%get3A_56] {strides = array<i32>} : memref<128xi32, #tpu.memory_space<vmem>>, vector<16xi32>,
        %get3A_58 = vector.shape_cast %get3A_57 : vector<16xi32> to vector<16xi32>
        %slice3A_59 = vector.extract_strided_slice %get3A_58 {offsets = [0], sizes = [1], strides = [1]} : vector<16xi32> to vector<1xi32>
        %squeeze3A_60 = vector.extract %slice3A_59[0] : i32 from vector<1xi32>
        %sub3A_61 = arith.subi %squeeze3A_60, %mul3A_8 : i32
        %lt3A = arith.constant 0 : i32
        %lt3A_62 = arith.cmpi slt, %sub3A_61, %lt3A : i32
        %ge3A = arith.constant 313 : i32
        %ge3A_63 = arith.cmpi sge, %sub3A_61, %ge3A : i32
        %or3A = arith.ori %lt3A_62, %ge3A_63 : i1
        %select_n3A = arith.constant 313 : i32
        %select_n3A_64 = arith.select %or3A, %select_n3A, %sub3A_61 : i32
        %mul3A_65 = arith.constant 128 : i32
        %mul3A_66 = arith.muli %select_n3A_64, %mul3A_65 : i32
        %add3A_67 = arith.constant 0 : i32
        %add3A_68 = arith.addi %mul3A_66, %add3A_67 : i32
        %get3A_69 = arith.index_cast %add3A_68 : i32 to index
        %get3A_70 = tpu.vector_load %arg11[%get3A_69] {strides = array<i32>} : memref<40192xf32, #tpu.memory_space<vmem>>, vector<16xf32>,
        %get3A_71 = vector.shape_cast %get3A_70 : vector<16xf32> to vector<16xf32>
        %add3A_72 = arith.constant 0 : i32
        %add3A_73 = arith.addi %add3A_55, %add3A_72 : i32
        %get3A_74 = arith.index_cast %add3A_73 : i32 to index
        %get3A_75 = arith.constant 0 : index
        %get3A_76 = tpu.vector_load %arg10[%get3A_74, %get3A_75] {strides = array<i32>} : memref<128x128xf32, #tpu.memory_space<vmem>>, vector<1x16xf32>,
        %get3A_77 = vector.shape_cast %get3A_76 : vector<1x16xf32> to vector<16xf32>
        %max3A = arith.maximumf %get3A_71, %get3A_77 : vector<16xf32>
        %swap3A = arith.index_cast %add3A_68 : i32 to index
        %swap3A_78 = tpu.vector_load %arg11[%swap3A] {strides = array<i32>} : memref<40192xf32, #tpu.memory_space<vmem>>, vector<16xf32>,
        %swap3A_79 = vector.shape_cast %swap3A_78 : vector<16xf32> to vector<16xf32>
        %swap3A_80 = vector.shape_cast %max3A : vector<16xf32> to vector<16xf32>
        tpu.vector_store %arg11[%swap3A], %swap3A_80 {strides = array<i32>} : memref<40192xf32, #tpu.memory_space<vmem>>, vector<16xf32>,
        %add3A_81 = arith.constant 16 : i32
        %add3A_82 = arith.addi %mul3A_66, %add3A_81 : i32
        %get3A_83 = arith.index_cast %add3A_82 : i32 to index
        %get3A_84 = tpu.vector_load %arg11[%get3A_83] {strides = array<i32>} : memref<40192xf32, #tpu.memory_space<vmem>>, vector<16xf32>,
        %get3A_85 = vector.shape_cast %get3A_84 : vector<16xf32> to vector<16xf32>
        %add3A_86 = arith.constant 0 : i32
        %add3A_87 = arith.addi %add3A_55, %add3A_86 : i32
        %get3A_88 = arith.index_cast %add3A_87 : i32 to index
        %get3A_89 = arith.constant 16 : index
        %get3A_90 = tpu.vector_load %arg10[%get3A_88, %get3A_89] {strides = array<i32>} : memref<128x128xf32, #tpu.memory_space<vmem>>, vector<1x16xf32>,
        %get3A_91 = vector.shape_cast %get3A_90 : vector<1x16xf32> to vector<16xf32>
        %max3A_92 = arith.maximumf %get3A_85, %get3A_91 : vector<16xf32>
        %swap3A_93 = arith.index_cast %add3A_82 : i32 to index
        %swap3A_94 = tpu.vector_load %arg11[%swap3A_93] {strides = array<i32>} : memref<40192xf32, #tpu.memory_space<vmem>>, vector<16xf32>,
        %swap3A_95 = vector.shape_cast %swap3A_94 : vector<16xf32> to vector<16xf32>
        %swap3A_96 = vector.shape_cast %max3A_92 : vector<16xf32> to vector<16xf32>
        tpu.vector_store %arg11[%swap3A_93], %swap3A_96 {strides = array<i32>} : memref<40192xf32, #tpu.memory_space<vmem>>, vector<16xf32>,
        %add3A_97 = arith.constant 32 : i32
        %add3A_98 = arith.addi %mul3A_66, %add3A_97 : i32
        %get3A_99 = arith.index_cast %add3A_98 : i32 to index
        %get3A_100 = tpu.vector_load %arg11[%get3A_99] {strides = array<i32>} : memref<40192xf32, #tpu.memory_space<vmem>>, vector<16xf32>,
        %get3A_101 = vector.shape_cast %get3A_100 : vector<16xf32> to vector<16xf32>
        %add3A_102 = arith.constant 0 : i32
        %add3A_103 = arith.addi %add3A_55, %add3A_102 : i32
        %get3A_104 = arith.index_cast %add3A_103 : i32 to index
        %get3A_105 = arith.constant 32 : index
        %get3A_106 = tpu.vector_load %arg10[%get3A_104, %get3A_105] {strides = array<i32>} : memref<128x128xf32, #tpu.memory_space<vmem>>, vector<1x16xf32>,
        %get3A_107 = vector.shape_cast %get3A_106 : vector<1x16xf32> to vector<16xf32>
        %max3A_108 = arith.maximumf %get3A_101, %get3A_107 : vector<16xf32>
        %swap3A_109 = arith.index_cast %add3A_98 : i32 to index
        %swap3A_110 = tpu.vector_load %arg11[%swap3A_109] {strides = array<i32>} : memref<40192xf32, #tpu.memory_space<vmem>>, vector<16xf32>,
        %swap3A_111 = vector.shape_cast %swap3A_110 : vector<16xf32> to vector<16xf32>
        %swap3A_112 = vector.shape_cast %max3A_108 : vector<16xf32> to vector<16xf32>
        tpu.vector_store %arg11[%swap3A_109], %swap3A_112 {strides = array<i32>} : memref<40192xf32, #tpu.memory_space<vmem>>, vector<16xf32>,
        %add3A_113 = arith.constant 48 : i32
        %add3A_114 = arith.addi %mul3A_66, %add3A_113 : i32
        %get3A_115 = arith.index_cast %add3A_114 : i32 to index
        %get3A_116 = tpu.vector_load %arg11[%get3A_115] {strides = array<i32>} : memref<40192xf32, #tpu.memory_space<vmem>>, vector<16xf32>,
        %get3A_117 = vector.shape_cast %get3A_116 : vector<16xf32> to vector<16xf32>
        %add3A_118 = arith.constant 0 : i32
        %add3A_119 = arith.addi %add3A_55, %add3A_118 : i32
        %get3A_120 = arith.index_cast %add3A_119 : i32 to index
        %get3A_121 = arith.constant 48 : index
        %get3A_122 = tpu.vector_load %arg10[%get3A_120, %get3A_121] {strides = array<i32>} : memref<128x128xf32, #tpu.memory_space<vmem>>, vector<1x16xf32>,
        %get3A_123 = vector.shape_cast %get3A_122 : vector<1x16xf32> to vector<16xf32>
        %max3A_124 = arith.maximumf %get3A_117, %get3A_123 : vector<16xf32>
        %swap3A_125 = arith.index_cast %add3A_114 : i32 to index
        %swap3A_126 = tpu.vector_load %arg11[%swap3A_125] {strides = array<i32>} : memref<40192xf32, #tpu.memory_space<vmem>>, vector<16xf32>,
        %swap3A_127 = vector.shape_cast %swap3A_126 : vector<16xf32> to vector<16xf32>
        %swap3A_128 = vector.shape_cast %max3A_124 : vector<16xf32> to vector<16xf32>
        tpu.vector_store %arg11[%swap3A_125], %swap3A_128 {strides = array<i32>} : memref<40192xf32, #tpu.memory_space<vmem>>, vector<16xf32>,
        %add3A_129 = arith.constant 64 : i32
        %add3A_130 = arith.addi %mul3A_66, %add3A_129 : i32
        %get3A_131 = arith.index_cast %add3A_130 : i32 to index
        %get3A_132 = tpu.vector_load %arg11[%get3A_131] {strides = array<i32>} : memref<40192xf32, #tpu.memory_space<vmem>>, vector<16xf32>,
        %get3A_133 = vector.shape_cast %get3A_132 : vector<16xf32> to vector<16xf32>
        %add3A_134 = arith.constant 0 : i32
        %add3A_135 = arith.addi %add3A_55, %add3A_134 : i32
        %get3A_136 = arith.index_cast %add3A_135 : i32 to index
        %get3A_137 = arith.constant 64 : index
        %get3A_138 = tpu.vector_load %arg10[%get3A_136, %get3A_137] {strides = array<i32>} : memref<128x128xf32, #tpu.memory_space<vmem>>, vector<1x16xf32>,
        %get3A_139 = vector.shape_cast %get3A_138 : vector<1x16xf32> to vector<16xf32>
        %max3A_140 = arith.maximumf %get3A_133, %get3A_139 : vector<16xf32>
        %swap3A_141 = arith.index_cast %add3A_130 : i32 to index
        %swap3A_142 = tpu.vector_load %arg11[%swap3A_141] {strides = array<i32>} : memref<40192xf32, #tpu.memory_space<vmem>>, vector<16xf32>,
        %swap3A_143 = vector.shape_cast %swap3A_142 : vector<16xf32> to vector<16xf32>
        %swap3A_144 = vector.shape_cast %max3A_140 : vector<16xf32> to vector<16xf32>
        tpu.vector_store %arg11[%swap3A_141], %swap3A_144 {strides = array<i32>} : memref<40192xf32, #tpu.memory_space<vmem>>, vector<16xf32>,
        %add3A_145 = arith.constant 80 : i32
        %add3A_146 = arith.addi %mul3A_66, %add3A_145 : i32
        %get3A_147 = arith.index_cast %add3A_146 : i32 to index
        %get3A_148 = tpu.vector_load %arg11[%get3A_147] {strides = array<i32>} : memref<40192xf32, #tpu.memory_space<vmem>>, vector<16xf32>,
        %get3A_149 = vector.shape_cast %get3A_148 : vector<16xf32> to vector<16xf32>
        %add3A_150 = arith.constant 0 : i32
        %add3A_151 = arith.addi %add3A_55, %add3A_150 : i32
        %get3A_152 = arith.index_cast %add3A_151 : i32 to index
        %get3A_153 = arith.constant 80 : index
        %get3A_154 = tpu.vector_load %arg10[%get3A_152, %get3A_153] {strides = array<i32>} : memref<128x128xf32, #tpu.memory_space<vmem>>, vector<1x16xf32>,
        %get3A_155 = vector.shape_cast %get3A_154 : vector<1x16xf32> to vector<16xf32>
        %max3A_156 = arith.maximumf %get3A_149, %get3A_155 : vector<16xf32>
        %swap3A_157 = arith.index_cast %add3A_146 : i32 to index
        %swap3A_158 = tpu.vector_load %arg11[%swap3A_157] {strides = array<i32>} : memref<40192xf32, #tpu.memory_space<vmem>>, vector<16xf32>,
        %swap3A_159 = vector.shape_cast %swap3A_158 : vector<16xf32> to vector<16xf32>
        %swap3A_160 = vector.shape_cast %max3A_156 : vector<16xf32> to vector<16xf32>
        tpu.vector_store %arg11[%swap3A_157], %swap3A_160 {strides = array<i32>} : memref<40192xf32, #tpu.memory_space<vmem>>, vector<16xf32>,
        %add3A_161 = arith.constant 96 : i32
        %add3A_162 = arith.addi %mul3A_66, %add3A_161 : i32
        %get3A_163 = arith.index_cast %add3A_162 : i32 to index
        %get3A_164 = tpu.vector_load %arg11[%get3A_163] {strides = array<i32>} : memref<40192xf32, #tpu.memory_space<vmem>>, vector<16xf32>,
        %get3A_165 = vector.shape_cast %get3A_164 : vector<16xf32> to vector<16xf32>
        %add3A_166 = arith.constant 0 : i32
        %add3A_167 = arith.addi %add3A_55, %add3A_166 : i32
        %get3A_168 = arith.index_cast %add3A_167 : i32 to index
        %get3A_169 = arith.constant 96 : index
        %get3A_170 = tpu.vector_load %arg10[%get3A_168, %get3A_169] {strides = array<i32>} : memref<128x128xf32, #tpu.memory_space<vmem>>, vector<1x16xf32>,
        %get3A_171 = vector.shape_cast %get3A_170 : vector<1x16xf32> to vector<16xf32>
        %max3A_172 = arith.maximumf %get3A_165, %get3A_171 : vector<16xf32>
        %swap3A_173 = arith.index_cast %add3A_162 : i32 to index
        %swap3A_174 = tpu.vector_load %arg11[%swap3A_173] {strides = array<i32>} : memref<40192xf32, #tpu.memory_space<vmem>>, vector<16xf32>,
        %swap3A_175 = vector.shape_cast %swap3A_174 : vector<16xf32> to vector<16xf32>
        %swap3A_176 = vector.shape_cast %max3A_172 : vector<16xf32> to vector<16xf32>
        tpu.vector_store %arg11[%swap3A_173], %swap3A_176 {strides = array<i32>} : memref<40192xf32, #tpu.memory_space<vmem>>, vector<16xf32>,
        %add3A_177 = arith.constant 112 : i32
        %add3A_178 = arith.addi %mul3A_66, %add3A_177 : i32
        %get3A_179 = arith.index_cast %add3A_178 : i32 to index
        %get3A_180 = tpu.vector_load %arg11[%get3A_179] {strides = array<i32>} : memref<40192xf32, #tpu.memory_space<vmem>>, vector<16xf32>,
        %get3A_181 = vector.shape_cast %get3A_180 : vector<16xf32> to vector<16xf32>
        %add3A_182 = arith.constant 0 : i32
        %add3A_183 = arith.addi %add3A_55, %add3A_182 : i32
        %get3A_184 = arith.index_cast %add3A_183 : i32 to index
        %get3A_185 = arith.constant 112 : index
        %get3A_186 = tpu.vector_load %arg10[%get3A_184, %get3A_185] {strides = array<i32>} : memref<128x128xf32, #tpu.memory_space<vmem>>, vector<1x16xf32>,
        %get3A_187 = vector.shape_cast %get3A_186 : vector<1x16xf32> to vector<16xf32>
        %max3A_188 = arith.maximumf %get3A_181, %get3A_187 : vector<16xf32>
        %swap3A_189 = arith.index_cast %add3A_178 : i32 to index
        %swap3A_190 = tpu.vector_load %arg11[%swap3A_189] {strides = array<i32>} : memref<40192xf32, #tpu.memory_space<vmem>>, vector<16xf32>,
        %swap3A_191 = vector.shape_cast %swap3A_190 : vector<16xf32> to vector<16xf32>
        %swap3A_192 = vector.shape_cast %max3A_188 : vector<16xf32> to vector<16xf32>
        tpu.vector_store %arg11[%swap3A_189], %swap3A_192 {strides = array<i32>} : memref<40192xf32, #tpu.memory_space<vmem>>, vector<16xf32>,
        %slice3A_193 = vector.extract_strided_slice %get3A_58 {offsets = [1], sizes = [1], strides = [1]} : vector<16xi32> to vector<1xi32>
        %squeeze3A_194 = vector.extract %slice3A_193[0] : i32 from vector<1xi32>
        %sub3A_195 = arith.subi %squeeze3A_194, %mul3A_8 : i32
        %lt3A_196 = arith.constant 0 : i32
        %lt3A_197 = arith.cmpi slt, %sub3A_195, %lt3A_196 : i32
        %ge3A_198 = arith.constant 313 : i32
        %ge3A_199 = arith.cmpi sge, %sub3A_195, %ge3A_198 : i32
        %or3A_200 = arith.ori %lt3A_197, %ge3A_199 : i1
        %select_n3A_201 = arith.constant 313 : i32
        %select_n3A_202 = arith.select %or3A_200, %select_n3A_201, %sub3A_195 : i32
        %mul3A_203 = arith.constant 128 : i32
        %mul3A_204 = arith.muli %select_n3A_202, %mul3A_203 : i32
        %add3A_205 = arith.constant 0 : i32
        %add3A_206 = arith.addi %mul3A_204, %add3A_205 : i32
        %get3A_207 = arith.index_cast %add3A_206 : i32 to index
        %get3A_208 = tpu.vector_load %arg11[%get3A_207] {strides = array<i32>} : memref<40192xf32, #tpu.memory_space<vmem>>, vector<16xf32>,
        %get3A_209 = vector.shape_cast %get3A_208 : vector<16xf32> to vector<16xf32>
        %add3A_210 = arith.constant 1 : i32
        %add3A_211 = arith.addi %add3A_55, %add3A_210 : i32
        %get3A_212 = arith.index_cast %add3A_211 : i32 to index
        %get3A_213 = arith.constant 0 : index
        %get3A_214 = tpu.vector_load %arg10[%get3A_212, %get3A_213] {strides = array<i32>} : memref<128x128xf32, #tpu.memory_space<vmem>>, vector<1x16xf32>,
        %get3A_215 = vector.shape_cast %get3A_214 : vector<1x16xf32> to vector<16xf32>
        %max3A_216 = arith.maximumf %get3A_209, %get3A_215 : vector<16xf32>
        %swap3A_217 = arith.index_cast %add3A_206 : i32 to index
        %swap3A_218 = tpu.vector_load %arg11[%swap3A_217] {strides = array<i32>} : memref<40192xf32, #tpu.memory_space<vmem>>, vector<16xf32>,
        %swap3A_219 = vector.shape_cast %swap3A_218 : vector<16xf32> to vector<16xf32>
        %swap3A_220 = vector.shape_cast %max3A_216 : vector<16xf32> to vector<16xf32>
        tpu.vector_store %arg11[%swap3A_217], %swap3A_220 {strides = array<i32>} : memref<40192xf32, #tpu.memory_space<vmem>>, vector<16xf32>,
        %add3A_221 = arith.constant 16 : i32
        %add3A_222 = arith.addi %mul3A_204, %add3A_221 : i32
        %get3A_223 = arith.index_cast %add3A_222 : i32 to index
        %get3A_224 = tpu.vector_load %arg11[%get3A_223] {strides = array<i32>} : memref<40192xf32, #tpu.memory_space<vmem>>, vector<16xf32>,
        %get3A_225 = vector.shape_cast %get3A_224 : vector<16xf32> to vector<16xf32>
        %add3A_226 = arith.constant 1 : i32
        %add3A_227 = arith.addi %add3A_55, %add3A_226 : i32
        %get3A_228 = arith.index_cast %add3A_227 : i32 to index
        %get3A_229 = arith.constant 16 : index
        %get3A_230 = tpu.vector_load %arg10[%get3A_228, %get3A_229] {strides = array<i32>} : memref<128x128xf32, #tpu.memory_space<vmem>>, vector<1x16xf32>,
        %get3A_231 = vector.shape_cast %get3A_230 : vector<1x16xf32> to vector<16xf32>
        %max3A_232 = arith.maximumf %get3A_225, %get3A_231 : vector<16xf32>
        %swap3A_233 = arith.index_cast %add3A_222 : i32 to index
        %swap3A_234 = tpu.vector_load %arg11[%swap3A_233] {strides = array<i32>} : memref<40192xf32, #tpu.memory_space<vmem>>, vector<16xf32>,
        %swap3A_235 = vector.shape_cast %swap3A_234 : vector<16xf32> to vector<16xf32>
        %swap3A_236 = vector.shape_cast %max3A_232 : vector<16xf32> to vector<16xf32>
        tpu.vector_store %arg11[%swap3A_233], %swap3A_236 {strides = array<i32>} : memref<40192xf32, #tpu.memory_space<vmem>>, vector<16xf32>,
        %add3A_237 = arith.constant 32 : i32
        %add3A_238 = arith.addi %mul3A_204, %add3A_237 : i32
        %get3A_239 = arith.index_cast %add3A_238 : i32 to index
        %get3A_240 = tpu.vector_load %arg11[%get3A_239] {strides = array<i32>} : memref<40192xf32, #tpu.memory_space<vmem>>, vector<16xf32>,
        %get3A_241 = vector.shape_cast %get3A_240 : vector<16xf32> to vector<16xf32>
        %add3A_242 = arith.constant 1 : i32
        %add3A_243 = arith.addi %add3A_55, %add3A_242 : i32
        %get3A_244 = arith.index_cast %add3A_243 : i32 to index
        %get3A_245 = arith.constant 32 : index
        %get3A_246 = tpu.vector_load %arg10[%get3A_244, %get3A_245] {strides = array<i32>} : memref<128x128xf32, #tpu.memory_space<vmem>>, vector<1x16xf32>,
        %get3A_247 = vector.shape_cast %get3A_246 : vector<1x16xf32> to vector<16xf32>
        %max3A_248 = arith.maximumf %get3A_241, %get3A_247 : vector<16xf32>
        %swap3A_249 = arith.index_cast %add3A_238 : i32 to index
        %swap3A_250 = tpu.vector_load %arg11[%swap3A_249] {strides = array<i32>} : memref<40192xf32, #tpu.memory_space<vmem>>, vector<16xf32>,
        %swap3A_251 = vector.shape_cast %swap3A_250 : vector<16xf32> to vector<16xf32>
        %swap3A_252 = vector.shape_cast %max3A_248 : vector<16xf32> to vector<16xf32>
        tpu.vector_store %arg11[%swap3A_249], %swap3A_252 {strides = array<i32>} : memref<40192xf32, #tpu.memory_space<vmem>>, vector<16xf32>,
        %add3A_253 = arith.constant 48 : i32
        %add3A_254 = arith.addi %mul3A_204, %add3A_253 : i32
        %get3A_255 = arith.index_cast %add3A_254 : i32 to index
        %get3A_256 = tpu.vector_load %arg11[%get3A_255] {strides = array<i32>} : memref<40192xf32, #tpu.memory_space<vmem>>, vector<16xf32>,
        %get3A_257 = vector.shape_cast %get3A_256 : vector<16xf32> to vector<16xf32>
        %add3A_258 = arith.constant 1 : i32
        %add3A_259 = arith.addi %add3A_55, %add3A_258 : i32
        %get3A_260 = arith.index_cast %add3A_259 : i32 to index
        %get3A_261 = arith.constant 48 : index
        %get3A_262 = tpu.vector_load %arg10[%get3A_260, %get3A_261] {strides = array<i32>} : memref<128x128xf32, #tpu.memory_space<vmem>>, vector<1x16xf32>,
        %get3A_263 = vector.shape_cast %get3A_262 : vector<1x16xf32> to vector<16xf32>
        %max3A_264 = arith.maximumf %get3A_257, %get3A_263 : vector<16xf32>
        %swap3A_265 = arith.index_cast %add3A_254 : i32 to index
        %swap3A_266 = tpu.vector_load %arg11[%swap3A_265] {strides = array<i32>} : memref<40192xf32, #tpu.memory_space<vmem>>, vector<16xf32>,
        %swap3A_267 = vector.shape_cast %swap3A_266 : vector<16xf32> to vector<16xf32>
        %swap3A_268 = vector.shape_cast %max3A_264 : vector<16xf32> to vector<16xf32>
        tpu.vector_store %arg11[%swap3A_265], %swap3A_268 {strides = array<i32>} : memref<40192xf32, #tpu.memory_space<vmem>>, vector<16xf32>,
        %add3A_269 = arith.constant 64 : i32
        %add3A_270 = arith.addi %mul3A_204, %add3A_269 : i32
        %get3A_271 = arith.index_cast %add3A_270 : i32 to index
        %get3A_272 = tpu.vector_load %arg11[%get3A_271] {strides = array<i32>} : memref<40192xf32, #tpu.memory_space<vmem>>, vector<16xf32>,
        %get3A_273 = vector.shape_cast %get3A_272 : vector<16xf32> to vector<16xf32>
        %add3A_274 = arith.constant 1 : i32
        %add3A_275 = arith.addi %add3A_55, %add3A_274 : i32
        %get3A_276 = arith.index_cast %add3A_275 : i32 to index
        %get3A_277 = arith.constant 64 : index
        %get3A_278 = tpu.vector_load %arg10[%get3A_276, %get3A_277] {strides = array<i32>} : memref<128x128xf32, #tpu.memory_space<vmem>>, vector<1x16xf32>,
        %get3A_279 = vector.shape_cast %get3A_278 : vector<1x16xf32> to vector<16xf32>
        %max3A_280 = arith.maximumf %get3A_273, %get3A_279 : vector<16xf32>
        %swap3A_281 = arith.index_cast %add3A_270 : i32 to index
        %swap3A_282 = tpu.vector_load %arg11[%swap3A_281] {strides = array<i32>} : memref<40192xf32, #tpu.memory_space<vmem>>, vector<16xf32>,
        %swap3A_283 = vector.shape_cast %swap3A_282 : vector<16xf32> to vector<16xf32>
        %swap3A_284 = vector.shape_cast %max3A_280 : vector<16xf32> to vector<16xf32>
        tpu.vector_store %arg11[%swap3A_281], %swap3A_284 {strides = array<i32>} : memref<40192xf32, #tpu.memory_space<vmem>>, vector<16xf32>,
        %add3A_285 = arith.constant 80 : i32
        %add3A_286 = arith.addi %mul3A_204, %add3A_285 : i32
        %get3A_287 = arith.index_cast %add3A_286 : i32 to index
        %get3A_288 = tpu.vector_load %arg11[%get3A_287] {strides = array<i32>} : memref<40192xf32, #tpu.memory_space<vmem>>, vector<16xf32>,
        %get3A_289 = vector.shape_cast %get3A_288 : vector<16xf32> to vector<16xf32>
        %add3A_290 = arith.constant 1 : i32
        %add3A_291 = arith.addi %add3A_55, %add3A_290 : i32
        %get3A_292 = arith.index_cast %add3A_291 : i32 to index
        %get3A_293 = arith.constant 80 : index
        %get3A_294 = tpu.vector_load %arg10[%get3A_292, %get3A_293] {strides = array<i32>} : memref<128x128xf32, #tpu.memory_space<vmem>>, vector<1x16xf32>,
        %get3A_295 = vector.shape_cast %get3A_294 : vector<1x16xf32> to vector<16xf32>
        %max3A_296 = arith.maximumf %get3A_289, %get3A_295 : vector<16xf32>
        %swap3A_297 = arith.index_cast %add3A_286 : i32 to index
        %swap3A_298 = tpu.vector_load %arg11[%swap3A_297] {strides = array<i32>} : memref<40192xf32, #tpu.memory_space<vmem>>, vector<16xf32>,
        %swap3A_299 = vector.shape_cast %swap3A_298 : vector<16xf32> to vector<16xf32>
        %swap3A_300 = vector.shape_cast %max3A_296 : vector<16xf32> to vector<16xf32>
        tpu.vector_store %arg11[%swap3A_297], %swap3A_300 {strides = array<i32>} : memref<40192xf32, #tpu.memory_space<vmem>>, vector<16xf32>,
        %add3A_301 = arith.constant 96 : i32
        %add3A_302 = arith.addi %mul3A_204, %add3A_301 : i32
        %get3A_303 = arith.index_cast %add3A_302 : i32 to index
        %get3A_304 = tpu.vector_load %arg11[%get3A_303] {strides = array<i32>} : memref<40192xf32, #tpu.memory_space<vmem>>, vector<16xf32>,
        %get3A_305 = vector.shape_cast %get3A_304 : vector<16xf32> to vector<16xf32>
        %add3A_306 = arith.constant 1 : i32
        %add3A_307 = arith.addi %add3A_55, %add3A_306 : i32
        %get3A_308 = arith.index_cast %add3A_307 : i32 to index
        %get3A_309 = arith.constant 96 : index
        %get3A_310 = tpu.vector_load %arg10[%get3A_308, %get3A_309] {strides = array<i32>} : memref<128x128xf32, #tpu.memory_space<vmem>>, vector<1x16xf32>,
        %get3A_311 = vector.shape_cast %get3A_310 : vector<1x16xf32> to vector<16xf32>
        %max3A_312 = arith.maximumf %get3A_305, %get3A_311 : vector<16xf32>
        %swap3A_313 = arith.index_cast %add3A_302 : i32 to index
        %swap3A_314 = tpu.vector_load %arg11[%swap3A_313] {strides = array<i32>} : memref<40192xf32, #tpu.memory_space<vmem>>, vector<16xf32>,
        %swap3A_315 = vector.shape_cast %swap3A_314 : vector<16xf32> to vector<16xf32>
        %swap3A_316 = vector.shape_cast %max3A_312 : vector<16xf32> to vector<16xf32>
        tpu.vector_store %arg11[%swap3A_313], %swap3A_316 {strides = array<i32>} : memref<40192xf32, #tpu.memory_space<vmem>>, vector<16xf32>,
        %add3A_317 = arith.constant 112 : i32
        %add3A_318 = arith.addi %mul3A_204, %add3A_317 : i32
        %get3A_319 = arith.index_cast %add3A_318 : i32 to index
        %get3A_320 = tpu.vector_load %arg11[%get3A_319] {strides = array<i32>} : memref<40192xf32, #tpu.memory_space<vmem>>, vector<16xf32>,
        %get3A_321 = vector.shape_cast %get3A_320 : vector<16xf32> to vector<16xf32>
        %add3A_322 = arith.constant 1 : i32
        %add3A_323 = arith.addi %add3A_55, %add3A_322 : i32
        %get3A_324 = arith.index_cast %add3A_323 : i32 to index
        %get3A_325 = arith.constant 112 : index
        %get3A_326 = tpu.vector_load %arg10[%get3A_324, %get3A_325] {strides = array<i32>} : memref<128x128xf32, #tpu.memory_space<vmem>>, vector<1x16xf32>,
        %get3A_327 = vector.shape_cast %get3A_326 : vector<1x16xf32> to vector<16xf32>
        %max3A_328 = arith.maximumf %get3A_321, %get3A_327 : vector<16xf32>
        %swap3A_329 = arith.index_cast %add3A_318 : i32 to index
        %swap3A_330 = tpu.vector_load %arg11[%swap3A_329] {strides = array<i32>} : memref<40192xf32, #tpu.memory_space<vmem>>, vector<16xf32>,
        %swap3A_331 = vector.shape_cast %swap3A_330 : vector<16xf32> to vector<16xf32>
        %swap3A_332 = vector.shape_cast %max3A_328 : vector<16xf32> to vector<16xf32>
        tpu.vector_store %arg11[%swap3A_329], %swap3A_332 {strides = array<i32>} : memref<40192xf32, #tpu.memory_space<vmem>>, vector<16xf32>,
        %slice3A_333 = vector.extract_strided_slice %get3A_58 {offsets = [2], sizes = [1], strides = [1]} : vector<16xi32> to vector<1xi32>
        %squeeze3A_334 = vector.extract %slice3A_333[0] : i32 from vector<1xi32>
        %sub3A_335 = arith.subi %squeeze3A_334, %mul3A_8 : i32
        %lt3A_336 = arith.constant 0 : i32
        %lt3A_337 = arith.cmpi slt, %sub3A_335, %lt3A_336 : i32
        %ge3A_338 = arith.constant 313 : i32
        %ge3A_339 = arith.cmpi sge, %sub3A_335, %ge3A_338 : i32
        %or3A_340 = arith.ori %lt3A_337, %ge3A_339 : i1
        %select_n3A_341 = arith.constant 313 : i32
        %select_n3A_342 = arith.select %or3A_340, %select_n3A_341, %sub3A_335 : i32
        %mul3A_343 = arith.constant 128 : i32
        %mul3A_344 = arith.muli %select_n3A_342, %mul3A_343 : i32
        %add3A_345 = arith.constant 0 : i32
        %add3A_346 = arith.addi %mul3A_344, %add3A_345 : i32
        %get3A_347 = arith.index_cast %add3A_346 : i32 to index
        %get3A_348 = tpu.vector_load %arg11[%get3A_347] {strides = array<i32>} : memref<40192xf32, #tpu.memory_space<vmem>>, vector<16xf32>,
        %get3A_349 = vector.shape_cast %get3A_348 : vector<16xf32> to vector<16xf32>
        %add3A_350 = arith.constant 2 : i32
        %add3A_351 = arith.addi %add3A_55, %add3A_350 : i32
        %get3A_352 = arith.index_cast %add3A_351 : i32 to index
        %get3A_353 = arith.constant 0 : index
        %get3A_354 = tpu.vector_load %arg10[%get3A_352, %get3A_353] {strides = array<i32>} : memref<128x128xf32, #tpu.memory_space<vmem>>, vector<1x16xf32>,
        %get3A_355 = vector.shape_cast %get3A_354 : vector<1x16xf32> to vector<16xf32>
        %max3A_356 = arith.maximumf %get3A_349, %get3A_355 : vector<16xf32>
        %swap3A_357 = arith.index_cast %add3A_346 : i32 to index
        %swap3A_358 = tpu.vector_load %arg11[%swap3A_357] {strides = array<i32>} : memref<40192xf32, #tpu.memory_space<vmem>>, vector<16xf32>,
        %swap3A_359 = vector.shape_cast %swap3A_358 : vector<16xf32> to vector<16xf32>
        %swap3A_360 = vector.shape_cast %max3A_356 : vector<16xf32> to vector<16xf32>
        tpu.vector_store %arg11[%swap3A_357], %swap3A_360 {strides = array<i32>} : memref<40192xf32, #tpu.memory_space<vmem>>, vector<16xf32>,
        %add3A_361 = arith.constant 16 : i32
        %add3A_362 = arith.addi %mul3A_344, %add3A_361 : i32
        %get3A_363 = arith.index_cast %add3A_362 : i32 to index
        %get3A_364 = tpu.vector_load %arg11[%get3A_363] {strides = array<i32>} : memref<40192xf32, #tpu.memory_space<vmem>>, vector<16xf32>,
        %get3A_365 = vector.shape_cast %get3A_364 : vector<16xf32> to vector<16xf32>
        %add3A_366 = arith.constant 2 : i32
        %add3A_367 = arith.addi %add3A_55, %add3A_366 : i32
        %get3A_368 = arith.index_cast %add3A_367 : i32 to index
        %get3A_369 = arith.constant 16 : index
        %get3A_370 = tpu.vector_load %arg10[%get3A_368, %get3A_369] {strides = array<i32>} : memref<128x128xf32, #tpu.memory_space<vmem>>, vector<1x16xf32>,
        %get3A_371 = vector.shape_cast %get3A_370 : vector<1x16xf32> to vector<16xf32>
        %max3A_372 = arith.maximumf %get3A_365, %get3A_371 : vector<16xf32>
        %swap3A_373 = arith.index_cast %add3A_362 : i32 to index
        %swap3A_374 = tpu.vector_load %arg11[%swap3A_373] {strides = array<i32>} : memref<40192xf32, #tpu.memory_space<vmem>>, vector<16xf32>,
        %swap3A_375 = vector.shape_cast %swap3A_374 : vector<16xf32> to vector<16xf32>
        %swap3A_376 = vector.shape_cast %max3A_372 : vector<16xf32> to vector<16xf32>
        tpu.vector_store %arg11[%swap3A_373], %swap3A_376 {strides = array<i32>} : memref<40192xf32, #tpu.memory_space<vmem>>, vector<16xf32>,
        %add3A_377 = arith.constant 32 : i32
        %add3A_378 = arith.addi %mul3A_344, %add3A_377 : i32
        %get3A_379 = arith.index_cast %add3A_378 : i32 to index
        %get3A_380 = tpu.vector_load %arg11[%get3A_379] {strides = array<i32>} : memref<40192xf32, #tpu.memory_space<vmem>>, vector<16xf32>,
        %get3A_381 = vector.shape_cast %get3A_380 : vector<16xf32> to vector<16xf32>
        %add3A_382 = arith.constant 2 : i32
        %add3A_383 = arith.addi %add3A_55, %add3A_382 : i32
        %get3A_384 = arith.index_cast %add3A_383 : i32 to index
        %get3A_385 = arith.constant 32 : index
        %get3A_386 = tpu.vector_load %arg10[%get3A_384, %get3A_385] {strides = array<i32>} : memref<128x128xf32, #tpu.memory_space<vmem>>, vector<1x16xf32>,
        %get3A_387 = vector.shape_cast %get3A_386 : vector<1x16xf32> to vector<16xf32>
        %max3A_388 = arith.maximumf %get3A_381, %get3A_387 : vector<16xf32>
        %swap3A_389 = arith.index_cast %add3A_378 : i32 to index
        %swap3A_390 = tpu.vector_load %arg11[%swap3A_389] {strides = array<i32>} : memref<40192xf32, #tpu.memory_space<vmem>>, vector<16xf32>,
        %swap3A_391 = vector.shape_cast %swap3A_390 : vector<16xf32> to vector<16xf32>
        %swap3A_392 = vector.shape_cast %max3A_388 : vector<16xf32> to vector<16xf32>
        tpu.vector_store %arg11[%swap3A_389], %swap3A_392 {strides = array<i32>} : memref<40192xf32, #tpu.memory_space<vmem>>, vector<16xf32>,
        %add3A_393 = arith.constant 48 : i32
        %add3A_394 = arith.addi %mul3A_344, %add3A_393 : i32
        %get3A_395 = arith.index_cast %add3A_394 : i32 to index
        %get3A_396 = tpu.vector_load %arg11[%get3A_395] {strides = array<i32>} : memref<40192xf32, #tpu.memory_space<vmem>>, vector<16xf32>,
        %get3A_397 = vector.shape_cast %get3A_396 : vector<16xf32> to vector<16xf32>
        %add3A_398 = arith.constant 2 : i32
        %add3A_399 = arith.addi %add3A_55, %add3A_398 : i32
        %get3A_400 = arith.index_cast %add3A_399 : i32 to index
        %get3A_401 = arith.constant 48 : index
        %get3A_402 = tpu.vector_load %arg10[%get3A_400, %get3A_401] {strides = array<i32>} : memref<128x128xf32, #tpu.memory_space<vmem>>, vector<1x16xf32>,
        %get3A_403 = vector.shape_cast %get3A_402 : vector<1x16xf32> to vector<16xf32>
        %max3A_404 = arith.maximumf %get3A_397, %get3A_403 : vector<16xf32>
        %swap3A_405 = arith.index_cast %add3A_394 : i32 to index
        %swap3A_406 = tpu.vector_load %arg11[%swap3A_405] {strides = array<i32>} : memref<40192xf32, #tpu.memory_space<vmem>>, vector<16xf32>,
        %swap3A_407 = vector.shape_cast %swap3A_406 : vector<16xf32> to vector<16xf32>
        %swap3A_408 = vector.shape_cast %max3A_404 : vector<16xf32> to vector<16xf32>
        tpu.vector_store %arg11[%swap3A_405], %swap3A_408 {strides = array<i32>} : memref<40192xf32, #tpu.memory_space<vmem>>, vector<16xf32>,
        %add3A_409 = arith.constant 64 : i32
        %add3A_410 = arith.addi %mul3A_344, %add3A_409 : i32
        %get3A_411 = arith.index_cast %add3A_410 : i32 to index
        %get3A_412 = tpu.vector_load %arg11[%get3A_411] {strides = array<i32>} : memref<40192xf32, #tpu.memory_space<vmem>>, vector<16xf32>,
        %get3A_413 = vector.shape_cast %get3A_412 : vector<16xf32> to vector<16xf32>
        %add3A_414 = arith.constant 2 : i32
        %add3A_415 = arith.addi %add3A_55, %add3A_414 : i32
        %get3A_416 = arith.index_cast %add3A_415 : i32 to index
        %get3A_417 = arith.constant 64 : index
        %get3A_418 = tpu.vector_load %arg10[%get3A_416, %get3A_417] {strides = array<i32>} : memref<128x128xf32, #tpu.memory_space<vmem>>, vector<1x16xf32>,
        %get3A_419 = vector.shape_cast %get3A_418 : vector<1x16xf32> to vector<16xf32>
        %max3A_420 = arith.maximumf %get3A_413, %get3A_419 : vector<16xf32>
        %swap3A_421 = arith.index_cast %add3A_410 : i32 to index
        %swap3A_422 = tpu.vector_load %arg11[%swap3A_421] {strides = array<i32>} : memref<40192xf32, #tpu.memory_space<vmem>>, vector<16xf32>,
        %swap3A_423 = vector.shape_cast %swap3A_422 : vector<16xf32> to vector<16xf32>
        %swap3A_424 = vector.shape_cast %max3A_420 : vector<16xf32> to vector<16xf32>
        tpu.vector_store %arg11[%swap3A_421], %swap3A_424 {strides = array<i32>} : memref<40192xf32, #tpu.memory_space<vmem>>, vector<16xf32>,
        %add3A_425 = arith.constant 80 : i32
        %add3A_426 = arith.addi %mul3A_344, %add3A_425 : i32
        %get3A_427 = arith.index_cast %add3A_426 : i32 to index
        %get3A_428 = tpu.vector_load %arg11[%get3A_427] {strides = array<i32>} : memref<40192xf32, #tpu.memory_space<vmem>>, vector<16xf32>,
        %get3A_429 = vector.shape_cast %get3A_428 : vector<16xf32> to vector<16xf32>
        %add3A_430 = arith.constant 2 : i32
        %add3A_431 = arith.addi %add3A_55, %add3A_430 : i32
        %get3A_432 = arith.index_cast %add3A_431 : i32 to index
        %get3A_433 = arith.constant 80 : index
        %get3A_434 = tpu.vector_load %arg10[%get3A_432, %get3A_433] {strides = array<i32>} : memref<128x128xf32, #tpu.memory_space<vmem>>, vector<1x16xf32>,
        %get3A_435 = vector.shape_cast %get3A_434 : vector<1x16xf32> to vector<16xf32>
        %max3A_436 = arith.maximumf %get3A_429, %get3A_435 : vector<16xf32>
        %swap3A_437 = arith.index_cast %add3A_426 : i32 to index
        %swap3A_438 = tpu.vector_load %arg11[%swap3A_437] {strides = array<i32>} : memref<40192xf32, #tpu.memory_space<vmem>>, vector<16xf32>,
        %swap3A_439 = vector.shape_cast %swap3A_438 : vector<16xf32> to vector<16xf32>
        %swap3A_440 = vector.shape_cast %max3A_436 : vector<16xf32> to vector<16xf32>
        tpu.vector_store %arg11[%swap3A_437], %swap3A_440 {strides = array<i32>} : memref<40192xf32, #tpu.memory_space<vmem>>, vector<16xf32>,
        %add3A_441 = arith.constant 96 : i32
        %add3A_442 = arith.addi %mul3A_344, %add3A_441 : i32
        %get3A_443 = arith.index_cast %add3A_442 : i32 to index
        %get3A_444 = tpu.vector_load %arg11[%get3A_443] {strides = array<i32>} : memref<40192xf32, #tpu.memory_space<vmem>>, vector<16xf32>,
        %get3A_445 = vector.shape_cast %get3A_444 : vector<16xf32> to vector<16xf32>
        %add3A_446 = arith.constant 2 : i32
        %add3A_447 = arith.addi %add3A_55, %add3A_446 : i32
        %get3A_448 = arith.index_cast %add3A_447 : i32 to index
        %get3A_449 = arith.constant 96 : index
        %get3A_450 = tpu.vector_load %arg10[%get3A_448, %get3A_449] {strides = array<i32>} : memref<128x128xf32, #tpu.memory_space<vmem>>, vector<1x16xf32>,
        %get3A_451 = vector.shape_cast %get3A_450 : vector<1x16xf32> to vector<16xf32>
        %max3A_452 = arith.maximumf %get3A_445, %get3A_451 : vector<16xf32>
        %swap3A_453 = arith.index_cast %add3A_442 : i32 to index
        %swap3A_454 = tpu.vector_load %arg11[%swap3A_453] {strides = array<i32>} : memref<40192xf32, #tpu.memory_space<vmem>>, vector<16xf32>,
        %swap3A_455 = vector.shape_cast %swap3A_454 : vector<16xf32> to vector<16xf32>
        %swap3A_456 = vector.shape_cast %max3A_452 : vector<16xf32> to vector<16xf32>
        tpu.vector_store %arg11[%swap3A_453], %swap3A_456 {strides = array<i32>} : memref<40192xf32, #tpu.memory_space<vmem>>, vector<16xf32>,
        %add3A_457 = arith.constant 112 : i32
        %add3A_458 = arith.addi %mul3A_344, %add3A_457 : i32
        %get3A_459 = arith.index_cast %add3A_458 : i32 to index
        %get3A_460 = tpu.vector_load %arg11[%get3A_459] {strides = array<i32>} : memref<40192xf32, #tpu.memory_space<vmem>>, vector<16xf32>,
        %get3A_461 = vector.shape_cast %get3A_460 : vector<16xf32> to vector<16xf32>
        %add3A_462 = arith.constant 2 : i32
        %add3A_463 = arith.addi %add3A_55, %add3A_462 : i32
        %get3A_464 = arith.index_cast %add3A_463 : i32 to index
        %get3A_465 = arith.constant 112 : index
        %get3A_466 = tpu.vector_load %arg10[%get3A_464, %get3A_465] {strides = array<i32>} : memref<128x128xf32, #tpu.memory_space<vmem>>, vector<1x16xf32>,
        %get3A_467 = vector.shape_cast %get3A_466 : vector<1x16xf32> to vector<16xf32>
        %max3A_468 = arith.maximumf %get3A_461, %get3A_467 : vector<16xf32>
        %swap3A_469 = arith.index_cast %add3A_458 : i32 to index
        %swap3A_470 = tpu.vector_load %arg11[%swap3A_469] {strides = array<i32>} : memref<40192xf32, #tpu.memory_space<vmem>>, vector<16xf32>,
        %swap3A_471 = vector.shape_cast %swap3A_470 : vector<16xf32> to vector<16xf32>
        %swap3A_472 = vector.shape_cast %max3A_468 : vector<16xf32> to vector<16xf32>
        tpu.vector_store %arg11[%swap3A_469], %swap3A_472 {strides = array<i32>} : memref<40192xf32, #tpu.memory_space<vmem>>, vector<16xf32>,
        %slice3A_473 = vector.extract_strided_slice %get3A_58 {offsets = [3], sizes = [1], strides = [1]} : vector<16xi32> to vector<1xi32>
        %squeeze3A_474 = vector.extract %slice3A_473[0] : i32 from vector<1xi32>
        %sub3A_475 = arith.subi %squeeze3A_474, %mul3A_8 : i32
        %lt3A_476 = arith.constant 0 : i32
        %lt3A_477 = arith.cmpi slt, %sub3A_475, %lt3A_476 : i32
        %ge3A_478 = arith.constant 313 : i32
        %ge3A_479 = arith.cmpi sge, %sub3A_475, %ge3A_478 : i32
        %or3A_480 = arith.ori %lt3A_477, %ge3A_479 : i1
        %select_n3A_481 = arith.constant 313 : i32
        %select_n3A_482 = arith.select %or3A_480, %select_n3A_481, %sub3A_475 : i32
        %mul3A_483 = arith.constant 128 : i32
        %mul3A_484 = arith.muli %select_n3A_482, %mul3A_483 : i32
        %add3A_485 = arith.constant 0 : i32
        %add3A_486 = arith.addi %mul3A_484, %add3A_485 : i32
        %get3A_487 = arith.index_cast %add3A_486 : i32 to index
        %get3A_488 = tpu.vector_load %arg11[%get3A_487] {strides = array<i32>} : memref<40192xf32, #tpu.memory_space<vmem>>, vector<16xf32>,
        %get3A_489 = vector.shape_cast %get3A_488 : vector<16xf32> to vector<16xf32>
        %add3A_490 = arith.constant 3 : i32
        %add3A_491 = arith.addi %add3A_55, %add3A_490 : i32
        %get3A_492 = arith.index_cast %add3A_491 : i32 to index
        %get3A_493 = arith.constant 0 : index
        %get3A_494 = tpu.vector_load %arg10[%get3A_492, %get3A_493] {strides = array<i32>} : memref<128x128xf32, #tpu.memory_space<vmem>>, vector<1x16xf32>,
        %get3A_495 = vector.shape_cast %get3A_494 : vector<1x16xf32> to vector<16xf32>
        %max3A_496 = arith.maximumf %get3A_489, %get3A_495 : vector<16xf32>
        %swap3A_497 = arith.index_cast %add3A_486 : i32 to index
        %swap3A_498 = tpu.vector_load %arg11[%swap3A_497] {strides = array<i32>} : memref<40192xf32, #tpu.memory_space<vmem>>, vector<16xf32>,
        %swap3A_499 = vector.shape_cast %swap3A_498 : vector<16xf32> to vector<16xf32>
        %swap3A_500 = vector.shape_cast %max3A_496 : vector<16xf32> to vector<16xf32>
        tpu.vector_store %arg11[%swap3A_497], %swap3A_500 {strides = array<i32>} : memref<40192xf32, #tpu.memory_space<vmem>>, vector<16xf32>,
        %add3A_501 = arith.constant 16 : i32
        %add3A_502 = arith.addi %mul3A_484, %add3A_501 : i32
        %get3A_503 = arith.index_cast %add3A_502 : i32 to index
        %get3A_504 = tpu.vector_load %arg11[%get3A_503] {strides = array<i32>} : memref<40192xf32, #tpu.memory_space<vmem>>, vector<16xf32>,
        %get3A_505 = vector.shape_cast %get3A_504 : vector<16xf32> to vector<16xf32>
        %add3A_506 = arith.constant 3 : i32
        %add3A_507 = arith.addi %add3A_55, %add3A_506 : i32
        %get3A_508 = arith.index_cast %add3A_507 : i32 to index
        %get3A_509 = arith.constant 16 : index
        %get3A_510 = tpu.vector_load %arg10[%get3A_508, %get3A_509] {strides = array<i32>} : memref<128x128xf32, #tpu.memory_space<vmem>>, vector<1x16xf32>,
        %get3A_511 = vector.shape_cast %get3A_510 : vector<1x16xf32> to vector<16xf32>
        %max3A_512 = arith.maximumf %get3A_505, %get3A_511 : vector<16xf32>
        %swap3A_513 = arith.index_cast %add3A_502 : i32 to index
        %swap3A_514 = tpu.vector_load %arg11[%swap3A_513] {strides = array<i32>} : memref<40192xf32, #tpu.memory_space<vmem>>, vector<16xf32>,
        %swap3A_515 = vector.shape_cast %swap3A_514 : vector<16xf32> to vector<16xf32>
        %swap3A_516 = vector.shape_cast %max3A_512 : vector<16xf32> to vector<16xf32>
        tpu.vector_store %arg11[%swap3A_513], %swap3A_516 {strides = array<i32>} : memref<40192xf32, #tpu.memory_space<vmem>>, vector<16xf32>,
        %add3A_517 = arith.constant 32 : i32
        %add3A_518 = arith.addi %mul3A_484, %add3A_517 : i32
        %get3A_519 = arith.index_cast %add3A_518 : i32 to index
        %get3A_520 = tpu.vector_load %arg11[%get3A_519] {strides = array<i32>} : memref<40192xf32, #tpu.memory_space<vmem>>, vector<16xf32>,
        %get3A_521 = vector.shape_cast %get3A_520 : vector<16xf32> to vector<16xf32>
        %add3A_522 = arith.constant 3 : i32
        %add3A_523 = arith.addi %add3A_55, %add3A_522 : i32
        %get3A_524 = arith.index_cast %add3A_523 : i32 to index
        %get3A_525 = arith.constant 32 : index
        %get3A_526 = tpu.vector_load %arg10[%get3A_524, %get3A_525] {strides = array<i32>} : memref<128x128xf32, #tpu.memory_space<vmem>>, vector<1x16xf32>,
        %get3A_527 = vector.shape_cast %get3A_526 : vector<1x16xf32> to vector<16xf32>
        %max3A_528 = arith.maximumf %get3A_521, %get3A_527 : vector<16xf32>
        %swap3A_529 = arith.index_cast %add3A_518 : i32 to index
        %swap3A_530 = tpu.vector_load %arg11[%swap3A_529] {strides = array<i32>} : memref<40192xf32, #tpu.memory_space<vmem>>, vector<16xf32>,
        %swap3A_531 = vector.shape_cast %swap3A_530 : vector<16xf32> to vector<16xf32>
        %swap3A_532 = vector.shape_cast %max3A_528 : vector<16xf32> to vector<16xf32>
        tpu.vector_store %arg11[%swap3A_529], %swap3A_532 {strides = array<i32>} : memref<40192xf32, #tpu.memory_space<vmem>>, vector<16xf32>,
        %add3A_533 = arith.constant 48 : i32
        %add3A_534 = arith.addi %mul3A_484, %add3A_533 : i32
        %get3A_535 = arith.index_cast %add3A_534 : i32 to index
        %get3A_536 = tpu.vector_load %arg11[%get3A_535] {strides = array<i32>} : memref<40192xf32, #tpu.memory_space<vmem>>, vector<16xf32>,
        %get3A_537 = vector.shape_cast %get3A_536 : vector<16xf32> to vector<16xf32>
        %add3A_538 = arith.constant 3 : i32
        %add3A_539 = arith.addi %add3A_55, %add3A_538 : i32
        %get3A_540 = arith.index_cast %add3A_539 : i32 to index
        %get3A_541 = arith.constant 48 : index
        %get3A_542 = tpu.vector_load %arg10[%get3A_540, %get3A_541] {strides = array<i32>} : memref<128x128xf32, #tpu.memory_space<vmem>>, vector<1x16xf32>,
        %get3A_543 = vector.shape_cast %get3A_542 : vector<1x16xf32> to vector<16xf32>
        %max3A_544 = arith.maximumf %get3A_537, %get3A_543 : vector<16xf32>
        %swap3A_545 = arith.index_cast %add3A_534 : i32 to index
        %swap3A_546 = tpu.vector_load %arg11[%swap3A_545] {strides = array<i32>} : memref<40192xf32, #tpu.memory_space<vmem>>, vector<16xf32>,
        %swap3A_547 = vector.shape_cast %swap3A_546 : vector<16xf32> to vector<16xf32>
        %swap3A_548 = vector.shape_cast %max3A_544 : vector<16xf32> to vector<16xf32>
        tpu.vector_store %arg11[%swap3A_545], %swap3A_548 {strides = array<i32>} : memref<40192xf32, #tpu.memory_space<vmem>>, vector<16xf32>,
        %add3A_549 = arith.constant 64 : i32
        %add3A_550 = arith.addi %mul3A_484, %add3A_549 : i32
        %get3A_551 = arith.index_cast %add3A_550 : i32 to index
        %get3A_552 = tpu.vector_load %arg11[%get3A_551] {strides = array<i32>} : memref<40192xf32, #tpu.memory_space<vmem>>, vector<16xf32>,
        %get3A_553 = vector.shape_cast %get3A_552 : vector<16xf32> to vector<16xf32>
        %add3A_554 = arith.constant 3 : i32
        %add3A_555 = arith.addi %add3A_55, %add3A_554 : i32
        %get3A_556 = arith.index_cast %add3A_555 : i32 to index
        %get3A_557 = arith.constant 64 : index
        %get3A_558 = tpu.vector_load %arg10[%get3A_556, %get3A_557] {strides = array<i32>} : memref<128x128xf32, #tpu.memory_space<vmem>>, vector<1x16xf32>,
        %get3A_559 = vector.shape_cast %get3A_558 : vector<1x16xf32> to vector<16xf32>
        %max3A_560 = arith.maximumf %get3A_553, %get3A_559 : vector<16xf32>
        %swap3A_561 = arith.index_cast %add3A_550 : i32 to index
        %swap3A_562 = tpu.vector_load %arg11[%swap3A_561] {strides = array<i32>} : memref<40192xf32, #tpu.memory_space<vmem>>, vector<16xf32>,
        %swap3A_563 = vector.shape_cast %swap3A_562 : vector<16xf32> to vector<16xf32>
        %swap3A_564 = vector.shape_cast %max3A_560 : vector<16xf32> to vector<16xf32>
        tpu.vector_store %arg11[%swap3A_561], %swap3A_564 {strides = array<i32>} : memref<40192xf32, #tpu.memory_space<vmem>>, vector<16xf32>,
        %add3A_565 = arith.constant 80 : i32
        %add3A_566 = arith.addi %mul3A_484, %add3A_565 : i32
        %get3A_567 = arith.index_cast %add3A_566 : i32 to index
        %get3A_568 = tpu.vector_load %arg11[%get3A_567] {strides = array<i32>} : memref<40192xf32, #tpu.memory_space<vmem>>, vector<16xf32>,
        %get3A_569 = vector.shape_cast %get3A_568 : vector<16xf32> to vector<16xf32>
        %add3A_570 = arith.constant 3 : i32
        %add3A_571 = arith.addi %add3A_55, %add3A_570 : i32
        %get3A_572 = arith.index_cast %add3A_571 : i32 to index
        %get3A_573 = arith.constant 80 : index
        %get3A_574 = tpu.vector_load %arg10[%get3A_572, %get3A_573] {strides = array<i32>} : memref<128x128xf32, #tpu.memory_space<vmem>>, vector<1x16xf32>,
        %get3A_575 = vector.shape_cast %get3A_574 : vector<1x16xf32> to vector<16xf32>
        %max3A_576 = arith.maximumf %get3A_569, %get3A_575 : vector<16xf32>
        %swap3A_577 = arith.index_cast %add3A_566 : i32 to index
        %swap3A_578 = tpu.vector_load %arg11[%swap3A_577] {strides = array<i32>} : memref<40192xf32, #tpu.memory_space<vmem>>, vector<16xf32>,
        %swap3A_579 = vector.shape_cast %swap3A_578 : vector<16xf32> to vector<16xf32>
        %swap3A_580 = vector.shape_cast %max3A_576 : vector<16xf32> to vector<16xf32>
        tpu.vector_store %arg11[%swap3A_577], %swap3A_580 {strides = array<i32>} : memref<40192xf32, #tpu.memory_space<vmem>>, vector<16xf32>,
        %add3A_581 = arith.constant 96 : i32
        %add3A_582 = arith.addi %mul3A_484, %add3A_581 : i32
        %get3A_583 = arith.index_cast %add3A_582 : i32 to index
        %get3A_584 = tpu.vector_load %arg11[%get3A_583] {strides = array<i32>} : memref<40192xf32, #tpu.memory_space<vmem>>, vector<16xf32>,
        %get3A_585 = vector.shape_cast %get3A_584 : vector<16xf32> to vector<16xf32>
        %add3A_586 = arith.constant 3 : i32
        %add3A_587 = arith.addi %add3A_55, %add3A_586 : i32
        %get3A_588 = arith.index_cast %add3A_587 : i32 to index
        %get3A_589 = arith.constant 96 : index
        %get3A_590 = tpu.vector_load %arg10[%get3A_588, %get3A_589] {strides = array<i32>} : memref<128x128xf32, #tpu.memory_space<vmem>>, vector<1x16xf32>,
        %get3A_591 = vector.shape_cast %get3A_590 : vector<1x16xf32> to vector<16xf32>
        %max3A_592 = arith.maximumf %get3A_585, %get3A_591 : vector<16xf32>
        %swap3A_593 = arith.index_cast %add3A_582 : i32 to index
        %swap3A_594 = tpu.vector_load %arg11[%swap3A_593] {strides = array<i32>} : memref<40192xf32, #tpu.memory_space<vmem>>, vector<16xf32>,
        %swap3A_595 = vector.shape_cast %swap3A_594 : vector<16xf32> to vector<16xf32>
        %swap3A_596 = vector.shape_cast %max3A_592 : vector<16xf32> to vector<16xf32>
        tpu.vector_store %arg11[%swap3A_593], %swap3A_596 {strides = array<i32>} : memref<40192xf32, #tpu.memory_space<vmem>>, vector<16xf32>,
        %add3A_597 = arith.constant 112 : i32
        %add3A_598 = arith.addi %mul3A_484, %add3A_597 : i32
        %get3A_599 = arith.index_cast %add3A_598 : i32 to index
        %get3A_600 = tpu.vector_load %arg11[%get3A_599] {strides = array<i32>} : memref<40192xf32, #tpu.memory_space<vmem>>, vector<16xf32>,
        %get3A_601 = vector.shape_cast %get3A_600 : vector<16xf32> to vector<16xf32>
        %add3A_602 = arith.constant 3 : i32
        %add3A_603 = arith.addi %add3A_55, %add3A_602 : i32
        %get3A_604 = arith.index_cast %add3A_603 : i32 to index
        %get3A_605 = arith.constant 112 : index
        %get3A_606 = tpu.vector_load %arg10[%get3A_604, %get3A_605] {strides = array<i32>} : memref<128x128xf32, #tpu.memory_space<vmem>>, vector<1x16xf32>,
        %get3A_607 = vector.shape_cast %get3A_606 : vector<1x16xf32> to vector<16xf32>
        %max3A_608 = arith.maximumf %get3A_601, %get3A_607 : vector<16xf32>
        %swap3A_609 = arith.index_cast %add3A_598 : i32 to index
        %swap3A_610 = tpu.vector_load %arg11[%swap3A_609] {strides = array<i32>} : memref<40192xf32, #tpu.memory_space<vmem>>, vector<16xf32>,
        %swap3A_611 = vector.shape_cast %swap3A_610 : vector<16xf32> to vector<16xf32>
        %swap3A_612 = vector.shape_cast %max3A_608 : vector<16xf32> to vector<16xf32>
        tpu.vector_store %arg11[%swap3A_609], %swap3A_612 {strides = array<i32>} : memref<40192xf32, #tpu.memory_space<vmem>>, vector<16xf32>,
        %slice3A_613 = vector.extract_strided_slice %get3A_58 {offsets = [4], sizes = [1], strides = [1]} : vector<16xi32> to vector<1xi32>
        %squeeze3A_614 = vector.extract %slice3A_613[0] : i32 from vector<1xi32>
        %sub3A_615 = arith.subi %squeeze3A_614, %mul3A_8 : i32
        %lt3A_616 = arith.constant 0 : i32
        %lt3A_617 = arith.cmpi slt, %sub3A_615, %lt3A_616 : i32
        %ge3A_618 = arith.constant 313 : i32
        %ge3A_619 = arith.cmpi sge, %sub3A_615, %ge3A_618 : i32
        %or3A_620 = arith.ori %lt3A_617, %ge3A_619 : i1
        %select_n3A_621 = arith.constant 313 : i32
        %select_n3A_622 = arith.select %or3A_620, %select_n3A_621, %sub3A_615 : i32
        %mul3A_623 = arith.constant 128 : i32
        %mul3A_624 = arith.muli %select_n3A_622, %mul3A_623 : i32
        %add3A_625 = arith.constant 0 : i32
        %add3A_626 = arith.addi %mul3A_624, %add3A_625 : i32
        %get3A_627 = arith.index_cast %add3A_626 : i32 to index
        %get3A_628 = tpu.vector_load %arg11[%get3A_627] {strides = array<i32>} : memref<40192xf32, #tpu.memory_space<vmem>>, vector<16xf32>,
        %get3A_629 = vector.shape_cast %get3A_628 : vector<16xf32> to vector<16xf32>
        %add3A_630 = arith.constant 4 : i32
        %add3A_631 = arith.addi %add3A_55, %add3A_630 : i32
        %get3A_632 = arith.index_cast %add3A_631 : i32 to index
        %get3A_633 = arith.constant 0 : index
        %get3A_634 = tpu.vector_load %arg10[%get3A_632, %get3A_633] {strides = array<i32>} : memref<128x128xf32, #tpu.memory_space<vmem>>, vector<1x16xf32>,
        %get3A_635 = vector.shape_cast %get3A_634 : vector<1x16xf32> to vector<16xf32>
        %max3A_636 = arith.maximumf %get3A_629, %get3A_635 : vector<16xf32>
        %swap3A_637 = arith.index_cast %add3A_626 : i32 to index
        %swap3A_638 = tpu.vector_load %arg11[%swap3A_637] {strides = array<i32>} : memref<40192xf32, #tpu.memory_space<vmem>>, vector<16xf32>,
        %swap3A_639 = vector.shape_cast %swap3A_638 : vector<16xf32> to vector<16xf32>
        %swap3A_640 = vector.shape_cast %max3A_636 : vector<16xf32> to vector<16xf32>
        tpu.vector_store %arg11[%swap3A_637], %swap3A_640 {strides = array<i32>} : memref<40192xf32, #tpu.memory_space<vmem>>, vector<16xf32>,
        %add3A_641 = arith.constant 16 : i32
        %add3A_642 = arith.addi %mul3A_624, %add3A_641 : i32
        %get3A_643 = arith.index_cast %add3A_642 : i32 to index
        %get3A_644 = tpu.vector_load %arg11[%get3A_643] {strides = array<i32>} : memref<40192xf32, #tpu.memory_space<vmem>>, vector<16xf32>,
        %get3A_645 = vector.shape_cast %get3A_644 : vector<16xf32> to vector<16xf32>
        %add3A_646 = arith.constant 4 : i32
        %add3A_647 = arith.addi %add3A_55, %add3A_646 : i32
        %get3A_648 = arith.index_cast %add3A_647 : i32 to index
        %get3A_649 = arith.constant 16 : index
        %get3A_650 = tpu.vector_load %arg10[%get3A_648, %get3A_649] {strides = array<i32>} : memref<128x128xf32, #tpu.memory_space<vmem>>, vector<1x16xf32>,
        %get3A_651 = vector.shape_cast %get3A_650 : vector<1x16xf32> to vector<16xf32>
        %max3A_652 = arith.maximumf %get3A_645, %get3A_651 : vector<16xf32>
        %swap3A_653 = arith.index_cast %add3A_642 : i32 to index
        %swap3A_654 = tpu.vector_load %arg11[%swap3A_653] {strides = array<i32>} : memref<40192xf32, #tpu.memory_space<vmem>>, vector<16xf32>,
        %swap3A_655 = vector.shape_cast %swap3A_654 : vector<16xf32> to vector<16xf32>
        %swap3A_656 = vector.shape_cast %max3A_652 : vector<16xf32> to vector<16xf32>
        tpu.vector_store %arg11[%swap3A_653], %swap3A_656 {strides = array<i32>} : memref<40192xf32, #tpu.memory_space<vmem>>, vector<16xf32>,
        %add3A_657 = arith.constant 32 : i32
        %add3A_658 = arith.addi %mul3A_624, %add3A_657 : i32
        %get3A_659 = arith.index_cast %add3A_658 : i32 to index
        %get3A_660 = tpu.vector_load %arg11[%get3A_659] {strides = array<i32>} : memref<40192xf32, #tpu.memory_space<vmem>>, vector<16xf32>,
        %get3A_661 = vector.shape_cast %get3A_660 : vector<16xf32> to vector<16xf32>
        %add3A_662 = arith.constant 4 : i32
        %add3A_663 = arith.addi %add3A_55, %add3A_662 : i32
        %get3A_664 = arith.index_cast %add3A_663 : i32 to index
        %get3A_665 = arith.constant 32 : index
        %get3A_666 = tpu.vector_load %arg10[%get3A_664, %get3A_665] {strides = array<i32>} : memref<128x128xf32, #tpu.memory_space<vmem>>, vector<1x16xf32>,
        %get3A_667 = vector.shape_cast %get3A_666 : vector<1x16xf32> to vector<16xf32>
        %max3A_668 = arith.maximumf %get3A_661, %get3A_667 : vector<16xf32>
        %swap3A_669 = arith.index_cast %add3A_658 : i32 to index
        %swap3A_670 = tpu.vector_load %arg11[%swap3A_669] {strides = array<i32>} : memref<40192xf32, #tpu.memory_space<vmem>>, vector<16xf32>,
        %swap3A_671 = vector.shape_cast %swap3A_670 : vector<16xf32> to vector<16xf32>
        %swap3A_672 = vector.shape_cast %max3A_668 : vector<16xf32> to vector<16xf32>
        tpu.vector_store %arg11[%swap3A_669], %swap3A_672 {strides = array<i32>} : memref<40192xf32, #tpu.memory_space<vmem>>, vector<16xf32>,
        %add3A_673 = arith.constant 48 : i32
        %add3A_674 = arith.addi %mul3A_624, %add3A_673 : i32
        %get3A_675 = arith.index_cast %add3A_674 : i32 to index
        %get3A_676 = tpu.vector_load %arg11[%get3A_675] {strides = array<i32>} : memref<40192xf32, #tpu.memory_space<vmem>>, vector<16xf32>,
        %get3A_677 = vector.shape_cast %get3A_676 : vector<16xf32> to vector<16xf32>
        %add3A_678 = arith.constant 4 : i32
        %add3A_679 = arith.addi %add3A_55, %add3A_678 : i32
        %get3A_680 = arith.index_cast %add3A_679 : i32 to index
        %get3A_681 = arith.constant 48 : index
        %get3A_682 = tpu.vector_load %arg10[%get3A_680, %get3A_681] {strides = array<i32>} : memref<128x128xf32, #tpu.memory_space<vmem>>, vector<1x16xf32>,
        %get3A_683 = vector.shape_cast %get3A_682 : vector<1x16xf32> to vector<16xf32>
        %max3A_684 = arith.maximumf %get3A_677, %get3A_683 : vector<16xf32>
        %swap3A_685 = arith.index_cast %add3A_674 : i32 to index
        %swap3A_686 = tpu.vector_load %arg11[%swap3A_685] {strides = array<i32>} : memref<40192xf32, #tpu.memory_space<vmem>>, vector<16xf32>,
        %swap3A_687 = vector.shape_cast %swap3A_686 : vector<16xf32> to vector<16xf32>
        %swap3A_688 = vector.shape_cast %max3A_684 : vector<16xf32> to vector<16xf32>
        tpu.vector_store %arg11[%swap3A_685], %swap3A_688 {strides = array<i32>} : memref<40192xf32, #tpu.memory_space<vmem>>, vector<16xf32>,
        %add3A_689 = arith.constant 64 : i32
        %add3A_690 = arith.addi %mul3A_624, %add3A_689 : i32
        %get3A_691 = arith.index_cast %add3A_690 : i32 to index
        %get3A_692 = tpu.vector_load %arg11[%get3A_691] {strides = array<i32>} : memref<40192xf32, #tpu.memory_space<vmem>>, vector<16xf32>,
        %get3A_693 = vector.shape_cast %get3A_692 : vector<16xf32> to vector<16xf32>
        %add3A_694 = arith.constant 4 : i32
        %add3A_695 = arith.addi %add3A_55, %add3A_694 : i32
        %get3A_696 = arith.index_cast %add3A_695 : i32 to index
        %get3A_697 = arith.constant 64 : index
        %get3A_698 = tpu.vector_load %arg10[%get3A_696, %get3A_697] {strides = array<i32>} : memref<128x128xf32, #tpu.memory_space<vmem>>, vector<1x16xf32>,
        %get3A_699 = vector.shape_cast %get3A_698 : vector<1x16xf32> to vector<16xf32>
        %max3A_700 = arith.maximumf %get3A_693, %get3A_699 : vector<16xf32>
        %swap3A_701 = arith.index_cast %add3A_690 : i32 to index
        %swap3A_702 = tpu.vector_load %arg11[%swap3A_701] {strides = array<i32>} : memref<40192xf32, #tpu.memory_space<vmem>>, vector<16xf32>,
        %swap3A_703 = vector.shape_cast %swap3A_702 : vector<16xf32> to vector<16xf32>
        %swap3A_704 = vector.shape_cast %max3A_700 : vector<16xf32> to vector<16xf32>
        tpu.vector_store %arg11[%swap3A_701], %swap3A_704 {strides = array<i32>} : memref<40192xf32, #tpu.memory_space<vmem>>, vector<16xf32>,
        %add3A_705 = arith.constant 80 : i32
        %add3A_706 = arith.addi %mul3A_624, %add3A_705 : i32
        %get3A_707 = arith.index_cast %add3A_706 : i32 to index
        %get3A_708 = tpu.vector_load %arg11[%get3A_707] {strides = array<i32>} : memref<40192xf32, #tpu.memory_space<vmem>>, vector<16xf32>,
        %get3A_709 = vector.shape_cast %get3A_708 : vector<16xf32> to vector<16xf32>
        %add3A_710 = arith.constant 4 : i32
        %add3A_711 = arith.addi %add3A_55, %add3A_710 : i32
        %get3A_712 = arith.index_cast %add3A_711 : i32 to index
        %get3A_713 = arith.constant 80 : index
        %get3A_714 = tpu.vector_load %arg10[%get3A_712, %get3A_713] {strides = array<i32>} : memref<128x128xf32, #tpu.memory_space<vmem>>, vector<1x16xf32>,
        %get3A_715 = vector.shape_cast %get3A_714 : vector<1x16xf32> to vector<16xf32>
        %max3A_716 = arith.maximumf %get3A_709, %get3A_715 : vector<16xf32>
        %swap3A_717 = arith.index_cast %add3A_706 : i32 to index
        %swap3A_718 = tpu.vector_load %arg11[%swap3A_717] {strides = array<i32>} : memref<40192xf32, #tpu.memory_space<vmem>>, vector<16xf32>,
        %swap3A_719 = vector.shape_cast %swap3A_718 : vector<16xf32> to vector<16xf32>
        %swap3A_720 = vector.shape_cast %max3A_716 : vector<16xf32> to vector<16xf32>
        tpu.vector_store %arg11[%swap3A_717], %swap3A_720 {strides = array<i32>} : memref<40192xf32, #tpu.memory_space<vmem>>, vector<16xf32>,
        %add3A_721 = arith.constant 96 : i32
        %add3A_722 = arith.addi %mul3A_624, %add3A_721 : i32
        %get3A_723 = arith.index_cast %add3A_722 : i32 to index
        %get3A_724 = tpu.vector_load %arg11[%get3A_723] {strides = array<i32>} : memref<40192xf32, #tpu.memory_space<vmem>>, vector<16xf32>,
        %get3A_725 = vector.shape_cast %get3A_724 : vector<16xf32> to vector<16xf32>
        %add3A_726 = arith.constant 4 : i32
        %add3A_727 = arith.addi %add3A_55, %add3A_726 : i32
        %get3A_728 = arith.index_cast %add3A_727 : i32 to index
        %get3A_729 = arith.constant 96 : index
        %get3A_730 = tpu.vector_load %arg10[%get3A_728, %get3A_729] {strides = array<i32>} : memref<128x128xf32, #tpu.memory_space<vmem>>, vector<1x16xf32>,
        %get3A_731 = vector.shape_cast %get3A_730 : vector<1x16xf32> to vector<16xf32>
        %max3A_732 = arith.maximumf %get3A_725, %get3A_731 : vector<16xf32>
        %swap3A_733 = arith.index_cast %add3A_722 : i32 to index
        %swap3A_734 = tpu.vector_load %arg11[%swap3A_733] {strides = array<i32>} : memref<40192xf32, #tpu.memory_space<vmem>>, vector<16xf32>,
        %swap3A_735 = vector.shape_cast %swap3A_734 : vector<16xf32> to vector<16xf32>
        %swap3A_736 = vector.shape_cast %max3A_732 : vector<16xf32> to vector<16xf32>
        tpu.vector_store %arg11[%swap3A_733], %swap3A_736 {strides = array<i32>} : memref<40192xf32, #tpu.memory_space<vmem>>, vector<16xf32>,
        %add3A_737 = arith.constant 112 : i32
        %add3A_738 = arith.addi %mul3A_624, %add3A_737 : i32
        %get3A_739 = arith.index_cast %add3A_738 : i32 to index
        %get3A_740 = tpu.vector_load %arg11[%get3A_739] {strides = array<i32>} : memref<40192xf32, #tpu.memory_space<vmem>>, vector<16xf32>,
        %get3A_741 = vector.shape_cast %get3A_740 : vector<16xf32> to vector<16xf32>
        %add3A_742 = arith.constant 4 : i32
        %add3A_743 = arith.addi %add3A_55, %add3A_742 : i32
        %get3A_744 = arith.index_cast %add3A_743 : i32 to index
        %get3A_745 = arith.constant 112 : index
        %get3A_746 = tpu.vector_load %arg10[%get3A_744, %get3A_745] {strides = array<i32>} : memref<128x128xf32, #tpu.memory_space<vmem>>, vector<1x16xf32>,
        %get3A_747 = vector.shape_cast %get3A_746 : vector<1x16xf32> to vector<16xf32>
        %max3A_748 = arith.maximumf %get3A_741, %get3A_747 : vector<16xf32>
        %swap3A_749 = arith.index_cast %add3A_738 : i32 to index
        %swap3A_750 = tpu.vector_load %arg11[%swap3A_749] {strides = array<i32>} : memref<40192xf32, #tpu.memory_space<vmem>>, vector<16xf32>,
        %swap3A_751 = vector.shape_cast %swap3A_750 : vector<16xf32> to vector<16xf32>
        %swap3A_752 = vector.shape_cast %max3A_748 : vector<16xf32> to vector<16xf32>
        tpu.vector_store %arg11[%swap3A_749], %swap3A_752 {strides = array<i32>} : memref<40192xf32, #tpu.memory_space<vmem>>, vector<16xf32>,
        %slice3A_753 = vector.extract_strided_slice %get3A_58 {offsets = [5], sizes = [1], strides = [1]} : vector<16xi32> to vector<1xi32>
        %squeeze3A_754 = vector.extract %slice3A_753[0] : i32 from vector<1xi32>
        %sub3A_755 = arith.subi %squeeze3A_754, %mul3A_8 : i32
        %lt3A_756 = arith.constant 0 : i32
        %lt3A_757 = arith.cmpi slt, %sub3A_755, %lt3A_756 : i32
        %ge3A_758 = arith.constant 313 : i32
        %ge3A_759 = arith.cmpi sge, %sub3A_755, %ge3A_758 : i32
        %or3A_760 = arith.ori %lt3A_757, %ge3A_759 : i1
        %select_n3A_761 = arith.constant 313 : i32
        %select_n3A_762 = arith.select %or3A_760, %select_n3A_761, %sub3A_755 : i32
        %mul3A_763 = arith.constant 128 : i32
        %mul3A_764 = arith.muli %select_n3A_762, %mul3A_763 : i32
        %add3A_765 = arith.constant 0 : i32
        %add3A_766 = arith.addi %mul3A_764, %add3A_765 : i32
        %get3A_767 = arith.index_cast %add3A_766 : i32 to index
        %get3A_768 = tpu.vector_load %arg11[%get3A_767] {strides = array<i32>} : memref<40192xf32, #tpu.memory_space<vmem>>, vector<16xf32>,
        %get3A_769 = vector.shape_cast %get3A_768 : vector<16xf32> to vector<16xf32>
        %add3A_770 = arith.constant 5 : i32
        %add3A_771 = arith.addi %add3A_55, %add3A_770 : i32
        %get3A_772 = arith.index_cast %add3A_771 : i32 to index
        %get3A_773 = arith.constant 0 : index
        %get3A_774 = tpu.vector_load %arg10[%get3A_772, %get3A_773] {strides = array<i32>} : memref<128x128xf32, #tpu.memory_space<vmem>>, vector<1x16xf32>,
        %get3A_775 = vector.shape_cast %get3A_774 : vector<1x16xf32> to vector<16xf32>
        %max3A_776 = arith.maximumf %get3A_769, %get3A_775 : vector<16xf32>
        %swap3A_777 = arith.index_cast %add3A_766 : i32 to index
        %swap3A_778 = tpu.vector_load %arg11[%swap3A_777] {strides = array<i32>} : memref<40192xf32, #tpu.memory_space<vmem>>, vector<16xf32>,
        %swap3A_779 = vector.shape_cast %swap3A_778 : vector<16xf32> to vector<16xf32>
        %swap3A_780 = vector.shape_cast %max3A_776 : vector<16xf32> to vector<16xf32>
        tpu.vector_store %arg11[%swap3A_777], %swap3A_780 {strides = array<i32>} : memref<40192xf32, #tpu.memory_space<vmem>>, vector<16xf32>,
        %add3A_781 = arith.constant 16 : i32
        %add3A_782 = arith.addi %mul3A_764, %add3A_781 : i32
        %get3A_783 = arith.index_cast %add3A_782 : i32 to index
        %get3A_784 = tpu.vector_load %arg11[%get3A_783] {strides = array<i32>} : memref<40192xf32, #tpu.memory_space<vmem>>, vector<16xf32>,
        %get3A_785 = vector.shape_cast %get3A_784 : vector<16xf32> to vector<16xf32>
        %add3A_786 = arith.constant 5 : i32
        %add3A_787 = arith.addi %add3A_55, %add3A_786 : i32
        %get3A_788 = arith.index_cast %add3A_787 : i32 to index
        %get3A_789 = arith.constant 16 : index
        %get3A_790 = tpu.vector_load %arg10[%get3A_788, %get3A_789] {strides = array<i32>} : memref<128x128xf32, #tpu.memory_space<vmem>>, vector<1x16xf32>,
        %get3A_791 = vector.shape_cast %get3A_790 : vector<1x16xf32> to vector<16xf32>
        %max3A_792 = arith.maximumf %get3A_785, %get3A_791 : vector<16xf32>
        %swap3A_793 = arith.index_cast %add3A_782 : i32 to index
        %swap3A_794 = tpu.vector_load %arg11[%swap3A_793] {strides = array<i32>} : memref<40192xf32, #tpu.memory_space<vmem>>, vector<16xf32>,
        %swap3A_795 = vector.shape_cast %swap3A_794 : vector<16xf32> to vector<16xf32>
        %swap3A_796 = vector.shape_cast %max3A_792 : vector<16xf32> to vector<16xf32>
        tpu.vector_store %arg11[%swap3A_793], %swap3A_796 {strides = array<i32>} : memref<40192xf32, #tpu.memory_space<vmem>>, vector<16xf32>,
        %add3A_797 = arith.constant 32 : i32
        %add3A_798 = arith.addi %mul3A_764, %add3A_797 : i32
        %get3A_799 = arith.index_cast %add3A_798 : i32 to index
        %get3A_800 = tpu.vector_load %arg11[%get3A_799] {strides = array<i32>} : memref<40192xf32, #tpu.memory_space<vmem>>, vector<16xf32>,
        %get3A_801 = vector.shape_cast %get3A_800 : vector<16xf32> to vector<16xf32>
        %add3A_802 = arith.constant 5 : i32
        %add3A_803 = arith.addi %add3A_55, %add3A_802 : i32
        %get3A_804 = arith.index_cast %add3A_803 : i32 to index
        %get3A_805 = arith.constant 32 : index
        %get3A_806 = tpu.vector_load %arg10[%get3A_804, %get3A_805] {strides = array<i32>} : memref<128x128xf32, #tpu.memory_space<vmem>>, vector<1x16xf32>,
        %get3A_807 = vector.shape_cast %get3A_806 : vector<1x16xf32> to vector<16xf32>
        %max3A_808 = arith.maximumf %get3A_801, %get3A_807 : vector<16xf32>
        %swap3A_809 = arith.index_cast %add3A_798 : i32 to index
        %swap3A_810 = tpu.vector_load %arg11[%swap3A_809] {strides = array<i32>} : memref<40192xf32, #tpu.memory_space<vmem>>, vector<16xf32>,
        %swap3A_811 = vector.shape_cast %swap3A_810 : vector<16xf32> to vector<16xf32>
        %swap3A_812 = vector.shape_cast %max3A_808 : vector<16xf32> to vector<16xf32>
        tpu.vector_store %arg11[%swap3A_809], %swap3A_812 {strides = array<i32>} : memref<40192xf32, #tpu.memory_space<vmem>>, vector<16xf32>,
        %add3A_813 = arith.constant 48 : i32
        %add3A_814 = arith.addi %mul3A_764, %add3A_813 : i32
        %get3A_815 = arith.index_cast %add3A_814 : i32 to index
        %get3A_816 = tpu.vector_load %arg11[%get3A_815] {strides = array<i32>} : memref<40192xf32, #tpu.memory_space<vmem>>, vector<16xf32>,
        %get3A_817 = vector.shape_cast %get3A_816 : vector<16xf32> to vector<16xf32>
        %add3A_818 = arith.constant 5 : i32
        %add3A_819 = arith.addi %add3A_55, %add3A_818 : i32
        %get3A_820 = arith.index_cast %add3A_819 : i32 to index
        %get3A_821 = arith.constant 48 : index
        %get3A_822 = tpu.vector_load %arg10[%get3A_820, %get3A_821] {strides = array<i32>} : memref<128x128xf32, #tpu.memory_space<vmem>>, vector<1x16xf32>,
        %get3A_823 = vector.shape_cast %get3A_822 : vector<1x16xf32> to vector<16xf32>
        %max3A_824 = arith.maximumf %get3A_817, %get3A_823 : vector<16xf32>
        %swap3A_825 = arith.index_cast %add3A_814 : i32 to index
        %swap3A_826 = tpu.vector_load %arg11[%swap3A_825] {strides = array<i32>} : memref<40192xf32, #tpu.memory_space<vmem>>, vector<16xf32>,
        %swap3A_827 = vector.shape_cast %swap3A_826 : vector<16xf32> to vector<16xf32>
        %swap3A_828 = vector.shape_cast %max3A_824 : vector<16xf32> to vector<16xf32>
        tpu.vector_store %arg11[%swap3A_825], %swap3A_828 {strides = array<i32>} : memref<40192xf32, #tpu.memory_space<vmem>>, vector<16xf32>,
        %add3A_829 = arith.constant 64 : i32
        %add3A_830 = arith.addi %mul3A_764, %add3A_829 : i32
        %get3A_831 = arith.index_cast %add3A_830 : i32 to index
        %get3A_832 = tpu.vector_load %arg11[%get3A_831] {strides = array<i32>} : memref<40192xf32, #tpu.memory_space<vmem>>, vector<16xf32>,
        %get3A_833 = vector.shape_cast %get3A_832 : vector<16xf32> to vector<16xf32>
        %add3A_834 = arith.constant 5 : i32
        %add3A_835 = arith.addi %add3A_55, %add3A_834 : i32
        %get3A_836 = arith.index_cast %add3A_835 : i32 to index
        %get3A_837 = arith.constant 64 : index
        %get3A_838 = tpu.vector_load %arg10[%get3A_836, %get3A_837] {strides = array<i32>} : memref<128x128xf32, #tpu.memory_space<vmem>>, vector<1x16xf32>,
        %get3A_839 = vector.shape_cast %get3A_838 : vector<1x16xf32> to vector<16xf32>
        %max3A_840 = arith.maximumf %get3A_833, %get3A_839 : vector<16xf32>
        %swap3A_841 = arith.index_cast %add3A_830 : i32 to index
        %swap3A_842 = tpu.vector_load %arg11[%swap3A_841] {strides = array<i32>} : memref<40192xf32, #tpu.memory_space<vmem>>, vector<16xf32>,
        %swap3A_843 = vector.shape_cast %swap3A_842 : vector<16xf32> to vector<16xf32>
        %swap3A_844 = vector.shape_cast %max3A_840 : vector<16xf32> to vector<16xf32>
        tpu.vector_store %arg11[%swap3A_841], %swap3A_844 {strides = array<i32>} : memref<40192xf32, #tpu.memory_space<vmem>>, vector<16xf32>,
        %add3A_845 = arith.constant 80 : i32
        %add3A_846 = arith.addi %mul3A_764, %add3A_845 : i32
        %get3A_847 = arith.index_cast %add3A_846 : i32 to index
        %get3A_848 = tpu.vector_load %arg11[%get3A_847] {strides = array<i32>} : memref<40192xf32, #tpu.memory_space<vmem>>, vector<16xf32>,
        %get3A_849 = vector.shape_cast %get3A_848 : vector<16xf32> to vector<16xf32>
        %add3A_850 = arith.constant 5 : i32
        %add3A_851 = arith.addi %add3A_55, %add3A_850 : i32
        %get3A_852 = arith.index_cast %add3A_851 : i32 to index
        %get3A_853 = arith.constant 80 : index
        %get3A_854 = tpu.vector_load %arg10[%get3A_852, %get3A_853] {strides = array<i32>} : memref<128x128xf32, #tpu.memory_space<vmem>>, vector<1x16xf32>,
        %get3A_855 = vector.shape_cast %get3A_854 : vector<1x16xf32> to vector<16xf32>
        %max3A_856 = arith.maximumf %get3A_849, %get3A_855 : vector<16xf32>
        %swap3A_857 = arith.index_cast %add3A_846 : i32 to index
        %swap3A_858 = tpu.vector_load %arg11[%swap3A_857] {strides = array<i32>} : memref<40192xf32, #tpu.memory_space<vmem>>, vector<16xf32>,
        %swap3A_859 = vector.shape_cast %swap3A_858 : vector<16xf32> to vector<16xf32>
        %swap3A_860 = vector.shape_cast %max3A_856 : vector<16xf32> to vector<16xf32>
        tpu.vector_store %arg11[%swap3A_857], %swap3A_860 {strides = array<i32>} : memref<40192xf32, #tpu.memory_space<vmem>>, vector<16xf32>,
        %add3A_861 = arith.constant 96 : i32
        %add3A_862 = arith.addi %mul3A_764, %add3A_861 : i32
        %get3A_863 = arith.index_cast %add3A_862 : i32 to index
        %get3A_864 = tpu.vector_load %arg11[%get3A_863] {strides = array<i32>} : memref<40192xf32, #tpu.memory_space<vmem>>, vector<16xf32>,
        %get3A_865 = vector.shape_cast %get3A_864 : vector<16xf32> to vector<16xf32>
        %add3A_866 = arith.constant 5 : i32
        %add3A_867 = arith.addi %add3A_55, %add3A_866 : i32
        %get3A_868 = arith.index_cast %add3A_867 : i32 to index
        %get3A_869 = arith.constant 96 : index
        %get3A_870 = tpu.vector_load %arg10[%get3A_868, %get3A_869] {strides = array<i32>} : memref<128x128xf32, #tpu.memory_space<vmem>>, vector<1x16xf32>,
        %get3A_871 = vector.shape_cast %get3A_870 : vector<1x16xf32> to vector<16xf32>
        %max3A_872 = arith.maximumf %get3A_865, %get3A_871 : vector<16xf32>
        %swap3A_873 = arith.index_cast %add3A_862 : i32 to index
        %swap3A_874 = tpu.vector_load %arg11[%swap3A_873] {strides = array<i32>} : memref<40192xf32, #tpu.memory_space<vmem>>, vector<16xf32>,
        %swap3A_875 = vector.shape_cast %swap3A_874 : vector<16xf32> to vector<16xf32>
        %swap3A_876 = vector.shape_cast %max3A_872 : vector<16xf32> to vector<16xf32>
        tpu.vector_store %arg11[%swap3A_873], %swap3A_876 {strides = array<i32>} : memref<40192xf32, #tpu.memory_space<vmem>>, vector<16xf32>,
        %add3A_877 = arith.constant 112 : i32
        %add3A_878 = arith.addi %mul3A_764, %add3A_877 : i32
        %get3A_879 = arith.index_cast %add3A_878 : i32 to index
        %get3A_880 = tpu.vector_load %arg11[%get3A_879] {strides = array<i32>} : memref<40192xf32, #tpu.memory_space<vmem>>, vector<16xf32>,
        %get3A_881 = vector.shape_cast %get3A_880 : vector<16xf32> to vector<16xf32>
        %add3A_882 = arith.constant 5 : i32
        %add3A_883 = arith.addi %add3A_55, %add3A_882 : i32
        %get3A_884 = arith.index_cast %add3A_883 : i32 to index
        %get3A_885 = arith.constant 112 : index
        %get3A_886 = tpu.vector_load %arg10[%get3A_884, %get3A_885] {strides = array<i32>} : memref<128x128xf32, #tpu.memory_space<vmem>>, vector<1x16xf32>,
        %get3A_887 = vector.shape_cast %get3A_886 : vector<1x16xf32> to vector<16xf32>
        %max3A_888 = arith.maximumf %get3A_881, %get3A_887 : vector<16xf32>
        %swap3A_889 = arith.index_cast %add3A_878 : i32 to index
        %swap3A_890 = tpu.vector_load %arg11[%swap3A_889] {strides = array<i32>} : memref<40192xf32, #tpu.memory_space<vmem>>, vector<16xf32>,
        %swap3A_891 = vector.shape_cast %swap3A_890 : vector<16xf32> to vector<16xf32>
        %swap3A_892 = vector.shape_cast %max3A_888 : vector<16xf32> to vector<16xf32>
        tpu.vector_store %arg11[%swap3A_889], %swap3A_892 {strides = array<i32>} : memref<40192xf32, #tpu.memory_space<vmem>>, vector<16xf32>,
        %slice3A_893 = vector.extract_strided_slice %get3A_58 {offsets = [6], sizes = [1], strides = [1]} : vector<16xi32> to vector<1xi32>
        %squeeze3A_894 = vector.extract %slice3A_893[0] : i32 from vector<1xi32>
        %sub3A_895 = arith.subi %squeeze3A_894, %mul3A_8 : i32
        %lt3A_896 = arith.constant 0 : i32
        %lt3A_897 = arith.cmpi slt, %sub3A_895, %lt3A_896 : i32
        %ge3A_898 = arith.constant 313 : i32
        %ge3A_899 = arith.cmpi sge, %sub3A_895, %ge3A_898 : i32
        %or3A_900 = arith.ori %lt3A_897, %ge3A_899 : i1
        %select_n3A_901 = arith.constant 313 : i32
        %select_n3A_902 = arith.select %or3A_900, %select_n3A_901, %sub3A_895 : i32
        %mul3A_903 = arith.constant 128 : i32
        %mul3A_904 = arith.muli %select_n3A_902, %mul3A_903 : i32
        %add3A_905 = arith.constant 0 : i32
        %add3A_906 = arith.addi %mul3A_904, %add3A_905 : i32
        %get3A_907 = arith.index_cast %add3A_906 : i32 to index
        %get3A_908 = tpu.vector_load %arg11[%get3A_907] {strides = array<i32>} : memref<40192xf32, #tpu.memory_space<vmem>>, vector<16xf32>,
        %get3A_909 = vector.shape_cast %get3A_908 : vector<16xf32> to vector<16xf32>
        %add3A_910 = arith.constant 6 : i32
        %add3A_911 = arith.addi %add3A_55, %add3A_910 : i32
        %get3A_912 = arith.index_cast %add3A_911 : i32 to index
        %get3A_913 = arith.constant 0 : index
        %get3A_914 = tpu.vector_load %arg10[%get3A_912, %get3A_913] {strides = array<i32>} : memref<128x128xf32, #tpu.memory_space<vmem>>, vector<1x16xf32>,
        %get3A_915 = vector.shape_cast %get3A_914 : vector<1x16xf32> to vector<16xf32>
        %max3A_916 = arith.maximumf %get3A_909, %get3A_915 : vector<16xf32>
        %swap3A_917 = arith.index_cast %add3A_906 : i32 to index
        %swap3A_918 = tpu.vector_load %arg11[%swap3A_917] {strides = array<i32>} : memref<40192xf32, #tpu.memory_space<vmem>>, vector<16xf32>,
        %swap3A_919 = vector.shape_cast %swap3A_918 : vector<16xf32> to vector<16xf32>
        %swap3A_920 = vector.shape_cast %max3A_916 : vector<16xf32> to vector<16xf32>
        tpu.vector_store %arg11[%swap3A_917], %swap3A_920 {strides = array<i32>} : memref<40192xf32, #tpu.memory_space<vmem>>, vector<16xf32>,
        %add3A_921 = arith.constant 16 : i32
        %add3A_922 = arith.addi %mul3A_904, %add3A_921 : i32
        %get3A_923 = arith.index_cast %add3A_922 : i32 to index
        %get3A_924 = tpu.vector_load %arg11[%get3A_923] {strides = array<i32>} : memref<40192xf32, #tpu.memory_space<vmem>>, vector<16xf32>,
        %get3A_925 = vector.shape_cast %get3A_924 : vector<16xf32> to vector<16xf32>
        %add3A_926 = arith.constant 6 : i32
        %add3A_927 = arith.addi %add3A_55, %add3A_926 : i32
        %get3A_928 = arith.index_cast %add3A_927 : i32 to index
        %get3A_929 = arith.constant 16 : index
        %get3A_930 = tpu.vector_load %arg10[%get3A_928, %get3A_929] {strides = array<i32>} : memref<128x128xf32, #tpu.memory_space<vmem>>, vector<1x16xf32>,
        %get3A_931 = vector.shape_cast %get3A_930 : vector<1x16xf32> to vector<16xf32>
        %max3A_932 = arith.maximumf %get3A_925, %get3A_931 : vector<16xf32>
        %swap3A_933 = arith.index_cast %add3A_922 : i32 to index
        %swap3A_934 = tpu.vector_load %arg11[%swap3A_933] {strides = array<i32>} : memref<40192xf32, #tpu.memory_space<vmem>>, vector<16xf32>,
        %swap3A_935 = vector.shape_cast %swap3A_934 : vector<16xf32> to vector<16xf32>
        %swap3A_936 = vector.shape_cast %max3A_932 : vector<16xf32> to vector<16xf32>
        tpu.vector_store %arg11[%swap3A_933], %swap3A_936 {strides = array<i32>} : memref<40192xf32, #tpu.memory_space<vmem>>, vector<16xf32>,
        %add3A_937 = arith.constant 32 : i32
        %add3A_938 = arith.addi %mul3A_904, %add3A_937 : i32
        %get3A_939 = arith.index_cast %add3A_938 : i32 to index
        %get3A_940 = tpu.vector_load %arg11[%get3A_939] {strides = array<i32>} : memref<40192xf32, #tpu.memory_space<vmem>>, vector<16xf32>,
        %get3A_941 = vector.shape_cast %get3A_940 : vector<16xf32> to vector<16xf32>
        %add3A_942 = arith.constant 6 : i32
        %add3A_943 = arith.addi %add3A_55, %add3A_942 : i32
        %get3A_944 = arith.index_cast %add3A_943 : i32 to index
        %get3A_945 = arith.constant 32 : index
        %get3A_946 = tpu.vector_load %arg10[%get3A_944, %get3A_945] {strides = array<i32>} : memref<128x128xf32, #tpu.memory_space<vmem>>, vector<1x16xf32>,
        %get3A_947 = vector.shape_cast %get3A_946 : vector<1x16xf32> to vector<16xf32>
        %max3A_948 = arith.maximumf %get3A_941, %get3A_947 : vector<16xf32>
        %swap3A_949 = arith.index_cast %add3A_938 : i32 to index
        %swap3A_950 = tpu.vector_load %arg11[%swap3A_949] {strides = array<i32>} : memref<40192xf32, #tpu.memory_space<vmem>>, vector<16xf32>,
        %swap3A_951 = vector.shape_cast %swap3A_950 : vector<16xf32> to vector<16xf32>
        %swap3A_952 = vector.shape_cast %max3A_948 : vector<16xf32> to vector<16xf32>
        tpu.vector_store %arg11[%swap3A_949], %swap3A_952 {strides = array<i32>} : memref<40192xf32, #tpu.memory_space<vmem>>, vector<16xf32>,
        %add3A_953 = arith.constant 48 : i32
        %add3A_954 = arith.addi %mul3A_904, %add3A_953 : i32
        %get3A_955 = arith.index_cast %add3A_954 : i32 to index
        %get3A_956 = tpu.vector_load %arg11[%get3A_955] {strides = array<i32>} : memref<40192xf32, #tpu.memory_space<vmem>>, vector<16xf32>,
        %get3A_957 = vector.shape_cast %get3A_956 : vector<16xf32> to vector<16xf32>
        %add3A_958 = arith.constant 6 : i32
        %add3A_959 = arith.addi %add3A_55, %add3A_958 : i32
        %get3A_960 = arith.index_cast %add3A_959 : i32 to index
        %get3A_961 = arith.constant 48 : index
        %get3A_962 = tpu.vector_load %arg10[%get3A_960, %get3A_961] {strides = array<i32>} : memref<128x128xf32, #tpu.memory_space<vmem>>, vector<1x16xf32>,
        %get3A_963 = vector.shape_cast %get3A_962 : vector<1x16xf32> to vector<16xf32>
        %max3A_964 = arith.maximumf %get3A_957, %get3A_963 : vector<16xf32>
        %swap3A_965 = arith.index_cast %add3A_954 : i32 to index
        %swap3A_966 = tpu.vector_load %arg11[%swap3A_965] {strides = array<i32>} : memref<40192xf32, #tpu.memory_space<vmem>>, vector<16xf32>,
        %swap3A_967 = vector.shape_cast %swap3A_966 : vector<16xf32> to vector<16xf32>
        %swap3A_968 = vector.shape_cast %max3A_964 : vector<16xf32> to vector<16xf32>
        tpu.vector_store %arg11[%swap3A_965], %swap3A_968 {strides = array<i32>} : memref<40192xf32, #tpu.memory_space<vmem>>, vector<16xf32>,
        %add3A_969 = arith.constant 64 : i32
        %add3A_970 = arith.addi %mul3A_904, %add3A_969 : i32
        %get3A_971 = arith.index_cast %add3A_970 : i32 to index
        %get3A_972 = tpu.vector_load %arg11[%get3A_971] {strides = array<i32>} : memref<40192xf32, #tpu.memory_space<vmem>>, vector<16xf32>,
        %get3A_973 = vector.shape_cast %get3A_972 : vector<16xf32> to vector<16xf32>
        %add3A_974 = arith.constant 6 : i32
        %add3A_975 = arith.addi %add3A_55, %add3A_974 : i32
        %get3A_976 = arith.index_cast %add3A_975 : i32 to index
        %get3A_977 = arith.constant 64 : index
        %get3A_978 = tpu.vector_load %arg10[%get3A_976, %get3A_977] {strides = array<i32>} : memref<128x128xf32, #tpu.memory_space<vmem>>, vector<1x16xf32>,
        %get3A_979 = vector.shape_cast %get3A_978 : vector<1x16xf32> to vector<16xf32>
        %max3A_980 = arith.maximumf %get3A_973, %get3A_979 : vector<16xf32>
        %swap3A_981 = arith.index_cast %add3A_970 : i32 to index
        %swap3A_982 = tpu.vector_load %arg11[%swap3A_981] {strides = array<i32>} : memref<40192xf32, #tpu.memory_space<vmem>>, vector<16xf32>,
        %swap3A_983 = vector.shape_cast %swap3A_982 : vector<16xf32> to vector<16xf32>
        %swap3A_984 = vector.shape_cast %max3A_980 : vector<16xf32> to vector<16xf32>
        tpu.vector_store %arg11[%swap3A_981], %swap3A_984 {strides = array<i32>} : memref<40192xf32, #tpu.memory_space<vmem>>, vector<16xf32>,
        %add3A_985 = arith.constant 80 : i32
        %add3A_986 = arith.addi %mul3A_904, %add3A_985 : i32
        %get3A_987 = arith.index_cast %add3A_986 : i32 to index
        %get3A_988 = tpu.vector_load %arg11[%get3A_987] {strides = array<i32>} : memref<40192xf32, #tpu.memory_space<vmem>>, vector<16xf32>,
        %get3A_989 = vector.shape_cast %get3A_988 : vector<16xf32> to vector<16xf32>
        %add3A_990 = arith.constant 6 : i32
        %add3A_991 = arith.addi %add3A_55, %add3A_990 : i32
        %get3A_992 = arith.index_cast %add3A_991 : i32 to index
        %get3A_993 = arith.constant 80 : index
        %get3A_994 = tpu.vector_load %arg10[%get3A_992, %get3A_993] {strides = array<i32>} : memref<128x128xf32, #tpu.memory_space<vmem>>, vector<1x16xf32>,
        %get3A_995 = vector.shape_cast %get3A_994 : vector<1x16xf32> to vector<16xf32>
        %max3A_996 = arith.maximumf %get3A_989, %get3A_995 : vector<16xf32>
        %swap3A_997 = arith.index_cast %add3A_986 : i32 to index
        %swap3A_998 = tpu.vector_load %arg11[%swap3A_997] {strides = array<i32>} : memref<40192xf32, #tpu.memory_space<vmem>>, vector<16xf32>,
        %swap3A_999 = vector.shape_cast %swap3A_998 : vector<16xf32> to vector<16xf32>
        %swap3A_1000 = vector.shape_cast %max3A_996 : vector<16xf32> to vector<16xf32>
        tpu.vector_store %arg11[%swap3A_997], %swap3A_1000 {strides = array<i32>} : memref<40192xf32, #tpu.memory_space<vmem>>, vector<16xf32>,
        %add3A_1001 = arith.constant 96 : i32
        %add3A_1002 = arith.addi %mul3A_904, %add3A_1001 : i32
        %get3A_1003 = arith.index_cast %add3A_1002 : i32 to index
        %get3A_1004 = tpu.vector_load %arg11[%get3A_1003] {strides = array<i32>} : memref<40192xf32, #tpu.memory_space<vmem>>, vector<16xf32>,
        %get3A_1005 = vector.shape_cast %get3A_1004 : vector<16xf32> to vector<16xf32>
        %add3A_1006 = arith.constant 6 : i32
        %add3A_1007 = arith.addi %add3A_55, %add3A_1006 : i32
        %get3A_1008 = arith.index_cast %add3A_1007 : i32 to index
        %get3A_1009 = arith.constant 96 : index
        %get3A_1010 = tpu.vector_load %arg10[%get3A_1008, %get3A_1009] {strides = array<i32>} : memref<128x128xf32, #tpu.memory_space<vmem>>, vector<1x16xf32>,
        %get3A_1011 = vector.shape_cast %get3A_1010 : vector<1x16xf32> to vector<16xf32>
        %max3A_1012 = arith.maximumf %get3A_1005, %get3A_1011 : vector<16xf32>
        %swap3A_1013 = arith.index_cast %add3A_1002 : i32 to index
        %swap3A_1014 = tpu.vector_load %arg11[%swap3A_1013] {strides = array<i32>} : memref<40192xf32, #tpu.memory_space<vmem>>, vector<16xf32>,
        %swap3A_1015 = vector.shape_cast %swap3A_1014 : vector<16xf32> to vector<16xf32>
        %swap3A_1016 = vector.shape_cast %max3A_1012 : vector<16xf32> to vector<16xf32>
        tpu.vector_store %arg11[%swap3A_1013], %swap3A_1016 {strides = array<i32>} : memref<40192xf32, #tpu.memory_space<vmem>>, vector<16xf32>,
        %add3A_1017 = arith.constant 112 : i32
        %add3A_1018 = arith.addi %mul3A_904, %add3A_1017 : i32
        %get3A_1019 = arith.index_cast %add3A_1018 : i32 to index
        %get3A_1020 = tpu.vector_load %arg11[%get3A_1019] {strides = array<i32>} : memref<40192xf32, #tpu.memory_space<vmem>>, vector<16xf32>,
        %get3A_1021 = vector.shape_cast %get3A_1020 : vector<16xf32> to vector<16xf32>
        %add3A_1022 = arith.constant 6 : i32
        %add3A_1023 = arith.addi %add3A_55, %add3A_1022 : i32
        %get3A_1024 = arith.index_cast %add3A_1023 : i32 to index
        %get3A_1025 = arith.constant 112 : index
        %get3A_1026 = tpu.vector_load %arg10[%get3A_1024, %get3A_1025] {strides = array<i32>} : memref<128x128xf32, #tpu.memory_space<vmem>>, vector<1x16xf32>,
        %get3A_1027 = vector.shape_cast %get3A_1026 : vector<1x16xf32> to vector<16xf32>
        %max3A_1028 = arith.maximumf %get3A_1021, %get3A_1027 : vector<16xf32>
        %swap3A_1029 = arith.index_cast %add3A_1018 : i32 to index
        %swap3A_1030 = tpu.vector_load %arg11[%swap3A_1029] {strides = array<i32>} : memref<40192xf32, #tpu.memory_space<vmem>>, vector<16xf32>,
        %swap3A_1031 = vector.shape_cast %swap3A_1030 : vector<16xf32> to vector<16xf32>
        %swap3A_1032 = vector.shape_cast %max3A_1028 : vector<16xf32> to vector<16xf32>
        tpu.vector_store %arg11[%swap3A_1029], %swap3A_1032 {strides = array<i32>} : memref<40192xf32, #tpu.memory_space<vmem>>, vector<16xf32>,
        %slice3A_1033 = vector.extract_strided_slice %get3A_58 {offsets = [7], sizes = [1], strides = [1]} : vector<16xi32> to vector<1xi32>
        %squeeze3A_1034 = vector.extract %slice3A_1033[0] : i32 from vector<1xi32>
        %sub3A_1035 = arith.subi %squeeze3A_1034, %mul3A_8 : i32
        %lt3A_1036 = arith.constant 0 : i32
        %lt3A_1037 = arith.cmpi slt, %sub3A_1035, %lt3A_1036 : i32
        %ge3A_1038 = arith.constant 313 : i32
        %ge3A_1039 = arith.cmpi sge, %sub3A_1035, %ge3A_1038 : i32
        %or3A_1040 = arith.ori %lt3A_1037, %ge3A_1039 : i1
        %select_n3A_1041 = arith.constant 313 : i32
        %select_n3A_1042 = arith.select %or3A_1040, %select_n3A_1041, %sub3A_1035 : i32
        %mul3A_1043 = arith.constant 128 : i32
        %mul3A_1044 = arith.muli %select_n3A_1042, %mul3A_1043 : i32
        %add3A_1045 = arith.constant 0 : i32
        %add3A_1046 = arith.addi %mul3A_1044, %add3A_1045 : i32
        %get3A_1047 = arith.index_cast %add3A_1046 : i32 to index
        %get3A_1048 = tpu.vector_load %arg11[%get3A_1047] {strides = array<i32>} : memref<40192xf32, #tpu.memory_space<vmem>>, vector<16xf32>,
        %get3A_1049 = vector.shape_cast %get3A_1048 : vector<16xf32> to vector<16xf32>
        %add3A_1050 = arith.constant 7 : i32
        %add3A_1051 = arith.addi %add3A_55, %add3A_1050 : i32
        %get3A_1052 = arith.index_cast %add3A_1051 : i32 to index
        %get3A_1053 = arith.constant 0 : index
        %get3A_1054 = tpu.vector_load %arg10[%get3A_1052, %get3A_1053] {strides = array<i32>} : memref<128x128xf32, #tpu.memory_space<vmem>>, vector<1x16xf32>,
        %get3A_1055 = vector.shape_cast %get3A_1054 : vector<1x16xf32> to vector<16xf32>
        %max3A_1056 = arith.maximumf %get3A_1049, %get3A_1055 : vector<16xf32>
        %swap3A_1057 = arith.index_cast %add3A_1046 : i32 to index
        %swap3A_1058 = tpu.vector_load %arg11[%swap3A_1057] {strides = array<i32>} : memref<40192xf32, #tpu.memory_space<vmem>>, vector<16xf32>,
        %swap3A_1059 = vector.shape_cast %swap3A_1058 : vector<16xf32> to vector<16xf32>
        %swap3A_1060 = vector.shape_cast %max3A_1056 : vector<16xf32> to vector<16xf32>
        tpu.vector_store %arg11[%swap3A_1057], %swap3A_1060 {strides = array<i32>} : memref<40192xf32, #tpu.memory_space<vmem>>, vector<16xf32>,
        %add3A_1061 = arith.constant 16 : i32
        %add3A_1062 = arith.addi %mul3A_1044, %add3A_1061 : i32
        %get3A_1063 = arith.index_cast %add3A_1062 : i32 to index
        %get3A_1064 = tpu.vector_load %arg11[%get3A_1063] {strides = array<i32>} : memref<40192xf32, #tpu.memory_space<vmem>>, vector<16xf32>,
        %get3A_1065 = vector.shape_cast %get3A_1064 : vector<16xf32> to vector<16xf32>
        %add3A_1066 = arith.constant 7 : i32
        %add3A_1067 = arith.addi %add3A_55, %add3A_1066 : i32
        %get3A_1068 = arith.index_cast %add3A_1067 : i32 to index
        %get3A_1069 = arith.constant 16 : index
        %get3A_1070 = tpu.vector_load %arg10[%get3A_1068, %get3A_1069] {strides = array<i32>} : memref<128x128xf32, #tpu.memory_space<vmem>>, vector<1x16xf32>,
        %get3A_1071 = vector.shape_cast %get3A_1070 : vector<1x16xf32> to vector<16xf32>
        %max3A_1072 = arith.maximumf %get3A_1065, %get3A_1071 : vector<16xf32>
        %swap3A_1073 = arith.index_cast %add3A_1062 : i32 to index
        %swap3A_1074 = tpu.vector_load %arg11[%swap3A_1073] {strides = array<i32>} : memref<40192xf32, #tpu.memory_space<vmem>>, vector<16xf32>,
        %swap3A_1075 = vector.shape_cast %swap3A_1074 : vector<16xf32> to vector<16xf32>
        %swap3A_1076 = vector.shape_cast %max3A_1072 : vector<16xf32> to vector<16xf32>
        tpu.vector_store %arg11[%swap3A_1073], %swap3A_1076 {strides = array<i32>} : memref<40192xf32, #tpu.memory_space<vmem>>, vector<16xf32>,
        %add3A_1077 = arith.constant 32 : i32
        %add3A_1078 = arith.addi %mul3A_1044, %add3A_1077 : i32
        %get3A_1079 = arith.index_cast %add3A_1078 : i32 to index
        %get3A_1080 = tpu.vector_load %arg11[%get3A_1079] {strides = array<i32>} : memref<40192xf32, #tpu.memory_space<vmem>>, vector<16xf32>,
        %get3A_1081 = vector.shape_cast %get3A_1080 : vector<16xf32> to vector<16xf32>
        %add3A_1082 = arith.constant 7 : i32
        %add3A_1083 = arith.addi %add3A_55, %add3A_1082 : i32
        %get3A_1084 = arith.index_cast %add3A_1083 : i32 to index
        %get3A_1085 = arith.constant 32 : index
        %get3A_1086 = tpu.vector_load %arg10[%get3A_1084, %get3A_1085] {strides = array<i32>} : memref<128x128xf32, #tpu.memory_space<vmem>>, vector<1x16xf32>,
        %get3A_1087 = vector.shape_cast %get3A_1086 : vector<1x16xf32> to vector<16xf32>
        %max3A_1088 = arith.maximumf %get3A_1081, %get3A_1087 : vector<16xf32>
        %swap3A_1089 = arith.index_cast %add3A_1078 : i32 to index
        %swap3A_1090 = tpu.vector_load %arg11[%swap3A_1089] {strides = array<i32>} : memref<40192xf32, #tpu.memory_space<vmem>>, vector<16xf32>,
        %swap3A_1091 = vector.shape_cast %swap3A_1090 : vector<16xf32> to vector<16xf32>
        %swap3A_1092 = vector.shape_cast %max3A_1088 : vector<16xf32> to vector<16xf32>
        tpu.vector_store %arg11[%swap3A_1089], %swap3A_1092 {strides = array<i32>} : memref<40192xf32, #tpu.memory_space<vmem>>, vector<16xf32>,
        %add3A_1093 = arith.constant 48 : i32
        %add3A_1094 = arith.addi %mul3A_1044, %add3A_1093 : i32
        %get3A_1095 = arith.index_cast %add3A_1094 : i32 to index
        %get3A_1096 = tpu.vector_load %arg11[%get3A_1095] {strides = array<i32>} : memref<40192xf32, #tpu.memory_space<vmem>>, vector<16xf32>,
        %get3A_1097 = vector.shape_cast %get3A_1096 : vector<16xf32> to vector<16xf32>
        %add3A_1098 = arith.constant 7 : i32
        %add3A_1099 = arith.addi %add3A_55, %add3A_1098 : i32
        %get3A_1100 = arith.index_cast %add3A_1099 : i32 to index
        %get3A_1101 = arith.constant 48 : index
        %get3A_1102 = tpu.vector_load %arg10[%get3A_1100, %get3A_1101] {strides = array<i32>} : memref<128x128xf32, #tpu.memory_space<vmem>>, vector<1x16xf32>,
        %get3A_1103 = vector.shape_cast %get3A_1102 : vector<1x16xf32> to vector<16xf32>
        %max3A_1104 = arith.maximumf %get3A_1097, %get3A_1103 : vector<16xf32>
        %swap3A_1105 = arith.index_cast %add3A_1094 : i32 to index
        %swap3A_1106 = tpu.vector_load %arg11[%swap3A_1105] {strides = array<i32>} : memref<40192xf32, #tpu.memory_space<vmem>>, vector<16xf32>,
        %swap3A_1107 = vector.shape_cast %swap3A_1106 : vector<16xf32> to vector<16xf32>
        %swap3A_1108 = vector.shape_cast %max3A_1104 : vector<16xf32> to vector<16xf32>
        tpu.vector_store %arg11[%swap3A_1105], %swap3A_1108 {strides = array<i32>} : memref<40192xf32, #tpu.memory_space<vmem>>, vector<16xf32>,
        %add3A_1109 = arith.constant 64 : i32
        %add3A_1110 = arith.addi %mul3A_1044, %add3A_1109 : i32
        %get3A_1111 = arith.index_cast %add3A_1110 : i32 to index
        %get3A_1112 = tpu.vector_load %arg11[%get3A_1111] {strides = array<i32>} : memref<40192xf32, #tpu.memory_space<vmem>>, vector<16xf32>,
        %get3A_1113 = vector.shape_cast %get3A_1112 : vector<16xf32> to vector<16xf32>
        %add3A_1114 = arith.constant 7 : i32
        %add3A_1115 = arith.addi %add3A_55, %add3A_1114 : i32
        %get3A_1116 = arith.index_cast %add3A_1115 : i32 to index
        %get3A_1117 = arith.constant 64 : index
        %get3A_1118 = tpu.vector_load %arg10[%get3A_1116, %get3A_1117] {strides = array<i32>} : memref<128x128xf32, #tpu.memory_space<vmem>>, vector<1x16xf32>,
        %get3A_1119 = vector.shape_cast %get3A_1118 : vector<1x16xf32> to vector<16xf32>
        %max3A_1120 = arith.maximumf %get3A_1113, %get3A_1119 : vector<16xf32>
        %swap3A_1121 = arith.index_cast %add3A_1110 : i32 to index
        %swap3A_1122 = tpu.vector_load %arg11[%swap3A_1121] {strides = array<i32>} : memref<40192xf32, #tpu.memory_space<vmem>>, vector<16xf32>,
        %swap3A_1123 = vector.shape_cast %swap3A_1122 : vector<16xf32> to vector<16xf32>
        %swap3A_1124 = vector.shape_cast %max3A_1120 : vector<16xf32> to vector<16xf32>
        tpu.vector_store %arg11[%swap3A_1121], %swap3A_1124 {strides = array<i32>} : memref<40192xf32, #tpu.memory_space<vmem>>, vector<16xf32>,
        %add3A_1125 = arith.constant 80 : i32
        %add3A_1126 = arith.addi %mul3A_1044, %add3A_1125 : i32
        %get3A_1127 = arith.index_cast %add3A_1126 : i32 to index
        %get3A_1128 = tpu.vector_load %arg11[%get3A_1127] {strides = array<i32>} : memref<40192xf32, #tpu.memory_space<vmem>>, vector<16xf32>,
        %get3A_1129 = vector.shape_cast %get3A_1128 : vector<16xf32> to vector<16xf32>
        %add3A_1130 = arith.constant 7 : i32
        %add3A_1131 = arith.addi %add3A_55, %add3A_1130 : i32
        %get3A_1132 = arith.index_cast %add3A_1131 : i32 to index
        %get3A_1133 = arith.constant 80 : index
        %get3A_1134 = tpu.vector_load %arg10[%get3A_1132, %get3A_1133] {strides = array<i32>} : memref<128x128xf32, #tpu.memory_space<vmem>>, vector<1x16xf32>,
        %get3A_1135 = vector.shape_cast %get3A_1134 : vector<1x16xf32> to vector<16xf32>
        %max3A_1136 = arith.maximumf %get3A_1129, %get3A_1135 : vector<16xf32>
        %swap3A_1137 = arith.index_cast %add3A_1126 : i32 to index
        %swap3A_1138 = tpu.vector_load %arg11[%swap3A_1137] {strides = array<i32>} : memref<40192xf32, #tpu.memory_space<vmem>>, vector<16xf32>,
        %swap3A_1139 = vector.shape_cast %swap3A_1138 : vector<16xf32> to vector<16xf32>
        %swap3A_1140 = vector.shape_cast %max3A_1136 : vector<16xf32> to vector<16xf32>
        tpu.vector_store %arg11[%swap3A_1137], %swap3A_1140 {strides = array<i32>} : memref<40192xf32, #tpu.memory_space<vmem>>, vector<16xf32>,
        %add3A_1141 = arith.constant 96 : i32
        %add3A_1142 = arith.addi %mul3A_1044, %add3A_1141 : i32
        %get3A_1143 = arith.index_cast %add3A_1142 : i32 to index
        %get3A_1144 = tpu.vector_load %arg11[%get3A_1143] {strides = array<i32>} : memref<40192xf32, #tpu.memory_space<vmem>>, vector<16xf32>,
        %get3A_1145 = vector.shape_cast %get3A_1144 : vector<16xf32> to vector<16xf32>
        %add3A_1146 = arith.constant 7 : i32
        %add3A_1147 = arith.addi %add3A_55, %add3A_1146 : i32
        %get3A_1148 = arith.index_cast %add3A_1147 : i32 to index
        %get3A_1149 = arith.constant 96 : index
        %get3A_1150 = tpu.vector_load %arg10[%get3A_1148, %get3A_1149] {strides = array<i32>} : memref<128x128xf32, #tpu.memory_space<vmem>>, vector<1x16xf32>,
        %get3A_1151 = vector.shape_cast %get3A_1150 : vector<1x16xf32> to vector<16xf32>
        %max3A_1152 = arith.maximumf %get3A_1145, %get3A_1151 : vector<16xf32>
        %swap3A_1153 = arith.index_cast %add3A_1142 : i32 to index
        %swap3A_1154 = tpu.vector_load %arg11[%swap3A_1153] {strides = array<i32>} : memref<40192xf32, #tpu.memory_space<vmem>>, vector<16xf32>,
        %swap3A_1155 = vector.shape_cast %swap3A_1154 : vector<16xf32> to vector<16xf32>
        %swap3A_1156 = vector.shape_cast %max3A_1152 : vector<16xf32> to vector<16xf32>
        tpu.vector_store %arg11[%swap3A_1153], %swap3A_1156 {strides = array<i32>} : memref<40192xf32, #tpu.memory_space<vmem>>, vector<16xf32>,
        %add3A_1157 = arith.constant 112 : i32
        %add3A_1158 = arith.addi %mul3A_1044, %add3A_1157 : i32
        %get3A_1159 = arith.index_cast %add3A_1158 : i32 to index
        %get3A_1160 = tpu.vector_load %arg11[%get3A_1159] {strides = array<i32>} : memref<40192xf32, #tpu.memory_space<vmem>>, vector<16xf32>,
        %get3A_1161 = vector.shape_cast %get3A_1160 : vector<16xf32> to vector<16xf32>
        %add3A_1162 = arith.constant 7 : i32
        %add3A_1163 = arith.addi %add3A_55, %add3A_1162 : i32
        %get3A_1164 = arith.index_cast %add3A_1163 : i32 to index
        %get3A_1165 = arith.constant 112 : index
        %get3A_1166 = tpu.vector_load %arg10[%get3A_1164, %get3A_1165] {strides = array<i32>} : memref<128x128xf32, #tpu.memory_space<vmem>>, vector<1x16xf32>,
        %get3A_1167 = vector.shape_cast %get3A_1166 : vector<1x16xf32> to vector<16xf32>
        %max3A_1168 = arith.maximumf %get3A_1161, %get3A_1167 : vector<16xf32>
        %swap3A_1169 = arith.index_cast %add3A_1158 : i32 to index
        %swap3A_1170 = tpu.vector_load %arg11[%swap3A_1169] {strides = array<i32>} : memref<40192xf32, #tpu.memory_space<vmem>>, vector<16xf32>,
        %swap3A_1171 = vector.shape_cast %swap3A_1170 : vector<16xf32> to vector<16xf32>
        %swap3A_1172 = vector.shape_cast %max3A_1168 : vector<16xf32> to vector<16xf32>
        tpu.vector_store %arg11[%swap3A_1169], %swap3A_1172 {strides = array<i32>} : memref<40192xf32, #tpu.memory_space<vmem>>, vector<16xf32>,
        %slice3A_1173 = vector.extract_strided_slice %get3A_58 {offsets = [8], sizes = [1], strides = [1]} : vector<16xi32> to vector<1xi32>
        %squeeze3A_1174 = vector.extract %slice3A_1173[0] : i32 from vector<1xi32>
        %sub3A_1175 = arith.subi %squeeze3A_1174, %mul3A_8 : i32
        %lt3A_1176 = arith.constant 0 : i32
        %lt3A_1177 = arith.cmpi slt, %sub3A_1175, %lt3A_1176 : i32
        %ge3A_1178 = arith.constant 313 : i32
        %ge3A_1179 = arith.cmpi sge, %sub3A_1175, %ge3A_1178 : i32
        %or3A_1180 = arith.ori %lt3A_1177, %ge3A_1179 : i1
        %select_n3A_1181 = arith.constant 313 : i32
        %select_n3A_1182 = arith.select %or3A_1180, %select_n3A_1181, %sub3A_1175 : i32
        %mul3A_1183 = arith.constant 128 : i32
        %mul3A_1184 = arith.muli %select_n3A_1182, %mul3A_1183 : i32
        %add3A_1185 = arith.constant 0 : i32
        %add3A_1186 = arith.addi %mul3A_1184, %add3A_1185 : i32
        %get3A_1187 = arith.index_cast %add3A_1186 : i32 to index
        %get3A_1188 = tpu.vector_load %arg11[%get3A_1187] {strides = array<i32>} : memref<40192xf32, #tpu.memory_space<vmem>>, vector<16xf32>,
        %get3A_1189 = vector.shape_cast %get3A_1188 : vector<16xf32> to vector<16xf32>
        %add3A_1190 = arith.constant 8 : i32
        %add3A_1191 = arith.addi %add3A_55, %add3A_1190 : i32
        %get3A_1192 = arith.index_cast %add3A_1191 : i32 to index
        %get3A_1193 = arith.constant 0 : index
        %get3A_1194 = tpu.vector_load %arg10[%get3A_1192, %get3A_1193] {strides = array<i32>} : memref<128x128xf32, #tpu.memory_space<vmem>>, vector<1x16xf32>,
        %get3A_1195 = vector.shape_cast %get3A_1194 : vector<1x16xf32> to vector<16xf32>
        %max3A_1196 = arith.maximumf %get3A_1189, %get3A_1195 : vector<16xf32>
        %swap3A_1197 = arith.index_cast %add3A_1186 : i32 to index
        %swap3A_1198 = tpu.vector_load %arg11[%swap3A_1197] {strides = array<i32>} : memref<40192xf32, #tpu.memory_space<vmem>>, vector<16xf32>,
        %swap3A_1199 = vector.shape_cast %swap3A_1198 : vector<16xf32> to vector<16xf32>
        %swap3A_1200 = vector.shape_cast %max3A_1196 : vector<16xf32> to vector<16xf32>
        tpu.vector_store %arg11[%swap3A_1197], %swap3A_1200 {strides = array<i32>} : memref<40192xf32, #tpu.memory_space<vmem>>, vector<16xf32>,
        %add3A_1201 = arith.constant 16 : i32
        %add3A_1202 = arith.addi %mul3A_1184, %add3A_1201 : i32
        %get3A_1203 = arith.index_cast %add3A_1202 : i32 to index
        %get3A_1204 = tpu.vector_load %arg11[%get3A_1203] {strides = array<i32>} : memref<40192xf32, #tpu.memory_space<vmem>>, vector<16xf32>,
        %get3A_1205 = vector.shape_cast %get3A_1204 : vector<16xf32> to vector<16xf32>
        %add3A_1206 = arith.constant 8 : i32
        %add3A_1207 = arith.addi %add3A_55, %add3A_1206 : i32
        %get3A_1208 = arith.index_cast %add3A_1207 : i32 to index
        %get3A_1209 = arith.constant 16 : index
        %get3A_1210 = tpu.vector_load %arg10[%get3A_1208, %get3A_1209] {strides = array<i32>} : memref<128x128xf32, #tpu.memory_space<vmem>>, vector<1x16xf32>,
        %get3A_1211 = vector.shape_cast %get3A_1210 : vector<1x16xf32> to vector<16xf32>
        %max3A_1212 = arith.maximumf %get3A_1205, %get3A_1211 : vector<16xf32>
        %swap3A_1213 = arith.index_cast %add3A_1202 : i32 to index
        %swap3A_1214 = tpu.vector_load %arg11[%swap3A_1213] {strides = array<i32>} : memref<40192xf32, #tpu.memory_space<vmem>>, vector<16xf32>,
        %swap3A_1215 = vector.shape_cast %swap3A_1214 : vector<16xf32> to vector<16xf32>
        %swap3A_1216 = vector.shape_cast %max3A_1212 : vector<16xf32> to vector<16xf32>
        tpu.vector_store %arg11[%swap3A_1213], %swap3A_1216 {strides = array<i32>} : memref<40192xf32, #tpu.memory_space<vmem>>, vector<16xf32>,
        %add3A_1217 = arith.constant 32 : i32
        %add3A_1218 = arith.addi %mul3A_1184, %add3A_1217 : i32
        %get3A_1219 = arith.index_cast %add3A_1218 : i32 to index
        %get3A_1220 = tpu.vector_load %arg11[%get3A_1219] {strides = array<i32>} : memref<40192xf32, #tpu.memory_space<vmem>>, vector<16xf32>,
        %get3A_1221 = vector.shape_cast %get3A_1220 : vector<16xf32> to vector<16xf32>
        %add3A_1222 = arith.constant 8 : i32
        %add3A_1223 = arith.addi %add3A_55, %add3A_1222 : i32
        %get3A_1224 = arith.index_cast %add3A_1223 : i32 to index
        %get3A_1225 = arith.constant 32 : index
        %get3A_1226 = tpu.vector_load %arg10[%get3A_1224, %get3A_1225] {strides = array<i32>} : memref<128x128xf32, #tpu.memory_space<vmem>>, vector<1x16xf32>,
        %get3A_1227 = vector.shape_cast %get3A_1226 : vector<1x16xf32> to vector<16xf32>
        %max3A_1228 = arith.maximumf %get3A_1221, %get3A_1227 : vector<16xf32>
        %swap3A_1229 = arith.index_cast %add3A_1218 : i32 to index
        %swap3A_1230 = tpu.vector_load %arg11[%swap3A_1229] {strides = array<i32>} : memref<40192xf32, #tpu.memory_space<vmem>>, vector<16xf32>,
        %swap3A_1231 = vector.shape_cast %swap3A_1230 : vector<16xf32> to vector<16xf32>
        %swap3A_1232 = vector.shape_cast %max3A_1228 : vector<16xf32> to vector<16xf32>
        tpu.vector_store %arg11[%swap3A_1229], %swap3A_1232 {strides = array<i32>} : memref<40192xf32, #tpu.memory_space<vmem>>, vector<16xf32>,
        %add3A_1233 = arith.constant 48 : i32
        %add3A_1234 = arith.addi %mul3A_1184, %add3A_1233 : i32
        %get3A_1235 = arith.index_cast %add3A_1234 : i32 to index
        %get3A_1236 = tpu.vector_load %arg11[%get3A_1235] {strides = array<i32>} : memref<40192xf32, #tpu.memory_space<vmem>>, vector<16xf32>,
        %get3A_1237 = vector.shape_cast %get3A_1236 : vector<16xf32> to vector<16xf32>
        %add3A_1238 = arith.constant 8 : i32
        %add3A_1239 = arith.addi %add3A_55, %add3A_1238 : i32
        %get3A_1240 = arith.index_cast %add3A_1239 : i32 to index
        %get3A_1241 = arith.constant 48 : index
        %get3A_1242 = tpu.vector_load %arg10[%get3A_1240, %get3A_1241] {strides = array<i32>} : memref<128x128xf32, #tpu.memory_space<vmem>>, vector<1x16xf32>,
        %get3A_1243 = vector.shape_cast %get3A_1242 : vector<1x16xf32> to vector<16xf32>
        %max3A_1244 = arith.maximumf %get3A_1237, %get3A_1243 : vector<16xf32>
        %swap3A_1245 = arith.index_cast %add3A_1234 : i32 to index
        %swap3A_1246 = tpu.vector_load %arg11[%swap3A_1245] {strides = array<i32>} : memref<40192xf32, #tpu.memory_space<vmem>>, vector<16xf32>,
        %swap3A_1247 = vector.shape_cast %swap3A_1246 : vector<16xf32> to vector<16xf32>
        %swap3A_1248 = vector.shape_cast %max3A_1244 : vector<16xf32> to vector<16xf32>
        tpu.vector_store %arg11[%swap3A_1245], %swap3A_1248 {strides = array<i32>} : memref<40192xf32, #tpu.memory_space<vmem>>, vector<16xf32>,
        %add3A_1249 = arith.constant 64 : i32
        %add3A_1250 = arith.addi %mul3A_1184, %add3A_1249 : i32
        %get3A_1251 = arith.index_cast %add3A_1250 : i32 to index
        %get3A_1252 = tpu.vector_load %arg11[%get3A_1251] {strides = array<i32>} : memref<40192xf32, #tpu.memory_space<vmem>>, vector<16xf32>,
        %get3A_1253 = vector.shape_cast %get3A_1252 : vector<16xf32> to vector<16xf32>
        %add3A_1254 = arith.constant 8 : i32
        %add3A_1255 = arith.addi %add3A_55, %add3A_1254 : i32
        %get3A_1256 = arith.index_cast %add3A_1255 : i32 to index
        %get3A_1257 = arith.constant 64 : index
        %get3A_1258 = tpu.vector_load %arg10[%get3A_1256, %get3A_1257] {strides = array<i32>} : memref<128x128xf32, #tpu.memory_space<vmem>>, vector<1x16xf32>,
        %get3A_1259 = vector.shape_cast %get3A_1258 : vector<1x16xf32> to vector<16xf32>
        %max3A_1260 = arith.maximumf %get3A_1253, %get3A_1259 : vector<16xf32>
        %swap3A_1261 = arith.index_cast %add3A_1250 : i32 to index
        %swap3A_1262 = tpu.vector_load %arg11[%swap3A_1261] {strides = array<i32>} : memref<40192xf32, #tpu.memory_space<vmem>>, vector<16xf32>,
        %swap3A_1263 = vector.shape_cast %swap3A_1262 : vector<16xf32> to vector<16xf32>
        %swap3A_1264 = vector.shape_cast %max3A_1260 : vector<16xf32> to vector<16xf32>
        tpu.vector_store %arg11[%swap3A_1261], %swap3A_1264 {strides = array<i32>} : memref<40192xf32, #tpu.memory_space<vmem>>, vector<16xf32>,
        %add3A_1265 = arith.constant 80 : i32
        %add3A_1266 = arith.addi %mul3A_1184, %add3A_1265 : i32
        %get3A_1267 = arith.index_cast %add3A_1266 : i32 to index
        %get3A_1268 = tpu.vector_load %arg11[%get3A_1267] {strides = array<i32>} : memref<40192xf32, #tpu.memory_space<vmem>>, vector<16xf32>,
        %get3A_1269 = vector.shape_cast %get3A_1268 : vector<16xf32> to vector<16xf32>
        %add3A_1270 = arith.constant 8 : i32
        %add3A_1271 = arith.addi %add3A_55, %add3A_1270 : i32
        %get3A_1272 = arith.index_cast %add3A_1271 : i32 to index
        %get3A_1273 = arith.constant 80 : index
        %get3A_1274 = tpu.vector_load %arg10[%get3A_1272, %get3A_1273] {strides = array<i32>} : memref<128x128xf32, #tpu.memory_space<vmem>>, vector<1x16xf32>,
        %get3A_1275 = vector.shape_cast %get3A_1274 : vector<1x16xf32> to vector<16xf32>
        %max3A_1276 = arith.maximumf %get3A_1269, %get3A_1275 : vector<16xf32>
        %swap3A_1277 = arith.index_cast %add3A_1266 : i32 to index
        %swap3A_1278 = tpu.vector_load %arg11[%swap3A_1277] {strides = array<i32>} : memref<40192xf32, #tpu.memory_space<vmem>>, vector<16xf32>,
        %swap3A_1279 = vector.shape_cast %swap3A_1278 : vector<16xf32> to vector<16xf32>
        %swap3A_1280 = vector.shape_cast %max3A_1276 : vector<16xf32> to vector<16xf32>
        tpu.vector_store %arg11[%swap3A_1277], %swap3A_1280 {strides = array<i32>} : memref<40192xf32, #tpu.memory_space<vmem>>, vector<16xf32>,
        %add3A_1281 = arith.constant 96 : i32
        %add3A_1282 = arith.addi %mul3A_1184, %add3A_1281 : i32
        %get3A_1283 = arith.index_cast %add3A_1282 : i32 to index
        %get3A_1284 = tpu.vector_load %arg11[%get3A_1283] {strides = array<i32>} : memref<40192xf32, #tpu.memory_space<vmem>>, vector<16xf32>,
        %get3A_1285 = vector.shape_cast %get3A_1284 : vector<16xf32> to vector<16xf32>
        %add3A_1286 = arith.constant 8 : i32
        %add3A_1287 = arith.addi %add3A_55, %add3A_1286 : i32
        %get3A_1288 = arith.index_cast %add3A_1287 : i32 to index
        %get3A_1289 = arith.constant 96 : index
        %get3A_1290 = tpu.vector_load %arg10[%get3A_1288, %get3A_1289] {strides = array<i32>} : memref<128x128xf32, #tpu.memory_space<vmem>>, vector<1x16xf32>,
        %get3A_1291 = vector.shape_cast %get3A_1290 : vector<1x16xf32> to vector<16xf32>
        %max3A_1292 = arith.maximumf %get3A_1285, %get3A_1291 : vector<16xf32>
        %swap3A_1293 = arith.index_cast %add3A_1282 : i32 to index
        %swap3A_1294 = tpu.vector_load %arg11[%swap3A_1293] {strides = array<i32>} : memref<40192xf32, #tpu.memory_space<vmem>>, vector<16xf32>,
        %swap3A_1295 = vector.shape_cast %swap3A_1294 : vector<16xf32> to vector<16xf32>
        %swap3A_1296 = vector.shape_cast %max3A_1292 : vector<16xf32> to vector<16xf32>
        tpu.vector_store %arg11[%swap3A_1293], %swap3A_1296 {strides = array<i32>} : memref<40192xf32, #tpu.memory_space<vmem>>, vector<16xf32>,
        %add3A_1297 = arith.constant 112 : i32
        %add3A_1298 = arith.addi %mul3A_1184, %add3A_1297 : i32
        %get3A_1299 = arith.index_cast %add3A_1298 : i32 to index
        %get3A_1300 = tpu.vector_load %arg11[%get3A_1299] {strides = array<i32>} : memref<40192xf32, #tpu.memory_space<vmem>>, vector<16xf32>,
        %get3A_1301 = vector.shape_cast %get3A_1300 : vector<16xf32> to vector<16xf32>
        %add3A_1302 = arith.constant 8 : i32
        %add3A_1303 = arith.addi %add3A_55, %add3A_1302 : i32
        %get3A_1304 = arith.index_cast %add3A_1303 : i32 to index
        %get3A_1305 = arith.constant 112 : index
        %get3A_1306 = tpu.vector_load %arg10[%get3A_1304, %get3A_1305] {strides = array<i32>} : memref<128x128xf32, #tpu.memory_space<vmem>>, vector<1x16xf32>,
        %get3A_1307 = vector.shape_cast %get3A_1306 : vector<1x16xf32> to vector<16xf32>
        %max3A_1308 = arith.maximumf %get3A_1301, %get3A_1307 : vector<16xf32>
        %swap3A_1309 = arith.index_cast %add3A_1298 : i32 to index
        %swap3A_1310 = tpu.vector_load %arg11[%swap3A_1309] {strides = array<i32>} : memref<40192xf32, #tpu.memory_space<vmem>>, vector<16xf32>,
        %swap3A_1311 = vector.shape_cast %swap3A_1310 : vector<16xf32> to vector<16xf32>
        %swap3A_1312 = vector.shape_cast %max3A_1308 : vector<16xf32> to vector<16xf32>
        tpu.vector_store %arg11[%swap3A_1309], %swap3A_1312 {strides = array<i32>} : memref<40192xf32, #tpu.memory_space<vmem>>, vector<16xf32>,
        %slice3A_1313 = vector.extract_strided_slice %get3A_58 {offsets = [9], sizes = [1], strides = [1]} : vector<16xi32> to vector<1xi32>
        %squeeze3A_1314 = vector.extract %slice3A_1313[0] : i32 from vector<1xi32>
        %sub3A_1315 = arith.subi %squeeze3A_1314, %mul3A_8 : i32
        %lt3A_1316 = arith.constant 0 : i32
        %lt3A_1317 = arith.cmpi slt, %sub3A_1315, %lt3A_1316 : i32
        %ge3A_1318 = arith.constant 313 : i32
        %ge3A_1319 = arith.cmpi sge, %sub3A_1315, %ge3A_1318 : i32
        %or3A_1320 = arith.ori %lt3A_1317, %ge3A_1319 : i1
        %select_n3A_1321 = arith.constant 313 : i32
        %select_n3A_1322 = arith.select %or3A_1320, %select_n3A_1321, %sub3A_1315 : i32
        %mul3A_1323 = arith.constant 128 : i32
        %mul3A_1324 = arith.muli %select_n3A_1322, %mul3A_1323 : i32
        %add3A_1325 = arith.constant 0 : i32
        %add3A_1326 = arith.addi %mul3A_1324, %add3A_1325 : i32
        %get3A_1327 = arith.index_cast %add3A_1326 : i32 to index
        %get3A_1328 = tpu.vector_load %arg11[%get3A_1327] {strides = array<i32>} : memref<40192xf32, #tpu.memory_space<vmem>>, vector<16xf32>,
        %get3A_1329 = vector.shape_cast %get3A_1328 : vector<16xf32> to vector<16xf32>
        %add3A_1330 = arith.constant 9 : i32
        %add3A_1331 = arith.addi %add3A_55, %add3A_1330 : i32
        %get3A_1332 = arith.index_cast %add3A_1331 : i32 to index
        %get3A_1333 = arith.constant 0 : index
        %get3A_1334 = tpu.vector_load %arg10[%get3A_1332, %get3A_1333] {strides = array<i32>} : memref<128x128xf32, #tpu.memory_space<vmem>>, vector<1x16xf32>,
        %get3A_1335 = vector.shape_cast %get3A_1334 : vector<1x16xf32> to vector<16xf32>
        %max3A_1336 = arith.maximumf %get3A_1329, %get3A_1335 : vector<16xf32>
        %swap3A_1337 = arith.index_cast %add3A_1326 : i32 to index
        %swap3A_1338 = tpu.vector_load %arg11[%swap3A_1337] {strides = array<i32>} : memref<40192xf32, #tpu.memory_space<vmem>>, vector<16xf32>,
        %swap3A_1339 = vector.shape_cast %swap3A_1338 : vector<16xf32> to vector<16xf32>
        %swap3A_1340 = vector.shape_cast %max3A_1336 : vector<16xf32> to vector<16xf32>
        tpu.vector_store %arg11[%swap3A_1337], %swap3A_1340 {strides = array<i32>} : memref<40192xf32, #tpu.memory_space<vmem>>, vector<16xf32>,
        %add3A_1341 = arith.constant 16 : i32
        %add3A_1342 = arith.addi %mul3A_1324, %add3A_1341 : i32
        %get3A_1343 = arith.index_cast %add3A_1342 : i32 to index
        %get3A_1344 = tpu.vector_load %arg11[%get3A_1343] {strides = array<i32>} : memref<40192xf32, #tpu.memory_space<vmem>>, vector<16xf32>,
        %get3A_1345 = vector.shape_cast %get3A_1344 : vector<16xf32> to vector<16xf32>
        %add3A_1346 = arith.constant 9 : i32
        %add3A_1347 = arith.addi %add3A_55, %add3A_1346 : i32
        %get3A_1348 = arith.index_cast %add3A_1347 : i32 to index
        %get3A_1349 = arith.constant 16 : index
        %get3A_1350 = tpu.vector_load %arg10[%get3A_1348, %get3A_1349] {strides = array<i32>} : memref<128x128xf32, #tpu.memory_space<vmem>>, vector<1x16xf32>,
        %get3A_1351 = vector.shape_cast %get3A_1350 : vector<1x16xf32> to vector<16xf32>
        %max3A_1352 = arith.maximumf %get3A_1345, %get3A_1351 : vector<16xf32>
        %swap3A_1353 = arith.index_cast %add3A_1342 : i32 to index
        %swap3A_1354 = tpu.vector_load %arg11[%swap3A_1353] {strides = array<i32>} : memref<40192xf32, #tpu.memory_space<vmem>>, vector<16xf32>,
        %swap3A_1355 = vector.shape_cast %swap3A_1354 : vector<16xf32> to vector<16xf32>
        %swap3A_1356 = vector.shape_cast %max3A_1352 : vector<16xf32> to vector<16xf32>
        tpu.vector_store %arg11[%swap3A_1353], %swap3A_1356 {strides = array<i32>} : memref<40192xf32, #tpu.memory_space<vmem>>, vector<16xf32>,
        %add3A_1357 = arith.constant 32 : i32
        %add3A_1358 = arith.addi %mul3A_1324, %add3A_1357 : i32
        %get3A_1359 = arith.index_cast %add3A_1358 : i32 to index
        %get3A_1360 = tpu.vector_load %arg11[%get3A_1359] {strides = array<i32>} : memref<40192xf32, #tpu.memory_space<vmem>>, vector<16xf32>,
        %get3A_1361 = vector.shape_cast %get3A_1360 : vector<16xf32> to vector<16xf32>
        %add3A_1362 = arith.constant 9 : i32
        %add3A_1363 = arith.addi %add3A_55, %add3A_1362 : i32
        %get3A_1364 = arith.index_cast %add3A_1363 : i32 to index
        %get3A_1365 = arith.constant 32 : index
        %get3A_1366 = tpu.vector_load %arg10[%get3A_1364, %get3A_1365] {strides = array<i32>} : memref<128x128xf32, #tpu.memory_space<vmem>>, vector<1x16xf32>,
        %get3A_1367 = vector.shape_cast %get3A_1366 : vector<1x16xf32> to vector<16xf32>
        %max3A_1368 = arith.maximumf %get3A_1361, %get3A_1367 : vector<16xf32>
        %swap3A_1369 = arith.index_cast %add3A_1358 : i32 to index
        %swap3A_1370 = tpu.vector_load %arg11[%swap3A_1369] {strides = array<i32>} : memref<40192xf32, #tpu.memory_space<vmem>>, vector<16xf32>,
        %swap3A_1371 = vector.shape_cast %swap3A_1370 : vector<16xf32> to vector<16xf32>
        %swap3A_1372 = vector.shape_cast %max3A_1368 : vector<16xf32> to vector<16xf32>
        tpu.vector_store %arg11[%swap3A_1369], %swap3A_1372 {strides = array<i32>} : memref<40192xf32, #tpu.memory_space<vmem>>, vector<16xf32>,
        %add3A_1373 = arith.constant 48 : i32
        %add3A_1374 = arith.addi %mul3A_1324, %add3A_1373 : i32
        %get3A_1375 = arith.index_cast %add3A_1374 : i32 to index
        %get3A_1376 = tpu.vector_load %arg11[%get3A_1375] {strides = array<i32>} : memref<40192xf32, #tpu.memory_space<vmem>>, vector<16xf32>,
        %get3A_1377 = vector.shape_cast %get3A_1376 : vector<16xf32> to vector<16xf32>
        %add3A_1378 = arith.constant 9 : i32
        %add3A_1379 = arith.addi %add3A_55, %add3A_1378 : i32
        %get3A_1380 = arith.index_cast %add3A_1379 : i32 to index
        %get3A_1381 = arith.constant 48 : index
        %get3A_1382 = tpu.vector_load %arg10[%get3A_1380, %get3A_1381] {strides = array<i32>} : memref<128x128xf32, #tpu.memory_space<vmem>>, vector<1x16xf32>,
        %get3A_1383 = vector.shape_cast %get3A_1382 : vector<1x16xf32> to vector<16xf32>
        %max3A_1384 = arith.maximumf %get3A_1377, %get3A_1383 : vector<16xf32>
        %swap3A_1385 = arith.index_cast %add3A_1374 : i32 to index
        %swap3A_1386 = tpu.vector_load %arg11[%swap3A_1385] {strides = array<i32>} : memref<40192xf32, #tpu.memory_space<vmem>>, vector<16xf32>,
        %swap3A_1387 = vector.shape_cast %swap3A_1386 : vector<16xf32> to vector<16xf32>
        %swap3A_1388 = vector.shape_cast %max3A_1384 : vector<16xf32> to vector<16xf32>
        tpu.vector_store %arg11[%swap3A_1385], %swap3A_1388 {strides = array<i32>} : memref<40192xf32, #tpu.memory_space<vmem>>, vector<16xf32>,
        %add3A_1389 = arith.constant 64 : i32
        %add3A_1390 = arith.addi %mul3A_1324, %add3A_1389 : i32
        %get3A_1391 = arith.index_cast %add3A_1390 : i32 to index
        %get3A_1392 = tpu.vector_load %arg11[%get3A_1391] {strides = array<i32>} : memref<40192xf32, #tpu.memory_space<vmem>>, vector<16xf32>,
        %get3A_1393 = vector.shape_cast %get3A_1392 : vector<16xf32> to vector<16xf32>
        %add3A_1394 = arith.constant 9 : i32
        %add3A_1395 = arith.addi %add3A_55, %add3A_1394 : i32
        %get3A_1396 = arith.index_cast %add3A_1395 : i32 to index
        %get3A_1397 = arith.constant 64 : index
        %get3A_1398 = tpu.vector_load %arg10[%get3A_1396, %get3A_1397] {strides = array<i32>} : memref<128x128xf32, #tpu.memory_space<vmem>>, vector<1x16xf32>,
        %get3A_1399 = vector.shape_cast %get3A_1398 : vector<1x16xf32> to vector<16xf32>
        %max3A_1400 = arith.maximumf %get3A_1393, %get3A_1399 : vector<16xf32>
        %swap3A_1401 = arith.index_cast %add3A_1390 : i32 to index
        %swap3A_1402 = tpu.vector_load %arg11[%swap3A_1401] {strides = array<i32>} : memref<40192xf32, #tpu.memory_space<vmem>>, vector<16xf32>,
        %swap3A_1403 = vector.shape_cast %swap3A_1402 : vector<16xf32> to vector<16xf32>
        %swap3A_1404 = vector.shape_cast %max3A_1400 : vector<16xf32> to vector<16xf32>
        tpu.vector_store %arg11[%swap3A_1401], %swap3A_1404 {strides = array<i32>} : memref<40192xf32, #tpu.memory_space<vmem>>, vector<16xf32>,
        %add3A_1405 = arith.constant 80 : i32
        %add3A_1406 = arith.addi %mul3A_1324, %add3A_1405 : i32
        %get3A_1407 = arith.index_cast %add3A_1406 : i32 to index
        %get3A_1408 = tpu.vector_load %arg11[%get3A_1407] {strides = array<i32>} : memref<40192xf32, #tpu.memory_space<vmem>>, vector<16xf32>,
        %get3A_1409 = vector.shape_cast %get3A_1408 : vector<16xf32> to vector<16xf32>
        %add3A_1410 = arith.constant 9 : i32
        %add3A_1411 = arith.addi %add3A_55, %add3A_1410 : i32
        %get3A_1412 = arith.index_cast %add3A_1411 : i32 to index
        %get3A_1413 = arith.constant 80 : index
        %get3A_1414 = tpu.vector_load %arg10[%get3A_1412, %get3A_1413] {strides = array<i32>} : memref<128x128xf32, #tpu.memory_space<vmem>>, vector<1x16xf32>,
        %get3A_1415 = vector.shape_cast %get3A_1414 : vector<1x16xf32> to vector<16xf32>
        %max3A_1416 = arith.maximumf %get3A_1409, %get3A_1415 : vector<16xf32>
        %swap3A_1417 = arith.index_cast %add3A_1406 : i32 to index
        %swap3A_1418 = tpu.vector_load %arg11[%swap3A_1417] {strides = array<i32>} : memref<40192xf32, #tpu.memory_space<vmem>>, vector<16xf32>,
        %swap3A_1419 = vector.shape_cast %swap3A_1418 : vector<16xf32> to vector<16xf32>
        %swap3A_1420 = vector.shape_cast %max3A_1416 : vector<16xf32> to vector<16xf32>
        tpu.vector_store %arg11[%swap3A_1417], %swap3A_1420 {strides = array<i32>} : memref<40192xf32, #tpu.memory_space<vmem>>, vector<16xf32>,
        %add3A_1421 = arith.constant 96 : i32
        %add3A_1422 = arith.addi %mul3A_1324, %add3A_1421 : i32
        %get3A_1423 = arith.index_cast %add3A_1422 : i32 to index
        %get3A_1424 = tpu.vector_load %arg11[%get3A_1423] {strides = array<i32>} : memref<40192xf32, #tpu.memory_space<vmem>>, vector<16xf32>,
        %get3A_1425 = vector.shape_cast %get3A_1424 : vector<16xf32> to vector<16xf32>
        %add3A_1426 = arith.constant 9 : i32
        %add3A_1427 = arith.addi %add3A_55, %add3A_1426 : i32
        %get3A_1428 = arith.index_cast %add3A_1427 : i32 to index
        %get3A_1429 = arith.constant 96 : index
        %get3A_1430 = tpu.vector_load %arg10[%get3A_1428, %get3A_1429] {strides = array<i32>} : memref<128x128xf32, #tpu.memory_space<vmem>>, vector<1x16xf32>,
        %get3A_1431 = vector.shape_cast %get3A_1430 : vector<1x16xf32> to vector<16xf32>
        %max3A_1432 = arith.maximumf %get3A_1425, %get3A_1431 : vector<16xf32>
        %swap3A_1433 = arith.index_cast %add3A_1422 : i32 to index
        %swap3A_1434 = tpu.vector_load %arg11[%swap3A_1433] {strides = array<i32>} : memref<40192xf32, #tpu.memory_space<vmem>>, vector<16xf32>,
        %swap3A_1435 = vector.shape_cast %swap3A_1434 : vector<16xf32> to vector<16xf32>
        %swap3A_1436 = vector.shape_cast %max3A_1432 : vector<16xf32> to vector<16xf32>
        tpu.vector_store %arg11[%swap3A_1433], %swap3A_1436 {strides = array<i32>} : memref<40192xf32, #tpu.memory_space<vmem>>, vector<16xf32>,
        %add3A_1437 = arith.constant 112 : i32
        %add3A_1438 = arith.addi %mul3A_1324, %add3A_1437 : i32
        %get3A_1439 = arith.index_cast %add3A_1438 : i32 to index
        %get3A_1440 = tpu.vector_load %arg11[%get3A_1439] {strides = array<i32>} : memref<40192xf32, #tpu.memory_space<vmem>>, vector<16xf32>,
        %get3A_1441 = vector.shape_cast %get3A_1440 : vector<16xf32> to vector<16xf32>
        %add3A_1442 = arith.constant 9 : i32
        %add3A_1443 = arith.addi %add3A_55, %add3A_1442 : i32
        %get3A_1444 = arith.index_cast %add3A_1443 : i32 to index
        %get3A_1445 = arith.constant 112 : index
        %get3A_1446 = tpu.vector_load %arg10[%get3A_1444, %get3A_1445] {strides = array<i32>} : memref<128x128xf32, #tpu.memory_space<vmem>>, vector<1x16xf32>,
        %get3A_1447 = vector.shape_cast %get3A_1446 : vector<1x16xf32> to vector<16xf32>
        %max3A_1448 = arith.maximumf %get3A_1441, %get3A_1447 : vector<16xf32>
        %swap3A_1449 = arith.index_cast %add3A_1438 : i32 to index
        %swap3A_1450 = tpu.vector_load %arg11[%swap3A_1449] {strides = array<i32>} : memref<40192xf32, #tpu.memory_space<vmem>>, vector<16xf32>,
        %swap3A_1451 = vector.shape_cast %swap3A_1450 : vector<16xf32> to vector<16xf32>
        %swap3A_1452 = vector.shape_cast %max3A_1448 : vector<16xf32> to vector<16xf32>
        tpu.vector_store %arg11[%swap3A_1449], %swap3A_1452 {strides = array<i32>} : memref<40192xf32, #tpu.memory_space<vmem>>, vector<16xf32>,
        %slice3A_1453 = vector.extract_strided_slice %get3A_58 {offsets = [10], sizes = [1], strides = [1]} : vector<16xi32> to vector<1xi32>
        %squeeze3A_1454 = vector.extract %slice3A_1453[0] : i32 from vector<1xi32>
        %sub3A_1455 = arith.subi %squeeze3A_1454, %mul3A_8 : i32
        %lt3A_1456 = arith.constant 0 : i32
        %lt3A_1457 = arith.cmpi slt, %sub3A_1455, %lt3A_1456 : i32
        %ge3A_1458 = arith.constant 313 : i32
        %ge3A_1459 = arith.cmpi sge, %sub3A_1455, %ge3A_1458 : i32
        %or3A_1460 = arith.ori %lt3A_1457, %ge3A_1459 : i1
        %select_n3A_1461 = arith.constant 313 : i32
        %select_n3A_1462 = arith.select %or3A_1460, %select_n3A_1461, %sub3A_1455 : i32
        %mul3A_1463 = arith.constant 128 : i32
        %mul3A_1464 = arith.muli %select_n3A_1462, %mul3A_1463 : i32
        %add3A_1465 = arith.constant 0 : i32
        %add3A_1466 = arith.addi %mul3A_1464, %add3A_1465 : i32
        %get3A_1467 = arith.index_cast %add3A_1466 : i32 to index
        %get3A_1468 = tpu.vector_load %arg11[%get3A_1467] {strides = array<i32>} : memref<40192xf32, #tpu.memory_space<vmem>>, vector<16xf32>,
        %get3A_1469 = vector.shape_cast %get3A_1468 : vector<16xf32> to vector<16xf32>
        %add3A_1470 = arith.constant 10 : i32
        %add3A_1471 = arith.addi %add3A_55, %add3A_1470 : i32
        %get3A_1472 = arith.index_cast %add3A_1471 : i32 to index
        %get3A_1473 = arith.constant 0 : index
        %get3A_1474 = tpu.vector_load %arg10[%get3A_1472, %get3A_1473] {strides = array<i32>} : memref<128x128xf32, #tpu.memory_space<vmem>>, vector<1x16xf32>,
        %get3A_1475 = vector.shape_cast %get3A_1474 : vector<1x16xf32> to vector<16xf32>
        %max3A_1476 = arith.maximumf %get3A_1469, %get3A_1475 : vector<16xf32>
        %swap3A_1477 = arith.index_cast %add3A_1466 : i32 to index
        %swap3A_1478 = tpu.vector_load %arg11[%swap3A_1477] {strides = array<i32>} : memref<40192xf32, #tpu.memory_space<vmem>>, vector<16xf32>,
        %swap3A_1479 = vector.shape_cast %swap3A_1478 : vector<16xf32> to vector<16xf32>
        %swap3A_1480 = vector.shape_cast %max3A_1476 : vector<16xf32> to vector<16xf32>
        tpu.vector_store %arg11[%swap3A_1477], %swap3A_1480 {strides = array<i32>} : memref<40192xf32, #tpu.memory_space<vmem>>, vector<16xf32>,
        %add3A_1481 = arith.constant 16 : i32
        %add3A_1482 = arith.addi %mul3A_1464, %add3A_1481 : i32
        %get3A_1483 = arith.index_cast %add3A_1482 : i32 to index
        %get3A_1484 = tpu.vector_load %arg11[%get3A_1483] {strides = array<i32>} : memref<40192xf32, #tpu.memory_space<vmem>>, vector<16xf32>,
        %get3A_1485 = vector.shape_cast %get3A_1484 : vector<16xf32> to vector<16xf32>
        %add3A_1486 = arith.constant 10 : i32
        %add3A_1487 = arith.addi %add3A_55, %add3A_1486 : i32
        %get3A_1488 = arith.index_cast %add3A_1487 : i32 to index
        %get3A_1489 = arith.constant 16 : index
        %get3A_1490 = tpu.vector_load %arg10[%get3A_1488, %get3A_1489] {strides = array<i32>} : memref<128x128xf32, #tpu.memory_space<vmem>>, vector<1x16xf32>,
        %get3A_1491 = vector.shape_cast %get3A_1490 : vector<1x16xf32> to vector<16xf32>
        %max3A_1492 = arith.maximumf %get3A_1485, %get3A_1491 : vector<16xf32>
        %swap3A_1493 = arith.index_cast %add3A_1482 : i32 to index
        %swap3A_1494 = tpu.vector_load %arg11[%swap3A_1493] {strides = array<i32>} : memref<40192xf32, #tpu.memory_space<vmem>>, vector<16xf32>,
        %swap3A_1495 = vector.shape_cast %swap3A_1494 : vector<16xf32> to vector<16xf32>
        %swap3A_1496 = vector.shape_cast %max3A_1492 : vector<16xf32> to vector<16xf32>
        tpu.vector_store %arg11[%swap3A_1493], %swap3A_1496 {strides = array<i32>} : memref<40192xf32, #tpu.memory_space<vmem>>, vector<16xf32>,
        %add3A_1497 = arith.constant 32 : i32
        %add3A_1498 = arith.addi %mul3A_1464, %add3A_1497 : i32
        %get3A_1499 = arith.index_cast %add3A_1498 : i32 to index
        %get3A_1500 = tpu.vector_load %arg11[%get3A_1499] {strides = array<i32>} : memref<40192xf32, #tpu.memory_space<vmem>>, vector<16xf32>,
        %get3A_1501 = vector.shape_cast %get3A_1500 : vector<16xf32> to vector<16xf32>
        %add3A_1502 = arith.constant 10 : i32
        %add3A_1503 = arith.addi %add3A_55, %add3A_1502 : i32
        %get3A_1504 = arith.index_cast %add3A_1503 : i32 to index
        %get3A_1505 = arith.constant 32 : index
        %get3A_1506 = tpu.vector_load %arg10[%get3A_1504, %get3A_1505] {strides = array<i32>} : memref<128x128xf32, #tpu.memory_space<vmem>>, vector<1x16xf32>,
        %get3A_1507 = vector.shape_cast %get3A_1506 : vector<1x16xf32> to vector<16xf32>
        %max3A_1508 = arith.maximumf %get3A_1501, %get3A_1507 : vector<16xf32>
        %swap3A_1509 = arith.index_cast %add3A_1498 : i32 to index
        %swap3A_1510 = tpu.vector_load %arg11[%swap3A_1509] {strides = array<i32>} : memref<40192xf32, #tpu.memory_space<vmem>>, vector<16xf32>,
        %swap3A_1511 = vector.shape_cast %swap3A_1510 : vector<16xf32> to vector<16xf32>
        %swap3A_1512 = vector.shape_cast %max3A_1508 : vector<16xf32> to vector<16xf32>
        tpu.vector_store %arg11[%swap3A_1509], %swap3A_1512 {strides = array<i32>} : memref<40192xf32, #tpu.memory_space<vmem>>, vector<16xf32>,
        %add3A_1513 = arith.constant 48 : i32
        %add3A_1514 = arith.addi %mul3A_1464, %add3A_1513 : i32
        %get3A_1515 = arith.index_cast %add3A_1514 : i32 to index
        %get3A_1516 = tpu.vector_load %arg11[%get3A_1515] {strides = array<i32>} : memref<40192xf32, #tpu.memory_space<vmem>>, vector<16xf32>,
        %get3A_1517 = vector.shape_cast %get3A_1516 : vector<16xf32> to vector<16xf32>
        %add3A_1518 = arith.constant 10 : i32
        %add3A_1519 = arith.addi %add3A_55, %add3A_1518 : i32
        %get3A_1520 = arith.index_cast %add3A_1519 : i32 to index
        %get3A_1521 = arith.constant 48 : index
        %get3A_1522 = tpu.vector_load %arg10[%get3A_1520, %get3A_1521] {strides = array<i32>} : memref<128x128xf32, #tpu.memory_space<vmem>>, vector<1x16xf32>,
        %get3A_1523 = vector.shape_cast %get3A_1522 : vector<1x16xf32> to vector<16xf32>
        %max3A_1524 = arith.maximumf %get3A_1517, %get3A_1523 : vector<16xf32>
        %swap3A_1525 = arith.index_cast %add3A_1514 : i32 to index
        %swap3A_1526 = tpu.vector_load %arg11[%swap3A_1525] {strides = array<i32>} : memref<40192xf32, #tpu.memory_space<vmem>>, vector<16xf32>,
        %swap3A_1527 = vector.shape_cast %swap3A_1526 : vector<16xf32> to vector<16xf32>
        %swap3A_1528 = vector.shape_cast %max3A_1524 : vector<16xf32> to vector<16xf32>
        tpu.vector_store %arg11[%swap3A_1525], %swap3A_1528 {strides = array<i32>} : memref<40192xf32, #tpu.memory_space<vmem>>, vector<16xf32>,
        %add3A_1529 = arith.constant 64 : i32
        %add3A_1530 = arith.addi %mul3A_1464, %add3A_1529 : i32
        %get3A_1531 = arith.index_cast %add3A_1530 : i32 to index
        %get3A_1532 = tpu.vector_load %arg11[%get3A_1531] {strides = array<i32>} : memref<40192xf32, #tpu.memory_space<vmem>>, vector<16xf32>,
        %get3A_1533 = vector.shape_cast %get3A_1532 : vector<16xf32> to vector<16xf32>
        %add3A_1534 = arith.constant 10 : i32
        %add3A_1535 = arith.addi %add3A_55, %add3A_1534 : i32
        %get3A_1536 = arith.index_cast %add3A_1535 : i32 to index
        %get3A_1537 = arith.constant 64 : index
        %get3A_1538 = tpu.vector_load %arg10[%get3A_1536, %get3A_1537] {strides = array<i32>} : memref<128x128xf32, #tpu.memory_space<vmem>>, vector<1x16xf32>,
        %get3A_1539 = vector.shape_cast %get3A_1538 : vector<1x16xf32> to vector<16xf32>
        %max3A_1540 = arith.maximumf %get3A_1533, %get3A_1539 : vector<16xf32>
        %swap3A_1541 = arith.index_cast %add3A_1530 : i32 to index
        %swap3A_1542 = tpu.vector_load %arg11[%swap3A_1541] {strides = array<i32>} : memref<40192xf32, #tpu.memory_space<vmem>>, vector<16xf32>,
        %swap3A_1543 = vector.shape_cast %swap3A_1542 : vector<16xf32> to vector<16xf32>
        %swap3A_1544 = vector.shape_cast %max3A_1540 : vector<16xf32> to vector<16xf32>
        tpu.vector_store %arg11[%swap3A_1541], %swap3A_1544 {strides = array<i32>} : memref<40192xf32, #tpu.memory_space<vmem>>, vector<16xf32>,
        %add3A_1545 = arith.constant 80 : i32
        %add3A_1546 = arith.addi %mul3A_1464, %add3A_1545 : i32
        %get3A_1547 = arith.index_cast %add3A_1546 : i32 to index
        %get3A_1548 = tpu.vector_load %arg11[%get3A_1547] {strides = array<i32>} : memref<40192xf32, #tpu.memory_space<vmem>>, vector<16xf32>,
        %get3A_1549 = vector.shape_cast %get3A_1548 : vector<16xf32> to vector<16xf32>
        %add3A_1550 = arith.constant 10 : i32
        %add3A_1551 = arith.addi %add3A_55, %add3A_1550 : i32
        %get3A_1552 = arith.index_cast %add3A_1551 : i32 to index
        %get3A_1553 = arith.constant 80 : index
        %get3A_1554 = tpu.vector_load %arg10[%get3A_1552, %get3A_1553] {strides = array<i32>} : memref<128x128xf32, #tpu.memory_space<vmem>>, vector<1x16xf32>,
        %get3A_1555 = vector.shape_cast %get3A_1554 : vector<1x16xf32> to vector<16xf32>
        %max3A_1556 = arith.maximumf %get3A_1549, %get3A_1555 : vector<16xf32>
        %swap3A_1557 = arith.index_cast %add3A_1546 : i32 to index
        %swap3A_1558 = tpu.vector_load %arg11[%swap3A_1557] {strides = array<i32>} : memref<40192xf32, #tpu.memory_space<vmem>>, vector<16xf32>,
        %swap3A_1559 = vector.shape_cast %swap3A_1558 : vector<16xf32> to vector<16xf32>
        %swap3A_1560 = vector.shape_cast %max3A_1556 : vector<16xf32> to vector<16xf32>
        tpu.vector_store %arg11[%swap3A_1557], %swap3A_1560 {strides = array<i32>} : memref<40192xf32, #tpu.memory_space<vmem>>, vector<16xf32>,
        %add3A_1561 = arith.constant 96 : i32
        %add3A_1562 = arith.addi %mul3A_1464, %add3A_1561 : i32
        %get3A_1563 = arith.index_cast %add3A_1562 : i32 to index
        %get3A_1564 = tpu.vector_load %arg11[%get3A_1563] {strides = array<i32>} : memref<40192xf32, #tpu.memory_space<vmem>>, vector<16xf32>,
        %get3A_1565 = vector.shape_cast %get3A_1564 : vector<16xf32> to vector<16xf32>
        %add3A_1566 = arith.constant 10 : i32
        %add3A_1567 = arith.addi %add3A_55, %add3A_1566 : i32
        %get3A_1568 = arith.index_cast %add3A_1567 : i32 to index
        %get3A_1569 = arith.constant 96 : index
        %get3A_1570 = tpu.vector_load %arg10[%get3A_1568, %get3A_1569] {strides = array<i32>} : memref<128x128xf32, #tpu.memory_space<vmem>>, vector<1x16xf32>,
        %get3A_1571 = vector.shape_cast %get3A_1570 : vector<1x16xf32> to vector<16xf32>
        %max3A_1572 = arith.maximumf %get3A_1565, %get3A_1571 : vector<16xf32>
        %swap3A_1573 = arith.index_cast %add3A_1562 : i32 to index
        %swap3A_1574 = tpu.vector_load %arg11[%swap3A_1573] {strides = array<i32>} : memref<40192xf32, #tpu.memory_space<vmem>>, vector<16xf32>,
        %swap3A_1575 = vector.shape_cast %swap3A_1574 : vector<16xf32> to vector<16xf32>
        %swap3A_1576 = vector.shape_cast %max3A_1572 : vector<16xf32> to vector<16xf32>
        tpu.vector_store %arg11[%swap3A_1573], %swap3A_1576 {strides = array<i32>} : memref<40192xf32, #tpu.memory_space<vmem>>, vector<16xf32>,
        %add3A_1577 = arith.constant 112 : i32
        %add3A_1578 = arith.addi %mul3A_1464, %add3A_1577 : i32
        %get3A_1579 = arith.index_cast %add3A_1578 : i32 to index
        %get3A_1580 = tpu.vector_load %arg11[%get3A_1579] {strides = array<i32>} : memref<40192xf32, #tpu.memory_space<vmem>>, vector<16xf32>,
        %get3A_1581 = vector.shape_cast %get3A_1580 : vector<16xf32> to vector<16xf32>
        %add3A_1582 = arith.constant 10 : i32
        %add3A_1583 = arith.addi %add3A_55, %add3A_1582 : i32
        %get3A_1584 = arith.index_cast %add3A_1583 : i32 to index
        %get3A_1585 = arith.constant 112 : index
        %get3A_1586 = tpu.vector_load %arg10[%get3A_1584, %get3A_1585] {strides = array<i32>} : memref<128x128xf32, #tpu.memory_space<vmem>>, vector<1x16xf32>,
        %get3A_1587 = vector.shape_cast %get3A_1586 : vector<1x16xf32> to vector<16xf32>
        %max3A_1588 = arith.maximumf %get3A_1581, %get3A_1587 : vector<16xf32>
        %swap3A_1589 = arith.index_cast %add3A_1578 : i32 to index
        %swap3A_1590 = tpu.vector_load %arg11[%swap3A_1589] {strides = array<i32>} : memref<40192xf32, #tpu.memory_space<vmem>>, vector<16xf32>,
        %swap3A_1591 = vector.shape_cast %swap3A_1590 : vector<16xf32> to vector<16xf32>
        %swap3A_1592 = vector.shape_cast %max3A_1588 : vector<16xf32> to vector<16xf32>
        tpu.vector_store %arg11[%swap3A_1589], %swap3A_1592 {strides = array<i32>} : memref<40192xf32, #tpu.memory_space<vmem>>, vector<16xf32>,
        %slice3A_1593 = vector.extract_strided_slice %get3A_58 {offsets = [11], sizes = [1], strides = [1]} : vector<16xi32> to vector<1xi32>
        %squeeze3A_1594 = vector.extract %slice3A_1593[0] : i32 from vector<1xi32>
        %sub3A_1595 = arith.subi %squeeze3A_1594, %mul3A_8 : i32
        %lt3A_1596 = arith.constant 0 : i32
        %lt3A_1597 = arith.cmpi slt, %sub3A_1595, %lt3A_1596 : i32
        %ge3A_1598 = arith.constant 313 : i32
        %ge3A_1599 = arith.cmpi sge, %sub3A_1595, %ge3A_1598 : i32
        %or3A_1600 = arith.ori %lt3A_1597, %ge3A_1599 : i1
        %select_n3A_1601 = arith.constant 313 : i32
        %select_n3A_1602 = arith.select %or3A_1600, %select_n3A_1601, %sub3A_1595 : i32
        %mul3A_1603 = arith.constant 128 : i32
        %mul3A_1604 = arith.muli %select_n3A_1602, %mul3A_1603 : i32
        %add3A_1605 = arith.constant 0 : i32
        %add3A_1606 = arith.addi %mul3A_1604, %add3A_1605 : i32
        %get3A_1607 = arith.index_cast %add3A_1606 : i32 to index
        %get3A_1608 = tpu.vector_load %arg11[%get3A_1607] {strides = array<i32>} : memref<40192xf32, #tpu.memory_space<vmem>>, vector<16xf32>,
        %get3A_1609 = vector.shape_cast %get3A_1608 : vector<16xf32> to vector<16xf32>
        %add3A_1610 = arith.constant 11 : i32
        %add3A_1611 = arith.addi %add3A_55, %add3A_1610 : i32
        %get3A_1612 = arith.index_cast %add3A_1611 : i32 to index
        %get3A_1613 = arith.constant 0 : index
        %get3A_1614 = tpu.vector_load %arg10[%get3A_1612, %get3A_1613] {strides = array<i32>} : memref<128x128xf32, #tpu.memory_space<vmem>>, vector<1x16xf32>,
        %get3A_1615 = vector.shape_cast %get3A_1614 : vector<1x16xf32> to vector<16xf32>
        %max3A_1616 = arith.maximumf %get3A_1609, %get3A_1615 : vector<16xf32>
        %swap3A_1617 = arith.index_cast %add3A_1606 : i32 to index
        %swap3A_1618 = tpu.vector_load %arg11[%swap3A_1617] {strides = array<i32>} : memref<40192xf32, #tpu.memory_space<vmem>>, vector<16xf32>,
        %swap3A_1619 = vector.shape_cast %swap3A_1618 : vector<16xf32> to vector<16xf32>
        %swap3A_1620 = vector.shape_cast %max3A_1616 : vector<16xf32> to vector<16xf32>
        tpu.vector_store %arg11[%swap3A_1617], %swap3A_1620 {strides = array<i32>} : memref<40192xf32, #tpu.memory_space<vmem>>, vector<16xf32>,
        %add3A_1621 = arith.constant 16 : i32
        %add3A_1622 = arith.addi %mul3A_1604, %add3A_1621 : i32
        %get3A_1623 = arith.index_cast %add3A_1622 : i32 to index
        %get3A_1624 = tpu.vector_load %arg11[%get3A_1623] {strides = array<i32>} : memref<40192xf32, #tpu.memory_space<vmem>>, vector<16xf32>,
        %get3A_1625 = vector.shape_cast %get3A_1624 : vector<16xf32> to vector<16xf32>
        %add3A_1626 = arith.constant 11 : i32
        %add3A_1627 = arith.addi %add3A_55, %add3A_1626 : i32
        %get3A_1628 = arith.index_cast %add3A_1627 : i32 to index
        %get3A_1629 = arith.constant 16 : index
        %get3A_1630 = tpu.vector_load %arg10[%get3A_1628, %get3A_1629] {strides = array<i32>} : memref<128x128xf32, #tpu.memory_space<vmem>>, vector<1x16xf32>,
        %get3A_1631 = vector.shape_cast %get3A_1630 : vector<1x16xf32> to vector<16xf32>
        %max3A_1632 = arith.maximumf %get3A_1625, %get3A_1631 : vector<16xf32>
        %swap3A_1633 = arith.index_cast %add3A_1622 : i32 to index
        %swap3A_1634 = tpu.vector_load %arg11[%swap3A_1633] {strides = array<i32>} : memref<40192xf32, #tpu.memory_space<vmem>>, vector<16xf32>,
        %swap3A_1635 = vector.shape_cast %swap3A_1634 : vector<16xf32> to vector<16xf32>
        %swap3A_1636 = vector.shape_cast %max3A_1632 : vector<16xf32> to vector<16xf32>
        tpu.vector_store %arg11[%swap3A_1633], %swap3A_1636 {strides = array<i32>} : memref<40192xf32, #tpu.memory_space<vmem>>, vector<16xf32>,
        %add3A_1637 = arith.constant 32 : i32
        %add3A_1638 = arith.addi %mul3A_1604, %add3A_1637 : i32
        %get3A_1639 = arith.index_cast %add3A_1638 : i32 to index
        %get3A_1640 = tpu.vector_load %arg11[%get3A_1639] {strides = array<i32>} : memref<40192xf32, #tpu.memory_space<vmem>>, vector<16xf32>,
        %get3A_1641 = vector.shape_cast %get3A_1640 : vector<16xf32> to vector<16xf32>
        %add3A_1642 = arith.constant 11 : i32
        %add3A_1643 = arith.addi %add3A_55, %add3A_1642 : i32
        %get3A_1644 = arith.index_cast %add3A_1643 : i32 to index
        %get3A_1645 = arith.constant 32 : index
        %get3A_1646 = tpu.vector_load %arg10[%get3A_1644, %get3A_1645] {strides = array<i32>} : memref<128x128xf32, #tpu.memory_space<vmem>>, vector<1x16xf32>,
        %get3A_1647 = vector.shape_cast %get3A_1646 : vector<1x16xf32> to vector<16xf32>
        %max3A_1648 = arith.maximumf %get3A_1641, %get3A_1647 : vector<16xf32>
        %swap3A_1649 = arith.index_cast %add3A_1638 : i32 to index
        %swap3A_1650 = tpu.vector_load %arg11[%swap3A_1649] {strides = array<i32>} : memref<40192xf32, #tpu.memory_space<vmem>>, vector<16xf32>,
        %swap3A_1651 = vector.shape_cast %swap3A_1650 : vector<16xf32> to vector<16xf32>
        %swap3A_1652 = vector.shape_cast %max3A_1648 : vector<16xf32> to vector<16xf32>
        tpu.vector_store %arg11[%swap3A_1649], %swap3A_1652 {strides = array<i32>} : memref<40192xf32, #tpu.memory_space<vmem>>, vector<16xf32>,
        %add3A_1653 = arith.constant 48 : i32
        %add3A_1654 = arith.addi %mul3A_1604, %add3A_1653 : i32
        %get3A_1655 = arith.index_cast %add3A_1654 : i32 to index
        %get3A_1656 = tpu.vector_load %arg11[%get3A_1655] {strides = array<i32>} : memref<40192xf32, #tpu.memory_space<vmem>>, vector<16xf32>,
        %get3A_1657 = vector.shape_cast %get3A_1656 : vector<16xf32> to vector<16xf32>
        %add3A_1658 = arith.constant 11 : i32
        %add3A_1659 = arith.addi %add3A_55, %add3A_1658 : i32
        %get3A_1660 = arith.index_cast %add3A_1659 : i32 to index
        %get3A_1661 = arith.constant 48 : index
        %get3A_1662 = tpu.vector_load %arg10[%get3A_1660, %get3A_1661] {strides = array<i32>} : memref<128x128xf32, #tpu.memory_space<vmem>>, vector<1x16xf32>,
        %get3A_1663 = vector.shape_cast %get3A_1662 : vector<1x16xf32> to vector<16xf32>
        %max3A_1664 = arith.maximumf %get3A_1657, %get3A_1663 : vector<16xf32>
        %swap3A_1665 = arith.index_cast %add3A_1654 : i32 to index
        %swap3A_1666 = tpu.vector_load %arg11[%swap3A_1665] {strides = array<i32>} : memref<40192xf32, #tpu.memory_space<vmem>>, vector<16xf32>,
        %swap3A_1667 = vector.shape_cast %swap3A_1666 : vector<16xf32> to vector<16xf32>
        %swap3A_1668 = vector.shape_cast %max3A_1664 : vector<16xf32> to vector<16xf32>
        tpu.vector_store %arg11[%swap3A_1665], %swap3A_1668 {strides = array<i32>} : memref<40192xf32, #tpu.memory_space<vmem>>, vector<16xf32>,
        %add3A_1669 = arith.constant 64 : i32
        %add3A_1670 = arith.addi %mul3A_1604, %add3A_1669 : i32
        %get3A_1671 = arith.index_cast %add3A_1670 : i32 to index
        %get3A_1672 = tpu.vector_load %arg11[%get3A_1671] {strides = array<i32>} : memref<40192xf32, #tpu.memory_space<vmem>>, vector<16xf32>,
        %get3A_1673 = vector.shape_cast %get3A_1672 : vector<16xf32> to vector<16xf32>
        %add3A_1674 = arith.constant 11 : i32
        %add3A_1675 = arith.addi %add3A_55, %add3A_1674 : i32
        %get3A_1676 = arith.index_cast %add3A_1675 : i32 to index
        %get3A_1677 = arith.constant 64 : index
        %get3A_1678 = tpu.vector_load %arg10[%get3A_1676, %get3A_1677] {strides = array<i32>} : memref<128x128xf32, #tpu.memory_space<vmem>>, vector<1x16xf32>,
        %get3A_1679 = vector.shape_cast %get3A_1678 : vector<1x16xf32> to vector<16xf32>
        %max3A_1680 = arith.maximumf %get3A_1673, %get3A_1679 : vector<16xf32>
        %swap3A_1681 = arith.index_cast %add3A_1670 : i32 to index
        %swap3A_1682 = tpu.vector_load %arg11[%swap3A_1681] {strides = array<i32>} : memref<40192xf32, #tpu.memory_space<vmem>>, vector<16xf32>,
        %swap3A_1683 = vector.shape_cast %swap3A_1682 : vector<16xf32> to vector<16xf32>
        %swap3A_1684 = vector.shape_cast %max3A_1680 : vector<16xf32> to vector<16xf32>
        tpu.vector_store %arg11[%swap3A_1681], %swap3A_1684 {strides = array<i32>} : memref<40192xf32, #tpu.memory_space<vmem>>, vector<16xf32>,
        %add3A_1685 = arith.constant 80 : i32
        %add3A_1686 = arith.addi %mul3A_1604, %add3A_1685 : i32
        %get3A_1687 = arith.index_cast %add3A_1686 : i32 to index
        %get3A_1688 = tpu.vector_load %arg11[%get3A_1687] {strides = array<i32>} : memref<40192xf32, #tpu.memory_space<vmem>>, vector<16xf32>,
        %get3A_1689 = vector.shape_cast %get3A_1688 : vector<16xf32> to vector<16xf32>
        %add3A_1690 = arith.constant 11 : i32
        %add3A_1691 = arith.addi %add3A_55, %add3A_1690 : i32
        %get3A_1692 = arith.index_cast %add3A_1691 : i32 to index
        %get3A_1693 = arith.constant 80 : index
        %get3A_1694 = tpu.vector_load %arg10[%get3A_1692, %get3A_1693] {strides = array<i32>} : memref<128x128xf32, #tpu.memory_space<vmem>>, vector<1x16xf32>,
        %get3A_1695 = vector.shape_cast %get3A_1694 : vector<1x16xf32> to vector<16xf32>
        %max3A_1696 = arith.maximumf %get3A_1689, %get3A_1695 : vector<16xf32>
        %swap3A_1697 = arith.index_cast %add3A_1686 : i32 to index
        %swap3A_1698 = tpu.vector_load %arg11[%swap3A_1697] {strides = array<i32>} : memref<40192xf32, #tpu.memory_space<vmem>>, vector<16xf32>,
        %swap3A_1699 = vector.shape_cast %swap3A_1698 : vector<16xf32> to vector<16xf32>
        %swap3A_1700 = vector.shape_cast %max3A_1696 : vector<16xf32> to vector<16xf32>
        tpu.vector_store %arg11[%swap3A_1697], %swap3A_1700 {strides = array<i32>} : memref<40192xf32, #tpu.memory_space<vmem>>, vector<16xf32>,
        %add3A_1701 = arith.constant 96 : i32
        %add3A_1702 = arith.addi %mul3A_1604, %add3A_1701 : i32
        %get3A_1703 = arith.index_cast %add3A_1702 : i32 to index
        %get3A_1704 = tpu.vector_load %arg11[%get3A_1703] {strides = array<i32>} : memref<40192xf32, #tpu.memory_space<vmem>>, vector<16xf32>,
        %get3A_1705 = vector.shape_cast %get3A_1704 : vector<16xf32> to vector<16xf32>
        %add3A_1706 = arith.constant 11 : i32
        %add3A_1707 = arith.addi %add3A_55, %add3A_1706 : i32
        %get3A_1708 = arith.index_cast %add3A_1707 : i32 to index
        %get3A_1709 = arith.constant 96 : index
        %get3A_1710 = tpu.vector_load %arg10[%get3A_1708, %get3A_1709] {strides = array<i32>} : memref<128x128xf32, #tpu.memory_space<vmem>>, vector<1x16xf32>,
        %get3A_1711 = vector.shape_cast %get3A_1710 : vector<1x16xf32> to vector<16xf32>
        %max3A_1712 = arith.maximumf %get3A_1705, %get3A_1711 : vector<16xf32>
        %swap3A_1713 = arith.index_cast %add3A_1702 : i32 to index
        %swap3A_1714 = tpu.vector_load %arg11[%swap3A_1713] {strides = array<i32>} : memref<40192xf32, #tpu.memory_space<vmem>>, vector<16xf32>,
        %swap3A_1715 = vector.shape_cast %swap3A_1714 : vector<16xf32> to vector<16xf32>
        %swap3A_1716 = vector.shape_cast %max3A_1712 : vector<16xf32> to vector<16xf32>
        tpu.vector_store %arg11[%swap3A_1713], %swap3A_1716 {strides = array<i32>} : memref<40192xf32, #tpu.memory_space<vmem>>, vector<16xf32>,
        %add3A_1717 = arith.constant 112 : i32
        %add3A_1718 = arith.addi %mul3A_1604, %add3A_1717 : i32
        %get3A_1719 = arith.index_cast %add3A_1718 : i32 to index
        %get3A_1720 = tpu.vector_load %arg11[%get3A_1719] {strides = array<i32>} : memref<40192xf32, #tpu.memory_space<vmem>>, vector<16xf32>,
        %get3A_1721 = vector.shape_cast %get3A_1720 : vector<16xf32> to vector<16xf32>
        %add3A_1722 = arith.constant 11 : i32
        %add3A_1723 = arith.addi %add3A_55, %add3A_1722 : i32
        %get3A_1724 = arith.index_cast %add3A_1723 : i32 to index
        %get3A_1725 = arith.constant 112 : index
        %get3A_1726 = tpu.vector_load %arg10[%get3A_1724, %get3A_1725] {strides = array<i32>} : memref<128x128xf32, #tpu.memory_space<vmem>>, vector<1x16xf32>,
        %get3A_1727 = vector.shape_cast %get3A_1726 : vector<1x16xf32> to vector<16xf32>
        %max3A_1728 = arith.maximumf %get3A_1721, %get3A_1727 : vector<16xf32>
        %swap3A_1729 = arith.index_cast %add3A_1718 : i32 to index
        %swap3A_1730 = tpu.vector_load %arg11[%swap3A_1729] {strides = array<i32>} : memref<40192xf32, #tpu.memory_space<vmem>>, vector<16xf32>,
        %swap3A_1731 = vector.shape_cast %swap3A_1730 : vector<16xf32> to vector<16xf32>
        %swap3A_1732 = vector.shape_cast %max3A_1728 : vector<16xf32> to vector<16xf32>
        tpu.vector_store %arg11[%swap3A_1729], %swap3A_1732 {strides = array<i32>} : memref<40192xf32, #tpu.memory_space<vmem>>, vector<16xf32>,
        %slice3A_1733 = vector.extract_strided_slice %get3A_58 {offsets = [12], sizes = [1], strides = [1]} : vector<16xi32> to vector<1xi32>
        %squeeze3A_1734 = vector.extract %slice3A_1733[0] : i32 from vector<1xi32>
        %sub3A_1735 = arith.subi %squeeze3A_1734, %mul3A_8 : i32
        %lt3A_1736 = arith.constant 0 : i32
        %lt3A_1737 = arith.cmpi slt, %sub3A_1735, %lt3A_1736 : i32
        %ge3A_1738 = arith.constant 313 : i32
        %ge3A_1739 = arith.cmpi sge, %sub3A_1735, %ge3A_1738 : i32
        %or3A_1740 = arith.ori %lt3A_1737, %ge3A_1739 : i1
        %select_n3A_1741 = arith.constant 313 : i32
        %select_n3A_1742 = arith.select %or3A_1740, %select_n3A_1741, %sub3A_1735 : i32
        %mul3A_1743 = arith.constant 128 : i32
        %mul3A_1744 = arith.muli %select_n3A_1742, %mul3A_1743 : i32
        %add3A_1745 = arith.constant 0 : i32
        %add3A_1746 = arith.addi %mul3A_1744, %add3A_1745 : i32
        %get3A_1747 = arith.index_cast %add3A_1746 : i32 to index
        %get3A_1748 = tpu.vector_load %arg11[%get3A_1747] {strides = array<i32>} : memref<40192xf32, #tpu.memory_space<vmem>>, vector<16xf32>,
        %get3A_1749 = vector.shape_cast %get3A_1748 : vector<16xf32> to vector<16xf32>
        %add3A_1750 = arith.constant 12 : i32
        %add3A_1751 = arith.addi %add3A_55, %add3A_1750 : i32
        %get3A_1752 = arith.index_cast %add3A_1751 : i32 to index
        %get3A_1753 = arith.constant 0 : index
        %get3A_1754 = tpu.vector_load %arg10[%get3A_1752, %get3A_1753] {strides = array<i32>} : memref<128x128xf32, #tpu.memory_space<vmem>>, vector<1x16xf32>,
        %get3A_1755 = vector.shape_cast %get3A_1754 : vector<1x16xf32> to vector<16xf32>
        %max3A_1756 = arith.maximumf %get3A_1749, %get3A_1755 : vector<16xf32>
        %swap3A_1757 = arith.index_cast %add3A_1746 : i32 to index
        %swap3A_1758 = tpu.vector_load %arg11[%swap3A_1757] {strides = array<i32>} : memref<40192xf32, #tpu.memory_space<vmem>>, vector<16xf32>,
        %swap3A_1759 = vector.shape_cast %swap3A_1758 : vector<16xf32> to vector<16xf32>
        %swap3A_1760 = vector.shape_cast %max3A_1756 : vector<16xf32> to vector<16xf32>
        tpu.vector_store %arg11[%swap3A_1757], %swap3A_1760 {strides = array<i32>} : memref<40192xf32, #tpu.memory_space<vmem>>, vector<16xf32>,
        %add3A_1761 = arith.constant 16 : i32
        %add3A_1762 = arith.addi %mul3A_1744, %add3A_1761 : i32
        %get3A_1763 = arith.index_cast %add3A_1762 : i32 to index
        %get3A_1764 = tpu.vector_load %arg11[%get3A_1763] {strides = array<i32>} : memref<40192xf32, #tpu.memory_space<vmem>>, vector<16xf32>,
        %get3A_1765 = vector.shape_cast %get3A_1764 : vector<16xf32> to vector<16xf32>
        %add3A_1766 = arith.constant 12 : i32
        %add3A_1767 = arith.addi %add3A_55, %add3A_1766 : i32
        %get3A_1768 = arith.index_cast %add3A_1767 : i32 to index
        %get3A_1769 = arith.constant 16 : index
        %get3A_1770 = tpu.vector_load %arg10[%get3A_1768, %get3A_1769] {strides = array<i32>} : memref<128x128xf32, #tpu.memory_space<vmem>>, vector<1x16xf32>,
        %get3A_1771 = vector.shape_cast %get3A_1770 : vector<1x16xf32> to vector<16xf32>
        %max3A_1772 = arith.maximumf %get3A_1765, %get3A_1771 : vector<16xf32>
        %swap3A_1773 = arith.index_cast %add3A_1762 : i32 to index
        %swap3A_1774 = tpu.vector_load %arg11[%swap3A_1773] {strides = array<i32>} : memref<40192xf32, #tpu.memory_space<vmem>>, vector<16xf32>,
        %swap3A_1775 = vector.shape_cast %swap3A_1774 : vector<16xf32> to vector<16xf32>
        %swap3A_1776 = vector.shape_cast %max3A_1772 : vector<16xf32> to vector<16xf32>
        tpu.vector_store %arg11[%swap3A_1773], %swap3A_1776 {strides = array<i32>} : memref<40192xf32, #tpu.memory_space<vmem>>, vector<16xf32>,
        %add3A_1777 = arith.constant 32 : i32
        %add3A_1778 = arith.addi %mul3A_1744, %add3A_1777 : i32
        %get3A_1779 = arith.index_cast %add3A_1778 : i32 to index
        %get3A_1780 = tpu.vector_load %arg11[%get3A_1779] {strides = array<i32>} : memref<40192xf32, #tpu.memory_space<vmem>>, vector<16xf32>,
        %get3A_1781 = vector.shape_cast %get3A_1780 : vector<16xf32> to vector<16xf32>
        %add3A_1782 = arith.constant 12 : i32
        %add3A_1783 = arith.addi %add3A_55, %add3A_1782 : i32
        %get3A_1784 = arith.index_cast %add3A_1783 : i32 to index
        %get3A_1785 = arith.constant 32 : index
        %get3A_1786 = tpu.vector_load %arg10[%get3A_1784, %get3A_1785] {strides = array<i32>} : memref<128x128xf32, #tpu.memory_space<vmem>>, vector<1x16xf32>,
        %get3A_1787 = vector.shape_cast %get3A_1786 : vector<1x16xf32> to vector<16xf32>
        %max3A_1788 = arith.maximumf %get3A_1781, %get3A_1787 : vector<16xf32>
        %swap3A_1789 = arith.index_cast %add3A_1778 : i32 to index
        %swap3A_1790 = tpu.vector_load %arg11[%swap3A_1789] {strides = array<i32>} : memref<40192xf32, #tpu.memory_space<vmem>>, vector<16xf32>,
        %swap3A_1791 = vector.shape_cast %swap3A_1790 : vector<16xf32> to vector<16xf32>
        %swap3A_1792 = vector.shape_cast %max3A_1788 : vector<16xf32> to vector<16xf32>
        tpu.vector_store %arg11[%swap3A_1789], %swap3A_1792 {strides = array<i32>} : memref<40192xf32, #tpu.memory_space<vmem>>, vector<16xf32>,
        %add3A_1793 = arith.constant 48 : i32
        %add3A_1794 = arith.addi %mul3A_1744, %add3A_1793 : i32
        %get3A_1795 = arith.index_cast %add3A_1794 : i32 to index
        %get3A_1796 = tpu.vector_load %arg11[%get3A_1795] {strides = array<i32>} : memref<40192xf32, #tpu.memory_space<vmem>>, vector<16xf32>,
        %get3A_1797 = vector.shape_cast %get3A_1796 : vector<16xf32> to vector<16xf32>
        %add3A_1798 = arith.constant 12 : i32
        %add3A_1799 = arith.addi %add3A_55, %add3A_1798 : i32
        %get3A_1800 = arith.index_cast %add3A_1799 : i32 to index
        %get3A_1801 = arith.constant 48 : index
        %get3A_1802 = tpu.vector_load %arg10[%get3A_1800, %get3A_1801] {strides = array<i32>} : memref<128x128xf32, #tpu.memory_space<vmem>>, vector<1x16xf32>,
        %get3A_1803 = vector.shape_cast %get3A_1802 : vector<1x16xf32> to vector<16xf32>
        %max3A_1804 = arith.maximumf %get3A_1797, %get3A_1803 : vector<16xf32>
        %swap3A_1805 = arith.index_cast %add3A_1794 : i32 to index
        %swap3A_1806 = tpu.vector_load %arg11[%swap3A_1805] {strides = array<i32>} : memref<40192xf32, #tpu.memory_space<vmem>>, vector<16xf32>,
        %swap3A_1807 = vector.shape_cast %swap3A_1806 : vector<16xf32> to vector<16xf32>
        %swap3A_1808 = vector.shape_cast %max3A_1804 : vector<16xf32> to vector<16xf32>
        tpu.vector_store %arg11[%swap3A_1805], %swap3A_1808 {strides = array<i32>} : memref<40192xf32, #tpu.memory_space<vmem>>, vector<16xf32>,
        %add3A_1809 = arith.constant 64 : i32
        %add3A_1810 = arith.addi %mul3A_1744, %add3A_1809 : i32
        %get3A_1811 = arith.index_cast %add3A_1810 : i32 to index
        %get3A_1812 = tpu.vector_load %arg11[%get3A_1811] {strides = array<i32>} : memref<40192xf32, #tpu.memory_space<vmem>>, vector<16xf32>,
        %get3A_1813 = vector.shape_cast %get3A_1812 : vector<16xf32> to vector<16xf32>
        %add3A_1814 = arith.constant 12 : i32
        %add3A_1815 = arith.addi %add3A_55, %add3A_1814 : i32
        %get3A_1816 = arith.index_cast %add3A_1815 : i32 to index
        %get3A_1817 = arith.constant 64 : index
        %get3A_1818 = tpu.vector_load %arg10[%get3A_1816, %get3A_1817] {strides = array<i32>} : memref<128x128xf32, #tpu.memory_space<vmem>>, vector<1x16xf32>,
        %get3A_1819 = vector.shape_cast %get3A_1818 : vector<1x16xf32> to vector<16xf32>
        %max3A_1820 = arith.maximumf %get3A_1813, %get3A_1819 : vector<16xf32>
        %swap3A_1821 = arith.index_cast %add3A_1810 : i32 to index
        %swap3A_1822 = tpu.vector_load %arg11[%swap3A_1821] {strides = array<i32>} : memref<40192xf32, #tpu.memory_space<vmem>>, vector<16xf32>,
        %swap3A_1823 = vector.shape_cast %swap3A_1822 : vector<16xf32> to vector<16xf32>
        %swap3A_1824 = vector.shape_cast %max3A_1820 : vector<16xf32> to vector<16xf32>
        tpu.vector_store %arg11[%swap3A_1821], %swap3A_1824 {strides = array<i32>} : memref<40192xf32, #tpu.memory_space<vmem>>, vector<16xf32>,
        %add3A_1825 = arith.constant 80 : i32
        %add3A_1826 = arith.addi %mul3A_1744, %add3A_1825 : i32
        %get3A_1827 = arith.index_cast %add3A_1826 : i32 to index
        %get3A_1828 = tpu.vector_load %arg11[%get3A_1827] {strides = array<i32>} : memref<40192xf32, #tpu.memory_space<vmem>>, vector<16xf32>,
        %get3A_1829 = vector.shape_cast %get3A_1828 : vector<16xf32> to vector<16xf32>
        %add3A_1830 = arith.constant 12 : i32
        %add3A_1831 = arith.addi %add3A_55, %add3A_1830 : i32
        %get3A_1832 = arith.index_cast %add3A_1831 : i32 to index
        %get3A_1833 = arith.constant 80 : index
        %get3A_1834 = tpu.vector_load %arg10[%get3A_1832, %get3A_1833] {strides = array<i32>} : memref<128x128xf32, #tpu.memory_space<vmem>>, vector<1x16xf32>,
        %get3A_1835 = vector.shape_cast %get3A_1834 : vector<1x16xf32> to vector<16xf32>
        %max3A_1836 = arith.maximumf %get3A_1829, %get3A_1835 : vector<16xf32>
        %swap3A_1837 = arith.index_cast %add3A_1826 : i32 to index
        %swap3A_1838 = tpu.vector_load %arg11[%swap3A_1837] {strides = array<i32>} : memref<40192xf32, #tpu.memory_space<vmem>>, vector<16xf32>,
        %swap3A_1839 = vector.shape_cast %swap3A_1838 : vector<16xf32> to vector<16xf32>
        %swap3A_1840 = vector.shape_cast %max3A_1836 : vector<16xf32> to vector<16xf32>
        tpu.vector_store %arg11[%swap3A_1837], %swap3A_1840 {strides = array<i32>} : memref<40192xf32, #tpu.memory_space<vmem>>, vector<16xf32>,
        %add3A_1841 = arith.constant 96 : i32
        %add3A_1842 = arith.addi %mul3A_1744, %add3A_1841 : i32
        %get3A_1843 = arith.index_cast %add3A_1842 : i32 to index
        %get3A_1844 = tpu.vector_load %arg11[%get3A_1843] {strides = array<i32>} : memref<40192xf32, #tpu.memory_space<vmem>>, vector<16xf32>,
        %get3A_1845 = vector.shape_cast %get3A_1844 : vector<16xf32> to vector<16xf32>
        %add3A_1846 = arith.constant 12 : i32
        %add3A_1847 = arith.addi %add3A_55, %add3A_1846 : i32
        %get3A_1848 = arith.index_cast %add3A_1847 : i32 to index
        %get3A_1849 = arith.constant 96 : index
        %get3A_1850 = tpu.vector_load %arg10[%get3A_1848, %get3A_1849] {strides = array<i32>} : memref<128x128xf32, #tpu.memory_space<vmem>>, vector<1x16xf32>,
        %get3A_1851 = vector.shape_cast %get3A_1850 : vector<1x16xf32> to vector<16xf32>
        %max3A_1852 = arith.maximumf %get3A_1845, %get3A_1851 : vector<16xf32>
        %swap3A_1853 = arith.index_cast %add3A_1842 : i32 to index
        %swap3A_1854 = tpu.vector_load %arg11[%swap3A_1853] {strides = array<i32>} : memref<40192xf32, #tpu.memory_space<vmem>>, vector<16xf32>,
        %swap3A_1855 = vector.shape_cast %swap3A_1854 : vector<16xf32> to vector<16xf32>
        %swap3A_1856 = vector.shape_cast %max3A_1852 : vector<16xf32> to vector<16xf32>
        tpu.vector_store %arg11[%swap3A_1853], %swap3A_1856 {strides = array<i32>} : memref<40192xf32, #tpu.memory_space<vmem>>, vector<16xf32>,
        %add3A_1857 = arith.constant 112 : i32
        %add3A_1858 = arith.addi %mul3A_1744, %add3A_1857 : i32
        %get3A_1859 = arith.index_cast %add3A_1858 : i32 to index
        %get3A_1860 = tpu.vector_load %arg11[%get3A_1859] {strides = array<i32>} : memref<40192xf32, #tpu.memory_space<vmem>>, vector<16xf32>,
        %get3A_1861 = vector.shape_cast %get3A_1860 : vector<16xf32> to vector<16xf32>
        %add3A_1862 = arith.constant 12 : i32
        %add3A_1863 = arith.addi %add3A_55, %add3A_1862 : i32
        %get3A_1864 = arith.index_cast %add3A_1863 : i32 to index
        %get3A_1865 = arith.constant 112 : index
        %get3A_1866 = tpu.vector_load %arg10[%get3A_1864, %get3A_1865] {strides = array<i32>} : memref<128x128xf32, #tpu.memory_space<vmem>>, vector<1x16xf32>,
        %get3A_1867 = vector.shape_cast %get3A_1866 : vector<1x16xf32> to vector<16xf32>
        %max3A_1868 = arith.maximumf %get3A_1861, %get3A_1867 : vector<16xf32>
        %swap3A_1869 = arith.index_cast %add3A_1858 : i32 to index
        %swap3A_1870 = tpu.vector_load %arg11[%swap3A_1869] {strides = array<i32>} : memref<40192xf32, #tpu.memory_space<vmem>>, vector<16xf32>,
        %swap3A_1871 = vector.shape_cast %swap3A_1870 : vector<16xf32> to vector<16xf32>
        %swap3A_1872 = vector.shape_cast %max3A_1868 : vector<16xf32> to vector<16xf32>
        tpu.vector_store %arg11[%swap3A_1869], %swap3A_1872 {strides = array<i32>} : memref<40192xf32, #tpu.memory_space<vmem>>, vector<16xf32>,
        %slice3A_1873 = vector.extract_strided_slice %get3A_58 {offsets = [13], sizes = [1], strides = [1]} : vector<16xi32> to vector<1xi32>
        %squeeze3A_1874 = vector.extract %slice3A_1873[0] : i32 from vector<1xi32>
        %sub3A_1875 = arith.subi %squeeze3A_1874, %mul3A_8 : i32
        %lt3A_1876 = arith.constant 0 : i32
        %lt3A_1877 = arith.cmpi slt, %sub3A_1875, %lt3A_1876 : i32
        %ge3A_1878 = arith.constant 313 : i32
        %ge3A_1879 = arith.cmpi sge, %sub3A_1875, %ge3A_1878 : i32
        %or3A_1880 = arith.ori %lt3A_1877, %ge3A_1879 : i1
        %select_n3A_1881 = arith.constant 313 : i32
        %select_n3A_1882 = arith.select %or3A_1880, %select_n3A_1881, %sub3A_1875 : i32
        %mul3A_1883 = arith.constant 128 : i32
        %mul3A_1884 = arith.muli %select_n3A_1882, %mul3A_1883 : i32
        %add3A_1885 = arith.constant 0 : i32
        %add3A_1886 = arith.addi %mul3A_1884, %add3A_1885 : i32
        %get3A_1887 = arith.index_cast %add3A_1886 : i32 to index
        %get3A_1888 = tpu.vector_load %arg11[%get3A_1887] {strides = array<i32>} : memref<40192xf32, #tpu.memory_space<vmem>>, vector<16xf32>,
        %get3A_1889 = vector.shape_cast %get3A_1888 : vector<16xf32> to vector<16xf32>
        %add3A_1890 = arith.constant 13 : i32
        %add3A_1891 = arith.addi %add3A_55, %add3A_1890 : i32
        %get3A_1892 = arith.index_cast %add3A_1891 : i32 to index
        %get3A_1893 = arith.constant 0 : index
        %get3A_1894 = tpu.vector_load %arg10[%get3A_1892, %get3A_1893] {strides = array<i32>} : memref<128x128xf32, #tpu.memory_space<vmem>>, vector<1x16xf32>,
        %get3A_1895 = vector.shape_cast %get3A_1894 : vector<1x16xf32> to vector<16xf32>
        %max3A_1896 = arith.maximumf %get3A_1889, %get3A_1895 : vector<16xf32>
        %swap3A_1897 = arith.index_cast %add3A_1886 : i32 to index
        %swap3A_1898 = tpu.vector_load %arg11[%swap3A_1897] {strides = array<i32>} : memref<40192xf32, #tpu.memory_space<vmem>>, vector<16xf32>,
        %swap3A_1899 = vector.shape_cast %swap3A_1898 : vector<16xf32> to vector<16xf32>
        %swap3A_1900 = vector.shape_cast %max3A_1896 : vector<16xf32> to vector<16xf32>
        tpu.vector_store %arg11[%swap3A_1897], %swap3A_1900 {strides = array<i32>} : memref<40192xf32, #tpu.memory_space<vmem>>, vector<16xf32>,
        %add3A_1901 = arith.constant 16 : i32
        %add3A_1902 = arith.addi %mul3A_1884, %add3A_1901 : i32
        %get3A_1903 = arith.index_cast %add3A_1902 : i32 to index
        %get3A_1904 = tpu.vector_load %arg11[%get3A_1903] {strides = array<i32>} : memref<40192xf32, #tpu.memory_space<vmem>>, vector<16xf32>,
        %get3A_1905 = vector.shape_cast %get3A_1904 : vector<16xf32> to vector<16xf32>
        %add3A_1906 = arith.constant 13 : i32
        %add3A_1907 = arith.addi %add3A_55, %add3A_1906 : i32
        %get3A_1908 = arith.index_cast %add3A_1907 : i32 to index
        %get3A_1909 = arith.constant 16 : index
        %get3A_1910 = tpu.vector_load %arg10[%get3A_1908, %get3A_1909] {strides = array<i32>} : memref<128x128xf32, #tpu.memory_space<vmem>>, vector<1x16xf32>,
        %get3A_1911 = vector.shape_cast %get3A_1910 : vector<1x16xf32> to vector<16xf32>
        %max3A_1912 = arith.maximumf %get3A_1905, %get3A_1911 : vector<16xf32>
        %swap3A_1913 = arith.index_cast %add3A_1902 : i32 to index
        %swap3A_1914 = tpu.vector_load %arg11[%swap3A_1913] {strides = array<i32>} : memref<40192xf32, #tpu.memory_space<vmem>>, vector<16xf32>,
        %swap3A_1915 = vector.shape_cast %swap3A_1914 : vector<16xf32> to vector<16xf32>
        %swap3A_1916 = vector.shape_cast %max3A_1912 : vector<16xf32> to vector<16xf32>
        tpu.vector_store %arg11[%swap3A_1913], %swap3A_1916 {strides = array<i32>} : memref<40192xf32, #tpu.memory_space<vmem>>, vector<16xf32>,
        %add3A_1917 = arith.constant 32 : i32
        %add3A_1918 = arith.addi %mul3A_1884, %add3A_1917 : i32
        %get3A_1919 = arith.index_cast %add3A_1918 : i32 to index
        %get3A_1920 = tpu.vector_load %arg11[%get3A_1919] {strides = array<i32>} : memref<40192xf32, #tpu.memory_space<vmem>>, vector<16xf32>,
        %get3A_1921 = vector.shape_cast %get3A_1920 : vector<16xf32> to vector<16xf32>
        %add3A_1922 = arith.constant 13 : i32
        %add3A_1923 = arith.addi %add3A_55, %add3A_1922 : i32
        %get3A_1924 = arith.index_cast %add3A_1923 : i32 to index
        %get3A_1925 = arith.constant 32 : index
        %get3A_1926 = tpu.vector_load %arg10[%get3A_1924, %get3A_1925] {strides = array<i32>} : memref<128x128xf32, #tpu.memory_space<vmem>>, vector<1x16xf32>,
        %get3A_1927 = vector.shape_cast %get3A_1926 : vector<1x16xf32> to vector<16xf32>
        %max3A_1928 = arith.maximumf %get3A_1921, %get3A_1927 : vector<16xf32>
        %swap3A_1929 = arith.index_cast %add3A_1918 : i32 to index
        %swap3A_1930 = tpu.vector_load %arg11[%swap3A_1929] {strides = array<i32>} : memref<40192xf32, #tpu.memory_space<vmem>>, vector<16xf32>,
        %swap3A_1931 = vector.shape_cast %swap3A_1930 : vector<16xf32> to vector<16xf32>
        %swap3A_1932 = vector.shape_cast %max3A_1928 : vector<16xf32> to vector<16xf32>
        tpu.vector_store %arg11[%swap3A_1929], %swap3A_1932 {strides = array<i32>} : memref<40192xf32, #tpu.memory_space<vmem>>, vector<16xf32>,
        %add3A_1933 = arith.constant 48 : i32
        %add3A_1934 = arith.addi %mul3A_1884, %add3A_1933 : i32
        %get3A_1935 = arith.index_cast %add3A_1934 : i32 to index
        %get3A_1936 = tpu.vector_load %arg11[%get3A_1935] {strides = array<i32>} : memref<40192xf32, #tpu.memory_space<vmem>>, vector<16xf32>,
        %get3A_1937 = vector.shape_cast %get3A_1936 : vector<16xf32> to vector<16xf32>
        %add3A_1938 = arith.constant 13 : i32
        %add3A_1939 = arith.addi %add3A_55, %add3A_1938 : i32
        %get3A_1940 = arith.index_cast %add3A_1939 : i32 to index
        %get3A_1941 = arith.constant 48 : index
        %get3A_1942 = tpu.vector_load %arg10[%get3A_1940, %get3A_1941] {strides = array<i32>} : memref<128x128xf32, #tpu.memory_space<vmem>>, vector<1x16xf32>,
        %get3A_1943 = vector.shape_cast %get3A_1942 : vector<1x16xf32> to vector<16xf32>
        %max3A_1944 = arith.maximumf %get3A_1937, %get3A_1943 : vector<16xf32>
        %swap3A_1945 = arith.index_cast %add3A_1934 : i32 to index
        %swap3A_1946 = tpu.vector_load %arg11[%swap3A_1945] {strides = array<i32>} : memref<40192xf32, #tpu.memory_space<vmem>>, vector<16xf32>,
        %swap3A_1947 = vector.shape_cast %swap3A_1946 : vector<16xf32> to vector<16xf32>
        %swap3A_1948 = vector.shape_cast %max3A_1944 : vector<16xf32> to vector<16xf32>
        tpu.vector_store %arg11[%swap3A_1945], %swap3A_1948 {strides = array<i32>} : memref<40192xf32, #tpu.memory_space<vmem>>, vector<16xf32>,
        %add3A_1949 = arith.constant 64 : i32
        %add3A_1950 = arith.addi %mul3A_1884, %add3A_1949 : i32
        %get3A_1951 = arith.index_cast %add3A_1950 : i32 to index
        %get3A_1952 = tpu.vector_load %arg11[%get3A_1951] {strides = array<i32>} : memref<40192xf32, #tpu.memory_space<vmem>>, vector<16xf32>,
        %get3A_1953 = vector.shape_cast %get3A_1952 : vector<16xf32> to vector<16xf32>
        %add3A_1954 = arith.constant 13 : i32
        %add3A_1955 = arith.addi %add3A_55, %add3A_1954 : i32
        %get3A_1956 = arith.index_cast %add3A_1955 : i32 to index
        %get3A_1957 = arith.constant 64 : index
        %get3A_1958 = tpu.vector_load %arg10[%get3A_1956, %get3A_1957] {strides = array<i32>} : memref<128x128xf32, #tpu.memory_space<vmem>>, vector<1x16xf32>,
        %get3A_1959 = vector.shape_cast %get3A_1958 : vector<1x16xf32> to vector<16xf32>
        %max3A_1960 = arith.maximumf %get3A_1953, %get3A_1959 : vector<16xf32>
        %swap3A_1961 = arith.index_cast %add3A_1950 : i32 to index
        %swap3A_1962 = tpu.vector_load %arg11[%swap3A_1961] {strides = array<i32>} : memref<40192xf32, #tpu.memory_space<vmem>>, vector<16xf32>,
        %swap3A_1963 = vector.shape_cast %swap3A_1962 : vector<16xf32> to vector<16xf32>
        %swap3A_1964 = vector.shape_cast %max3A_1960 : vector<16xf32> to vector<16xf32>
        tpu.vector_store %arg11[%swap3A_1961], %swap3A_1964 {strides = array<i32>} : memref<40192xf32, #tpu.memory_space<vmem>>, vector<16xf32>,
        %add3A_1965 = arith.constant 80 : i32
        %add3A_1966 = arith.addi %mul3A_1884, %add3A_1965 : i32
        %get3A_1967 = arith.index_cast %add3A_1966 : i32 to index
        %get3A_1968 = tpu.vector_load %arg11[%get3A_1967] {strides = array<i32>} : memref<40192xf32, #tpu.memory_space<vmem>>, vector<16xf32>,
        %get3A_1969 = vector.shape_cast %get3A_1968 : vector<16xf32> to vector<16xf32>
        %add3A_1970 = arith.constant 13 : i32
        %add3A_1971 = arith.addi %add3A_55, %add3A_1970 : i32
        %get3A_1972 = arith.index_cast %add3A_1971 : i32 to index
        %get3A_1973 = arith.constant 80 : index
        %get3A_1974 = tpu.vector_load %arg10[%get3A_1972, %get3A_1973] {strides = array<i32>} : memref<128x128xf32, #tpu.memory_space<vmem>>, vector<1x16xf32>,
        %get3A_1975 = vector.shape_cast %get3A_1974 : vector<1x16xf32> to vector<16xf32>
        %max3A_1976 = arith.maximumf %get3A_1969, %get3A_1975 : vector<16xf32>
        %swap3A_1977 = arith.index_cast %add3A_1966 : i32 to index
        %swap3A_1978 = tpu.vector_load %arg11[%swap3A_1977] {strides = array<i32>} : memref<40192xf32, #tpu.memory_space<vmem>>, vector<16xf32>,
        %swap3A_1979 = vector.shape_cast %swap3A_1978 : vector<16xf32> to vector<16xf32>
        %swap3A_1980 = vector.shape_cast %max3A_1976 : vector<16xf32> to vector<16xf32>
        tpu.vector_store %arg11[%swap3A_1977], %swap3A_1980 {strides = array<i32>} : memref<40192xf32, #tpu.memory_space<vmem>>, vector<16xf32>,
        %add3A_1981 = arith.constant 96 : i32
        %add3A_1982 = arith.addi %mul3A_1884, %add3A_1981 : i32
        %get3A_1983 = arith.index_cast %add3A_1982 : i32 to index
        %get3A_1984 = tpu.vector_load %arg11[%get3A_1983] {strides = array<i32>} : memref<40192xf32, #tpu.memory_space<vmem>>, vector<16xf32>,
        %get3A_1985 = vector.shape_cast %get3A_1984 : vector<16xf32> to vector<16xf32>
        %add3A_1986 = arith.constant 13 : i32
        %add3A_1987 = arith.addi %add3A_55, %add3A_1986 : i32
        %get3A_1988 = arith.index_cast %add3A_1987 : i32 to index
        %get3A_1989 = arith.constant 96 : index
        %get3A_1990 = tpu.vector_load %arg10[%get3A_1988, %get3A_1989] {strides = array<i32>} : memref<128x128xf32, #tpu.memory_space<vmem>>, vector<1x16xf32>,
        %get3A_1991 = vector.shape_cast %get3A_1990 : vector<1x16xf32> to vector<16xf32>
        %max3A_1992 = arith.maximumf %get3A_1985, %get3A_1991 : vector<16xf32>
        %swap3A_1993 = arith.index_cast %add3A_1982 : i32 to index
        %swap3A_1994 = tpu.vector_load %arg11[%swap3A_1993] {strides = array<i32>} : memref<40192xf32, #tpu.memory_space<vmem>>, vector<16xf32>,
        %swap3A_1995 = vector.shape_cast %swap3A_1994 : vector<16xf32> to vector<16xf32>
        %swap3A_1996 = vector.shape_cast %max3A_1992 : vector<16xf32> to vector<16xf32>
        tpu.vector_store %arg11[%swap3A_1993], %swap3A_1996 {strides = array<i32>} : memref<40192xf32, #tpu.memory_space<vmem>>, vector<16xf32>,
        %add3A_1997 = arith.constant 112 : i32
        %add3A_1998 = arith.addi %mul3A_1884, %add3A_1997 : i32
        %get3A_1999 = arith.index_cast %add3A_1998 : i32 to index
        %get3A_2000 = tpu.vector_load %arg11[%get3A_1999] {strides = array<i32>} : memref<40192xf32, #tpu.memory_space<vmem>>, vector<16xf32>,
        %get3A_2001 = vector.shape_cast %get3A_2000 : vector<16xf32> to vector<16xf32>
        %add3A_2002 = arith.constant 13 : i32
        %add3A_2003 = arith.addi %add3A_55, %add3A_2002 : i32
        %get3A_2004 = arith.index_cast %add3A_2003 : i32 to index
        %get3A_2005 = arith.constant 112 : index
        %get3A_2006 = tpu.vector_load %arg10[%get3A_2004, %get3A_2005] {strides = array<i32>} : memref<128x128xf32, #tpu.memory_space<vmem>>, vector<1x16xf32>,
        %get3A_2007 = vector.shape_cast %get3A_2006 : vector<1x16xf32> to vector<16xf32>
        %max3A_2008 = arith.maximumf %get3A_2001, %get3A_2007 : vector<16xf32>
        %swap3A_2009 = arith.index_cast %add3A_1998 : i32 to index
        %swap3A_2010 = tpu.vector_load %arg11[%swap3A_2009] {strides = array<i32>} : memref<40192xf32, #tpu.memory_space<vmem>>, vector<16xf32>,
        %swap3A_2011 = vector.shape_cast %swap3A_2010 : vector<16xf32> to vector<16xf32>
        %swap3A_2012 = vector.shape_cast %max3A_2008 : vector<16xf32> to vector<16xf32>
        tpu.vector_store %arg11[%swap3A_2009], %swap3A_2012 {strides = array<i32>} : memref<40192xf32, #tpu.memory_space<vmem>>, vector<16xf32>,
        %slice3A_2013 = vector.extract_strided_slice %get3A_58 {offsets = [14], sizes = [1], strides = [1]} : vector<16xi32> to vector<1xi32>
        %squeeze3A_2014 = vector.extract %slice3A_2013[0] : i32 from vector<1xi32>
        %sub3A_2015 = arith.subi %squeeze3A_2014, %mul3A_8 : i32
        %lt3A_2016 = arith.constant 0 : i32
        %lt3A_2017 = arith.cmpi slt, %sub3A_2015, %lt3A_2016 : i32
        %ge3A_2018 = arith.constant 313 : i32
        %ge3A_2019 = arith.cmpi sge, %sub3A_2015, %ge3A_2018 : i32
        %or3A_2020 = arith.ori %lt3A_2017, %ge3A_2019 : i1
        %select_n3A_2021 = arith.constant 313 : i32
        %select_n3A_2022 = arith.select %or3A_2020, %select_n3A_2021, %sub3A_2015 : i32
        %mul3A_2023 = arith.constant 128 : i32
        %mul3A_2024 = arith.muli %select_n3A_2022, %mul3A_2023 : i32
        %add3A_2025 = arith.constant 0 : i32
        %add3A_2026 = arith.addi %mul3A_2024, %add3A_2025 : i32
        %get3A_2027 = arith.index_cast %add3A_2026 : i32 to index
        %get3A_2028 = tpu.vector_load %arg11[%get3A_2027] {strides = array<i32>} : memref<40192xf32, #tpu.memory_space<vmem>>, vector<16xf32>,
        %get3A_2029 = vector.shape_cast %get3A_2028 : vector<16xf32> to vector<16xf32>
        %add3A_2030 = arith.constant 14 : i32
        %add3A_2031 = arith.addi %add3A_55, %add3A_2030 : i32
        %get3A_2032 = arith.index_cast %add3A_2031 : i32 to index
        %get3A_2033 = arith.constant 0 : index
        %get3A_2034 = tpu.vector_load %arg10[%get3A_2032, %get3A_2033] {strides = array<i32>} : memref<128x128xf32, #tpu.memory_space<vmem>>, vector<1x16xf32>,
        %get3A_2035 = vector.shape_cast %get3A_2034 : vector<1x16xf32> to vector<16xf32>
        %max3A_2036 = arith.maximumf %get3A_2029, %get3A_2035 : vector<16xf32>
        %swap3A_2037 = arith.index_cast %add3A_2026 : i32 to index
        %swap3A_2038 = tpu.vector_load %arg11[%swap3A_2037] {strides = array<i32>} : memref<40192xf32, #tpu.memory_space<vmem>>, vector<16xf32>,
        %swap3A_2039 = vector.shape_cast %swap3A_2038 : vector<16xf32> to vector<16xf32>
        %swap3A_2040 = vector.shape_cast %max3A_2036 : vector<16xf32> to vector<16xf32>
        tpu.vector_store %arg11[%swap3A_2037], %swap3A_2040 {strides = array<i32>} : memref<40192xf32, #tpu.memory_space<vmem>>, vector<16xf32>,
        %add3A_2041 = arith.constant 16 : i32
        %add3A_2042 = arith.addi %mul3A_2024, %add3A_2041 : i32
        %get3A_2043 = arith.index_cast %add3A_2042 : i32 to index
        %get3A_2044 = tpu.vector_load %arg11[%get3A_2043] {strides = array<i32>} : memref<40192xf32, #tpu.memory_space<vmem>>, vector<16xf32>,
        %get3A_2045 = vector.shape_cast %get3A_2044 : vector<16xf32> to vector<16xf32>
        %add3A_2046 = arith.constant 14 : i32
        %add3A_2047 = arith.addi %add3A_55, %add3A_2046 : i32
        %get3A_2048 = arith.index_cast %add3A_2047 : i32 to index
        %get3A_2049 = arith.constant 16 : index
        %get3A_2050 = tpu.vector_load %arg10[%get3A_2048, %get3A_2049] {strides = array<i32>} : memref<128x128xf32, #tpu.memory_space<vmem>>, vector<1x16xf32>,
        %get3A_2051 = vector.shape_cast %get3A_2050 : vector<1x16xf32> to vector<16xf32>
        %max3A_2052 = arith.maximumf %get3A_2045, %get3A_2051 : vector<16xf32>
        %swap3A_2053 = arith.index_cast %add3A_2042 : i32 to index
        %swap3A_2054 = tpu.vector_load %arg11[%swap3A_2053] {strides = array<i32>} : memref<40192xf32, #tpu.memory_space<vmem>>, vector<16xf32>,
        %swap3A_2055 = vector.shape_cast %swap3A_2054 : vector<16xf32> to vector<16xf32>
        %swap3A_2056 = vector.shape_cast %max3A_2052 : vector<16xf32> to vector<16xf32>
        tpu.vector_store %arg11[%swap3A_2053], %swap3A_2056 {strides = array<i32>} : memref<40192xf32, #tpu.memory_space<vmem>>, vector<16xf32>,
        %add3A_2057 = arith.constant 32 : i32
        %add3A_2058 = arith.addi %mul3A_2024, %add3A_2057 : i32
        %get3A_2059 = arith.index_cast %add3A_2058 : i32 to index
        %get3A_2060 = tpu.vector_load %arg11[%get3A_2059] {strides = array<i32>} : memref<40192xf32, #tpu.memory_space<vmem>>, vector<16xf32>,
        %get3A_2061 = vector.shape_cast %get3A_2060 : vector<16xf32> to vector<16xf32>
        %add3A_2062 = arith.constant 14 : i32
        %add3A_2063 = arith.addi %add3A_55, %add3A_2062 : i32
        %get3A_2064 = arith.index_cast %add3A_2063 : i32 to index
        %get3A_2065 = arith.constant 32 : index
        %get3A_2066 = tpu.vector_load %arg10[%get3A_2064, %get3A_2065] {strides = array<i32>} : memref<128x128xf32, #tpu.memory_space<vmem>>, vector<1x16xf32>,
        %get3A_2067 = vector.shape_cast %get3A_2066 : vector<1x16xf32> to vector<16xf32>
        %max3A_2068 = arith.maximumf %get3A_2061, %get3A_2067 : vector<16xf32>
        %swap3A_2069 = arith.index_cast %add3A_2058 : i32 to index
        %swap3A_2070 = tpu.vector_load %arg11[%swap3A_2069] {strides = array<i32>} : memref<40192xf32, #tpu.memory_space<vmem>>, vector<16xf32>,
        %swap3A_2071 = vector.shape_cast %swap3A_2070 : vector<16xf32> to vector<16xf32>
        %swap3A_2072 = vector.shape_cast %max3A_2068 : vector<16xf32> to vector<16xf32>
        tpu.vector_store %arg11[%swap3A_2069], %swap3A_2072 {strides = array<i32>} : memref<40192xf32, #tpu.memory_space<vmem>>, vector<16xf32>,
        %add3A_2073 = arith.constant 48 : i32
        %add3A_2074 = arith.addi %mul3A_2024, %add3A_2073 : i32
        %get3A_2075 = arith.index_cast %add3A_2074 : i32 to index
        %get3A_2076 = tpu.vector_load %arg11[%get3A_2075] {strides = array<i32>} : memref<40192xf32, #tpu.memory_space<vmem>>, vector<16xf32>,
        %get3A_2077 = vector.shape_cast %get3A_2076 : vector<16xf32> to vector<16xf32>
        %add3A_2078 = arith.constant 14 : i32
        %add3A_2079 = arith.addi %add3A_55, %add3A_2078 : i32
        %get3A_2080 = arith.index_cast %add3A_2079 : i32 to index
        %get3A_2081 = arith.constant 48 : index
        %get3A_2082 = tpu.vector_load %arg10[%get3A_2080, %get3A_2081] {strides = array<i32>} : memref<128x128xf32, #tpu.memory_space<vmem>>, vector<1x16xf32>,
        %get3A_2083 = vector.shape_cast %get3A_2082 : vector<1x16xf32> to vector<16xf32>
        %max3A_2084 = arith.maximumf %get3A_2077, %get3A_2083 : vector<16xf32>
        %swap3A_2085 = arith.index_cast %add3A_2074 : i32 to index
        %swap3A_2086 = tpu.vector_load %arg11[%swap3A_2085] {strides = array<i32>} : memref<40192xf32, #tpu.memory_space<vmem>>, vector<16xf32>,
        %swap3A_2087 = vector.shape_cast %swap3A_2086 : vector<16xf32> to vector<16xf32>
        %swap3A_2088 = vector.shape_cast %max3A_2084 : vector<16xf32> to vector<16xf32>
        tpu.vector_store %arg11[%swap3A_2085], %swap3A_2088 {strides = array<i32>} : memref<40192xf32, #tpu.memory_space<vmem>>, vector<16xf32>,
        %add3A_2089 = arith.constant 64 : i32
        %add3A_2090 = arith.addi %mul3A_2024, %add3A_2089 : i32
        %get3A_2091 = arith.index_cast %add3A_2090 : i32 to index
        %get3A_2092 = tpu.vector_load %arg11[%get3A_2091] {strides = array<i32>} : memref<40192xf32, #tpu.memory_space<vmem>>, vector<16xf32>,
        %get3A_2093 = vector.shape_cast %get3A_2092 : vector<16xf32> to vector<16xf32>
        %add3A_2094 = arith.constant 14 : i32
        %add3A_2095 = arith.addi %add3A_55, %add3A_2094 : i32
        %get3A_2096 = arith.index_cast %add3A_2095 : i32 to index
        %get3A_2097 = arith.constant 64 : index
        %get3A_2098 = tpu.vector_load %arg10[%get3A_2096, %get3A_2097] {strides = array<i32>} : memref<128x128xf32, #tpu.memory_space<vmem>>, vector<1x16xf32>,
        %get3A_2099 = vector.shape_cast %get3A_2098 : vector<1x16xf32> to vector<16xf32>
        %max3A_2100 = arith.maximumf %get3A_2093, %get3A_2099 : vector<16xf32>
        %swap3A_2101 = arith.index_cast %add3A_2090 : i32 to index
        %swap3A_2102 = tpu.vector_load %arg11[%swap3A_2101] {strides = array<i32>} : memref<40192xf32, #tpu.memory_space<vmem>>, vector<16xf32>,
        %swap3A_2103 = vector.shape_cast %swap3A_2102 : vector<16xf32> to vector<16xf32>
        %swap3A_2104 = vector.shape_cast %max3A_2100 : vector<16xf32> to vector<16xf32>
        tpu.vector_store %arg11[%swap3A_2101], %swap3A_2104 {strides = array<i32>} : memref<40192xf32, #tpu.memory_space<vmem>>, vector<16xf32>,
        %add3A_2105 = arith.constant 80 : i32
        %add3A_2106 = arith.addi %mul3A_2024, %add3A_2105 : i32
        %get3A_2107 = arith.index_cast %add3A_2106 : i32 to index
        %get3A_2108 = tpu.vector_load %arg11[%get3A_2107] {strides = array<i32>} : memref<40192xf32, #tpu.memory_space<vmem>>, vector<16xf32>,
        %get3A_2109 = vector.shape_cast %get3A_2108 : vector<16xf32> to vector<16xf32>
        %add3A_2110 = arith.constant 14 : i32
        %add3A_2111 = arith.addi %add3A_55, %add3A_2110 : i32
        %get3A_2112 = arith.index_cast %add3A_2111 : i32 to index
        %get3A_2113 = arith.constant 80 : index
        %get3A_2114 = tpu.vector_load %arg10[%get3A_2112, %get3A_2113] {strides = array<i32>} : memref<128x128xf32, #tpu.memory_space<vmem>>, vector<1x16xf32>,
        %get3A_2115 = vector.shape_cast %get3A_2114 : vector<1x16xf32> to vector<16xf32>
        %max3A_2116 = arith.maximumf %get3A_2109, %get3A_2115 : vector<16xf32>
        %swap3A_2117 = arith.index_cast %add3A_2106 : i32 to index
        %swap3A_2118 = tpu.vector_load %arg11[%swap3A_2117] {strides = array<i32>} : memref<40192xf32, #tpu.memory_space<vmem>>, vector<16xf32>,
        %swap3A_2119 = vector.shape_cast %swap3A_2118 : vector<16xf32> to vector<16xf32>
        %swap3A_2120 = vector.shape_cast %max3A_2116 : vector<16xf32> to vector<16xf32>
        tpu.vector_store %arg11[%swap3A_2117], %swap3A_2120 {strides = array<i32>} : memref<40192xf32, #tpu.memory_space<vmem>>, vector<16xf32>,
        %add3A_2121 = arith.constant 96 : i32
        %add3A_2122 = arith.addi %mul3A_2024, %add3A_2121 : i32
        %get3A_2123 = arith.index_cast %add3A_2122 : i32 to index
        %get3A_2124 = tpu.vector_load %arg11[%get3A_2123] {strides = array<i32>} : memref<40192xf32, #tpu.memory_space<vmem>>, vector<16xf32>,
        %get3A_2125 = vector.shape_cast %get3A_2124 : vector<16xf32> to vector<16xf32>
        %add3A_2126 = arith.constant 14 : i32
        %add3A_2127 = arith.addi %add3A_55, %add3A_2126 : i32
        %get3A_2128 = arith.index_cast %add3A_2127 : i32 to index
        %get3A_2129 = arith.constant 96 : index
        %get3A_2130 = tpu.vector_load %arg10[%get3A_2128, %get3A_2129] {strides = array<i32>} : memref<128x128xf32, #tpu.memory_space<vmem>>, vector<1x16xf32>,
        %get3A_2131 = vector.shape_cast %get3A_2130 : vector<1x16xf32> to vector<16xf32>
        %max3A_2132 = arith.maximumf %get3A_2125, %get3A_2131 : vector<16xf32>
        %swap3A_2133 = arith.index_cast %add3A_2122 : i32 to index
        %swap3A_2134 = tpu.vector_load %arg11[%swap3A_2133] {strides = array<i32>} : memref<40192xf32, #tpu.memory_space<vmem>>, vector<16xf32>,
        %swap3A_2135 = vector.shape_cast %swap3A_2134 : vector<16xf32> to vector<16xf32>
        %swap3A_2136 = vector.shape_cast %max3A_2132 : vector<16xf32> to vector<16xf32>
        tpu.vector_store %arg11[%swap3A_2133], %swap3A_2136 {strides = array<i32>} : memref<40192xf32, #tpu.memory_space<vmem>>, vector<16xf32>,
        %add3A_2137 = arith.constant 112 : i32
        %add3A_2138 = arith.addi %mul3A_2024, %add3A_2137 : i32
        %get3A_2139 = arith.index_cast %add3A_2138 : i32 to index
        %get3A_2140 = tpu.vector_load %arg11[%get3A_2139] {strides = array<i32>} : memref<40192xf32, #tpu.memory_space<vmem>>, vector<16xf32>,
        %get3A_2141 = vector.shape_cast %get3A_2140 : vector<16xf32> to vector<16xf32>
        %add3A_2142 = arith.constant 14 : i32
        %add3A_2143 = arith.addi %add3A_55, %add3A_2142 : i32
        %get3A_2144 = arith.index_cast %add3A_2143 : i32 to index
        %get3A_2145 = arith.constant 112 : index
        %get3A_2146 = tpu.vector_load %arg10[%get3A_2144, %get3A_2145] {strides = array<i32>} : memref<128x128xf32, #tpu.memory_space<vmem>>, vector<1x16xf32>,
        %get3A_2147 = vector.shape_cast %get3A_2146 : vector<1x16xf32> to vector<16xf32>
        %max3A_2148 = arith.maximumf %get3A_2141, %get3A_2147 : vector<16xf32>
        %swap3A_2149 = arith.index_cast %add3A_2138 : i32 to index
        %swap3A_2150 = tpu.vector_load %arg11[%swap3A_2149] {strides = array<i32>} : memref<40192xf32, #tpu.memory_space<vmem>>, vector<16xf32>,
        %swap3A_2151 = vector.shape_cast %swap3A_2150 : vector<16xf32> to vector<16xf32>
        %swap3A_2152 = vector.shape_cast %max3A_2148 : vector<16xf32> to vector<16xf32>
        tpu.vector_store %arg11[%swap3A_2149], %swap3A_2152 {strides = array<i32>} : memref<40192xf32, #tpu.memory_space<vmem>>, vector<16xf32>,
        %slice3A_2153 = vector.extract_strided_slice %get3A_58 {offsets = [15], sizes = [1], strides = [1]} : vector<16xi32> to vector<1xi32>
        %squeeze3A_2154 = vector.extract %slice3A_2153[0] : i32 from vector<1xi32>
        %sub3A_2155 = arith.subi %squeeze3A_2154, %mul3A_8 : i32
        %lt3A_2156 = arith.constant 0 : i32
        %lt3A_2157 = arith.cmpi slt, %sub3A_2155, %lt3A_2156 : i32
        %ge3A_2158 = arith.constant 313 : i32
        %ge3A_2159 = arith.cmpi sge, %sub3A_2155, %ge3A_2158 : i32
        %or3A_2160 = arith.ori %lt3A_2157, %ge3A_2159 : i1
        %select_n3A_2161 = arith.constant 313 : i32
        %select_n3A_2162 = arith.select %or3A_2160, %select_n3A_2161, %sub3A_2155 : i32
        %mul3A_2163 = arith.constant 128 : i32
        %mul3A_2164 = arith.muli %select_n3A_2162, %mul3A_2163 : i32
        %add3A_2165 = arith.constant 0 : i32
        %add3A_2166 = arith.addi %mul3A_2164, %add3A_2165 : i32
        %get3A_2167 = arith.index_cast %add3A_2166 : i32 to index
        %get3A_2168 = tpu.vector_load %arg11[%get3A_2167] {strides = array<i32>} : memref<40192xf32, #tpu.memory_space<vmem>>, vector<16xf32>,
        %get3A_2169 = vector.shape_cast %get3A_2168 : vector<16xf32> to vector<16xf32>
        %add3A_2170 = arith.constant 15 : i32
        %add3A_2171 = arith.addi %add3A_55, %add3A_2170 : i32
        %get3A_2172 = arith.index_cast %add3A_2171 : i32 to index
        %get3A_2173 = arith.constant 0 : index
        %get3A_2174 = tpu.vector_load %arg10[%get3A_2172, %get3A_2173] {strides = array<i32>} : memref<128x128xf32, #tpu.memory_space<vmem>>, vector<1x16xf32>,
        %get3A_2175 = vector.shape_cast %get3A_2174 : vector<1x16xf32> to vector<16xf32>
        %max3A_2176 = arith.maximumf %get3A_2169, %get3A_2175 : vector<16xf32>
        %swap3A_2177 = arith.index_cast %add3A_2166 : i32 to index
        %swap3A_2178 = tpu.vector_load %arg11[%swap3A_2177] {strides = array<i32>} : memref<40192xf32, #tpu.memory_space<vmem>>, vector<16xf32>,
        %swap3A_2179 = vector.shape_cast %swap3A_2178 : vector<16xf32> to vector<16xf32>
        %swap3A_2180 = vector.shape_cast %max3A_2176 : vector<16xf32> to vector<16xf32>
        tpu.vector_store %arg11[%swap3A_2177], %swap3A_2180 {strides = array<i32>} : memref<40192xf32, #tpu.memory_space<vmem>>, vector<16xf32>,
        %add3A_2181 = arith.constant 16 : i32
        %add3A_2182 = arith.addi %mul3A_2164, %add3A_2181 : i32
        %get3A_2183 = arith.index_cast %add3A_2182 : i32 to index
        %get3A_2184 = tpu.vector_load %arg11[%get3A_2183] {strides = array<i32>} : memref<40192xf32, #tpu.memory_space<vmem>>, vector<16xf32>,
        %get3A_2185 = vector.shape_cast %get3A_2184 : vector<16xf32> to vector<16xf32>
        %add3A_2186 = arith.constant 15 : i32
        %add3A_2187 = arith.addi %add3A_55, %add3A_2186 : i32
        %get3A_2188 = arith.index_cast %add3A_2187 : i32 to index
        %get3A_2189 = arith.constant 16 : index
        %get3A_2190 = tpu.vector_load %arg10[%get3A_2188, %get3A_2189] {strides = array<i32>} : memref<128x128xf32, #tpu.memory_space<vmem>>, vector<1x16xf32>,
        %get3A_2191 = vector.shape_cast %get3A_2190 : vector<1x16xf32> to vector<16xf32>
        %max3A_2192 = arith.maximumf %get3A_2185, %get3A_2191 : vector<16xf32>
        %swap3A_2193 = arith.index_cast %add3A_2182 : i32 to index
        %swap3A_2194 = tpu.vector_load %arg11[%swap3A_2193] {strides = array<i32>} : memref<40192xf32, #tpu.memory_space<vmem>>, vector<16xf32>,
        %swap3A_2195 = vector.shape_cast %swap3A_2194 : vector<16xf32> to vector<16xf32>
        %swap3A_2196 = vector.shape_cast %max3A_2192 : vector<16xf32> to vector<16xf32>
        tpu.vector_store %arg11[%swap3A_2193], %swap3A_2196 {strides = array<i32>} : memref<40192xf32, #tpu.memory_space<vmem>>, vector<16xf32>,
        %add3A_2197 = arith.constant 32 : i32
        %add3A_2198 = arith.addi %mul3A_2164, %add3A_2197 : i32
        %get3A_2199 = arith.index_cast %add3A_2198 : i32 to index
        %get3A_2200 = tpu.vector_load %arg11[%get3A_2199] {strides = array<i32>} : memref<40192xf32, #tpu.memory_space<vmem>>, vector<16xf32>,
        %get3A_2201 = vector.shape_cast %get3A_2200 : vector<16xf32> to vector<16xf32>
        %add3A_2202 = arith.constant 15 : i32
        %add3A_2203 = arith.addi %add3A_55, %add3A_2202 : i32
        %get3A_2204 = arith.index_cast %add3A_2203 : i32 to index
        %get3A_2205 = arith.constant 32 : index
        %get3A_2206 = tpu.vector_load %arg10[%get3A_2204, %get3A_2205] {strides = array<i32>} : memref<128x128xf32, #tpu.memory_space<vmem>>, vector<1x16xf32>,
        %get3A_2207 = vector.shape_cast %get3A_2206 : vector<1x16xf32> to vector<16xf32>
        %max3A_2208 = arith.maximumf %get3A_2201, %get3A_2207 : vector<16xf32>
        %swap3A_2209 = arith.index_cast %add3A_2198 : i32 to index
        %swap3A_2210 = tpu.vector_load %arg11[%swap3A_2209] {strides = array<i32>} : memref<40192xf32, #tpu.memory_space<vmem>>, vector<16xf32>,
        %swap3A_2211 = vector.shape_cast %swap3A_2210 : vector<16xf32> to vector<16xf32>
        %swap3A_2212 = vector.shape_cast %max3A_2208 : vector<16xf32> to vector<16xf32>
        tpu.vector_store %arg11[%swap3A_2209], %swap3A_2212 {strides = array<i32>} : memref<40192xf32, #tpu.memory_space<vmem>>, vector<16xf32>,
        %add3A_2213 = arith.constant 48 : i32
        %add3A_2214 = arith.addi %mul3A_2164, %add3A_2213 : i32
        %get3A_2215 = arith.index_cast %add3A_2214 : i32 to index
        %get3A_2216 = tpu.vector_load %arg11[%get3A_2215] {strides = array<i32>} : memref<40192xf32, #tpu.memory_space<vmem>>, vector<16xf32>,
        %get3A_2217 = vector.shape_cast %get3A_2216 : vector<16xf32> to vector<16xf32>
        %add3A_2218 = arith.constant 15 : i32
        %add3A_2219 = arith.addi %add3A_55, %add3A_2218 : i32
        %get3A_2220 = arith.index_cast %add3A_2219 : i32 to index
        %get3A_2221 = arith.constant 48 : index
        %get3A_2222 = tpu.vector_load %arg10[%get3A_2220, %get3A_2221] {strides = array<i32>} : memref<128x128xf32, #tpu.memory_space<vmem>>, vector<1x16xf32>,
        %get3A_2223 = vector.shape_cast %get3A_2222 : vector<1x16xf32> to vector<16xf32>
        %max3A_2224 = arith.maximumf %get3A_2217, %get3A_2223 : vector<16xf32>
        %swap3A_2225 = arith.index_cast %add3A_2214 : i32 to index
        %swap3A_2226 = tpu.vector_load %arg11[%swap3A_2225] {strides = array<i32>} : memref<40192xf32, #tpu.memory_space<vmem>>, vector<16xf32>,
        %swap3A_2227 = vector.shape_cast %swap3A_2226 : vector<16xf32> to vector<16xf32>
        %swap3A_2228 = vector.shape_cast %max3A_2224 : vector<16xf32> to vector<16xf32>
        tpu.vector_store %arg11[%swap3A_2225], %swap3A_2228 {strides = array<i32>} : memref<40192xf32, #tpu.memory_space<vmem>>, vector<16xf32>,
        %add3A_2229 = arith.constant 64 : i32
        %add3A_2230 = arith.addi %mul3A_2164, %add3A_2229 : i32
        %get3A_2231 = arith.index_cast %add3A_2230 : i32 to index
        %get3A_2232 = tpu.vector_load %arg11[%get3A_2231] {strides = array<i32>} : memref<40192xf32, #tpu.memory_space<vmem>>, vector<16xf32>,
        %get3A_2233 = vector.shape_cast %get3A_2232 : vector<16xf32> to vector<16xf32>
        %add3A_2234 = arith.constant 15 : i32
        %add3A_2235 = arith.addi %add3A_55, %add3A_2234 : i32
        %get3A_2236 = arith.index_cast %add3A_2235 : i32 to index
        %get3A_2237 = arith.constant 64 : index
        %get3A_2238 = tpu.vector_load %arg10[%get3A_2236, %get3A_2237] {strides = array<i32>} : memref<128x128xf32, #tpu.memory_space<vmem>>, vector<1x16xf32>,
        %get3A_2239 = vector.shape_cast %get3A_2238 : vector<1x16xf32> to vector<16xf32>
        %max3A_2240 = arith.maximumf %get3A_2233, %get3A_2239 : vector<16xf32>
        %swap3A_2241 = arith.index_cast %add3A_2230 : i32 to index
        %swap3A_2242 = tpu.vector_load %arg11[%swap3A_2241] {strides = array<i32>} : memref<40192xf32, #tpu.memory_space<vmem>>, vector<16xf32>,
        %swap3A_2243 = vector.shape_cast %swap3A_2242 : vector<16xf32> to vector<16xf32>
        %swap3A_2244 = vector.shape_cast %max3A_2240 : vector<16xf32> to vector<16xf32>
        tpu.vector_store %arg11[%swap3A_2241], %swap3A_2244 {strides = array<i32>} : memref<40192xf32, #tpu.memory_space<vmem>>, vector<16xf32>,
        %add3A_2245 = arith.constant 80 : i32
        %add3A_2246 = arith.addi %mul3A_2164, %add3A_2245 : i32
        %get3A_2247 = arith.index_cast %add3A_2246 : i32 to index
        %get3A_2248 = tpu.vector_load %arg11[%get3A_2247] {strides = array<i32>} : memref<40192xf32, #tpu.memory_space<vmem>>, vector<16xf32>,
        %get3A_2249 = vector.shape_cast %get3A_2248 : vector<16xf32> to vector<16xf32>
        %add3A_2250 = arith.constant 15 : i32
        %add3A_2251 = arith.addi %add3A_55, %add3A_2250 : i32
        %get3A_2252 = arith.index_cast %add3A_2251 : i32 to index
        %get3A_2253 = arith.constant 80 : index
        %get3A_2254 = tpu.vector_load %arg10[%get3A_2252, %get3A_2253] {strides = array<i32>} : memref<128x128xf32, #tpu.memory_space<vmem>>, vector<1x16xf32>,
        %get3A_2255 = vector.shape_cast %get3A_2254 : vector<1x16xf32> to vector<16xf32>
        %max3A_2256 = arith.maximumf %get3A_2249, %get3A_2255 : vector<16xf32>
        %swap3A_2257 = arith.index_cast %add3A_2246 : i32 to index
        %swap3A_2258 = tpu.vector_load %arg11[%swap3A_2257] {strides = array<i32>} : memref<40192xf32, #tpu.memory_space<vmem>>, vector<16xf32>,
        %swap3A_2259 = vector.shape_cast %swap3A_2258 : vector<16xf32> to vector<16xf32>
        %swap3A_2260 = vector.shape_cast %max3A_2256 : vector<16xf32> to vector<16xf32>
        tpu.vector_store %arg11[%swap3A_2257], %swap3A_2260 {strides = array<i32>} : memref<40192xf32, #tpu.memory_space<vmem>>, vector<16xf32>,
        %add3A_2261 = arith.constant 96 : i32
        %add3A_2262 = arith.addi %mul3A_2164, %add3A_2261 : i32
        %get3A_2263 = arith.index_cast %add3A_2262 : i32 to index
        %get3A_2264 = tpu.vector_load %arg11[%get3A_2263] {strides = array<i32>} : memref<40192xf32, #tpu.memory_space<vmem>>, vector<16xf32>,
        %get3A_2265 = vector.shape_cast %get3A_2264 : vector<16xf32> to vector<16xf32>
        %add3A_2266 = arith.constant 15 : i32
        %add3A_2267 = arith.addi %add3A_55, %add3A_2266 : i32
        %get3A_2268 = arith.index_cast %add3A_2267 : i32 to index
        %get3A_2269 = arith.constant 96 : index
        %get3A_2270 = tpu.vector_load %arg10[%get3A_2268, %get3A_2269] {strides = array<i32>} : memref<128x128xf32, #tpu.memory_space<vmem>>, vector<1x16xf32>,
        %get3A_2271 = vector.shape_cast %get3A_2270 : vector<1x16xf32> to vector<16xf32>
        %max3A_2272 = arith.maximumf %get3A_2265, %get3A_2271 : vector<16xf32>
        %swap3A_2273 = arith.index_cast %add3A_2262 : i32 to index
        %swap3A_2274 = tpu.vector_load %arg11[%swap3A_2273] {strides = array<i32>} : memref<40192xf32, #tpu.memory_space<vmem>>, vector<16xf32>,
        %swap3A_2275 = vector.shape_cast %swap3A_2274 : vector<16xf32> to vector<16xf32>
        %swap3A_2276 = vector.shape_cast %max3A_2272 : vector<16xf32> to vector<16xf32>
        tpu.vector_store %arg11[%swap3A_2273], %swap3A_2276 {strides = array<i32>} : memref<40192xf32, #tpu.memory_space<vmem>>, vector<16xf32>,
        %add3A_2277 = arith.constant 112 : i32
        %add3A_2278 = arith.addi %mul3A_2164, %add3A_2277 : i32
        %get3A_2279 = arith.index_cast %add3A_2278 : i32 to index
        %get3A_2280 = tpu.vector_load %arg11[%get3A_2279] {strides = array<i32>} : memref<40192xf32, #tpu.memory_space<vmem>>, vector<16xf32>,
        %get3A_2281 = vector.shape_cast %get3A_2280 : vector<16xf32> to vector<16xf32>
        %add3A_2282 = arith.constant 15 : i32
        %add3A_2283 = arith.addi %add3A_55, %add3A_2282 : i32
        %get3A_2284 = arith.index_cast %add3A_2283 : i32 to index
        %get3A_2285 = arith.constant 112 : index
        %get3A_2286 = tpu.vector_load %arg10[%get3A_2284, %get3A_2285] {strides = array<i32>} : memref<128x128xf32, #tpu.memory_space<vmem>>, vector<1x16xf32>,
        %get3A_2287 = vector.shape_cast %get3A_2286 : vector<1x16xf32> to vector<16xf32>
        %max3A_2288 = arith.maximumf %get3A_2281, %get3A_2287 : vector<16xf32>
        %swap3A_2289 = arith.index_cast %add3A_2278 : i32 to index
        %swap3A_2290 = tpu.vector_load %arg11[%swap3A_2289] {strides = array<i32>} : memref<40192xf32, #tpu.memory_space<vmem>>, vector<16xf32>,
        %swap3A_2291 = vector.shape_cast %swap3A_2290 : vector<16xf32> to vector<16xf32>
        %swap3A_2292 = vector.shape_cast %max3A_2288 : vector<16xf32> to vector<16xf32>
        tpu.vector_store %arg11[%swap3A_2289], %swap3A_2292 {strides = array<i32>} : memref<40192xf32, #tpu.memory_space<vmem>>, vector<16xf32>,
      }
      %scan3A_50 = arith.constant 8 : i32
    }
    %mul3A_30 = arith.constant 313 : i32
    %mul3A_31 = arith.muli %add3A, %mul3A_30 : i32
    %mul3A_32 = arith.constant 128 : i32
    %mul3A_33 = arith.muli %mul3A_31, %mul3A_32 : i32
    %multiple_of3A_34 = tpu.assume_multiple %mul3A_33, 8 : i32
    "tpu.region"() ({
      %run_scoped3A = tpu.sem_alloc : memref<!tpu.dma_semaphore, #tpu.memory_space<semaphore_mem>>
      %dma_start3A = arith.constant 0 : i32
      %dma_start3A_35 = tpu.memref_slice %arg11[%dma_start3A] : memref<40192xf32, #tpu.memory_space<vmem>> -> memref<40064xf32, #tpu.memory_space<vmem>>
      %dma_start3A_36 = tpu.memref_slice %arg6[%multiple_of3A_34] : memref<1282048xf32, #tpu.memory_space<hbm>> -> memref<40064xf32, #tpu.memory_space<hbm>>
      %dma_start3A_37 = tpu.memref_slice %arg6[%multiple_of3A_34] : memref<1282048xf32, #tpu.memory_space<hbm>> -> memref<40064xf32, #tpu.memory_space<hbm>>
      %dma_start3A_38 = arith.constant 0 : i32
      %dma_start3A_39 = tpu.memref_slice %arg11[%dma_start3A_38] : memref<40192xf32, #tpu.memory_space<vmem>> -> memref<40064xf32, #tpu.memory_space<vmem>>
      tpu.enqueue_dma source(%dma_start3A_39 : memref<40064xf32, #tpu.memory_space<vmem>>) target(%dma_start3A_37 : memref<40064xf32, #tpu.memory_space<hbm>>) target_semaphore(%run_scoped3A : memref<!tpu.dma_semaphore, #tpu.memory_space<semaphore_mem>>)
      %dma_wait3A = arith.constant 0 : i32
      %dma_wait3A_40 = tpu.memref_slice %arg11[%dma_wait3A] : memref<40192xf32, #tpu.memory_space<vmem>> -> memref<40064xf32, #tpu.memory_space<vmem>>
      %dma_wait3A_41 = tpu.memref_slice %arg6[%multiple_of3A_34] : memref<1282048xf32, #tpu.memory_space<hbm>> -> memref<40064xf32, #tpu.memory_space<hbm>>
      %dma_wait3A_42 = tpu.memref_slice %arg6[%multiple_of3A_34] : memref<1282048xf32, #tpu.memory_space<hbm>> -> memref<40064xf32, #tpu.memory_space<hbm>>
      %dma_wait3A_43 = arith.constant 0 : i32
      %dma_wait3A_44 = tpu.memref_slice %arg11[%dma_wait3A_43] : memref<40192xf32, #tpu.memory_space<vmem>> -> memref<40064xf32, #tpu.memory_space<vmem>>
      tpu.wait_dma2 semaphore(%run_scoped3A : memref<!tpu.dma_semaphore, #tpu.memory_space<semaphore_mem>>) src(%dma_wait3A_44 : memref<40064xf32, #tpu.memory_space<vmem>>) dst(%dma_wait3A_42 : memref<40064xf32, #tpu.memory_space<hbm>>)
      tpu.yield
    }) : () -> ()
    return
  }
}

</mosaic_0001>

<sc_bundles>
// kernel: kernel.3.cloned.1.call-start
scs
__scs_entry_jumppad:
0x0: {  	(pc) =	sbr.rel $0x88, $3  }
0x1: {  	(tag) =	ssettag $0x0;
	lr =	simm.s32 $0x1  }
0x2: {  	[smem:$0x3F9E] =	sst lr;
	_ =	strace $0xD0000000  }
0x3: {  	_ = 	snop  }
0x4: {  	_ = 	snop  }
0x5: {  	_ = 	snop  }
0x6: {  	_ = 	snop  }
0x7: {  	_ = 	snop  }
__scs_overlays_trampoline_lowered:
0x8: {  	[smem:$0x3FAD] =	sst s0  }
0x9: {  	[smem:$0x3FAE] =	sst s1  }
0xa: {  	[smem:$0x3FAF] =	sst s2  }
0xb: {  	[smem:$0x3FB0] =	sst s3  }
0xc: {  	[smem:$0x3FB1] =	sst s4  }
0xd: {  	[smem:$0x3FB2] =	sst s5  }
0xe: {  	[smem:$0x3FB3] =	sst s6  }
0xf: {  	[smem:$0x3FB4] =	sst s7  }
0x10: {  	[smem:$0x3FB5] =	sst s8  }
0x11: {  	[smem:$0x3FB6] =	sst s9;
	s0 =	simm.s32 @!p0 $0x0  }
0x12: {  	s1 =	sld [smem:$0x3F9C];
	s0 =	simm.s32 @p0 $0x1  }
0x13: {  	[smem:$0x3FB7] =	sst s0;
	s0 =	simm.s32 @!p1 $0x0  }
0x14: {  	s2 =	sld [smem:$0x3F9B];
	s0 =	simm.s32 @p1 $0x1  }
0x15: {  	[smem:$0x3FB8] =	sst s0;
	s0 =	simm.s32 @!p2 $0x0  }
0x16: {  	s3 =	sld [smem:$0x3FDB];
	s0 =	simm.s32 @p2 $0x1  }
0x17: {  	s4 =	simm.s32 $0x1BF5;
	[smem:$0x3FBA] =	sst s0  }
0x18: {  	s0 =	sld [smem:$0x3F9D];
	_ =	swait.ge [sflag:s4], $0x0  }
0x19: {  	s7 =	sld [smem:$0x3F9E]  }
0x1a: {  	s8 =	sadd.s32 $0xFFFFE003, lr  }
0x1b: {  	s9 =	sadd.s32 $0xFFFFFEF7, lr;
	s5 =	simm.s32 $0xFFFFFFFF;
	p2 =	slt.u32 s8, $0xFFFFF086  }
0x1c: {  	p1 =	slt.u32 s9, $0xF7A;
	s5 =	simm.s32 @!p2 $0x0  }
0x1d: {  	s5 =	simm.s32 @p1 $0x1;
	p0 =	seq.s32 s7, s2  }
0x1e: {  	s7 =	smul.u32 @!p0 $0xF7A, s2;
	p2 =	seq.s32 @!p0 s5, $0x0  }
0x1f: {  	s9 =	smul.u32 $0xF7A, s1;
	s8 =	simm.s32 @!p0 $0x1BF5;
	p2 =	por !p2, p0  }
0x20: {  	[sflag:s8] =	ssyncset.s32 @!p0 $0xFFFFF086;
	s6 =	sadd.s32 @!p0 s3, s7;
	s7 =	simm.s32 @!p0 $0x108  }
0x21: {  	s3 =	sadd.s32 s3, s9;
	s6 =	sadd.s32 @!p0 $0x88, s6;
	s7 =	simm.s32 @p2 $0x1082  }
0x22: {  	[simem:s7], [sflag:s8] =	dma.local @!p0 [hbm:s6], $0xF7A  }
0x23: {  	s9 =	sor.u32 $0xD0000000, s2;
	s6 =	simm.s32 $0x108;
	_ =	swait.ge @!p0 [sflag:s8], $0x0  }
0x24: {  	s3 =	sadd.s32 $0x88, s3;
	s6 =	simm.s32 @!p1 $0x1082;
	[sflag:s4] =	ssyncset.s32 $0xFFFFF086  }
0x25: {  	[simem:s6], [sflag:s4] =	dma.local [hbm:s3], $0xF7A  }
0x26: {  	[smem:$0x3F9E] =	sst s1;
	(tag) =	ssettag s2;
	_ =	strace s9  }
0x27: {  	s1 =	sld [smem:$0x3FAE]  }
0x28: {  	s2 =	sld [smem:$0x3FAF]  }
0x29: {  	s4 =	sld [smem:$0x3FB1]  }
0x2a: {  	p0 =	seq.s32 s5, $0x0;
	s5 =	sld [smem:$0x3FB2]  }
0x2b: {  	s6 =	sld [smem:$0x3FB3]  }
0x2c: {  	s7 =	sld [smem:$0x3FB4]  }
0x2d: {  	s3 =	simm.s32 $0x108;
	s8 =	sld [smem:$0x3FB5]  }
0x2e: {  	s3 =	simm.s32 @!p0 $0x1082;
	s9 =	sld [smem:$0x3FB6]  }
0x2f: {  	lr =	sadd.s32 s0, s3;
	s0 =	sld [smem:$0x3FAD]  }
0x30: {  	s3 =	sld [smem:$0x3FB0]  }
0x31: {  	[smem:$0x3FB9] =	sst s10  }
0x32: {  	s10 =	sld [smem:$0x3FB7];
	_ =	sdelay $0x3  }
0x33: {  	p0 =	seq.s32 s10, $0x1;
	s10 =	sld [smem:$0x3FB9];
	_ =	sdelay $0x3  }
0x34: {  	[smem:$0x3FB9] =	sst s10  }
0x35: {  	s10 =	sld [smem:$0x3FB8];
	_ =	sdelay $0x3  }
0x36: {  	p1 =	seq.s32 s10, $0x1;
	s10 =	sld [smem:$0x3FB9];
	_ =	sdelay $0x3  }
0x37: {  	[smem:$0x3FB9] =	sst s10  }
0x38: {  	s10 =	sld [smem:$0x3FBA]  }
0x39: {  	_ = 	snop;
	(pc) =	sbr.ind lr, $3  }
0x3a: {  	_ = 	snop  }
0x3b: {  	_ = 	snop  }
0x3c: {  	p2 =	seq.s32 s10, $0x1;
	s10 =	sld [smem:$0x3FB9]  }
0x3d: {  	_ =	shalt  }
0x3e: {  	_ =	shalt  }
0x3f: {  	_ =	shalt  }
0x40: {  	_ =	shalt  }
0x41: {  	_ =	shalt  }
0x42: {  	_ =	shalt  }
0x43: {  	_ =	shalt  }
0x44: {  	_ =	shalt  }
0x45: {  	_ =	shalt  }
0x46: {  	_ =	shalt  }
0x47: {  	_ =	shalt  }
0x48: {  	_ =	shalt  }
0x49: {  	_ =	shalt  }
0x4a: {  	_ =	shalt  }
0x4b: {  	_ =	shalt  }
0x4c: {  	_ =	shalt  }
0x4d: {  	_ =	shalt  }
0x4e: {  	_ =	shalt  }
0x4f: {  	_ =	shalt  }
0x50: {  	_ =	shalt  }
0x51: {  	_ =	shalt  }
0x52: {  	_ =	shalt  }
0x53: {  	_ =	shalt  }
0x54: {  	_ =	shalt  }
0x55: {  	_ =	shalt  }
0x56: {  	_ =	shalt  }
0x57: {  	_ =	shalt  }
0x58: {  	_ =	shalt  }
0x59: {  	_ =	shalt  }
0x5a: {  	_ =	shalt  }
0x5b: {  	_ =	shalt  }
0x5c: {  	_ =	shalt  }
0x5d: {  	_ =	shalt  }
0x5e: {  	_ =	shalt  }
0x5f: {  	_ =	shalt  }
0x60: {  	_ =	shalt  }
0x61: {  	_ =	shalt  }
0x62: {  	_ =	shalt  }
0x63: {  	_ =	shalt  }
0x64: {  	_ =	shalt  }
0x65: {  	_ =	shalt  }
0x66: {  	_ =	shalt  }
0x67: {  	_ =	shalt  }
0x68: {  	_ =	shalt  }
0x69: {  	_ =	shalt  }
0x6a: {  	_ =	shalt  }
0x6b: {  	_ =	shalt  }
0x6c: {  	_ =	shalt  }
0x6d: {  	_ =	shalt  }
0x6e: {  	_ =	shalt  }
0x6f: {  	_ =	shalt  }
0x70: {  	_ =	shalt  }
0x71: {  	_ =	shalt  }
0x72: {  	_ =	shalt  }
0x73: {  	_ =	shalt  }
0x74: {  	_ =	shalt  }
0x75: {  	_ =	shalt  }
0x76: {  	_ =	shalt  }
0x77: {  	_ =	shalt  }
0x78: {  	_ =	shalt  }
0x79: {  	_ =	shalt  }
0x7a: {  	_ =	shalt  }
0x7b: {  	_ =	shalt  }
0x7c: {  	_ =	shalt  }
0x7d: {  	_ =	shalt  }
0x7e: {  	_ =	shalt  }
0x7f: {  	_ =	shalt  }
0x80: {  	_ =	shalt  }
0x81: {  	_ =	shalt  }
0x82: {  	_ =	shalt  }
0x83: {  	_ =	shalt  }
0x84: {  	_ =	shalt  }
0x85: {  	_ =	shalt  }
0x86: {  	_ =	shalt  }
0x87: {  	_ =	shalt  }
.Lfunc_end0:
.L_simem_size_0:
called_computation_lowered:
.L_overlay_start_0:
0x88: {  	s2 =	sld [smem:$0x3FD9]  }
0x89: {  	s3 =	sld [smem:$0x3FFE];
	_ =	sdelay $0x1  }
0x8a: {  	s1 =	srdreg.scid  }
0x8b: {  	s0 =	sand.u32 $0x1, s1  }
0x8c: {  	s17 =	sshll.u32 s0, $0xA;
	s2 =	sadd.s32 s3, s2  }
0x8d: {  	s2 =	sadd.s32 s2, s17  }
0x8e: {  	[smem:$0x3FC5] =	sst s2  }
0x8f: {  	_ = 	snop  }
0x90: {  	s2 =	sld [smem:$0x3FC9]  }
0x91: {  	s18 =	sld [smem:$0x3FD0];
	(tm) =	ssettm $0x1  }
0x92: {  	s4 =	sld [smem:$0x3FFB];
	_ =	sdelay $0x3  }
0x93: {  	_ =	strace s4  }
0x94: {  	s4 =	sld [smem:$0x3FFC];
	_ =	sdelay $0x3  }
0x95: {  	_ =	strace s4  }
0x96: {  	s4 =	sld [smem:$0x3FFD];
	_ =	sdelay $0x3  }
0x97: {  	_ =	strace s4  }
0x98: {  	_ =	strace $0x8FFFFFFF  }
0x99: {  	s19 =	sld [smem:$0x3FDB];
	_ =	sdelay $0x1  }
0x9a: {  	s5 =	simm.s32 $_scs_section_size  }
0x9b: {  	s6 =	simm.s32 $_size__tile_overlayer_lowered;
	s7 =	simm.s32 $_tile_overlayer_lowered  }
0x9c: {  	s22 =	simm.s32 $0x1BFF;
	s21 =	sshll.u32 s7, $0x1;
	s4 =	sadd.s32 s5, s19  }
0x9d: {  	s8 =	simm.s32 $0x0;
	s20 =	sshll.u32 s6, $0x1;
	s6 =	sadd.s32 s21, s4  }
0x9e: {  	[timem:s8], [sflag:s22] =	dma.local [hbm:s6], s20  }
0x9f: {  	_ =	swait.ge [sflag:s22], s20  }
0xa0: {  	s5 =	ssub.s32 $0x0, s20;
	[sflag:s22] =	ssyncset.done $0x0  }
0xa1: {  	[sflag:s22] =	ssyncadd.s32 s5;
	_ =	sdelay $0x1  }
0xa2: {  	s23 =	simm.s32 $0x1B8B  }
0xa3: {  	_ =	swait.ge [sflag:s23], $0x1  }
0xa4: {  	[sflag:s23] =	ssyncset.done $0x0  }
0xa5: {  	s25 =	simm.s32 $0x1B8E;
	s24 =	sld [smem:$0x3FFE];
	[sflag:s23] =	ssyncadd.s32 $0xFFFFFFFF  }
0xa6: {  	s26 =	simm.s32 $execute0_lowered;
	[smem:$0x3FD2] =	sst s25  }
0xa7: {  	s6 =	sshll.u32 s26, $0x1;
	_ =	strace $0x80000046;
	[dreg:$0x1] =	wrdreg $0xFFFFFFFF  }
0xa8: {  	s28 =	simm.s32 $_size_execute0_lowered;
	s4 =	sadd.s32 s4, s6;
	[dreg:$0x0] =	wrdreg $0x0  }
0xa9: {  	s6 =	sshll.u32 s28, $0x1;
	[dreg:$0x2] =	wrdreg s4  }
0xaa: {  	[dreg:$0x3] =	wrdreg s6  }
0xab: {  	[dreg:$0x4] =	wrdreg $0xC0  }
0xac: {  	_ =	task [dreg:s8], $0x5FFFF  }
0xad: {  	[dreg:$0x1] =	wrdreg $0xFFFFFFFF  }
0xae: {  	[dreg:$0x0] =	wrdreg $0x60  }
0xaf: {  	[dreg:$0x2] =	wrdreg s2  }
0xb0: {  	[dreg:$0x3] =	wrdreg s18  }
0xb1: {  	[dreg:$0x4] =	wrdreg s24  }
0xb2: {  	[dreg:$0x5] =	wrdreg $0x9  }
0xb3: {  	_ =	task.clear_ibuf [dreg:s8], $0x6FFFF;
	_ =	strace $0x90000046  }
0xb4: {  	s29 =	simm.s32 $0x9;
	_ =	strace $0x80000048  }
0xb5: {  	_ =	swait.ge [sflag:s29], $0x1  }
0xb6: {  	[sflag:s29] =	ssyncadd.s32 $0xFFFFFFFF  }
0xb7: {  	_ =	strace $0x90000048  }
0xb8: {  	_ =	sfence  }
0xb9: {  	s30 =	sld [smem:$0x0];
	_ =	sdelay $0x2  }
0xba: {  	s31 =	sshll.u32 s1, $0xD;
	s1 =	sshrl.u32 s1, $0x2  }
0xbb: {  	s3 =	sand.u32 $0x4000, s31;
	s1 =	sadd.s32 s1, s30  }
0xbc: {  	s0 =	sor.u32 s3, s0;
	s1 =	sshll.u32 s1, $0x11  }
0xbd: {  	s0 =	sor.u32 s1, s0  }
0xbe: {  	s0 =	sadd.s32 $0x8F2B, s0  }
0xbf: {  	[sflag:s0] =	ssyncadd.remote.s32 $0x1  }
0xc0: {  	_ =	sfence.sel $0xFFFF  }
0xc1: {  	[dreg:$0x0] =	wrdreg $0xFFFFFFFF;
	(pc) =	sbr.abs _section_cstart, $3  }
0xc2: {  	[dreg:$0x1] =	wrdreg $0xFFFFFFFF  }
0xc3: {  	_ =	task.clear_ibuf [dreg:s8], $0x2FFFF;
	_ =	strace $0x9FFFFFFF  }
0xc4: {  	(tm) =	ssettm $0x7FFFFFFF  }
0xc5: {  	_ =	shalt  }
tec
execute0_lowered:
.L_overlay_start_1:
0x0: {  	(tag) =	ssettag $0x1  }
0x1: {  	s1 =	rddreg [dreg:$0x0]  }
0x2: {  	s3 =	rddreg [dreg:$0x1];
	s2 =	srdreg.scid  }
0x3: {  	s0 =	stileid.u32;
	s6 =	rddreg [dreg:$0x2]  }
0x4: {  	s4 =	simm.s32 $0x0;
	s12 =	simm.s32 $0x180;
	s13 =	simm.s32 $0x1  }
0x5: {  	s15 =	simm.s32 $0x0;
	s7 =	sand.u32 $0x1, s2;
	s5 =	sshll.u32 s0, $0x1  }
0x6: {  	s18 =	simm.s32 $0x0;
	[smem:$0x7FF] =	sst s4;
	s8 =	sor.u32 s7, s5  }
0x7: {  	s2 =	rddreg [dreg:$0x3];
	_ =	strace $0x80000047;
	s9 =	smul.u32 $0x1390, s8  }
.Ltmp0:
0x8: {  	s5 =	sadd.s32 $0x600, s6;
	s7 =	ssub.s32 $0x2, s7;
	(pc) =	sbr.rel .LBB2_1-.Ltmp0, $4  }
0x9: {  	s10 =	sshrl.u32 s7, $0x1;
	s11 =	sshll.u32 s8, $0x1;
	s14 =	smul.u32 $0x139, s8  }
0xa: {  	s10 =	ssub.s32 s7, s10;
	s9 =	sadd.s32 s9, s6;
	s6 =	sadd.s32 s6, s11  }
0xb: {  	s8 =	smax.u32 s10, $0x1;
	s10 =	simm.s32 $0x80;
	s11 =	simm.s32 $0x100  }
0xc: {  	v0 =	vimm.f32 $-Inf;
	v1 =	vmov s14;
	s14 =	simm.s32 $0x4180;
	s7 =	sadd.s32 $0xA400, s9;
	s9 =	simm.s32 $0x2  }
.LBB2_7:
0xd: {  	s15 =	sadd.s32 $0x1, s15  }
0xe: {  	p0 =	sne.s32 s15, s8  }
.Ltmp1:
0xf: {  	_ = 	snop;
	(pc) =	sbr.rel @!p0 .LBB2_8-.Ltmp1, $4  }
0x10: {  	[hbm4b:s7+s4] =	stream.linear.scatter [tilespmem:s14], [sflag:$0x2], $0x9C80, $0x38;
	[tilespmem:$0xDE80] =	vst v63  }
0x11: {  	_ =	swait.ge [sflag:s9], $0x9C80  }
0x12: {  	[sflag:s9] =	ssyncset.done $0x0  }
0x13: {  	[sflag:s9] =	ssyncadd.s32 $0xFFFF6380  }
.LBB2_1:
0x14: {  	[tilespmem:s4], [sflag:$0x2] =	stream.linear.gather [hbm4b:s6+s4], $0x10, $0x38;
	[tilespmem:$0xDE80] =	vst v63  }
0x15: {  	_ =	swait.ge [sflag:s9], $0x10  }
0x16: {  	[sflag:s9] =	ssyncset.done $0x0  }
0x17: {  	[sflag:s9] =	ssyncadd.s32 $0xFFFFFFF0  }
0x18: {  	s16 =	simm.s32 $0x40;
	s17 =	simm.s32 $0x0;
	v2 =	vld [tilespmem:$0x0]  }
.LBB2_2:
0x19: {  	p0 =	seq.s32 s16, $0x273C0;
	[tilespmem:s17+$0x4180] =	vst v0;
	s17 =	smov.u32 s16;
	s16 =	sadd.s32 $0x40, s16  }
.Ltmp2:
0x1a: {  	(pc) =	sbr.rel @!p0 .LBB2_2-.Ltmp2, $2  }
0x1b: {  	_ =	sdelay $0x2  }
0x1c: {  	s17 =	sshra.s32 s17, $0x2  }
0x1d: {  	(v2sf) =	vpush v2, $0x0  }
0x1e: {  	(v2sf) =	vpush v2, $0x1;
	_ =	sdelay $0xd  }
0x1f: {  	s16 =	spop (v2sf)  }
0x20: {  	[tilespmem:s17+$0x4180] =	vst v0;
	s17 =	spop (v2sf)  }
0x21: {  	p0 =	sgt.s32 s17, $0x0  }
.Ltmp3:
0x22: {  	_ = 	snop;
	(pc) =	sbr.rel @!p0 .LBB2_7-.Ltmp3, $2  }
0x23: {  	_ =	sdelay $0x2  }
0x24: {  	s19 =	simm.s32 $0x0  }
.LBB2_4:
0x25: {  	s20 =	sshll.u32 s19, $0x7  }
0x26: {  	s20 =	sadd.s32 s16, s20  }
0x27: {  	s20 =	sshrl.u32 s20, $0x3  }
0x28: {  	s21 =	sadd.s32 s3, s20  }
0x29: {  	[tilespmem:s10], [sflag:$0x2] =	stream.linear.gather [hbm4b:s21+s18], $0x80, $0x38;
	[tilespmem:$0xDE80] =	vst v63  }
0x2a: {  	_ =	swait.ge [sflag:s9], $0x80  }
0x2b: {  	[sflag:s9] =	ssyncset.done $0x0  }
0x2c: {  	s20 =	sadd.s32 s5, s20;
	[sflag:s9] =	ssyncadd.s32 $0xFFFFFF80  }
0x2d: {  	[tilespmem:s11], [sflag:$0x2] =	stream.linear.gather [hbm4b:s20+s18], $0x80, $0x38;
	[tilespmem:$0xDE80] =	vst v63  }
0x2e: {  	_ =	swait.ge [sflag:s9], $0x80  }
0x2f: {  	[sflag:s9] =	ssyncset.done $0x0  }
0x30: {  	[sflag:s9] =	ssyncadd.s32 $0xFFFFFF80  }
0x31: {  	[tilespmem:s12], [sflag:$0x1] =	stream.indirect.gather [hbm4b:s1+s10], $0x80, s10, s10, $0xb8;
	[tilespmem:$0xDE80] =	vst v63  }
0x32: {  	_ =	swait.ge [sflag:s13], $0x4000  }
0x33: {  	[sflag:s13] =	ssyncset.done $0x0  }
0x34: {  	s21 =	simm.s32 $0x0;
	s20 =	simm.s32 $0x580;
	[sflag:s13] =	ssyncadd.s32 $0xFFFFC000  }
.LBB2_5:
0x35: {  	s22 =	sshra.s32 s21, $0x2  }
0x36: {  	v2 =	vld [tilespmem:s22+$0x100];
	_ =	sdelay $0x4  }
0x37: {  	v2 =	vsub.s32 v2, v1  }
0x38: {  	(v2sf) =	vpush v2, $0x0;
	_ =	sdelay $0xe  }
0x39: {  	s30 =	spop (v2sf)  }
0x3a: {  	s22 =	smin.u32 s30, $0x139  }
0x3b: {  	v4 =	vld [tilespmem:s20+$0xFFFFFC00];
	s22 =	sshll.u32 s22, $0x7  }
0x3c: {  	v3 =	vld [tilespmem:s22+$0x4180];
	_ =	sdelay $0x4  }
0x3d: {  	v3 =	vmax.f32 v3, v4  }
0x3e: {  	[tilespmem:s22+$0x4180] =	vst v3;
	v3 =	vld [tilespmem:s22+$0x4190]  }
0x3f: {  	v59 =	vld [tilespmem:s20+$0xFFFFFC10];
	_ =	sdelay $0x4  }
0x40: {  	v3 =	vmax.f32 v3, v59  }
0x41: {  	[tilespmem:s22+$0x4190] =	vst v3;
	v3 =	vld [tilespmem:s22+$0x41A0]  }
0x42: {  	v60 =	vld [tilespmem:s20+$0xFFFFFC20];
	_ =	sdelay $0x4  }
0x43: {  	v3 =	vmax.f32 v3, v60  }
0x44: {  	[tilespmem:s22+$0x41A0] =	vst v3;
	v3 =	vld [tilespmem:s22+$0x41B0]  }
0x45: {  	v61 =	vld [tilespmem:s20+$0xFFFFFC30];
	_ =	sdelay $0x4  }
0x46: {  	v3 =	vmax.f32 v3, v61  }
0x47: {  	[tilespmem:s22+$0x41B0] =	vst v3;
	v3 =	vld [tilespmem:s22+$0x41C0]  }
0x48: {  	v62 =	vld [tilespmem:s20+$0xFFFFFC40];
	_ =	sdelay $0x4  }
0x49: {  	v3 =	vmax.f32 v3, v62  }
0x4a: {  	[tilespmem:s22+$0x41C0] =	vst v3;
	v3 =	vld [tilespmem:s22+$0x41D0]  }
0x4b: {  	v63 =	vld [tilespmem:s20+$0xFFFFFC50];
	_ =	sdelay $0x2  }
0x4c: {  	(v2sf) =	vpush v2, $0x1;
	_ =	sdelay $0x1  }
0x4d: {  	v3 =	vmax.f32 v3, v63  }
0x4e: {  	[tilespmem:s22+$0x41D0] =	vst v3;
	v3 =	vld [tilespmem:s22+$0x41E0]  }
0x4f: {  	v8 =	vld [tilespmem:s20+$0xFFFFFC60];
	_ =	sdelay $0x4  }
0x50: {  	v3 =	vmax.f32 v3, v8  }
0x51: {  	[tilespmem:s22+$0x41E0] =	vst v3;
	v3 =	vld [tilespmem:s22+$0x41F0]  }
0x52: {  	v9 =	vld [tilespmem:s20+$0xFFFFFC70];
	_ =	sdelay $0x3  }
0x53: {  	s23 =	spop (v2sf)  }
0x54: {  	s23 =	smin.u32 s23, $0x139;
	v3 =	vmax.f32 v3, v9  }
0x55: {  	s31 =	sshll.u32 s23, $0x7;
	[tilespmem:s22+$0x41F0] =	vst v3  }
0x56: {  	v3 =	vld [tilespmem:s31+$0x4180]  }
0x57: {  	v10 =	vld [tilespmem:s20+$0xFFFFFC80];
	_ =	sdelay $0x4  }
0x58: {  	v3 =	vmax.f32 v3, v10  }
0x59: {  	[tilespmem:s31+$0x4180] =	vst v3;
	v3 =	vld [tilespmem:s31+$0x4190]  }
0x5a: {  	v11 =	vld [tilespmem:s20+$0xFFFFFC90];
	_ =	sdelay $0x4  }
0x5b: {  	v3 =	vmax.f32 v3, v11  }
0x5c: {  	[tilespmem:s31+$0x4190] =	vst v3;
	v3 =	vld [tilespmem:s31+$0x41A0]  }
0x5d: {  	v12 =	vld [tilespmem:s20+$0xFFFFFCA0];
	_ =	sdelay $0x4  }
0x5e: {  	v3 =	vmax.f32 v3, v12  }
0x5f: {  	[tilespmem:s31+$0x41A0] =	vst v3;
	v3 =	vld [tilespmem:s31+$0x41B0]  }
0x60: {  	v13 =	vld [tilespmem:s20+$0xFFFFFCB0];
	_ =	sdelay $0x4  }
0x61: {  	v3 =	vmax.f32 v3, v13  }
0x62: {  	[tilespmem:s31+$0x41B0] =	vst v3;
	v3 =	vld [tilespmem:s31+$0x41C0]  }
0x63: {  	v14 =	vld [tilespmem:s20+$0xFFFFFCC0];
	_ =	sdelay $0x4  }
0x64: {  	v3 =	vmax.f32 v3, v14  }
0x65: {  	[tilespmem:s31+$0x41C0] =	vst v3;
	v3 =	vld [tilespmem:s31+$0x41D0]  }
0x66: {  	v15 =	vld [tilespmem:s20+$0xFFFFFCD0];
	_ =	sdelay $0x2  }
0x67: {  	(v2sf) =	vpush v2, $0x2;
	_ =	sdelay $0x1  }
0x68: {  	v3 =	vmax.f32 v3, v15  }
0x69: {  	[tilespmem:s31+$0x41D0] =	vst v3;
	v3 =	vld [tilespmem:s31+$0x41E0]  }
0x6a: {  	v16 =	vld [tilespmem:s20+$0xFFFFFCE0];
	_ =	sdelay $0x4  }
0x6b: {  	v3 =	vmax.f32 v3, v16  }
0x6c: {  	[tilespmem:s31+$0x41E0] =	vst v3;
	v3 =	vld [tilespmem:s31+$0x41F0]  }
0x6d: {  	v17 =	vld [tilespmem:s20+$0xFFFFFCF0];
	_ =	sdelay $0x3  }
0x6e: {  	s24 =	spop (v2sf)  }
0x6f: {  	s23 =	smin.u32 s24, $0x139;
	v3 =	vmax.f32 v3, v17  }
0x70: {  	s25 =	sshll.u32 s23, $0x7;
	[tilespmem:s31+$0x41F0] =	vst v3  }
0x71: {  	v3 =	vld [tilespmem:s25+$0x4180]  }
0x72: {  	v18 =	vld [tilespmem:s20+$0xFFFFFD00];
	_ =	sdelay $0x4  }
0x73: {  	v3 =	vmax.f32 v3, v18  }
0x74: {  	[tilespmem:s25+$0x4180] =	vst v3;
	v3 =	vld [tilespmem:s25+$0x4190]  }
0x75: {  	v19 =	vld [tilespmem:s20+$0xFFFFFD10];
	_ =	sdelay $0x4  }
0x76: {  	v3 =	vmax.f32 v3, v19  }
0x77: {  	[tilespmem:s25+$0x4190] =	vst v3;
	v3 =	vld [tilespmem:s25+$0x41A0]  }
0x78: {  	v20 =	vld [tilespmem:s20+$0xFFFFFD20];
	_ =	sdelay $0x4  }
0x79: {  	v3 =	vmax.f32 v3, v20  }
0x7a: {  	[tilespmem:s25+$0x41A0] =	vst v3;
	v3 =	vld [tilespmem:s25+$0x41B0]  }
0x7b: {  	v21 =	vld [tilespmem:s20+$0xFFFFFD30];
	_ =	sdelay $0x4  }
0x7c: {  	v3 =	vmax.f32 v3, v21  }
0x7d: {  	[tilespmem:s25+$0x41B0] =	vst v3;
	v3 =	vld [tilespmem:s25+$0x41C0]  }
0x7e: {  	v22 =	vld [tilespmem:s20+$0xFFFFFD40];
	_ =	sdelay $0x4  }
0x7f: {  	v3 =	vmax.f32 v3, v22  }
0x80: {  	[tilespmem:s25+$0x41C0] =	vst v3;
	v3 =	vld [tilespmem:s25+$0x41D0]  }
0x81: {  	v23 =	vld [tilespmem:s20+$0xFFFFFD50];
	_ =	sdelay $0x2  }
0x82: {  	(v2sf) =	vpush v2, $0x3;
	_ =	sdelay $0x1  }
0x83: {  	v3 =	vmax.f32 v3, v23  }
0x84: {  	[tilespmem:s25+$0x41D0] =	vst v3;
	v3 =	vld [tilespmem:s25+$0x41E0]  }
0x85: {  	v24 =	vld [tilespmem:s20+$0xFFFFFD60];
	_ =	sdelay $0x4  }
0x86: {  	v3 =	vmax.f32 v3, v24  }
0x87: {  	[tilespmem:s25+$0x41E0] =	vst v3;
	v3 =	vld [tilespmem:s25+$0x41F0]  }
0x88: {  	v25 =	vld [tilespmem:s20+$0xFFFFFD70];
	_ =	sdelay $0x3  }
0x89: {  	s26 =	spop (v2sf)  }
0x8a: {  	s23 =	smin.u32 s26, $0x139;
	v3 =	vmax.f32 v3, v25  }
0x8b: {  	s28 =	sshll.u32 s23, $0x7;
	[tilespmem:s25+$0x41F0] =	vst v3  }
0x8c: {  	v3 =	vld [tilespmem:s28+$0x4180]  }
0x8d: {  	v26 =	vld [tilespmem:s20+$0xFFFFFD80];
	_ =	sdelay $0x4  }
0x8e: {  	v3 =	vmax.f32 v3, v26  }
0x8f: {  	[tilespmem:s28+$0x4180] =	vst v3;
	v3 =	vld [tilespmem:s28+$0x4190]  }
0x90: {  	v27 =	vld [tilespmem:s20+$0xFFFFFD90];
	_ =	sdelay $0x4  }
0x91: {  	v3 =	vmax.f32 v3, v27  }
0x92: {  	[tilespmem:s28+$0x4190] =	vst v3;
	v3 =	vld [tilespmem:s28+$0x41A0]  }
0x93: {  	v28 =	vld [tilespmem:s20+$0xFFFFFDA0];
	_ =	sdelay $0x4  }
0x94: {  	v3 =	vmax.f32 v3, v28  }
0x95: {  	[tilespmem:s28+$0x41A0] =	vst v3;
	v3 =	vld [tilespmem:s28+$0x41B0]  }
0x96: {  	v29 =	vld [tilespmem:s20+$0xFFFFFDB0];
	_ =	sdelay $0x4  }
0x97: {  	v3 =	vmax.f32 v3, v29  }
0x98: {  	[tilespmem:s28+$0x41B0] =	vst v3;
	v3 =	vld [tilespmem:s28+$0x41C0]  }
0x99: {  	v30 =	vld [tilespmem:s20+$0xFFFFFDC0];
	_ =	sdelay $0x4  }
0x9a: {  	v3 =	vmax.f32 v3, v30  }
0x9b: {  	[tilespmem:s28+$0x41C0] =	vst v3;
	v3 =	vld [tilespmem:s28+$0x41D0]  }
0x9c: {  	v31 =	vld [tilespmem:s20+$0xFFFFFDD0];
	_ =	sdelay $0x2  }
0x9d: {  	(v2sf) =	vpush v2, $0x4;
	_ =	sdelay $0x1  }
0x9e: {  	v3 =	vmax.f32 v3, v31  }
0x9f: {  	[tilespmem:s28+$0x41D0] =	vst v3;
	v3 =	vld [tilespmem:s28+$0x41E0]  }
0xa0: {  	v32 =	vld [tilespmem:s20+$0xFFFFFDE0];
	_ =	sdelay $0x4  }
0xa1: {  	v3 =	vmax.f32 v3, v32  }
0xa2: {  	[tilespmem:s28+$0x41E0] =	vst v3;
	v3 =	vld [tilespmem:s28+$0x41F0]  }
0xa3: {  	v33 =	vld [tilespmem:s20+$0xFFFFFDF0];
	_ =	sdelay $0x3  }
0xa4: {  	s29 =	spop (v2sf)  }
0xa5: {  	s23 =	smin.u32 s29, $0x139;
	v3 =	vmax.f32 v3, v33  }
0xa6: {  	s30 =	sshll.u32 s23, $0x7;
	[tilespmem:s28+$0x41F0] =	vst v3  }
0xa7: {  	v3 =	vld [tilespmem:s30+$0x4180]  }
0xa8: {  	v34 =	vld [tilespmem:s20+$0xFFFFFE00];
	_ =	sdelay $0x4  }
0xa9: {  	v3 =	vmax.f32 v3, v34  }
0xaa: {  	[tilespmem:s30+$0x4180] =	vst v3;
	v3 =	vld [tilespmem:s30+$0x4190]  }
0xab: {  	v35 =	vld [tilespmem:s20+$0xFFFFFE10];
	_ =	sdelay $0x4  }
0xac: {  	v3 =	vmax.f32 v3, v35  }
0xad: {  	[tilespmem:s30+$0x4190] =	vst v3;
	v3 =	vld [tilespmem:s30+$0x41A0]  }
0xae: {  	v36 =	vld [tilespmem:s20+$0xFFFFFE20];
	_ =	sdelay $0x4  }
0xaf: {  	v3 =	vmax.f32 v3, v36  }
0xb0: {  	[tilespmem:s30+$0x41A0] =	vst v3;
	v3 =	vld [tilespmem:s30+$0x41B0]  }
0xb1: {  	v37 =	vld [tilespmem:s20+$0xFFFFFE30];
	_ =	sdelay $0x4  }
0xb2: {  	v3 =	vmax.f32 v3, v37  }
0xb3: {  	[tilespmem:s30+$0x41B0] =	vst v3;
	v3 =	vld [tilespmem:s30+$0x41C0]  }
0xb4: {  	v38 =	vld [tilespmem:s20+$0xFFFFFE40];
	_ =	sdelay $0x4  }
0xb5: {  	v3 =	vmax.f32 v3, v38  }
0xb6: {  	[tilespmem:s30+$0x41C0] =	vst v3;
	v3 =	vld [tilespmem:s30+$0x41D0]  }
0xb7: {  	v39 =	vld [tilespmem:s20+$0xFFFFFE50];
	_ =	sdelay $0x2  }
0xb8: {  	(v2sf) =	vpush v2, $0x5;
	_ =	sdelay $0x1  }
0xb9: {  	v3 =	vmax.f32 v3, v39  }
0xba: {  	[tilespmem:s30+$0x41D0] =	vst v3;
	v3 =	vld [tilespmem:s30+$0x41E0]  }
0xbb: {  	v40 =	vld [tilespmem:s20+$0xFFFFFE60];
	_ =	sdelay $0x4  }
0xbc: {  	v3 =	vmax.f32 v3, v40  }
0xbd: {  	[tilespmem:s30+$0x41E0] =	vst v3;
	v3 =	vld [tilespmem:s30+$0x41F0]  }
0xbe: {  	v41 =	vld [tilespmem:s20+$0xFFFFFE70];
	_ =	sdelay $0x3  }
0xbf: {  	s31 =	spop (v2sf)  }
0xc0: {  	s23 =	smin.u32 s31, $0x139;
	v3 =	vmax.f32 v3, v41  }
0xc1: {  	s24 =	sshll.u32 s23, $0x7;
	[tilespmem:s30+$0x41F0] =	vst v3  }
0xc2: {  	v3 =	vld [tilespmem:s24+$0x4180]  }
0xc3: {  	v42 =	vld [tilespmem:s20+$0xFFFFFE80];
	_ =	sdelay $0x4  }
0xc4: {  	v3 =	vmax.f32 v3, v42  }
0xc5: {  	[tilespmem:s24+$0x4180] =	vst v3;
	v3 =	vld [tilespmem:s24+$0x4190]  }
0xc6: {  	v43 =	vld [tilespmem:s20+$0xFFFFFE90];
	_ =	sdelay $0x4  }
0xc7: {  	v3 =	vmax.f32 v3, v43  }
0xc8: {  	[tilespmem:s24+$0x4190] =	vst v3;
	v3 =	vld [tilespmem:s24+$0x41A0]  }
0xc9: {  	v44 =	vld [tilespmem:s20+$0xFFFFFEA0];
	_ =	sdelay $0x4  }
0xca: {  	v3 =	vmax.f32 v3, v44  }
0xcb: {  	[tilespmem:s24+$0x41A0] =	vst v3;
	v3 =	vld [tilespmem:s24+$0x41B0]  }
0xcc: {  	v45 =	vld [tilespmem:s20+$0xFFFFFEB0];
	_ =	sdelay $0x4  }
0xcd: {  	v3 =	vmax.f32 v3, v45  }
0xce: {  	[tilespmem:s24+$0x41B0] =	vst v3;
	v3 =	vld [tilespmem:s24+$0x41C0]  }
0xcf: {  	v46 =	vld [tilespmem:s20+$0xFFFFFEC0];
	_ =	sdelay $0x4  }
0xd0: {  	v3 =	vmax.f32 v3, v46  }
0xd1: {  	[tilespmem:s24+$0x41C0] =	vst v3;
	v3 =	vld [tilespmem:s24+$0x41D0]  }
0xd2: {  	v47 =	vld [tilespmem:s20+$0xFFFFFED0];
	_ =	sdelay $0x2  }
0xd3: {  	(v2sf) =	vpush v2, $0x6;
	_ =	sdelay $0x1  }
0xd4: {  	v3 =	vmax.f32 v3, v47  }
0xd5: {  	[tilespmem:s24+$0x41D0] =	vst v3;
	v3 =	vld [tilespmem:s24+$0x41E0]  }
0xd6: {  	v48 =	vld [tilespmem:s20+$0xFFFFFEE0];
	_ =	sdelay $0x4  }
0xd7: {  	v3 =	vmax.f32 v3, v48  }
0xd8: {  	[tilespmem:s24+$0x41E0] =	vst v3;
	v3 =	vld [tilespmem:s24+$0x41F0]  }
0xd9: {  	v49 =	vld [tilespmem:s20+$0xFFFFFEF0];
	_ =	sdelay $0x3  }
0xda: {  	s25 =	spop (v2sf)  }
0xdb: {  	s23 =	smin.u32 s25, $0x139;
	v3 =	vmax.f32 v3, v49  }
0xdc: {  	s26 =	sshll.u32 s23, $0x7;
	[tilespmem:s24+$0x41F0] =	vst v3  }
0xdd: {  	v3 =	vld [tilespmem:s26+$0x4180]  }
0xde: {  	v50 =	vld [tilespmem:s20+$0xFFFFFF00];
	_ =	sdelay $0x4  }
0xdf: {  	v3 =	vmax.f32 v3, v50  }
0xe0: {  	[tilespmem:s26+$0x4180] =	vst v3;
	v3 =	vld [tilespmem:s26+$0x4190]  }
0xe1: {  	v51 =	vld [tilespmem:s20+$0xFFFFFF10];
	_ =	sdelay $0x4  }
0xe2: {  	v3 =	vmax.f32 v3, v51  }
0xe3: {  	[tilespmem:s26+$0x4190] =	vst v3;
	v3 =	vld [tilespmem:s26+$0x41A0]  }
0xe4: {  	v52 =	vld [tilespmem:s20+$0xFFFFFF20];
	_ =	sdelay $0x4  }
0xe5: {  	v3 =	vmax.f32 v3, v52  }
0xe6: {  	[tilespmem:s26+$0x41A0] =	vst v3;
	v3 =	vld [tilespmem:s26+$0x41B0]  }
0xe7: {  	v53 =	vld [tilespmem:s20+$0xFFFFFF30];
	_ =	sdelay $0x4  }
0xe8: {  	v3 =	vmax.f32 v3, v53  }
0xe9: {  	[tilespmem:s26+$0x41B0] =	vst v3;
	v3 =	vld [tilespmem:s26+$0x41C0]  }
0xea: {  	v54 =	vld [tilespmem:s20+$0xFFFFFF40];
	_ =	sdelay $0x4  }
0xeb: {  	v3 =	vmax.f32 v3, v54  }
0xec: {  	[tilespmem:s26+$0x41C0] =	vst v3;
	v3 =	vld [tilespmem:s26+$0x41D0]  }
0xed: {  	v55 =	vld [tilespmem:s20+$0xFFFFFF50];
	_ =	sdelay $0x2  }
0xee: {  	(v2sf) =	vpush v2, $0x7;
	_ =	sdelay $0x1  }
0xef: {  	v3 =	vmax.f32 v3, v55  }
0xf0: {  	[tilespmem:s26+$0x41D0] =	vst v3;
	v3 =	vld [tilespmem:s26+$0x41E0]  }
0xf1: {  	v56 =	vld [tilespmem:s20+$0xFFFFFF60];
	_ =	sdelay $0x4  }
0xf2: {  	v3 =	vmax.f32 v3, v56  }
0xf3: {  	[tilespmem:s26+$0x41E0] =	vst v3;
	v3 =	vld [tilespmem:s26+$0x41F0]  }
0xf4: {  	v57 =	vld [tilespmem:s20+$0xFFFFFF70];
	_ =	sdelay $0x3  }
0xf5: {  	s28 =	spop (v2sf)  }
0xf6: {  	s23 =	smin.u32 s28, $0x139;
	v3 =	vmax.f32 v3, v57  }
0xf7: {  	s29 =	sshll.u32 s23, $0x7;
	[tilespmem:s26+$0x41F0] =	vst v3  }
0xf8: {  	v3 =	vld [tilespmem:s29+$0x4180]  }
0xf9: {  	v58 =	vld [tilespmem:s20+$0xFFFFFF80];
	_ =	sdelay $0x4  }
0xfa: {  	v3 =	vmax.f32 v3, v58  }
0xfb: {  	[tilespmem:s29+$0x4180] =	vst v3;
	v3 =	vld [tilespmem:s29+$0x4190]  }
0xfc: {  	v59 =	vld [tilespmem:s20+$0xFFFFFF90];
	_ =	sdelay $0x4  }
0xfd: {  	v3 =	vmax.f32 v3, v59  }
0xfe: {  	[tilespmem:s29+$0x4190] =	vst v3;
	v3 =	vld [tilespmem:s29+$0x41A0]  }
0xff: {  	v60 =	vld [tilespmem:s20+$0xFFFFFFA0];
	_ =	sdelay $0x4  }
0x100: {  	v3 =	vmax.f32 v3, v60  }
0x101: {  	[tilespmem:s29+$0x41A0] =	vst v3;
	v3 =	vld [tilespmem:s29+$0x41B0]  }
0x102: {  	v61 =	vld [tilespmem:s20+$0xFFFFFFB0];
	_ =	sdelay $0x4  }
0x103: {  	v3 =	vmax.f32 v3, v61  }
0x104: {  	[tilespmem:s29+$0x41B0] =	vst v3;
	v3 =	vld [tilespmem:s29+$0x41C0]  }
0x105: {  	v62 =	vld [tilespmem:s20+$0xFFFFFFC0];
	_ =	sdelay $0x4  }
0x106: {  	v3 =	vmax.f32 v3, v62  }
0x107: {  	[tilespmem:s29+$0x41C0] =	vst v3;
	v3 =	vld [tilespmem:s29+$0x41D0]  }
0x108: {  	v63 =	vld [tilespmem:s20+$0xFFFFFFD0];
	_ =	sdelay $0x2  }
0x109: {  	(v2sf) =	vpush v2, $0x8;
	_ =	sdelay $0x1  }
0x10a: {  	v3 =	vmax.f32 v3, v63  }
0x10b: {  	[tilespmem:s29+$0x41D0] =	vst v3;
	v3 =	vld [tilespmem:s29+$0x41E0]  }
0x10c: {  	v8 =	vld [tilespmem:s20+$0xFFFFFFE0];
	_ =	sdelay $0x4  }
0x10d: {  	v3 =	vmax.f32 v3, v8  }
0x10e: {  	[tilespmem:s29+$0x41E0] =	vst v3;
	v3 =	vld [tilespmem:s29+$0x41F0]  }
0x10f: {  	v9 =	vld [tilespmem:s20+$0xFFFFFFF0];
	_ =	sdelay $0x3  }
0x110: {  	s30 =	spop (v2sf)  }
0x111: {  	s23 =	smin.u32 s30, $0x139;
	v3 =	vmax.f32 v3, v9  }
0x112: {  	s31 =	sshll.u32 s23, $0x7;
	[tilespmem:s29+$0x41F0] =	vst v3  }
0x113: {  	v3 =	vld [tilespmem:s31+$0x4180]  }
0x114: {  	v10 =	vld [tilespmem:s20+$0x0];
	_ =	sdelay $0x4  }
0x115: {  	v3 =	vmax.f32 v3, v10  }
0x116: {  	[tilespmem:s31+$0x4180] =	vst v3;
	v3 =	vld [tilespmem:s31+$0x4190]  }
0x117: {  	v11 =	vld [tilespmem:s20+$0x10];
	_ =	sdelay $0x4  }
0x118: {  	v3 =	vmax.f32 v3, v11  }
0x119: {  	[tilespmem:s31+$0x4190] =	vst v3;
	v3 =	vld [tilespmem:s31+$0x41A0]  }
0x11a: {  	v12 =	vld [tilespmem:s20+$0x20];
	_ =	sdelay $0x4  }
0x11b: {  	v3 =	vmax.f32 v3, v12  }
0x11c: {  	[tilespmem:s31+$0x41A0] =	vst v3;
	v3 =	vld [tilespmem:s31+$0x41B0]  }
0x11d: {  	v13 =	vld [tilespmem:s20+$0x30];
	_ =	sdelay $0x4  }
0x11e: {  	v3 =	vmax.f32 v3, v13  }
0x11f: {  	[tilespmem:s31+$0x41B0] =	vst v3;
	v3 =	vld [tilespmem:s31+$0x41C0]  }
0x120: {  	v14 =	vld [tilespmem:s20+$0x40];
	_ =	sdelay $0x4  }
0x121: {  	v3 =	vmax.f32 v3, v14  }
0x122: {  	[tilespmem:s31+$0x41C0] =	vst v3;
	v3 =	vld [tilespmem:s31+$0x41D0]  }
0x123: {  	v15 =	vld [tilespmem:s20+$0x50];
	_ =	sdelay $0x2  }
0x124: {  	(v2sf) =	vpush v2, $0x9;
	_ =	sdelay $0x1  }
0x125: {  	v3 =	vmax.f32 v3, v15  }
0x126: {  	[tilespmem:s31+$0x41D0] =	vst v3;
	v3 =	vld [tilespmem:s31+$0x41E0]  }
0x127: {  	v16 =	vld [tilespmem:s20+$0x60];
	_ =	sdelay $0x4  }
0x128: {  	v3 =	vmax.f32 v3, v16  }
0x129: {  	[tilespmem:s31+$0x41E0] =	vst v3;
	v3 =	vld [tilespmem:s31+$0x41F0]  }
0x12a: {  	v17 =	vld [tilespmem:s20+$0x70];
	_ =	sdelay $0x3  }
0x12b: {  	s24 =	spop (v2sf)  }
0x12c: {  	s23 =	smin.u32 s24, $0x139;
	v3 =	vmax.f32 v3, v17  }
0x12d: {  	s25 =	sshll.u32 s23, $0x7;
	[tilespmem:s31+$0x41F0] =	vst v3  }
0x12e: {  	v3 =	vld [tilespmem:s25+$0x4180]  }
0x12f: {  	v18 =	vld [tilespmem:s20+$0x80];
	_ =	sdelay $0x4  }
0x130: {  	v3 =	vmax.f32 v3, v18  }
0x131: {  	[tilespmem:s25+$0x4180] =	vst v3;
	v3 =	vld [tilespmem:s25+$0x4190]  }
0x132: {  	v19 =	vld [tilespmem:s20+$0x90];
	_ =	sdelay $0x4  }
0x133: {  	v3 =	vmax.f32 v3, v19  }
0x134: {  	[tilespmem:s25+$0x4190] =	vst v3;
	v3 =	vld [tilespmem:s25+$0x41A0]  }
0x135: {  	v20 =	vld [tilespmem:s20+$0xA0];
	_ =	sdelay $0x4  }
0x136: {  	v3 =	vmax.f32 v3, v20  }
0x137: {  	[tilespmem:s25+$0x41A0] =	vst v3;
	v3 =	vld [tilespmem:s25+$0x41B0]  }
0x138: {  	v21 =	vld [tilespmem:s20+$0xB0];
	_ =	sdelay $0x4  }
0x139: {  	v3 =	vmax.f32 v3, v21  }
0x13a: {  	[tilespmem:s25+$0x41B0] =	vst v3;
	v3 =	vld [tilespmem:s25+$0x41C0]  }
0x13b: {  	v22 =	vld [tilespmem:s20+$0xC0];
	_ =	sdelay $0x4  }
0x13c: {  	v3 =	vmax.f32 v3, v22  }
0x13d: {  	[tilespmem:s25+$0x41C0] =	vst v3;
	v3 =	vld [tilespmem:s25+$0x41D0]  }
0x13e: {  	v23 =	vld [tilespmem:s20+$0xD0];
	_ =	sdelay $0x2  }
0x13f: {  	(v2sf) =	vpush v2, $0xA;
	_ =	sdelay $0x1  }
0x140: {  	v3 =	vmax.f32 v3, v23  }
0x141: {  	[tilespmem:s25+$0x41D0] =	vst v3;
	v3 =	vld [tilespmem:s25+$0x41E0]  }
0x142: {  	v24 =	vld [tilespmem:s20+$0xE0];
	_ =	sdelay $0x4  }
0x143: {  	v3 =	vmax.f32 v3, v24  }
0x144: {  	[tilespmem:s25+$0x41E0] =	vst v3;
	v3 =	vld [tilespmem:s25+$0x41F0]  }
0x145: {  	v25 =	vld [tilespmem:s20+$0xF0];
	_ =	sdelay $0x3  }
0x146: {  	s26 =	spop (v2sf)  }
0x147: {  	s23 =	smin.u32 s26, $0x139;
	v3 =	vmax.f32 v3, v25  }
0x148: {  	s28 =	sshll.u32 s23, $0x7;
	[tilespmem:s25+$0x41F0] =	vst v3  }
0x149: {  	v3 =	vld [tilespmem:s28+$0x4180]  }
0x14a: {  	v26 =	vld [tilespmem:s20+$0x100];
	_ =	sdelay $0x4  }
0x14b: {  	v3 =	vmax.f32 v3, v26  }
0x14c: {  	[tilespmem:s28+$0x4180] =	vst v3;
	v3 =	vld [tilespmem:s28+$0x4190]  }
0x14d: {  	v27 =	vld [tilespmem:s20+$0x110];
	_ =	sdelay $0x4  }
0x14e: {  	v3 =	vmax.f32 v3, v27  }
0x14f: {  	[tilespmem:s28+$0x4190] =	vst v3;
	v3 =	vld [tilespmem:s28+$0x41A0]  }
0x150: {  	v28 =	vld [tilespmem:s20+$0x120];
	_ =	sdelay $0x4  }
0x151: {  	v3 =	vmax.f32 v3, v28  }
0x152: {  	[tilespmem:s28+$0x41A0] =	vst v3;
	v3 =	vld [tilespmem:s28+$0x41B0]  }
0x153: {  	v29 =	vld [tilespmem:s20+$0x130];
	_ =	sdelay $0x4  }
0x154: {  	v3 =	vmax.f32 v3, v29  }
0x155: {  	[tilespmem:s28+$0x41B0] =	vst v3;
	v3 =	vld [tilespmem:s28+$0x41C0]  }
0x156: {  	v30 =	vld [tilespmem:s20+$0x140];
	_ =	sdelay $0x4  }
0x157: {  	v3 =	vmax.f32 v3, v30  }
0x158: {  	[tilespmem:s28+$0x41C0] =	vst v3;
	v3 =	vld [tilespmem:s28+$0x41D0]  }
0x159: {  	v31 =	vld [tilespmem:s20+$0x150];
	_ =	sdelay $0x2  }
0x15a: {  	(v2sf) =	vpush v2, $0xB;
	_ =	sdelay $0x1  }
0x15b: {  	v3 =	vmax.f32 v3, v31  }
0x15c: {  	[tilespmem:s28+$0x41D0] =	vst v3;
	v3 =	vld [tilespmem:s28+$0x41E0]  }
0x15d: {  	v32 =	vld [tilespmem:s20+$0x160];
	_ =	sdelay $0x4  }
0x15e: {  	v3 =	vmax.f32 v3, v32  }
0x15f: {  	[tilespmem:s28+$0x41E0] =	vst v3;
	v3 =	vld [tilespmem:s28+$0x41F0]  }
0x160: {  	v33 =	vld [tilespmem:s20+$0x170];
	_ =	sdelay $0x3  }
0x161: {  	s29 =	spop (v2sf)  }
0x162: {  	s23 =	smin.u32 s29, $0x139;
	v3 =	vmax.f32 v3, v33  }
0x163: {  	s30 =	sshll.u32 s23, $0x7;
	[tilespmem:s28+$0x41F0] =	vst v3  }
0x164: {  	v3 =	vld [tilespmem:s30+$0x4180]  }
0x165: {  	v34 =	vld [tilespmem:s20+$0x180];
	_ =	sdelay $0x4  }
0x166: {  	v3 =	vmax.f32 v3, v34  }
0x167: {  	[tilespmem:s30+$0x4180] =	vst v3;
	v3 =	vld [tilespmem:s30+$0x4190]  }
0x168: {  	v35 =	vld [tilespmem:s20+$0x190];
	_ =	sdelay $0x4  }
0x169: {  	v3 =	vmax.f32 v3, v35  }
0x16a: {  	[tilespmem:s30+$0x4190] =	vst v3;
	v3 =	vld [tilespmem:s30+$0x41A0]  }
0x16b: {  	v36 =	vld [tilespmem:s20+$0x1A0];
	_ =	sdelay $0x4  }
0x16c: {  	v3 =	vmax.f32 v3, v36  }
0x16d: {  	[tilespmem:s30+$0x41A0] =	vst v3;
	v3 =	vld [tilespmem:s30+$0x41B0]  }
0x16e: {  	v37 =	vld [tilespmem:s20+$0x1B0];
	_ =	sdelay $0x4  }
0x16f: {  	v3 =	vmax.f32 v3, v37  }
0x170: {  	[tilespmem:s30+$0x41B0] =	vst v3;
	v3 =	vld [tilespmem:s30+$0x41C0]  }
0x171: {  	v38 =	vld [tilespmem:s20+$0x1C0];
	_ =	sdelay $0x4  }
0x172: {  	v3 =	vmax.f32 v3, v38  }
0x173: {  	[tilespmem:s30+$0x41C0] =	vst v3;
	v3 =	vld [tilespmem:s30+$0x41D0]  }
0x174: {  	v39 =	vld [tilespmem:s20+$0x1D0];
	_ =	sdelay $0x2  }
0x175: {  	(v2sf) =	vpush v2, $0xC;
	_ =	sdelay $0x1  }
0x176: {  	v3 =	vmax.f32 v3, v39  }
0x177: {  	[tilespmem:s30+$0x41D0] =	vst v3;
	v3 =	vld [tilespmem:s30+$0x41E0]  }
0x178: {  	v40 =	vld [tilespmem:s20+$0x1E0];
	_ =	sdelay $0x4  }
0x179: {  	v3 =	vmax.f32 v3, v40  }
0x17a: {  	[tilespmem:s30+$0x41E0] =	vst v3;
	v3 =	vld [tilespmem:s30+$0x41F0]  }
0x17b: {  	v41 =	vld [tilespmem:s20+$0x1F0];
	_ =	sdelay $0x3  }
0x17c: {  	s31 =	spop (v2sf)  }
0x17d: {  	s23 =	smin.u32 s31, $0x139;
	v3 =	vmax.f32 v3, v41  }
0x17e: {  	s24 =	sshll.u32 s23, $0x7;
	[tilespmem:s30+$0x41F0] =	vst v3  }
0x17f: {  	v3 =	vld [tilespmem:s24+$0x4180]  }
0x180: {  	v42 =	vld [tilespmem:s20+$0x200];
	_ =	sdelay $0x4  }
0x181: {  	v3 =	vmax.f32 v3, v42  }
0x182: {  	[tilespmem:s24+$0x4180] =	vst v3;
	v3 =	vld [tilespmem:s24+$0x4190]  }
0x183: {  	v43 =	vld [tilespmem:s20+$0x210];
	_ =	sdelay $0x4  }
0x184: {  	v3 =	vmax.f32 v3, v43  }
0x185: {  	[tilespmem:s24+$0x4190] =	vst v3;
	v3 =	vld [tilespmem:s24+$0x41A0]  }
0x186: {  	v44 =	vld [tilespmem:s20+$0x220];
	_ =	sdelay $0x4  }
0x187: {  	v3 =	vmax.f32 v3, v44  }
0x188: {  	[tilespmem:s24+$0x41A0] =	vst v3;
	v3 =	vld [tilespmem:s24+$0x41B0]  }
0x189: {  	v45 =	vld [tilespmem:s20+$0x230];
	_ =	sdelay $0x4  }
0x18a: {  	v3 =	vmax.f32 v3, v45  }
0x18b: {  	[tilespmem:s24+$0x41B0] =	vst v3;
	v3 =	vld [tilespmem:s24+$0x41C0]  }
0x18c: {  	v46 =	vld [tilespmem:s20+$0x240];
	_ =	sdelay $0x4  }
0x18d: {  	v3 =	vmax.f32 v3, v46  }
0x18e: {  	[tilespmem:s24+$0x41C0] =	vst v3;
	v3 =	vld [tilespmem:s24+$0x41D0]  }
0x18f: {  	v47 =	vld [tilespmem:s20+$0x250];
	_ =	sdelay $0x2  }
0x190: {  	(v2sf) =	vpush v2, $0xD;
	_ =	sdelay $0x1  }
0x191: {  	v3 =	vmax.f32 v3, v47  }
0x192: {  	[tilespmem:s24+$0x41D0] =	vst v3;
	v3 =	vld [tilespmem:s24+$0x41E0]  }
0x193: {  	v48 =	vld [tilespmem:s20+$0x260];
	_ =	sdelay $0x4  }
0x194: {  	v3 =	vmax.f32 v3, v48  }
0x195: {  	[tilespmem:s24+$0x41E0] =	vst v3;
	v3 =	vld [tilespmem:s24+$0x41F0]  }
0x196: {  	v49 =	vld [tilespmem:s20+$0x270];
	_ =	sdelay $0x3  }
0x197: {  	s25 =	spop (v2sf)  }
0x198: {  	s23 =	smin.u32 s25, $0x139;
	v3 =	vmax.f32 v3, v49  }
0x199: {  	s26 =	sshll.u32 s23, $0x7;
	[tilespmem:s24+$0x41F0] =	vst v3  }
0x19a: {  	v3 =	vld [tilespmem:s26+$0x4180]  }
0x19b: {  	v50 =	vld [tilespmem:s20+$0x280];
	_ =	sdelay $0x4  }
0x19c: {  	v3 =	vmax.f32 v3, v50  }
0x19d: {  	[tilespmem:s26+$0x4180] =	vst v3;
	v3 =	vld [tilespmem:s26+$0x4190]  }
0x19e: {  	v51 =	vld [tilespmem:s20+$0x290];
	_ =	sdelay $0x4  }
0x19f: {  	v3 =	vmax.f32 v3, v51  }
0x1a0: {  	[tilespmem:s26+$0x4190] =	vst v3;
	v3 =	vld [tilespmem:s26+$0x41A0]  }
0x1a1: {  	v52 =	vld [tilespmem:s20+$0x2A0];
	_ =	sdelay $0x4  }
0x1a2: {  	v3 =	vmax.f32 v3, v52  }
0x1a3: {  	[tilespmem:s26+$0x41A0] =	vst v3;
	v3 =	vld [tilespmem:s26+$0x41B0]  }
0x1a4: {  	v53 =	vld [tilespmem:s20+$0x2B0];
	_ =	sdelay $0x4  }
0x1a5: {  	v3 =	vmax.f32 v3, v53  }
0x1a6: {  	[tilespmem:s26+$0x41B0] =	vst v3;
	v3 =	vld [tilespmem:s26+$0x41C0]  }
0x1a7: {  	v54 =	vld [tilespmem:s20+$0x2C0];
	_ =	sdelay $0x4  }
0x1a8: {  	v3 =	vmax.f32 v3, v54  }
0x1a9: {  	[tilespmem:s26+$0x41C0] =	vst v3;
	v3 =	vld [tilespmem:s26+$0x41D0]  }
0x1aa: {  	v55 =	vld [tilespmem:s20+$0x2D0];
	_ =	sdelay $0x2  }
0x1ab: {  	(v2sf) =	vpush v2, $0xE;
	_ =	sdelay $0x1  }
0x1ac: {  	v3 =	vmax.f32 v3, v55  }
0x1ad: {  	[tilespmem:s26+$0x41D0] =	vst v3;
	v3 =	vld [tilespmem:s26+$0x41E0]  }
0x1ae: {  	v56 =	vld [tilespmem:s20+$0x2E0];
	_ =	sdelay $0x4  }
0x1af: {  	v3 =	vmax.f32 v3, v56  }
0x1b0: {  	[tilespmem:s26+$0x41E0] =	vst v3;
	v3 =	vld [tilespmem:s26+$0x41F0]  }
0x1b1: {  	v57 =	vld [tilespmem:s20+$0x2F0];
	_ =	sdelay $0x3  }
0x1b2: {  	s28 =	spop (v2sf)  }
0x1b3: {  	s23 =	smin.u32 s28, $0x139;
	v3 =	vmax.f32 v3, v57  }
0x1b4: {  	s29 =	sshll.u32 s23, $0x7;
	[tilespmem:s26+$0x41F0] =	vst v3  }
0x1b5: {  	v3 =	vld [tilespmem:s29+$0x4180]  }
0x1b6: {  	v58 =	vld [tilespmem:s20+$0x300];
	_ =	sdelay $0x4  }
0x1b7: {  	v3 =	vmax.f32 v3, v58  }
0x1b8: {  	[tilespmem:s29+$0x4180] =	vst v3;
	v3 =	vld [tilespmem:s29+$0x4190]  }
0x1b9: {  	v59 =	vld [tilespmem:s20+$0x310];
	_ =	sdelay $0x4  }
0x1ba: {  	v3 =	vmax.f32 v3, v59  }
0x1bb: {  	[tilespmem:s29+$0x4190] =	vst v3;
	v3 =	vld [tilespmem:s29+$0x41A0]  }
0x1bc: {  	v60 =	vld [tilespmem:s20+$0x320];
	_ =	sdelay $0x4  }
0x1bd: {  	v3 =	vmax.f32 v3, v60  }
0x1be: {  	[tilespmem:s29+$0x41A0] =	vst v3;
	v3 =	vld [tilespmem:s29+$0x41B0]  }
0x1bf: {  	v61 =	vld [tilespmem:s20+$0x330];
	_ =	sdelay $0x4  }
0x1c0: {  	v3 =	vmax.f32 v3, v61  }
0x1c1: {  	[tilespmem:s29+$0x41B0] =	vst v3;
	v3 =	vld [tilespmem:s29+$0x41C0]  }
0x1c2: {  	v62 =	vld [tilespmem:s20+$0x340];
	_ =	sdelay $0x4  }
0x1c3: {  	v3 =	vmax.f32 v3, v62  }
0x1c4: {  	[tilespmem:s29+$0x41C0] =	vst v3;
	v3 =	vld [tilespmem:s29+$0x41D0]  }
0x1c5: {  	v63 =	vld [tilespmem:s20+$0x350];
	_ =	sdelay $0x2  }
0x1c6: {  	(v2sf) =	vpush v2, $0xF;
	_ =	sdelay $0x1  }
0x1c7: {  	v2 =	vmax.f32 v3, v63  }
0x1c8: {  	[tilespmem:s29+$0x41D0] =	vst v2;
	v2 =	vld [tilespmem:s29+$0x41E0]  }
0x1c9: {  	v3 =	vld [tilespmem:s20+$0x360];
	_ =	sdelay $0x4  }
0x1ca: {  	v2 =	vmax.f32 v2, v3  }
0x1cb: {  	[tilespmem:s29+$0x41E0] =	vst v2;
	v2 =	vld [tilespmem:s29+$0x41F0]  }
0x1cc: {  	v3 =	vld [tilespmem:s20+$0x370];
	_ =	sdelay $0x3  }
0x1cd: {  	s30 =	spop (v2sf)  }
0x1ce: {  	s23 =	smin.u32 s30, $0x139;
	v2 =	vmax.f32 v2, v3  }
0x1cf: {  	s31 =	sshll.u32 s23, $0x7;
	[tilespmem:s29+$0x41F0] =	vst v2  }
0x1d0: {  	v2 =	vld [tilespmem:s31+$0x4180]  }
0x1d1: {  	v3 =	vld [tilespmem:s20+$0x380];
	_ =	sdelay $0x4  }
0x1d2: {  	v2 =	vmax.f32 v2, v3  }
0x1d3: {  	[tilespmem:s31+$0x4180] =	vst v2;
	v2 =	vld [tilespmem:s31+$0x4190]  }
0x1d4: {  	v3 =	vld [tilespmem:s20+$0x390];
	_ =	sdelay $0x4  }
0x1d5: {  	v2 =	vmax.f32 v2, v3  }
0x1d6: {  	[tilespmem:s31+$0x4190] =	vst v2;
	v2 =	vld [tilespmem:s31+$0x41A0]  }
0x1d7: {  	v3 =	vld [tilespmem:s20+$0x3A0];
	_ =	sdelay $0x4  }
0x1d8: {  	v2 =	vmax.f32 v2, v3  }
0x1d9: {  	[tilespmem:s31+$0x41A0] =	vst v2;
	v2 =	vld [tilespmem:s31+$0x41B0]  }
0x1da: {  	v3 =	vld [tilespmem:s20+$0x3B0];
	_ =	sdelay $0x4  }
0x1db: {  	v2 =	vmax.f32 v2, v3  }
0x1dc: {  	[tilespmem:s31+$0x41B0] =	vst v2;
	v2 =	vld [tilespmem:s31+$0x41C0]  }
0x1dd: {  	v3 =	vld [tilespmem:s20+$0x3C0];
	_ =	sdelay $0x4  }
0x1de: {  	v2 =	vmax.f32 v2, v3  }
0x1df: {  	[tilespmem:s31+$0x41C0] =	vst v2;
	v2 =	vld [tilespmem:s31+$0x41D0]  }
0x1e0: {  	v3 =	vld [tilespmem:s20+$0x3D0];
	_ =	sdelay $0x4  }
0x1e1: {  	v2 =	vmax.f32 v2, v3  }
0x1e2: {  	[tilespmem:s31+$0x41D0] =	vst v2;
	v2 =	vld [tilespmem:s31+$0x41E0]  }
0x1e3: {  	v3 =	vld [tilespmem:s20+$0x3E0];
	_ =	sdelay $0x4  }
0x1e4: {  	v2 =	vmax.f32 v2, v3  }
0x1e5: {  	[tilespmem:s31+$0x41E0] =	vst v2;
	v2 =	vld [tilespmem:s31+$0x41F0]  }
0x1e6: {  	v3 =	vld [tilespmem:s20+$0x3F0]  }
0x1e7: {  	p0 =	sne.s32 s21, $0x1C0  }
.Ltmp4:
0x1e8: {  	_ = 	snop;
	(pc) =	sbr.rel @p0 .LBB2_5-.Ltmp4, $3  }
0x1e9: {  	_ =	sdelay $0x1  }
0x1ea: {  	v2 =	vmax.f32 v2, v3  }
0x1eb: {  	s21 =	sadd.s32 $0x40, s21;
	s20 =	sadd.s32 $0x800, s20;
	[tilespmem:s31+$0x41F0] =	vst v2  }
0x1ec: {  	s19 =	sadd.s32 $0x1, s19  }
0x1ed: {  	p0 =	sne.s32 s19, s17  }
.Ltmp5:
0x1ee: {  	_ = 	snop;
	(pc) =	sbr.rel @p0 .LBB2_4-.Ltmp5, $4  }
.Ltmp6:
0x1ef: {  	_ = 	snop;
	(pc) =	sbr.rel @!p0 .LBB2_7-.Ltmp6, $4  }
0x1f0: {  	_ = 	snop  }
0x1f1: {  	_ = 	snop  }
0x1f2: {  	_ = 	snop  }
0x1f3: {  	_ = 	snop  }
.LBB2_8:
0x1f4: {  	_ =	sfence.sel $0x180000  }
0x1f5: {  	[bflag:$0x0] =	sbarrier.arrive $0xFFFF  }
0x1f6: {  	p0 =	sne.s32 s0, $0x0;
	_ =	strace $0x90000047  }
0x1f7: {  	s0 =	sadd.s32 @!p0 $0x100000, s2;
	[bflag:$0x2] =	sbarrier.arrive $0xFFFF  }
0x1f8: {  	[sflag:s0] =	ssyncadd.tile.s32 @!p0 $0x1;
	_ =	shalt  }
.Lfunc_end2:
_tile_overlayer_lowered:
.L_overlay_start_2:
0x1f9: {  	(tag) =	ssettag $0x2  }
0x1fa: {  	s0 =	rddreg [dreg:$0x0];
	s2 =	stileid.u32  }
0x1fb: {  	s1 =	rddreg [dreg:$0x1];
	p0 =	sne.s32 s2, $0x0  }
0x1fc: {  	s3 =	rddreg [dreg:$0x2];
	[bflag:$0x3] =	sbarrier.arrive $0xFFFF;
	s2 =	simm.s32 @!p0 $0x1C02  }
0x1fd: {  	[timem:s3], [sflag:s2] =	dma.local @!p0 [hbm:s0], s1  }
0x1fe: {  	s0 =	simm.s32 @!p0 $0x2  }
0x1ff: {  	_ =	swait.ge @!p0 [sflag:s0], s1  }
0x200: {  	s1 =	ssub.s32 @!p0 $0x0, s1;
	[sflag:s0] =	ssyncset.done @!p0 $0x0  }
0x201: {  	[sflag:s0] =	ssyncadd.s32 @!p0 s1  }
0x202: {  	[bflag:$0x3] =	sbarrier.arrive $0xFFFF  }
0x203: {  	_ =	shalt  }

</sc_bundles>
